<compile_context>
chip_gen: v7x
topology: tpu7x:2x2x1
jax: 0.10.2.dev20260603
libtpu: 0.0.44.dev20260713+nightly
codegen_flags: <defaults>
</compile_context>

<pallas_src>
import functools

import jax
import jax.numpy as jnp
from jax import lax
from jax.experimental import pallas as pl
from jax.experimental.pallas import tpu as pltpu
from jax.experimental.pallas import tpu_sc as plsc

N = 10000
D = 128
E = 320000
NPAIR = 65536
NC, NS, NW = 2, 16, 32
D2 = D // 2
EPT = E // NW
EPS = E // NS
CR = 400
CH = N // CR
CK = (CH + NS - 1) // NS + 1
KP = 128
PPT = NPAIR // NW
NCP = PPT // KP


def _mesh():
    return plsc.VectorSubcoreMesh(
        core_axis_name="c", subcore_axis_name="s",
        num_cores=NC, num_subcores=NS)



NR16 = N // 16


@functools.partial(
    pl.kernel,
    out_type=jax.ShapeDtypeStruct((NC, NR16, 16), jnp.float32),
    mesh=_mesh(),
    scratch_types=[
        pltpu.VMEM((EPT,), jnp.int32),
        pltpu.VMEM((640, 16), jnp.float32),
        pltpu.VMEM((5, 128), jnp.int32),
        pltpu.VMEM((25, 16), jnp.float32),
        pltpu.VMEM_SHARED((NR16 + 1, 16), jnp.float32),
    ],
    compiler_params=pltpu.CompilerParams(use_tc_tiling_on_sc=False,
                                         needs_layout_passes=False),
)
def _sc_degree(dst_hbm, degp_hbm, dstbuf, hist, idbuf, stage, shacc):
    c = lax.axis_index("c")
    s = lax.axis_index("s")
    wid = c * NS + s
    pltpu.sync_copy(dst_hbm.at[wid], dstbuf)

    one16 = jnp.ones((16,), jnp.float32)
    zero16 = jnp.zeros((16,), jnp.float32)
    iota16 = lax.iota(jnp.int32, 16)

    def fill_zero(i, carry):
        hist[i, :] = zero16
        return carry
    lax.fori_loop(0, 640, fill_zero, 0)

    @pl.when(s == 0)
    def _():
        pltpu.sync_copy(hist.at[pl.ds(0, NR16 + 1), :], shacc)
    for t in range(5):
        for u in range(8):
            idbuf[t, pl.ds(u * 16, 16)] = jnp.minimum(
                t * 128 + u * 16 + iota16, NR16)
    plsc.subcore_barrier()

    def hbody(i, carry):
        idx = dstbuf[pl.ds(i * 16, 16)]
        plsc.addupdate_scatter(
            hist, [lax.shift_right_logical(idx, 4),
                   lax.bitwise_and(idx, 15)], one16)
        return carry
    lax.fori_loop(0, EPT // 16, hbody, 0)
    plsc.subcore_barrier()

    for t in range(5):
        pltpu.sync_copy(hist.at[pl.ds(t * 128, 128), :],
                        shacc.at[idbuf.at[t]], add=True)
    plsc.subcore_barrier()

    for k in range(CK):
        m = s + k * NS

        @pl.when(m < CH)
        def _():
            pltpu.sync_copy(shacc.at[pl.ds(m * 25, 25), :], stage)
            pltpu.sync_copy(stage, degp_hbm.at[c, pl.ds(m * 25, 25), :])


KF = 128
NKF = EPS // KF
KT = EPS - NKF * KF


@functools.partial(
    pl.kernel,
    out_type=jax.ShapeDtypeStruct((NC, N, D), jnp.float32),
    mesh=_mesh(),
    scratch_types=[
        pltpu.VMEM((EPS,), jnp.int32),
        pltpu.VMEM((EPS,), jnp.int32),
        pltpu.VMEM((2, KF), jnp.int32),
        pltpu.VMEM((2, KF), jnp.int32),
        pltpu.VMEM((2, KF, D2), jnp.float32),
        pltpu.VMEM((KT,), jnp.int32),
        pltpu.VMEM((KT, D2), jnp.float32),
        pltpu.VMEM((CR, D2), jnp.float32),
        pltpu.SemaphoreType.DMA((2,)),
        pltpu.VMEM_SHARED((N, D2), jnp.float32),
    ],
    compiler_params=pltpu.CompilerParams(use_tc_tiling_on_sc=False),
)
def _sc_prop(ga_hbm, gb_hbm, src_hbm, dst_hbm, pp_hbm,
             srcbuf, dstbuf, dchbuf, schbuf, rowsbuf, dchunkt, rowst, zbuf,
             sems, shacc):
    c = lax.axis_index("c")
    s = lax.axis_index("s")
    pltpu.sync_copy(src_hbm.at[s], srcbuf)
    pltpu.sync_copy(dst_hbm.at[s], dstbuf)

    zero16 = jnp.zeros((16,), jnp.float32)

    def zb(i, carry):
        for u in range(D2 // 16):
            zbuf[i, pl.ds(u * 16, 16)] = zero16
        return carry
    lax.fori_loop(0, CR, zb, 0)
    for k in range(CK):
        m = s + k * NS

        @pl.when(m < CH)
        def _():
            pltpu.sync_copy(zbuf, shacc.at[pl.ds(m * CR, CR), :])
    plsc.subcore_barrier()

    def run_edges(gsrc):
        def copyidx(j, slv):
            for u in range(KF // 16):
                dchbuf[slv, pl.ds(u * 16, 16)] = (
                    dstbuf[pl.ds(j * KF + u * 16, 16)])
                schbuf[slv, pl.ds(u * 16, 16)] = (
                    srcbuf[pl.ds(j * KF + u * 16, 16)] * 2)

        def gissue(slv):
            pltpu.async_copy(gsrc.at[schbuf.at[slv]],
                             rowsbuf.at[slv], sems.at[slv])

        def gwait(slv):
            pltpu.make_async_copy(gsrc.at[schbuf.at[slv]],
                                  rowsbuf.at[slv], sems.at[slv]).wait()

        def scat(slv):
            pltpu.sync_copy(rowsbuf.at[slv], shacc.at[dchbuf.at[slv]],
                            add=True)

        copyidx(0, 0)
        gissue(0)

        def body(j, carry):
            slv = lax.rem(j, 2)
            copyidx(j, slv)
            gissue(slv)
            slv2 = lax.rem(j + 1, 2)
            gwait(slv2)
            scat(slv2)
            return carry
        lax.fori_loop(1, NKF, body, 0)
        gwait((NKF - 1) % 2)
        scat((NKF - 1) % 2)

        for u in range(KT // 16):
            dchunkt[pl.ds(u * 16, 16)] = dstbuf[pl.ds(NKF * KF + u * 16, 16)]
            dchunkt2 = srcbuf[pl.ds(NKF * KF + u * 16, 16)] * 2
            schbuf[0, pl.ds(u * 16, 16)] = dchunkt2
        pltpu.async_copy(
            gsrc.at[schbuf.at[0, pl.ds(0, KT)]], rowst, sems.at[0]).wait()
        pltpu.sync_copy(rowst, shacc.at[dchunkt], add=True)

    @pl.when(c == 0)
    def _():
        run_edges(ga_hbm)

    @pl.when(c == 1)
    def _():
        run_edges(gb_hbm)
    plsc.subcore_barrier()

    for k in range(CK):
        m = s + k * NS

        @pl.when(m < CH)
        def _():
            pltpu.sync_copy(shacc.at[pl.ds(m * CR, CR), :], zbuf)
            pltpu.sync_copy(
                zbuf, pp_hbm.at[c, pl.ds(m * CR, CR), pl.ds(0, D2)])


@functools.partial(
    pl.kernel,
    out_type=[jax.ShapeDtypeStruct((NPAIR, D), jnp.float32),
              jax.ShapeDtypeStruct((NPAIR, D), jnp.float32)],
    mesh=_mesh(),
    scratch_types=[
        pltpu.VMEM((NCP, KP), jnp.int32),
        pltpu.VMEM((NCP, KP), jnp.int32),
        pltpu.VMEM((KP, D), jnp.float32),
        pltpu.VMEM((KP, D), jnp.float32),
        pltpu.VMEM((KP, D), jnp.float32),
        pltpu.VMEM((KP, D), jnp.float32),
        pltpu.SemaphoreType.DMA,
        pltpu.SemaphoreType.DMA,
    ],
)
def _sc_pair(p_hbm, q_hbm, i0_hbm, i1_hbm, ape0_hbm, ape1_hbm,
             i0buf, i1buf, pa, qa, pb, qb, sema, semb):
    c = lax.axis_index("c")
    s = lax.axis_index("s")
    wid = c * NS + s
    pltpu.sync_copy(i0_hbm.at[wid], i0buf)
    pltpu.sync_copy(i1_hbm.at[wid], i1buf)

    base = wid * PPT

    def issue(j, p, q, sem):
        pltpu.async_copy(p_hbm.at[i0buf.at[j]], p, sem)
        pltpu.async_copy(q_hbm.at[i1buf.at[j]], q, sem)

    def waitg(j, p, q, sem):
        pltpu.make_async_copy(p_hbm.at[i0buf.at[j]], p, sem).wait()
        pltpu.make_async_copy(q_hbm.at[i1buf.at[j]], q, sem).wait()

    def outs(j, p, q):
        pltpu.sync_copy(p, ape0_hbm.at[pl.ds(base + j * KP, KP), :])
        pltpu.sync_copy(q, ape1_hbm.at[pl.ds(base + j * KP, KP), :])

    issue(0, pa, qa, sema)
    issue(1, pb, qb, semb)

    def body(t, carry):
        j0 = 2 * t
        j1 = j0 + 1
        waitg(j0, pa, qa, sema)
        outs(j0, pa, qa)

        @pl.when(j0 + 2 < NCP)
        def _():
            issue(j0 + 2, pa, qa, sema)
        waitg(j1, pb, qb, semb)
        outs(j1, pb, qb)

        @pl.when(j1 + 2 < NCP)
        def _():
            issue(j1 + 2, pb, qb, semb)
        return carry
    lax.fori_loop(0, NCP // 2, body, 0)



_RB = 2000
_GRID = N // _RB


def _dinv(degp_ref):
    deg = 1.0 + degp_ref[:, 0] + degp_ref[:, 1]
    return lax.rsqrt(deg)[:, None]


def _tc_in_body(x_ref, w1_ref, degp_ref, oa_ref, ob_ref):
    g = jnp.dot(x_ref[...], w1_ref[...],
                preferred_element_type=jnp.float32) * _dinv(degp_ref)
    oa_ref[...] = jnp.concatenate([g[:, :D2], g[:, :D2]], axis=-1)
    ob_ref[...] = jnp.concatenate([g[:, D2:], g[:, D2:]], axis=-1)


def _tc_mid_body(pp_ref, ga_ref, gb_ref, degp_ref, b1_ref, w2_ref,
                 oa_ref, ob_ref):
    dinv = _dinv(degp_ref)
    h = jnp.concatenate(
        [pp_ref[0, :, :D2] + ga_ref[:, :D2],
         pp_ref[1, :, :D2] + gb_ref[:, :D2]], axis=-1)
    h = jnp.maximum(h * dinv + b1_ref[...], 0.0)
    g = jnp.dot(h, w2_ref[...], preferred_element_type=jnp.float32) * dinv
    oa_ref[...] = jnp.concatenate([g[:, :D2], g[:, :D2]], axis=-1)
    ob_ref[...] = jnp.concatenate([g[:, D2:], g[:, D2:]], axis=-1)


def _tc_out_body(pp_ref, ga_ref, gb_ref, degp_ref, b2_ref, wm1_ref,
                 p_ref, q_ref):
    dinv = _dinv(degp_ref)
    h2 = jnp.concatenate(
        [pp_ref[0, :, :D2] + ga_ref[:, :D2],
         pp_ref[1, :, :D2] + gb_ref[:, :D2]], axis=-1)
    h2 = h2 * dinv + b2_ref[...]
    p_ref[...] = jnp.dot(h2, wm1_ref[:D, :],
                         preferred_element_type=jnp.float32)
    q_ref[...] = jnp.dot(h2, wm1_ref[D:, :],
                         preferred_element_type=jnp.float32)


_PB = 2048


def _tc_head_body(ape0_ref, ape1_ref, bm1_ref, wm2_ref, bm2_ref, o_ref):
    t = jnp.maximum(ape0_ref[...] + ape1_ref[...] + bm1_ref[...], 0.0)
    z = jnp.dot(t, wm2_ref[...], preferred_element_type=jnp.float32)
    o_ref[...] = jax.nn.sigmoid(z + bm2_ref[0, 0])[:, 0]


def _row_spec(shape):
    nd = len(shape)
    if nd == 2:
        if shape == (N, NC):
            return pl.BlockSpec((_RB, NC), lambda i: (i, 0))
        return pl.BlockSpec((_RB, shape[1]), lambda i: (i, 0))
    return pl.BlockSpec((shape[0], _RB, shape[2]), lambda i: (0, i, 0))


def _full_spec(shape):
    nd = len(shape)
    return pl.BlockSpec(shape, lambda i: (0,) * nd)


def _tc_in(x, w1, degp):
    half = jax.ShapeDtypeStruct((N, D), jnp.float32)
    return pl.pallas_call(
        _tc_in_body,
        grid=(_GRID,),
        in_specs=[_row_spec(x.shape), _full_spec(w1.shape),
                  _row_spec(degp.shape)],
        out_specs=[_row_spec((N, D)), _row_spec((N, D))],
        out_shape=[half, half],
    )(x, w1, degp)


def _tc_mid(pp, ga, gb, degp, b1, w2):
    half = jax.ShapeDtypeStruct((N, D), jnp.float32)
    return pl.pallas_call(
        _tc_mid_body,
        grid=(_GRID,),
        in_specs=[_row_spec(pp.shape), _row_spec(ga.shape),
                  _row_spec(gb.shape), _row_spec(degp.shape),
                  _full_spec(b1.shape), _full_spec(w2.shape)],
        out_specs=[_row_spec((N, D)), _row_spec((N, D))],
        out_shape=[half, half],
    )(pp, ga, gb, degp, b1, w2)


def _tc_out(pp, ga, gb, degp, b2, wm1):
    full = jax.ShapeDtypeStruct((N, D), jnp.float32)
    return pl.pallas_call(
        _tc_out_body,
        grid=(_GRID,),
        in_specs=[_row_spec(pp.shape), _row_spec(ga.shape),
                  _row_spec(gb.shape), _row_spec(degp.shape),
                  _full_spec(b2.shape), _full_spec(wm1.shape)],
        out_specs=[_row_spec((N, D)), _row_spec((N, D))],
        out_shape=[full, full],
    )(pp, ga, gb, degp, b2, wm1)


def _tc_head(ape0, ape1, bm1, wm2, bm2):
    return pl.pallas_call(
        _tc_head_body,
        grid=(NPAIR // _PB,),
        in_specs=[pl.BlockSpec((_PB, D), lambda i: (i, 0)),
                  pl.BlockSpec((_PB, D), lambda i: (i, 0)),
                  _full_spec(bm1.shape), _full_spec(wm2.shape),
                  _full_spec(bm2.shape)],
        out_specs=pl.BlockSpec((_PB,), lambda i: (i,)),
        out_shape=jax.ShapeDtypeStruct((NPAIR,), jnp.float32),
    )(ape0, ape1, bm1, wm2, bm2)



def kernel(x, edge_index, pair, W1, b1, W2, b2, Wm1, bm1, Wm2, bm2):
    src32 = edge_index[0].astype(jnp.int32)
    dst32 = edge_index[1].astype(jnp.int32)
    dst_deg = dst32.reshape(NW, EPT)
    src_prop = src32.reshape(NS, EPS)
    dst_prop = dst32.reshape(NS, EPS)
    p0 = pair[:, 0].astype(jnp.int32).reshape(NW, NCP, KP)
    p1 = pair[:, 1].astype(jnp.int32).reshape(NW, NCP, KP)

    degp = _sc_degree(dst_deg).reshape(NC, N).T
    g1a, g1b = _tc_in(x, W1, degp)
    pp1 = _sc_prop(g1a.reshape(2 * N, D2), g1b.reshape(2 * N, D2),
                   src_prop, dst_prop)
    g2a, g2b = _tc_mid(pp1, g1a, g1b, degp, b1.reshape(1, D), W2)
    pp2 = _sc_prop(g2a.reshape(2 * N, D2), g2b.reshape(2 * N, D2),
                   src_prop, dst_prop)
    P, Q = _tc_out(pp2, g2a, g2b, degp, b2.reshape(1, D), Wm1)
    ape0, ape1 = _sc_pair(P, Q, p0, p1)
    z = _tc_head(ape0, ape1, bm1.reshape(1, D), Wm2, bm2.reshape(1, 1))
    return z.reshape(NPAIR, 1)

# --- scband reference (transcript-rebuilt; emitter-appended) ---
"""Pipeline reference for scband-net-15934328668672 (READ-ONLY COPY).

The authoritative reference and input builder live on the scoring server;
editing this copy changes nothing except your own understanding.
"""

import jax, jax.numpy as jnp
import numpy as np

N_NODES = 10000
D_FEAT = 128
HID = 128
N_EDGES = 320000
N_PAIRS = 65536


def _glorot(key, shape):
    fan_in, fan_out = shape[0], shape[1]
    lim = jnp.sqrt(6.0 / (fan_in + fan_out))
    return jax.random.uniform(key, shape, jnp.float32, -lim, lim)


def setup_inputs(seed: int = 0) -> dict:
    key = jax.random.key(seed)
    ks = jax.random.split(key, 12)
    x = jax.random.normal(ks[0], (N_NODES, D_FEAT), dtype=jnp.float32)
    edge_index = jax.random.randint(ks[1], (2, N_EDGES), 0, N_NODES, dtype=jnp.int64)
    pair = jax.random.randint(ks[2], (N_PAIRS, 2), 0, N_NODES, dtype=jnp.int64)
    W1 = _glorot(ks[3], (D_FEAT, HID))
    b1 = jnp.zeros((HID,), jnp.float32)
    W2 = _glorot(ks[4], (HID, HID))
    b2 = jnp.zeros((HID,), jnp.float32)
    Wm1 = _glorot(ks[5], (2 * HID, HID))
    bm1 = jnp.zeros((HID,), jnp.float32)
    Wm2 = _glorot(ks[6], (HID, 1))
    bm2 = jnp.zeros((1,), jnp.float32)
    return {"x": x, "edge_index": edge_index, "pair": pair,
            "W1": W1, "b1": b1, "W2": W2, "b2": b2,
            "Wm1": Wm1, "bm1": bm1, "Wm2": Wm2, "bm2": bm2}


def _gcn_conv(x, src, dst, W, b, n_nodes):
    # x' = D^{-1/2} (A + I) D^{-1/2} X W + b  (PyG GCNConv with self-loops)
    h = x @ W
    loop = jnp.arange(n_nodes, dtype=src.dtype)
    s = jnp.concatenate([src, loop])
    d = jnp.concatenate([dst, loop])
    deg = jnp.zeros((n_nodes,), jnp.float32).at[d].add(1.0)
    dinv = jax.lax.rsqrt(deg)
    norm = dinv[s] * dinv[d]
    msg = h[s] * norm[:, None]
    out = jnp.zeros_like(h).at[d].add(msg)
    return out + b


def reference(x, edge_index, pair, W1, b1, W2, b2, Wm1, bm1, Wm2, bm2):
    n = x.shape[0]
    src, dst = edge_index[0], edge_index[1]
    # GCN (dropout is identity at inference)
    h = _gcn_conv(x, src, dst, W1, b1, n)
    h = jax.nn.relu(h)
    h = _gcn_conv(h, src, dst, W2, b2, n)
    # pair embeddings
    pe = jnp.concatenate([h[pair[:, 0]], h[pair[:, 1]]], axis=-1)
    # MLP head
    z = jax.nn.relu(pe @ Wm1 + bm1)
    z = z @ Wm2 + bm2
    return jax.nn.sigmoid(z)

if __name__ == "__main__":
    import jax
    _d = setup_inputs()
    print(jax.jit(kernel)(*tuple(_d.values())))

</pallas_src>

<mosaic_0001>
#map = affine_map<(d0, d1) -> (0, 0)>
#map1 = affine_map<(d0, d1) -> (0, 0, 0)>
module attributes {stable_mosaic.version = 14 : i64} {
  func.func @_sc_prop(%arg0: i32, %arg1: i32, %arg2: memref<20000x64xf32, #tpu.memory_space<hbm>>, %arg3: memref<20000x64xf32, #tpu.memory_space<hbm>>, %arg4: memref<16x20000xi32, #tpu.memory_space<hbm>>, %arg5: memref<16x20000xi32, #tpu.memory_space<hbm>>, %arg6: memref<2x10000x128xf32, #tpu.memory_space<hbm>>, %arg7: memref<20000xi32, #tpu.memory_space<vmem>>, %arg8: memref<20000xi32, #tpu.memory_space<vmem>>, %arg9: memref<2x128xi32, #tpu.memory_space<vmem>>, %arg10: memref<2x128xi32, #tpu.memory_space<vmem>>, %arg11: memref<2x128x64xf32, #tpu.memory_space<vmem>>, %arg12: memref<32xi32, #tpu.memory_space<vmem>>, %arg13: memref<32x64xf32, #tpu.memory_space<vmem>>, %arg14: memref<400x64xf32, #tpu.memory_space<vmem>>, %arg15: memref<2x!tpu.dma_semaphore, #tpu.memory_space<semaphore_mem>>, %arg16: memref<10000x64xf32, #tpu.memory_space<vmem_shared>>) attributes {dimension_semantics = [#tpu.dimension_semantics<core_parallel>, #tpu.dimension_semantics<subcore_parallel>], iteration_bounds = array<i64: 2, 16>, scalar_prefetch = 0 : i64, scratch_operands = 10 : i64, tpu.core_type = #tpu.core_type<sc_vector_subcore>, window_params = [{transform_indices = #map}, {transform_indices = #map}, {transform_indices = #map}, {transform_indices = #map}, {transform_indices = #map1}]} {
    "tpu.region"() ({
      %run_scoped3A = tpu.sem_alloc : memref<!tpu.dma_semaphore, #tpu.memory_space<semaphore_mem>>
      %dma_start3A = arith.constant 0 : i32
      %dma_start3A_54 = tpu.memref_slice %arg4[%arg1, %dma_start3A] : memref<16x20000xi32, #tpu.memory_space<hbm>> -> memref<1x20000xi32, #tpu.memory_space<hbm>>
      %dma_start3A_55 = tpu.memref_squeeze %dma_start3A_54 : memref<1x20000xi32, #tpu.memory_space<hbm>> -> memref<20000xi32, #tpu.memory_space<hbm>>
      %dma_start3A_56 = arith.constant 0 : i32
      %dma_start3A_57 = tpu.memref_slice %arg4[%arg1, %dma_start3A_56] : memref<16x20000xi32, #tpu.memory_space<hbm>> -> memref<1x20000xi32, #tpu.memory_space<hbm>>
      %dma_start3A_58 = tpu.memref_squeeze %dma_start3A_57 : memref<1x20000xi32, #tpu.memory_space<hbm>> -> memref<20000xi32, #tpu.memory_space<hbm>>
      tpu.enqueue_dma source(%dma_start3A_58 : memref<20000xi32, #tpu.memory_space<hbm>>) target(%arg7 : memref<20000xi32, #tpu.memory_space<vmem>>) target_semaphore(%run_scoped3A : memref<!tpu.dma_semaphore, #tpu.memory_space<semaphore_mem>>)
      %dma_wait3A = arith.constant 0 : i32
      %dma_wait3A_59 = tpu.memref_slice %arg4[%arg1, %dma_wait3A] : memref<16x20000xi32, #tpu.memory_space<hbm>> -> memref<1x20000xi32, #tpu.memory_space<hbm>>
      %dma_wait3A_60 = tpu.memref_squeeze %dma_wait3A_59 : memref<1x20000xi32, #tpu.memory_space<hbm>> -> memref<20000xi32, #tpu.memory_space<hbm>>
      %dma_wait3A_61 = arith.constant 0 : i32
      %dma_wait3A_62 = tpu.memref_slice %arg4[%arg1, %dma_wait3A_61] : memref<16x20000xi32, #tpu.memory_space<hbm>> -> memref<1x20000xi32, #tpu.memory_space<hbm>>
      %dma_wait3A_63 = tpu.memref_squeeze %dma_wait3A_62 : memref<1x20000xi32, #tpu.memory_space<hbm>> -> memref<20000xi32, #tpu.memory_space<hbm>>
      tpu.wait_dma2 semaphore(%run_scoped3A : memref<!tpu.dma_semaphore, #tpu.memory_space<semaphore_mem>>) src(%dma_wait3A_63 : memref<20000xi32, #tpu.memory_space<hbm>>) dst(%arg7 : memref<20000xi32, #tpu.memory_space<vmem>>)
      tpu.yield
    }) : () -> ()
    "tpu.region"() ({
      %run_scoped3A = tpu.sem_alloc : memref<!tpu.dma_semaphore, #tpu.memory_space<semaphore_mem>>
      %dma_start3A = arith.constant 0 : i32
      %dma_start3A_54 = tpu.memref_slice %arg5[%arg1, %dma_start3A] : memref<16x20000xi32, #tpu.memory_space<hbm>> -> memref<1x20000xi32, #tpu.memory_space<hbm>>
      %dma_start3A_55 = tpu.memref_squeeze %dma_start3A_54 : memref<1x20000xi32, #tpu.memory_space<hbm>> -> memref<20000xi32, #tpu.memory_space<hbm>>
      %dma_start3A_56 = arith.constant 0 : i32
      %dma_start3A_57 = tpu.memref_slice %arg5[%arg1, %dma_start3A_56] : memref<16x20000xi32, #tpu.memory_space<hbm>> -> memref<1x20000xi32, #tpu.memory_space<hbm>>
      %dma_start3A_58 = tpu.memref_squeeze %dma_start3A_57 : memref<1x20000xi32, #tpu.memory_space<hbm>> -> memref<20000xi32, #tpu.memory_space<hbm>>
      tpu.enqueue_dma source(%dma_start3A_58 : memref<20000xi32, #tpu.memory_space<hbm>>) target(%arg8 : memref<20000xi32, #tpu.memory_space<vmem>>) target_semaphore(%run_scoped3A : memref<!tpu.dma_semaphore, #tpu.memory_space<semaphore_mem>>)
      %dma_wait3A = arith.constant 0 : i32
      %dma_wait3A_59 = tpu.memref_slice %arg5[%arg1, %dma_wait3A] : memref<16x20000xi32, #tpu.memory_space<hbm>> -> memref<1x20000xi32, #tpu.memory_space<hbm>>
      %dma_wait3A_60 = tpu.memref_squeeze %dma_wait3A_59 : memref<1x20000xi32, #tpu.memory_space<hbm>> -> memref<20000xi32, #tpu.memory_space<hbm>>
      %dma_wait3A_61 = arith.constant 0 : i32
      %dma_wait3A_62 = tpu.memref_slice %arg5[%arg1, %dma_wait3A_61] : memref<16x20000xi32, #tpu.memory_space<hbm>> -> memref<1x20000xi32, #tpu.memory_space<hbm>>
      %dma_wait3A_63 = tpu.memref_squeeze %dma_wait3A_62 : memref<1x20000xi32, #tpu.memory_space<hbm>> -> memref<20000xi32, #tpu.memory_space<hbm>>
      tpu.wait_dma2 semaphore(%run_scoped3A : memref<!tpu.dma_semaphore, #tpu.memory_space<semaphore_mem>>) src(%dma_wait3A_63 : memref<20000xi32, #tpu.memory_space<hbm>>) dst(%arg8 : memref<20000xi32, #tpu.memory_space<vmem>>)
      tpu.yield
    }) : () -> ()
    %broadcast_in_dim3A = arith.constant 0.000000e+00 : f32
    %broadcast_in_dim3A_0 = vector.broadcast %broadcast_in_dim3A : f32 to vector<16xf32>
    %scan3A = arith.constant 0 : i32
    %scan3A_1 = arith.constant 0 : i32
    %scan3A_2 = arith.constant 400 : i32
    %scan3A_3 = arith.addi %scan3A_1, %scan3A_2 : i32
    %scan3A_4 = arith.constant 1 : i32
    scf.for %scan3A_54 = %scan3A_1 to %scan3A_3 step %scan3A_4  : i32 {
      %swap3A = arith.index_cast %scan3A_54 : i32 to index
      %swap3A_55 = arith.constant 0 : index
      %swap3A_56 = tpu.vector_load %arg14[%swap3A, %swap3A_55] {strides = array<i32>} : memref<400x64xf32, #tpu.memory_space<vmem>>, vector<1x16xf32>,
      %swap3A_57 = vector.shape_cast %swap3A_56 : vector<1x16xf32> to vector<16xf32>
      %swap3A_58 = vector.shape_cast %broadcast_in_dim3A_0 : vector<16xf32> to vector<1x16xf32>
      tpu.vector_store %arg14[%swap3A, %swap3A_55], %swap3A_58 {strides = array<i32>} : memref<400x64xf32, #tpu.memory_space<vmem>>, vector<1x16xf32>,
      %swap3A_59 = arith.index_cast %scan3A_54 : i32 to index
      %swap3A_60 = arith.constant 16 : index
      %swap3A_61 = tpu.vector_load %arg14[%swap3A_59, %swap3A_60] {strides = array<i32>} : memref<400x64xf32, #tpu.memory_space<vmem>>, vector<1x16xf32>,
      %swap3A_62 = vector.shape_cast %swap3A_61 : vector<1x16xf32> to vector<16xf32>
      %swap3A_63 = vector.shape_cast %broadcast_in_dim3A_0 : vector<16xf32> to vector<1x16xf32>
      tpu.vector_store %arg14[%swap3A_59, %swap3A_60], %swap3A_63 {strides = array<i32>} : memref<400x64xf32, #tpu.memory_space<vmem>>, vector<1x16xf32>,
      %swap3A_64 = arith.index_cast %scan3A_54 : i32 to index
      %swap3A_65 = arith.constant 32 : index
      %swap3A_66 = tpu.vector_load %arg14[%swap3A_64, %swap3A_65] {strides = array<i32>} : memref<400x64xf32, #tpu.memory_space<vmem>>, vector<1x16xf32>,
      %swap3A_67 = vector.shape_cast %swap3A_66 : vector<1x16xf32> to vector<16xf32>
      %swap3A_68 = vector.shape_cast %broadcast_in_dim3A_0 : vector<16xf32> to vector<1x16xf32>
      tpu.vector_store %arg14[%swap3A_64, %swap3A_65], %swap3A_68 {strides = array<i32>} : memref<400x64xf32, #tpu.memory_space<vmem>>, vector<1x16xf32>,
      %swap3A_69 = arith.index_cast %scan3A_54 : i32 to index
      %swap3A_70 = arith.constant 48 : index
      %swap3A_71 = tpu.vector_load %arg14[%swap3A_69, %swap3A_70] {strides = array<i32>} : memref<400x64xf32, #tpu.memory_space<vmem>>, vector<1x16xf32>,
      %swap3A_72 = vector.shape_cast %swap3A_71 : vector<1x16xf32> to vector<16xf32>
      %swap3A_73 = vector.shape_cast %broadcast_in_dim3A_0 : vector<16xf32> to vector<1x16xf32>
      tpu.vector_store %arg14[%swap3A_69, %swap3A_70], %swap3A_73 {strides = array<i32>} : memref<400x64xf32, #tpu.memory_space<vmem>>, vector<1x16xf32>,
    }
    %scan3A_5 = arith.constant 400 : i32
    %add3A = arith.constant 0 : i32
    %add3A_6 = arith.addi %arg1, %add3A : i32
    %lt3A = arith.constant 25 : i32
    %lt3A_7 = arith.cmpi slt, %add3A_6, %lt3A : i32
    %convert_element_type3A = arith.extui %lt3A_7 : i1 to i32
    %cond3A = arith.constant 0 : i32
    %cond3A_8 = arith.cmpi ne, %convert_element_type3A, %cond3A : i32
    scf.if %cond3A_8 {
      %mul3A = arith.constant 400 : i32
      %mul3A_54 = arith.muli %add3A_6, %mul3A : i32
      "tpu.region"() ({
        %run_scoped3A = tpu.sem_alloc : memref<!tpu.dma_semaphore, #tpu.memory_space<semaphore_mem>>
        %dma_start3A = arith.constant 0 : i32
        %dma_start3A_55 = tpu.memref_slice %arg16[%mul3A_54, %dma_start3A] : memref<10000x64xf32, #tpu.memory_space<vmem_shared>> -> memref<400x64xf32, #tpu.memory_space<vmem_shared>>
        %dma_start3A_56 = arith.constant 0 : i32
        %dma_start3A_57 = tpu.memref_slice %arg16[%mul3A_54, %dma_start3A_56] : memref<10000x64xf32, #tpu.memory_space<vmem_shared>> -> memref<400x64xf32, #tpu.memory_space<vmem_shared>>
        tpu.enqueue_dma source(%arg14 : memref<400x64xf32, #tpu.memory_space<vmem>>) target(%dma_start3A_57 : memref<400x64xf32, #tpu.memory_space<vmem_shared>>) target_semaphore(%run_scoped3A : memref<!tpu.dma_semaphore, #tpu.memory_space<semaphore_mem>>)
        %dma_wait3A = arith.constant 0 : i32
        %dma_wait3A_58 = tpu.memref_slice %arg16[%mul3A_54, %dma_wait3A] : memref<10000x64xf32, #tpu.memory_space<vmem_shared>> -> memref<400x64xf32, #tpu.memory_space<vmem_shared>>
        %dma_wait3A_59 = arith.constant 0 : i32
        %dma_wait3A_60 = tpu.memref_slice %arg16[%mul3A_54, %dma_wait3A_59] : memref<10000x64xf32, #tpu.memory_space<vmem_shared>> -> memref<400x64xf32, #tpu.memory_space<vmem_shared>>
        tpu.wait_dma2 semaphore(%run_scoped3A : memref<!tpu.dma_semaphore, #tpu.memory_space<semaphore_mem>>) src(%arg14 : memref<400x64xf32, #tpu.memory_space<vmem>>) dst(%dma_wait3A_60 : memref<400x64xf32, #tpu.memory_space<vmem_shared>>)
        tpu.yield
      }) : () -> ()
    } else {
    }
    %add3A_9 = arith.constant 16 : i32
    %add3A_10 = arith.addi %arg1, %add3A_9 : i32
    %lt3A_11 = arith.constant 25 : i32
    %lt3A_12 = arith.cmpi slt, %add3A_10, %lt3A_11 : i32
    %convert_element_type3A_13 = arith.extui %lt3A_12 : i1 to i32
    %cond3A_14 = arith.constant 0 : i32
    %cond3A_15 = arith.cmpi ne, %convert_element_type3A_13, %cond3A_14 : i32
    scf.if %cond3A_15 {
      %mul3A = arith.constant 400 : i32
      %mul3A_54 = arith.muli %add3A_10, %mul3A : i32
      "tpu.region"() ({
        %run_scoped3A = tpu.sem_alloc : memref<!tpu.dma_semaphore, #tpu.memory_space<semaphore_mem>>
        %dma_start3A = arith.constant 0 : i32
        %dma_start3A_55 = tpu.memref_slice %arg16[%mul3A_54, %dma_start3A] : memref<10000x64xf32, #tpu.memory_space<vmem_shared>> -> memref<400x64xf32, #tpu.memory_space<vmem_shared>>
        %dma_start3A_56 = arith.constant 0 : i32
        %dma_start3A_57 = tpu.memref_slice %arg16[%mul3A_54, %dma_start3A_56] : memref<10000x64xf32, #tpu.memory_space<vmem_shared>> -> memref<400x64xf32, #tpu.memory_space<vmem_shared>>
        tpu.enqueue_dma source(%arg14 : memref<400x64xf32, #tpu.memory_space<vmem>>) target(%dma_start3A_57 : memref<400x64xf32, #tpu.memory_space<vmem_shared>>) target_semaphore(%run_scoped3A : memref<!tpu.dma_semaphore, #tpu.memory_space<semaphore_mem>>)
        %dma_wait3A = arith.constant 0 : i32
        %dma_wait3A_58 = tpu.memref_slice %arg16[%mul3A_54, %dma_wait3A] : memref<10000x64xf32, #tpu.memory_space<vmem_shared>> -> memref<400x64xf32, #tpu.memory_space<vmem_shared>>
        %dma_wait3A_59 = arith.constant 0 : i32
        %dma_wait3A_60 = tpu.memref_slice %arg16[%mul3A_54, %dma_wait3A_59] : memref<10000x64xf32, #tpu.memory_space<vmem_shared>> -> memref<400x64xf32, #tpu.memory_space<vmem_shared>>
        tpu.wait_dma2 semaphore(%run_scoped3A : memref<!tpu.dma_semaphore, #tpu.memory_space<semaphore_mem>>) src(%arg14 : memref<400x64xf32, #tpu.memory_space<vmem>>) dst(%dma_wait3A_60 : memref<400x64xf32, #tpu.memory_space<vmem_shared>>)
        tpu.yield
      }) : () -> ()
    } else {
    }
    %add3A_16 = arith.constant 32 : i32
    %add3A_17 = arith.addi %arg1, %add3A_16 : i32
    %lt3A_18 = arith.constant 25 : i32
    %lt3A_19 = arith.cmpi slt, %add3A_17, %lt3A_18 : i32
    %convert_element_type3A_20 = arith.extui %lt3A_19 : i1 to i32
    %cond3A_21 = arith.constant 0 : i32
    %cond3A_22 = arith.cmpi ne, %convert_element_type3A_20, %cond3A_21 : i32
    scf.if %cond3A_22 {
      %mul3A = arith.constant 400 : i32
      %mul3A_54 = arith.muli %add3A_17, %mul3A : i32
      "tpu.region"() ({
        %run_scoped3A = tpu.sem_alloc : memref<!tpu.dma_semaphore, #tpu.memory_space<semaphore_mem>>
        %dma_start3A = arith.constant 0 : i32
        %dma_start3A_55 = tpu.memref_slice %arg16[%mul3A_54, %dma_start3A] : memref<10000x64xf32, #tpu.memory_space<vmem_shared>> -> memref<400x64xf32, #tpu.memory_space<vmem_shared>>
        %dma_start3A_56 = arith.constant 0 : i32
        %dma_start3A_57 = tpu.memref_slice %arg16[%mul3A_54, %dma_start3A_56] : memref<10000x64xf32, #tpu.memory_space<vmem_shared>> -> memref<400x64xf32, #tpu.memory_space<vmem_shared>>
        tpu.enqueue_dma source(%arg14 : memref<400x64xf32, #tpu.memory_space<vmem>>) target(%dma_start3A_57 : memref<400x64xf32, #tpu.memory_space<vmem_shared>>) target_semaphore(%run_scoped3A : memref<!tpu.dma_semaphore, #tpu.memory_space<semaphore_mem>>)
        %dma_wait3A = arith.constant 0 : i32
        %dma_wait3A_58 = tpu.memref_slice %arg16[%mul3A_54, %dma_wait3A] : memref<10000x64xf32, #tpu.memory_space<vmem_shared>> -> memref<400x64xf32, #tpu.memory_space<vmem_shared>>
        %dma_wait3A_59 = arith.constant 0 : i32
        %dma_wait3A_60 = tpu.memref_slice %arg16[%mul3A_54, %dma_wait3A_59] : memref<10000x64xf32, #tpu.memory_space<vmem_shared>> -> memref<400x64xf32, #tpu.memory_space<vmem_shared>>
        tpu.wait_dma2 semaphore(%run_scoped3A : memref<!tpu.dma_semaphore, #tpu.memory_space<semaphore_mem>>) src(%arg14 : memref<400x64xf32, #tpu.memory_space<vmem>>) dst(%dma_wait3A_60 : memref<400x64xf32, #tpu.memory_space<vmem_shared>>)
        tpu.yield
      }) : () -> ()
    } else {
    }
    %barrier3A = arith.constant 0 : index
    tpu.barrier barrier_id(%barrier3A)
    %eq3A = arith.constant 0 : i32
    %eq3A_23 = arith.cmpi eq, %arg0, %eq3A : i32
    %convert_element_type3A_24 = arith.extui %eq3A_23 : i1 to i32
    %cond3A_25 = arith.constant 0 : i32
    %cond3A_26 = arith.cmpi ne, %convert_element_type3A_24, %cond3A_25 : i32
    scf.if %cond3A_26 {
      %get3A = arith.constant 0 : index
      %get3A_54 = tpu.vector_load %arg8[%get3A] {strides = array<i32>} : memref<20000xi32, #tpu.memory_space<vmem>>, vector<16xi32>,
      %get3A_55 = vector.shape_cast %get3A_54 : vector<16xi32> to vector<16xi32>
      %swap3A = arith.constant 0 : i32
      %swap3A_56 = arith.index_cast %swap3A : i32 to index
      %swap3A_57 = arith.constant 0 : index
      %swap3A_58 = tpu.vector_load %arg9[%swap3A_56, %swap3A_57] {strides = array<i32>} : memref<2x128xi32, #tpu.memory_space<vmem>>, vector<1x16xi32>,
      %swap3A_59 = vector.shape_cast %swap3A_58 : vector<1x16xi32> to vector<16xi32>
      %swap3A_60 = vector.shape_cast %get3A_55 : vector<16xi32> to vector<1x16xi32>
      tpu.vector_store %arg9[%swap3A_56, %swap3A_57], %swap3A_60 {strides = array<i32>} : memref<2x128xi32, #tpu.memory_space<vmem>>, vector<1x16xi32>,
      %get3A_61 = arith.constant 0 : index
      %get3A_62 = tpu.vector_load %arg7[%get3A_61] {strides = array<i32>} : memref<20000xi32, #tpu.memory_space<vmem>>, vector<16xi32>,
      %get3A_63 = vector.shape_cast %get3A_62 : vector<16xi32> to vector<16xi32>
      %mul3A = arith.constant 2 : i32
      %mul3A_64 = vector.broadcast %mul3A : i32 to vector<16xi32>
      %mul3A_65 = arith.muli %get3A_63, %mul3A_64 : vector<16xi32>
      %swap3A_66 = arith.constant 0 : i32
      %swap3A_67 = arith.index_cast %swap3A_66 : i32 to index
      %swap3A_68 = arith.constant 0 : index
      %swap3A_69 = tpu.vector_load %arg10[%swap3A_67, %swap3A_68] {strides = array<i32>} : memref<2x128xi32, #tpu.memory_space<vmem>>, vector<1x16xi32>,
      %swap3A_70 = vector.shape_cast %swap3A_69 : vector<1x16xi32> to vector<16xi32>
      %swap3A_71 = vector.shape_cast %mul3A_65 : vector<16xi32> to vector<1x16xi32>
      tpu.vector_store %arg10[%swap3A_67, %swap3A_68], %swap3A_71 {strides = array<i32>} : memref<2x128xi32, #tpu.memory_space<vmem>>, vector<1x16xi32>,
      %get3A_72 = arith.constant 16 : index
      %get3A_73 = tpu.vector_load %arg8[%get3A_72] {strides = array<i32>} : memref<20000xi32, #tpu.memory_space<vmem>>, vector<16xi32>,
      %get3A_74 = vector.shape_cast %get3A_73 : vector<16xi32> to vector<16xi32>
      %swap3A_75 = arith.constant 0 : i32
      %swap3A_76 = arith.index_cast %swap3A_75 : i32 to index
      %swap3A_77 = arith.constant 16 : index
      %swap3A_78 = tpu.vector_load %arg9[%swap3A_76, %swap3A_77] {strides = array<i32>} : memref<2x128xi32, #tpu.memory_space<vmem>>, vector<1x16xi32>,
      %swap3A_79 = vector.shape_cast %swap3A_78 : vector<1x16xi32> to vector<16xi32>
      %swap3A_80 = vector.shape_cast %get3A_74 : vector<16xi32> to vector<1x16xi32>
      tpu.vector_store %arg9[%swap3A_76, %swap3A_77], %swap3A_80 {strides = array<i32>} : memref<2x128xi32, #tpu.memory_space<vmem>>, vector<1x16xi32>,
      %get3A_81 = arith.constant 16 : index
      %get3A_82 = tpu.vector_load %arg7[%get3A_81] {strides = array<i32>} : memref<20000xi32, #tpu.memory_space<vmem>>, vector<16xi32>,
      %get3A_83 = vector.shape_cast %get3A_82 : vector<16xi32> to vector<16xi32>
      %mul3A_84 = arith.constant 2 : i32
      %mul3A_85 = vector.broadcast %mul3A_84 : i32 to vector<16xi32>
      %mul3A_86 = arith.muli %get3A_83, %mul3A_85 : vector<16xi32>
      %swap3A_87 = arith.constant 0 : i32
      %swap3A_88 = arith.index_cast %swap3A_87 : i32 to index
      %swap3A_89 = arith.constant 16 : index
      %swap3A_90 = tpu.vector_load %arg10[%swap3A_88, %swap3A_89] {strides = array<i32>} : memref<2x128xi32, #tpu.memory_space<vmem>>, vector<1x16xi32>,
      %swap3A_91 = vector.shape_cast %swap3A_90 : vector<1x16xi32> to vector<16xi32>
      %swap3A_92 = vector.shape_cast %mul3A_86 : vector<16xi32> to vector<1x16xi32>
      tpu.vector_store %arg10[%swap3A_88, %swap3A_89], %swap3A_92 {strides = array<i32>} : memref<2x128xi32, #tpu.memory_space<vmem>>, vector<1x16xi32>,
      %get3A_93 = arith.constant 32 : index
      %get3A_94 = tpu.vector_load %arg8[%get3A_93] {strides = array<i32>} : memref<20000xi32, #tpu.memory_space<vmem>>, vector<16xi32>,
      %get3A_95 = vector.shape_cast %get3A_94 : vector<16xi32> to vector<16xi32>
      %swap3A_96 = arith.constant 0 : i32
      %swap3A_97 = arith.index_cast %swap3A_96 : i32 to index
      %swap3A_98 = arith.constant 32 : index
      %swap3A_99 = tpu.vector_load %arg9[%swap3A_97, %swap3A_98] {strides = array<i32>} : memref<2x128xi32, #tpu.memory_space<vmem>>, vector<1x16xi32>,
      %swap3A_100 = vector.shape_cast %swap3A_99 : vector<1x16xi32> to vector<16xi32>
      %swap3A_101 = vector.shape_cast %get3A_95 : vector<16xi32> to vector<1x16xi32>
      tpu.vector_store %arg9[%swap3A_97, %swap3A_98], %swap3A_101 {strides = array<i32>} : memref<2x128xi32, #tpu.memory_space<vmem>>, vector<1x16xi32>,
      %get3A_102 = arith.constant 32 : index
      %get3A_103 = tpu.vector_load %arg7[%get3A_102] {strides = array<i32>} : memref<20000xi32, #tpu.memory_space<vmem>>, vector<16xi32>,
      %get3A_104 = vector.shape_cast %get3A_103 : vector<16xi32> to vector<16xi32>
      %mul3A_105 = arith.constant 2 : i32
      %mul3A_106 = vector.broadcast %mul3A_105 : i32 to vector<16xi32>
      %mul3A_107 = arith.muli %get3A_104, %mul3A_106 : vector<16xi32>
      %swap3A_108 = arith.constant 0 : i32
      %swap3A_109 = arith.index_cast %swap3A_108 : i32 to index
      %swap3A_110 = arith.constant 32 : index
      %swap3A_111 = tpu.vector_load %arg10[%swap3A_109, %swap3A_110] {strides = array<i32>} : memref<2x128xi32, #tpu.memory_space<vmem>>, vector<1x16xi32>,
      %swap3A_112 = vector.shape_cast %swap3A_111 : vector<1x16xi32> to vector<16xi32>
      %swap3A_113 = vector.shape_cast %mul3A_107 : vector<16xi32> to vector<1x16xi32>
      tpu.vector_store %arg10[%swap3A_109, %swap3A_110], %swap3A_113 {strides = array<i32>} : memref<2x128xi32, #tpu.memory_space<vmem>>, vector<1x16xi32>,
      %get3A_114 = arith.constant 48 : index
      %get3A_115 = tpu.vector_load %arg8[%get3A_114] {strides = array<i32>} : memref<20000xi32, #tpu.memory_space<vmem>>, vector<16xi32>,
      %get3A_116 = vector.shape_cast %get3A_115 : vector<16xi32> to vector<16xi32>
      %swap3A_117 = arith.constant 0 : i32
      %swap3A_118 = arith.index_cast %swap3A_117 : i32 to index
      %swap3A_119 = arith.constant 48 : index
      %swap3A_120 = tpu.vector_load %arg9[%swap3A_118, %swap3A_119] {strides = array<i32>} : memref<2x128xi32, #tpu.memory_space<vmem>>, vector<1x16xi32>,
      %swap3A_121 = vector.shape_cast %swap3A_120 : vector<1x16xi32> to vector<16xi32>
      %swap3A_122 = vector.shape_cast %get3A_116 : vector<16xi32> to vector<1x16xi32>
      tpu.vector_store %arg9[%swap3A_118, %swap3A_119], %swap3A_122 {strides = array<i32>} : memref<2x128xi32, #tpu.memory_space<vmem>>, vector<1x16xi32>,
      %get3A_123 = arith.constant 48 : index
      %get3A_124 = tpu.vector_load %arg7[%get3A_123] {strides = array<i32>} : memref<20000xi32, #tpu.memory_space<vmem>>, vector<16xi32>,
      %get3A_125 = vector.shape_cast %get3A_124 : vector<16xi32> to vector<16xi32>
      %mul3A_126 = arith.constant 2 : i32
      %mul3A_127 = vector.broadcast %mul3A_126 : i32 to vector<16xi32>
      %mul3A_128 = arith.muli %get3A_125, %mul3A_127 : vector<16xi32>
      %swap3A_129 = arith.constant 0 : i32
      %swap3A_130 = arith.index_cast %swap3A_129 : i32 to index
      %swap3A_131 = arith.constant 48 : index
      %swap3A_132 = tpu.vector_load %arg10[%swap3A_130, %swap3A_131] {strides = array<i32>} : memref<2x128xi32, #tpu.memory_space<vmem>>, vector<1x16xi32>,
      %swap3A_133 = vector.shape_cast %swap3A_132 : vector<1x16xi32> to vector<16xi32>
      %swap3A_134 = vector.shape_cast %mul3A_128 : vector<16xi32> to vector<1x16xi32>
      tpu.vector_store %arg10[%swap3A_130, %swap3A_131], %swap3A_134 {strides = array<i32>} : memref<2x128xi32, #tpu.memory_space<vmem>>, vector<1x16xi32>,
      %get3A_135 = arith.constant 64 : index
      %get3A_136 = tpu.vector_load %arg8[%get3A_135] {strides = array<i32>} : memref<20000xi32, #tpu.memory_space<vmem>>, vector<16xi32>,
      %get3A_137 = vector.shape_cast %get3A_136 : vector<16xi32> to vector<16xi32>
      %swap3A_138 = arith.constant 0 : i32
      %swap3A_139 = arith.index_cast %swap3A_138 : i32 to index
      %swap3A_140 = arith.constant 64 : index
      %swap3A_141 = tpu.vector_load %arg9[%swap3A_139, %swap3A_140] {strides = array<i32>} : memref<2x128xi32, #tpu.memory_space<vmem>>, vector<1x16xi32>,
      %swap3A_142 = vector.shape_cast %swap3A_141 : vector<1x16xi32> to vector<16xi32>
      %swap3A_143 = vector.shape_cast %get3A_137 : vector<16xi32> to vector<1x16xi32>
      tpu.vector_store %arg9[%swap3A_139, %swap3A_140], %swap3A_143 {strides = array<i32>} : memref<2x128xi32, #tpu.memory_space<vmem>>, vector<1x16xi32>,
      %get3A_144 = arith.constant 64 : index
      %get3A_145 = tpu.vector_load %arg7[%get3A_144] {strides = array<i32>} : memref<20000xi32, #tpu.memory_space<vmem>>, vector<16xi32>,
      %get3A_146 = vector.shape_cast %get3A_145 : vector<16xi32> to vector<16xi32>
      %mul3A_147 = arith.constant 2 : i32
      %mul3A_148 = vector.broadcast %mul3A_147 : i32 to vector<16xi32>
      %mul3A_149 = arith.muli %get3A_146, %mul3A_148 : vector<16xi32>
      %swap3A_150 = arith.constant 0 : i32
      %swap3A_151 = arith.index_cast %swap3A_150 : i32 to index
      %swap3A_152 = arith.constant 64 : index
      %swap3A_153 = tpu.vector_load %arg10[%swap3A_151, %swap3A_152] {strides = array<i32>} : memref<2x128xi32, #tpu.memory_space<vmem>>, vector<1x16xi32>,
      %swap3A_154 = vector.shape_cast %swap3A_153 : vector<1x16xi32> to vector<16xi32>
      %swap3A_155 = vector.shape_cast %mul3A_149 : vector<16xi32> to vector<1x16xi32>
      tpu.vector_store %arg10[%swap3A_151, %swap3A_152], %swap3A_155 {strides = array<i32>} : memref<2x128xi32, #tpu.memory_space<vmem>>, vector<1x16xi32>,
      %get3A_156 = arith.constant 80 : index
      %get3A_157 = tpu.vector_load %arg8[%get3A_156] {strides = array<i32>} : memref<20000xi32, #tpu.memory_space<vmem>>, vector<16xi32>,
      %get3A_158 = vector.shape_cast %get3A_157 : vector<16xi32> to vector<16xi32>
      %swap3A_159 = arith.constant 0 : i32
      %swap3A_160 = arith.index_cast %swap3A_159 : i32 to index
      %swap3A_161 = arith.constant 80 : index
      %swap3A_162 = tpu.vector_load %arg9[%swap3A_160, %swap3A_161] {strides = array<i32>} : memref<2x128xi32, #tpu.memory_space<vmem>>, vector<1x16xi32>,
      %swap3A_163 = vector.shape_cast %swap3A_162 : vector<1x16xi32> to vector<16xi32>
      %swap3A_164 = vector.shape_cast %get3A_158 : vector<16xi32> to vector<1x16xi32>
      tpu.vector_store %arg9[%swap3A_160, %swap3A_161], %swap3A_164 {strides = array<i32>} : memref<2x128xi32, #tpu.memory_space<vmem>>, vector<1x16xi32>,
      %get3A_165 = arith.constant 80 : index
      %get3A_166 = tpu.vector_load %arg7[%get3A_165] {strides = array<i32>} : memref<20000xi32, #tpu.memory_space<vmem>>, vector<16xi32>,
      %get3A_167 = vector.shape_cast %get3A_166 : vector<16xi32> to vector<16xi32>
      %mul3A_168 = arith.constant 2 : i32
      %mul3A_169 = vector.broadcast %mul3A_168 : i32 to vector<16xi32>
      %mul3A_170 = arith.muli %get3A_167, %mul3A_169 : vector<16xi32>
      %swap3A_171 = arith.constant 0 : i32
      %swap3A_172 = arith.index_cast %swap3A_171 : i32 to index
      %swap3A_173 = arith.constant 80 : index
      %swap3A_174 = tpu.vector_load %arg10[%swap3A_172, %swap3A_173] {strides = array<i32>} : memref<2x128xi32, #tpu.memory_space<vmem>>, vector<1x16xi32>,
      %swap3A_175 = vector.shape_cast %swap3A_174 : vector<1x16xi32> to vector<16xi32>
      %swap3A_176 = vector.shape_cast %mul3A_170 : vector<16xi32> to vector<1x16xi32>
      tpu.vector_store %arg10[%swap3A_172, %swap3A_173], %swap3A_176 {strides = array<i32>} : memref<2x128xi32, #tpu.memory_space<vmem>>, vector<1x16xi32>,
      %get3A_177 = arith.constant 96 : index
      %get3A_178 = tpu.vector_load %arg8[%get3A_177] {strides = array<i32>} : memref<20000xi32, #tpu.memory_space<vmem>>, vector<16xi32>,
      %get3A_179 = vector.shape_cast %get3A_178 : vector<16xi32> to vector<16xi32>
      %swap3A_180 = arith.constant 0 : i32
      %swap3A_181 = arith.index_cast %swap3A_180 : i32 to index
      %swap3A_182 = arith.constant 96 : index
      %swap3A_183 = tpu.vector_load %arg9[%swap3A_181, %swap3A_182] {strides = array<i32>} : memref<2x128xi32, #tpu.memory_space<vmem>>, vector<1x16xi32>,
      %swap3A_184 = vector.shape_cast %swap3A_183 : vector<1x16xi32> to vector<16xi32>
      %swap3A_185 = vector.shape_cast %get3A_179 : vector<16xi32> to vector<1x16xi32>
      tpu.vector_store %arg9[%swap3A_181, %swap3A_182], %swap3A_185 {strides = array<i32>} : memref<2x128xi32, #tpu.memory_space<vmem>>, vector<1x16xi32>,
      %get3A_186 = arith.constant 96 : index
      %get3A_187 = tpu.vector_load %arg7[%get3A_186] {strides = array<i32>} : memref<20000xi32, #tpu.memory_space<vmem>>, vector<16xi32>,
      %get3A_188 = vector.shape_cast %get3A_187 : vector<16xi32> to vector<16xi32>
      %mul3A_189 = arith.constant 2 : i32
      %mul3A_190 = vector.broadcast %mul3A_189 : i32 to vector<16xi32>
      %mul3A_191 = arith.muli %get3A_188, %mul3A_190 : vector<16xi32>
      %swap3A_192 = arith.constant 0 : i32
      %swap3A_193 = arith.index_cast %swap3A_192 : i32 to index
      %swap3A_194 = arith.constant 96 : index
      %swap3A_195 = tpu.vector_load %arg10[%swap3A_193, %swap3A_194] {strides = array<i32>} : memref<2x128xi32, #tpu.memory_space<vmem>>, vector<1x16xi32>,
      %swap3A_196 = vector.shape_cast %swap3A_195 : vector<1x16xi32> to vector<16xi32>
      %swap3A_197 = vector.shape_cast %mul3A_191 : vector<16xi32> to vector<1x16xi32>
      tpu.vector_store %arg10[%swap3A_193, %swap3A_194], %swap3A_197 {strides = array<i32>} : memref<2x128xi32, #tpu.memory_space<vmem>>, vector<1x16xi32>,
      %get3A_198 = arith.constant 112 : index
      %get3A_199 = tpu.vector_load %arg8[%get3A_198] {strides = array<i32>} : memref<20000xi32, #tpu.memory_space<vmem>>, vector<16xi32>,
      %get3A_200 = vector.shape_cast %get3A_199 : vector<16xi32> to vector<16xi32>
      %swap3A_201 = arith.constant 0 : i32
      %swap3A_202 = arith.index_cast %swap3A_201 : i32 to index
      %swap3A_203 = arith.constant 112 : index
      %swap3A_204 = tpu.vector_load %arg9[%swap3A_202, %swap3A_203] {strides = array<i32>} : memref<2x128xi32, #tpu.memory_space<vmem>>, vector<1x16xi32>,
      %swap3A_205 = vector.shape_cast %swap3A_204 : vector<1x16xi32> to vector<16xi32>
      %swap3A_206 = vector.shape_cast %get3A_200 : vector<16xi32> to vector<1x16xi32>
      tpu.vector_store %arg9[%swap3A_202, %swap3A_203], %swap3A_206 {strides = array<i32>} : memref<2x128xi32, #tpu.memory_space<vmem>>, vector<1x16xi32>,
      %get3A_207 = arith.constant 112 : index
      %get3A_208 = tpu.vector_load %arg7[%get3A_207] {strides = array<i32>} : memref<20000xi32, #tpu.memory_space<vmem>>, vector<16xi32>,
      %get3A_209 = vector.shape_cast %get3A_208 : vector<16xi32> to vector<16xi32>
      %mul3A_210 = arith.constant 2 : i32
      %mul3A_211 = vector.broadcast %mul3A_210 : i32 to vector<16xi32>
      %mul3A_212 = arith.muli %get3A_209, %mul3A_211 : vector<16xi32>
      %swap3A_213 = arith.constant 0 : i32
      %swap3A_214 = arith.index_cast %swap3A_213 : i32 to index
      %swap3A_215 = arith.constant 112 : index
      %swap3A_216 = tpu.vector_load %arg10[%swap3A_214, %swap3A_215] {strides = array<i32>} : memref<2x128xi32, #tpu.memory_space<vmem>>, vector<1x16xi32>,
      %swap3A_217 = vector.shape_cast %swap3A_216 : vector<1x16xi32> to vector<16xi32>
      %swap3A_218 = vector.shape_cast %mul3A_212 : vector<16xi32> to vector<1x16xi32>
      tpu.vector_store %arg10[%swap3A_214, %swap3A_215], %swap3A_218 {strides = array<i32>} : memref<2x128xi32, #tpu.memory_space<vmem>>, vector<1x16xi32>,
      %dma_start3A = arith.constant 0 : i32
      %dma_start3A_219 = arith.constant 0 : i32
      %dma_start3A_220 = arith.constant 0 : i32
      %dma_start3A_221 = arith.constant 0 : i32
      %dma_start3A_222 = arith.constant 0 : i32
      %dma_start3A_223 = tpu.memref_slice %arg11[%dma_start3A_219, %dma_start3A_221, %dma_start3A_222] : memref<2x128x64xf32, #tpu.memory_space<vmem>> -> memref<1x128x64xf32, #tpu.memory_space<vmem>>
      %dma_start3A_224 = tpu.memref_squeeze %dma_start3A_223 : memref<1x128x64xf32, #tpu.memory_space<vmem>> -> memref<128x64xf32, #tpu.memory_space<vmem>>
      %dma_start3A_225 = arith.constant 0 : i32
      %dma_start3A_226 = tpu.memref_slice %arg10[%dma_start3A, %dma_start3A_225] : memref<2x128xi32, #tpu.memory_space<vmem>> -> memref<1x128xi32, #tpu.memory_space<vmem>>
      %dma_start3A_227 = tpu.memref_squeeze %dma_start3A_226 : memref<1x128xi32, #tpu.memory_space<vmem>> -> memref<128xi32, #tpu.memory_space<vmem>>
      %dma_start3A_228 = arith.constant 0 : i32
      %dma_start3A_229 = arith.constant 0 : i32
      %dma_start3A_230 = tpu.memref_slice %arg2[%dma_start3A_228, %dma_start3A_229] : memref<20000x64xf32, #tpu.memory_space<hbm>> -> memref<20000x64xf32, #tpu.memory_space<hbm>>
      %dma_start3A_231 = tpu.memref_slice %arg15[%dma_start3A_220] : memref<2x!tpu.dma_semaphore, #tpu.memory_space<semaphore_mem>> -> memref<1x!tpu.dma_semaphore, #tpu.memory_space<semaphore_mem>>
      %dma_start3A_232 = tpu.memref_squeeze %dma_start3A_231 : memref<1x!tpu.dma_semaphore, #tpu.memory_space<semaphore_mem>> -> memref<!tpu.dma_semaphore, #tpu.memory_space<semaphore_mem>>
      tpu.enqueue_indirect_dma source(%dma_start3A_230 : memref<20000x64xf32, #tpu.memory_space<hbm>>) target(%dma_start3A_224 : memref<128x64xf32, #tpu.memory_space<vmem>>) offsets(%dma_start3A_227 : memref<128xi32, #tpu.memory_space<vmem>>) semaphore(%dma_start3A_232 : memref<!tpu.dma_semaphore, #tpu.memory_space<semaphore_mem>>)
      %scan3A_233 = arith.constant 0 : i32
      %scan3A_234 = arith.constant 1 : i32
      %scan3A_235 = arith.constant 155 : i32
      %scan3A_236 = arith.addi %scan3A_234, %scan3A_235 : i32
      %scan3A_237 = arith.constant 1 : i32
      scf.for %scan3A_312 = %scan3A_234 to %scan3A_236 step %scan3A_237  : i32 {
        %rem3A = arith.constant 2 : i32
        %rem3A_313 = arith.remsi %scan3A_312, %rem3A : i32
        %mul3A_314 = arith.constant 128 : i32
        %mul3A_315 = arith.muli %scan3A_312, %mul3A_314 : i32
        %add3A_316 = arith.constant 0 : i32
        %add3A_317 = arith.addi %mul3A_315, %add3A_316 : i32
        %get3A_318 = arith.index_cast %add3A_317 : i32 to index
        %get3A_319 = tpu.vector_load %arg8[%get3A_318] {strides = array<i32>} : memref<20000xi32, #tpu.memory_space<vmem>>, vector<16xi32>,
        %get3A_320 = vector.shape_cast %get3A_319 : vector<16xi32> to vector<16xi32>
        %swap3A_321 = arith.index_cast %rem3A_313 : i32 to index
        %swap3A_322 = arith.constant 0 : index
        %swap3A_323 = tpu.vector_load %arg9[%swap3A_321, %swap3A_322] {strides = array<i32>} : memref<2x128xi32, #tpu.memory_space<vmem>>, vector<1x16xi32>,
        %swap3A_324 = vector.shape_cast %swap3A_323 : vector<1x16xi32> to vector<16xi32>
        %swap3A_325 = vector.shape_cast %get3A_320 : vector<16xi32> to vector<1x16xi32>
        tpu.vector_store %arg9[%swap3A_321, %swap3A_322], %swap3A_325 {strides = array<i32>} : memref<2x128xi32, #tpu.memory_space<vmem>>, vector<1x16xi32>,
        %mul3A_326 = arith.constant 128 : i32
        %mul3A_327 = arith.muli %scan3A_312, %mul3A_326 : i32
        %add3A_328 = arith.constant 0 : i32
        %add3A_329 = arith.addi %mul3A_327, %add3A_328 : i32
        %get3A_330 = arith.index_cast %add3A_329 : i32 to index
        %get3A_331 = tpu.vector_load %arg7[%get3A_330] {strides = array<i32>} : memref<20000xi32, #tpu.memory_space<vmem>>, vector<16xi32>,
        %get3A_332 = vector.shape_cast %get3A_331 : vector<16xi32> to vector<16xi32>
        %mul3A_333 = arith.constant 2 : i32
        %mul3A_334 = vector.broadcast %mul3A_333 : i32 to vector<16xi32>
        %mul3A_335 = arith.muli %get3A_332, %mul3A_334 : vector<16xi32>
        %swap3A_336 = arith.index_cast %rem3A_313 : i32 to index
        %swap3A_337 = arith.constant 0 : index
        %swap3A_338 = tpu.vector_load %arg10[%swap3A_336, %swap3A_337] {strides = array<i32>} : memref<2x128xi32, #tpu.memory_space<vmem>>, vector<1x16xi32>,
        %swap3A_339 = vector.shape_cast %swap3A_338 : vector<1x16xi32> to vector<16xi32>
        %swap3A_340 = vector.shape_cast %mul3A_335 : vector<16xi32> to vector<1x16xi32>
        tpu.vector_store %arg10[%swap3A_336, %swap3A_337], %swap3A_340 {strides = array<i32>} : memref<2x128xi32, #tpu.memory_space<vmem>>, vector<1x16xi32>,
        %mul3A_341 = arith.constant 128 : i32
        %mul3A_342 = arith.muli %scan3A_312, %mul3A_341 : i32
        %add3A_343 = arith.constant 16 : i32
        %add3A_344 = arith.addi %mul3A_342, %add3A_343 : i32
        %get3A_345 = arith.index_cast %add3A_344 : i32 to index
        %get3A_346 = tpu.vector_load %arg8[%get3A_345] {strides = array<i32>} : memref<20000xi32, #tpu.memory_space<vmem>>, vector<16xi32>,
        %get3A_347 = vector.shape_cast %get3A_346 : vector<16xi32> to vector<16xi32>
        %swap3A_348 = arith.index_cast %rem3A_313 : i32 to index
        %swap3A_349 = arith.constant 16 : index
        %swap3A_350 = tpu.vector_load %arg9[%swap3A_348, %swap3A_349] {strides = array<i32>} : memref<2x128xi32, #tpu.memory_space<vmem>>, vector<1x16xi32>,
        %swap3A_351 = vector.shape_cast %swap3A_350 : vector<1x16xi32> to vector<16xi32>
        %swap3A_352 = vector.shape_cast %get3A_347 : vector<16xi32> to vector<1x16xi32>
        tpu.vector_store %arg9[%swap3A_348, %swap3A_349], %swap3A_352 {strides = array<i32>} : memref<2x128xi32, #tpu.memory_space<vmem>>, vector<1x16xi32>,
        %mul3A_353 = arith.constant 128 : i32
        %mul3A_354 = arith.muli %scan3A_312, %mul3A_353 : i32
        %add3A_355 = arith.constant 16 : i32
        %add3A_356 = arith.addi %mul3A_354, %add3A_355 : i32
        %get3A_357 = arith.index_cast %add3A_356 : i32 to index
        %get3A_358 = tpu.vector_load %arg7[%get3A_357] {strides = array<i32>} : memref<20000xi32, #tpu.memory_space<vmem>>, vector<16xi32>,
        %get3A_359 = vector.shape_cast %get3A_358 : vector<16xi32> to vector<16xi32>
        %mul3A_360 = arith.constant 2 : i32
        %mul3A_361 = vector.broadcast %mul3A_360 : i32 to vector<16xi32>
        %mul3A_362 = arith.muli %get3A_359, %mul3A_361 : vector<16xi32>
        %swap3A_363 = arith.index_cast %rem3A_313 : i32 to index
        %swap3A_364 = arith.constant 16 : index
        %swap3A_365 = tpu.vector_load %arg10[%swap3A_363, %swap3A_364] {strides = array<i32>} : memref<2x128xi32, #tpu.memory_space<vmem>>, vector<1x16xi32>,
        %swap3A_366 = vector.shape_cast %swap3A_365 : vector<1x16xi32> to vector<16xi32>
        %swap3A_367 = vector.shape_cast %mul3A_362 : vector<16xi32> to vector<1x16xi32>
        tpu.vector_store %arg10[%swap3A_363, %swap3A_364], %swap3A_367 {strides = array<i32>} : memref<2x128xi32, #tpu.memory_space<vmem>>, vector<1x16xi32>,
        %mul3A_368 = arith.constant 128 : i32
        %mul3A_369 = arith.muli %scan3A_312, %mul3A_368 : i32
        %add3A_370 = arith.constant 32 : i32
        %add3A_371 = arith.addi %mul3A_369, %add3A_370 : i32
        %get3A_372 = arith.index_cast %add3A_371 : i32 to index
        %get3A_373 = tpu.vector_load %arg8[%get3A_372] {strides = array<i32>} : memref<20000xi32, #tpu.memory_space<vmem>>, vector<16xi32>,
        %get3A_374 = vector.shape_cast %get3A_373 : vector<16xi32> to vector<16xi32>
        %swap3A_375 = arith.index_cast %rem3A_313 : i32 to index
        %swap3A_376 = arith.constant 32 : index
        %swap3A_377 = tpu.vector_load %arg9[%swap3A_375, %swap3A_376] {strides = array<i32>} : memref<2x128xi32, #tpu.memory_space<vmem>>, vector<1x16xi32>,
        %swap3A_378 = vector.shape_cast %swap3A_377 : vector<1x16xi32> to vector<16xi32>
        %swap3A_379 = vector.shape_cast %get3A_374 : vector<16xi32> to vector<1x16xi32>
        tpu.vector_store %arg9[%swap3A_375, %swap3A_376], %swap3A_379 {strides = array<i32>} : memref<2x128xi32, #tpu.memory_space<vmem>>, vector<1x16xi32>,
        %mul3A_380 = arith.constant 128 : i32
        %mul3A_381 = arith.muli %scan3A_312, %mul3A_380 : i32
        %add3A_382 = arith.constant 32 : i32
        %add3A_383 = arith.addi %mul3A_381, %add3A_382 : i32
        %get3A_384 = arith.index_cast %add3A_383 : i32 to index
        %get3A_385 = tpu.vector_load %arg7[%get3A_384] {strides = array<i32>} : memref<20000xi32, #tpu.memory_space<vmem>>, vector<16xi32>,
        %get3A_386 = vector.shape_cast %get3A_385 : vector<16xi32> to vector<16xi32>
        %mul3A_387 = arith.constant 2 : i32
        %mul3A_388 = vector.broadcast %mul3A_387 : i32 to vector<16xi32>
        %mul3A_389 = arith.muli %get3A_386, %mul3A_388 : vector<16xi32>
        %swap3A_390 = arith.index_cast %rem3A_313 : i32 to index
        %swap3A_391 = arith.constant 32 : index
        %swap3A_392 = tpu.vector_load %arg10[%swap3A_390, %swap3A_391] {strides = array<i32>} : memref<2x128xi32, #tpu.memory_space<vmem>>, vector<1x16xi32>,
        %swap3A_393 = vector.shape_cast %swap3A_392 : vector<1x16xi32> to vector<16xi32>
        %swap3A_394 = vector.shape_cast %mul3A_389 : vector<16xi32> to vector<1x16xi32>
        tpu.vector_store %arg10[%swap3A_390, %swap3A_391], %swap3A_394 {strides = array<i32>} : memref<2x128xi32, #tpu.memory_space<vmem>>, vector<1x16xi32>,
        %mul3A_395 = arith.constant 128 : i32
        %mul3A_396 = arith.muli %scan3A_312, %mul3A_395 : i32
        %add3A_397 = arith.constant 48 : i32
        %add3A_398 = arith.addi %mul3A_396, %add3A_397 : i32
        %get3A_399 = arith.index_cast %add3A_398 : i32 to index
        %get3A_400 = tpu.vector_load %arg8[%get3A_399] {strides = array<i32>} : memref<20000xi32, #tpu.memory_space<vmem>>, vector<16xi32>,
        %get3A_401 = vector.shape_cast %get3A_400 : vector<16xi32> to vector<16xi32>
        %swap3A_402 = arith.index_cast %rem3A_313 : i32 to index
        %swap3A_403 = arith.constant 48 : index
        %swap3A_404 = tpu.vector_load %arg9[%swap3A_402, %swap3A_403] {strides = array<i32>} : memref<2x128xi32, #tpu.memory_space<vmem>>, vector<1x16xi32>,
        %swap3A_405 = vector.shape_cast %swap3A_404 : vector<1x16xi32> to vector<16xi32>
        %swap3A_406 = vector.shape_cast %get3A_401 : vector<16xi32> to vector<1x16xi32>
        tpu.vector_store %arg9[%swap3A_402, %swap3A_403], %swap3A_406 {strides = array<i32>} : memref<2x128xi32, #tpu.memory_space<vmem>>, vector<1x16xi32>,
        %mul3A_407 = arith.constant 128 : i32
        %mul3A_408 = arith.muli %scan3A_312, %mul3A_407 : i32
        %add3A_409 = arith.constant 48 : i32
        %add3A_410 = arith.addi %mul3A_408, %add3A_409 : i32
        %get3A_411 = arith.index_cast %add3A_410 : i32 to index
        %get3A_412 = tpu.vector_load %arg7[%get3A_411] {strides = array<i32>} : memref<20000xi32, #tpu.memory_space<vmem>>, vector<16xi32>,
        %get3A_413 = vector.shape_cast %get3A_412 : vector<16xi32> to vector<16xi32>
        %mul3A_414 = arith.constant 2 : i32
        %mul3A_415 = vector.broadcast %mul3A_414 : i32 to vector<16xi32>
        %mul3A_416 = arith.muli %get3A_413, %mul3A_415 : vector<16xi32>
        %swap3A_417 = arith.index_cast %rem3A_313 : i32 to index
        %swap3A_418 = arith.constant 48 : index
        %swap3A_419 = tpu.vector_load %arg10[%swap3A_417, %swap3A_418] {strides = array<i32>} : memref<2x128xi32, #tpu.memory_space<vmem>>, vector<1x16xi32>,
        %swap3A_420 = vector.shape_cast %swap3A_419 : vector<1x16xi32> to vector<16xi32>
        %swap3A_421 = vector.shape_cast %mul3A_416 : vector<16xi32> to vector<1x16xi32>
        tpu.vector_store %arg10[%swap3A_417, %swap3A_418], %swap3A_421 {strides = array<i32>} : memref<2x128xi32, #tpu.memory_space<vmem>>, vector<1x16xi32>,
        %mul3A_422 = arith.constant 128 : i32
        %mul3A_423 = arith.muli %scan3A_312, %mul3A_422 : i32
        %add3A_424 = arith.constant 64 : i32
        %add3A_425 = arith.addi %mul3A_423, %add3A_424 : i32
        %get3A_426 = arith.index_cast %add3A_425 : i32 to index
        %get3A_427 = tpu.vector_load %arg8[%get3A_426] {strides = array<i32>} : memref<20000xi32, #tpu.memory_space<vmem>>, vector<16xi32>,
        %get3A_428 = vector.shape_cast %get3A_427 : vector<16xi32> to vector<16xi32>
        %swap3A_429 = arith.index_cast %rem3A_313 : i32 to index
        %swap3A_430 = arith.constant 64 : index
        %swap3A_431 = tpu.vector_load %arg9[%swap3A_429, %swap3A_430] {strides = array<i32>} : memref<2x128xi32, #tpu.memory_space<vmem>>, vector<1x16xi32>,
        %swap3A_432 = vector.shape_cast %swap3A_431 : vector<1x16xi32> to vector<16xi32>
        %swap3A_433 = vector.shape_cast %get3A_428 : vector<16xi32> to vector<1x16xi32>
        tpu.vector_store %arg9[%swap3A_429, %swap3A_430], %swap3A_433 {strides = array<i32>} : memref<2x128xi32, #tpu.memory_space<vmem>>, vector<1x16xi32>,
        %mul3A_434 = arith.constant 128 : i32
        %mul3A_435 = arith.muli %scan3A_312, %mul3A_434 : i32
        %add3A_436 = arith.constant 64 : i32
        %add3A_437 = arith.addi %mul3A_435, %add3A_436 : i32
        %get3A_438 = arith.index_cast %add3A_437 : i32 to index
        %get3A_439 = tpu.vector_load %arg7[%get3A_438] {strides = array<i32>} : memref<20000xi32, #tpu.memory_space<vmem>>, vector<16xi32>,
        %get3A_440 = vector.shape_cast %get3A_439 : vector<16xi32> to vector<16xi32>
        %mul3A_441 = arith.constant 2 : i32
        %mul3A_442 = vector.broadcast %mul3A_441 : i32 to vector<16xi32>
        %mul3A_443 = arith.muli %get3A_440, %mul3A_442 : vector<16xi32>
        %swap3A_444 = arith.index_cast %rem3A_313 : i32 to index
        %swap3A_445 = arith.constant 64 : index
        %swap3A_446 = tpu.vector_load %arg10[%swap3A_444, %swap3A_445] {strides = array<i32>} : memref<2x128xi32, #tpu.memory_space<vmem>>, vector<1x16xi32>,
        %swap3A_447 = vector.shape_cast %swap3A_446 : vector<1x16xi32> to vector<16xi32>
        %swap3A_448 = vector.shape_cast %mul3A_443 : vector<16xi32> to vector<1x16xi32>
        tpu.vector_store %arg10[%swap3A_444, %swap3A_445], %swap3A_448 {strides = array<i32>} : memref<2x128xi32, #tpu.memory_space<vmem>>, vector<1x16xi32>,
        %mul3A_449 = arith.constant 128 : i32
        %mul3A_450 = arith.muli %scan3A_312, %mul3A_449 : i32
        %add3A_451 = arith.constant 80 : i32
        %add3A_452 = arith.addi %mul3A_450, %add3A_451 : i32
        %get3A_453 = arith.index_cast %add3A_452 : i32 to index
        %get3A_454 = tpu.vector_load %arg8[%get3A_453] {strides = array<i32>} : memref<20000xi32, #tpu.memory_space<vmem>>, vector<16xi32>,
        %get3A_455 = vector.shape_cast %get3A_454 : vector<16xi32> to vector<16xi32>
        %swap3A_456 = arith.index_cast %rem3A_313 : i32 to index
        %swap3A_457 = arith.constant 80 : index
        %swap3A_458 = tpu.vector_load %arg9[%swap3A_456, %swap3A_457] {strides = array<i32>} : memref<2x128xi32, #tpu.memory_space<vmem>>, vector<1x16xi32>,
        %swap3A_459 = vector.shape_cast %swap3A_458 : vector<1x16xi32> to vector<16xi32>
        %swap3A_460 = vector.shape_cast %get3A_455 : vector<16xi32> to vector<1x16xi32>
        tpu.vector_store %arg9[%swap3A_456, %swap3A_457], %swap3A_460 {strides = array<i32>} : memref<2x128xi32, #tpu.memory_space<vmem>>, vector<1x16xi32>,
        %mul3A_461 = arith.constant 128 : i32
        %mul3A_462 = arith.muli %scan3A_312, %mul3A_461 : i32
        %add3A_463 = arith.constant 80 : i32
        %add3A_464 = arith.addi %mul3A_462, %add3A_463 : i32
        %get3A_465 = arith.index_cast %add3A_464 : i32 to index
        %get3A_466 = tpu.vector_load %arg7[%get3A_465] {strides = array<i32>} : memref<20000xi32, #tpu.memory_space<vmem>>, vector<16xi32>,
        %get3A_467 = vector.shape_cast %get3A_466 : vector<16xi32> to vector<16xi32>
        %mul3A_468 = arith.constant 2 : i32
        %mul3A_469 = vector.broadcast %mul3A_468 : i32 to vector<16xi32>
        %mul3A_470 = arith.muli %get3A_467, %mul3A_469 : vector<16xi32>
        %swap3A_471 = arith.index_cast %rem3A_313 : i32 to index
        %swap3A_472 = arith.constant 80 : index
        %swap3A_473 = tpu.vector_load %arg10[%swap3A_471, %swap3A_472] {strides = array<i32>} : memref<2x128xi32, #tpu.memory_space<vmem>>, vector<1x16xi32>,
        %swap3A_474 = vector.shape_cast %swap3A_473 : vector<1x16xi32> to vector<16xi32>
        %swap3A_475 = vector.shape_cast %mul3A_470 : vector<16xi32> to vector<1x16xi32>
        tpu.vector_store %arg10[%swap3A_471, %swap3A_472], %swap3A_475 {strides = array<i32>} : memref<2x128xi32, #tpu.memory_space<vmem>>, vector<1x16xi32>,
        %mul3A_476 = arith.constant 128 : i32
        %mul3A_477 = arith.muli %scan3A_312, %mul3A_476 : i32
        %add3A_478 = arith.constant 96 : i32
        %add3A_479 = arith.addi %mul3A_477, %add3A_478 : i32
        %get3A_480 = arith.index_cast %add3A_479 : i32 to index
        %get3A_481 = tpu.vector_load %arg8[%get3A_480] {strides = array<i32>} : memref<20000xi32, #tpu.memory_space<vmem>>, vector<16xi32>,
        %get3A_482 = vector.shape_cast %get3A_481 : vector<16xi32> to vector<16xi32>
        %swap3A_483 = arith.index_cast %rem3A_313 : i32 to index
        %swap3A_484 = arith.constant 96 : index
        %swap3A_485 = tpu.vector_load %arg9[%swap3A_483, %swap3A_484] {strides = array<i32>} : memref<2x128xi32, #tpu.memory_space<vmem>>, vector<1x16xi32>,
        %swap3A_486 = vector.shape_cast %swap3A_485 : vector<1x16xi32> to vector<16xi32>
        %swap3A_487 = vector.shape_cast %get3A_482 : vector<16xi32> to vector<1x16xi32>
        tpu.vector_store %arg9[%swap3A_483, %swap3A_484], %swap3A_487 {strides = array<i32>} : memref<2x128xi32, #tpu.memory_space<vmem>>, vector<1x16xi32>,
        %mul3A_488 = arith.constant 128 : i32
        %mul3A_489 = arith.muli %scan3A_312, %mul3A_488 : i32
        %add3A_490 = arith.constant 96 : i32
        %add3A_491 = arith.addi %mul3A_489, %add3A_490 : i32
        %get3A_492 = arith.index_cast %add3A_491 : i32 to index
        %get3A_493 = tpu.vector_load %arg7[%get3A_492] {strides = array<i32>} : memref<20000xi32, #tpu.memory_space<vmem>>, vector<16xi32>,
        %get3A_494 = vector.shape_cast %get3A_493 : vector<16xi32> to vector<16xi32>
        %mul3A_495 = arith.constant 2 : i32
        %mul3A_496 = vector.broadcast %mul3A_495 : i32 to vector<16xi32>
        %mul3A_497 = arith.muli %get3A_494, %mul3A_496 : vector<16xi32>
        %swap3A_498 = arith.index_cast %rem3A_313 : i32 to index
        %swap3A_499 = arith.constant 96 : index
        %swap3A_500 = tpu.vector_load %arg10[%swap3A_498, %swap3A_499] {strides = array<i32>} : memref<2x128xi32, #tpu.memory_space<vmem>>, vector<1x16xi32>,
        %swap3A_501 = vector.shape_cast %swap3A_500 : vector<1x16xi32> to vector<16xi32>
        %swap3A_502 = vector.shape_cast %mul3A_497 : vector<16xi32> to vector<1x16xi32>
        tpu.vector_store %arg10[%swap3A_498, %swap3A_499], %swap3A_502 {strides = array<i32>} : memref<2x128xi32, #tpu.memory_space<vmem>>, vector<1x16xi32>,
        %mul3A_503 = arith.constant 128 : i32
        %mul3A_504 = arith.muli %scan3A_312, %mul3A_503 : i32
        %add3A_505 = arith.constant 112 : i32
        %add3A_506 = arith.addi %mul3A_504, %add3A_505 : i32
        %get3A_507 = arith.index_cast %add3A_506 : i32 to index
        %get3A_508 = tpu.vector_load %arg8[%get3A_507] {strides = array<i32>} : memref<20000xi32, #tpu.memory_space<vmem>>, vector<16xi32>,
        %get3A_509 = vector.shape_cast %get3A_508 : vector<16xi32> to vector<16xi32>
        %swap3A_510 = arith.index_cast %rem3A_313 : i32 to index
        %swap3A_511 = arith.constant 112 : index
        %swap3A_512 = tpu.vector_load %arg9[%swap3A_510, %swap3A_511] {strides = array<i32>} : memref<2x128xi32, #tpu.memory_space<vmem>>, vector<1x16xi32>,
        %swap3A_513 = vector.shape_cast %swap3A_512 : vector<1x16xi32> to vector<16xi32>
        %swap3A_514 = vector.shape_cast %get3A_509 : vector<16xi32> to vector<1x16xi32>
        tpu.vector_store %arg9[%swap3A_510, %swap3A_511], %swap3A_514 {strides = array<i32>} : memref<2x128xi32, #tpu.memory_space<vmem>>, vector<1x16xi32>,
        %mul3A_515 = arith.constant 128 : i32
        %mul3A_516 = arith.muli %scan3A_312, %mul3A_515 : i32
        %add3A_517 = arith.constant 112 : i32
        %add3A_518 = arith.addi %mul3A_516, %add3A_517 : i32
        %get3A_519 = arith.index_cast %add3A_518 : i32 to index
        %get3A_520 = tpu.vector_load %arg7[%get3A_519] {strides = array<i32>} : memref<20000xi32, #tpu.memory_space<vmem>>, vector<16xi32>,
        %get3A_521 = vector.shape_cast %get3A_520 : vector<16xi32> to vector<16xi32>
        %mul3A_522 = arith.constant 2 : i32
        %mul3A_523 = vector.broadcast %mul3A_522 : i32 to vector<16xi32>
        %mul3A_524 = arith.muli %get3A_521, %mul3A_523 : vector<16xi32>
        %swap3A_525 = arith.index_cast %rem3A_313 : i32 to index
        %swap3A_526 = arith.constant 112 : index
        %swap3A_527 = tpu.vector_load %arg10[%swap3A_525, %swap3A_526] {strides = array<i32>} : memref<2x128xi32, #tpu.memory_space<vmem>>, vector<1x16xi32>,
        %swap3A_528 = vector.shape_cast %swap3A_527 : vector<1x16xi32> to vector<16xi32>
        %swap3A_529 = vector.shape_cast %mul3A_524 : vector<16xi32> to vector<1x16xi32>
        tpu.vector_store %arg10[%swap3A_525, %swap3A_526], %swap3A_529 {strides = array<i32>} : memref<2x128xi32, #tpu.memory_space<vmem>>, vector<1x16xi32>,
        %dma_start3A_530 = arith.constant 0 : i32
        %dma_start3A_531 = arith.constant 0 : i32
        %dma_start3A_532 = tpu.memref_slice %arg11[%rem3A_313, %dma_start3A_530, %dma_start3A_531] : memref<2x128x64xf32, #tpu.memory_space<vmem>> -> memref<1x128x64xf32, #tpu.memory_space<vmem>>
        %dma_start3A_533 = tpu.memref_squeeze %dma_start3A_532 : memref<1x128x64xf32, #tpu.memory_space<vmem>> -> memref<128x64xf32, #tpu.memory_space<vmem>>
        %dma_start3A_534 = arith.constant 0 : i32
        %dma_start3A_535 = tpu.memref_slice %arg10[%rem3A_313, %dma_start3A_534] : memref<2x128xi32, #tpu.memory_space<vmem>> -> memref<1x128xi32, #tpu.memory_space<vmem>>
        %dma_start3A_536 = tpu.memref_squeeze %dma_start3A_535 : memref<1x128xi32, #tpu.memory_space<vmem>> -> memref<128xi32, #tpu.memory_space<vmem>>
        %dma_start3A_537 = arith.constant 0 : i32
        %dma_start3A_538 = arith.constant 0 : i32
        %dma_start3A_539 = tpu.memref_slice %arg2[%dma_start3A_537, %dma_start3A_538] : memref<20000x64xf32, #tpu.memory_space<hbm>> -> memref<20000x64xf32, #tpu.memory_space<hbm>>
        %dma_start3A_540 = tpu.memref_slice %arg15[%rem3A_313] : memref<2x!tpu.dma_semaphore, #tpu.memory_space<semaphore_mem>> -> memref<1x!tpu.dma_semaphore, #tpu.memory_space<semaphore_mem>>
        %dma_start3A_541 = tpu.memref_squeeze %dma_start3A_540 : memref<1x!tpu.dma_semaphore, #tpu.memory_space<semaphore_mem>> -> memref<!tpu.dma_semaphore, #tpu.memory_space<semaphore_mem>>
        tpu.enqueue_indirect_dma source(%dma_start3A_539 : memref<20000x64xf32, #tpu.memory_space<hbm>>) target(%dma_start3A_533 : memref<128x64xf32, #tpu.memory_space<vmem>>) offsets(%dma_start3A_536 : memref<128xi32, #tpu.memory_space<vmem>>) semaphore(%dma_start3A_541 : memref<!tpu.dma_semaphore, #tpu.memory_space<semaphore_mem>>)
        %add3A_542 = arith.constant 1 : i32
        %add3A_543 = arith.addi %scan3A_312, %add3A_542 : i32
        %rem3A_544 = arith.constant 2 : i32
        %rem3A_545 = arith.remsi %add3A_543, %rem3A_544 : i32
        %dma_wait3A_546 = arith.constant 0 : i32
        %dma_wait3A_547 = arith.constant 0 : i32
        %dma_wait3A_548 = tpu.memref_slice %arg11[%rem3A_545, %dma_wait3A_546, %dma_wait3A_547] : memref<2x128x64xf32, #tpu.memory_space<vmem>> -> memref<1x128x64xf32, #tpu.memory_space<vmem>>
        %dma_wait3A_549 = tpu.memref_squeeze %dma_wait3A_548 : memref<1x128x64xf32, #tpu.memory_space<vmem>> -> memref<128x64xf32, #tpu.memory_space<vmem>>
        %dma_wait3A_550 = arith.constant 0 : i32
        %dma_wait3A_551 = tpu.memref_slice %arg10[%rem3A_545, %dma_wait3A_550] : memref<2x128xi32, #tpu.memory_space<vmem>> -> memref<1x128xi32, #tpu.memory_space<vmem>>
        %dma_wait3A_552 = tpu.memref_squeeze %dma_wait3A_551 : memref<1x128xi32, #tpu.memory_space<vmem>> -> memref<128xi32, #tpu.memory_space<vmem>>
        %dma_wait3A_553 = arith.constant 0 : i32
        %dma_wait3A_554 = arith.constant 0 : i32
        %dma_wait3A_555 = tpu.memref_slice %arg2[%dma_wait3A_553, %dma_wait3A_554] : memref<20000x64xf32, #tpu.memory_space<hbm>> -> memref<20000x64xf32, #tpu.memory_space<hbm>>
        %dma_wait3A_556 = tpu.memref_slice %arg15[%rem3A_545] : memref<2x!tpu.dma_semaphore, #tpu.memory_space<semaphore_mem>> -> memref<1x!tpu.dma_semaphore, #tpu.memory_space<semaphore_mem>>
        %dma_wait3A_557 = tpu.memref_squeeze %dma_wait3A_556 : memref<1x!tpu.dma_semaphore, #tpu.memory_space<semaphore_mem>> -> memref<!tpu.dma_semaphore, #tpu.memory_space<semaphore_mem>>
        tpu.wait_indirect_dma semaphore(%dma_wait3A_557 : memref<!tpu.dma_semaphore, #tpu.memory_space<semaphore_mem>>) src(%dma_wait3A_555 : memref<20000x64xf32, #tpu.memory_space<hbm>>) dst(%dma_wait3A_549 : memref<128x64xf32, #tpu.memory_space<vmem>>)
        "tpu.region"() ({
          %run_scoped3A_558 = tpu.sem_alloc : memref<!tpu.dma_semaphore, #tpu.memory_space<semaphore_mem>>
          %dma_start3A_559 = arith.constant 0 : i32
          %dma_start3A_560 = arith.constant 0 : i32
          %dma_start3A_561 = tpu.memref_slice %arg11[%rem3A_545, %dma_start3A_559, %dma_start3A_560] : memref<2x128x64xf32, #tpu.memory_space<vmem>> -> memref<1x128x64xf32, #tpu.memory_space<vmem>>
          %dma_start3A_562 = tpu.memref_squeeze %dma_start3A_561 : memref<1x128x64xf32, #tpu.memory_space<vmem>> -> memref<128x64xf32, #tpu.memory_space<vmem>>
          %dma_start3A_563 = arith.constant 0 : i32
          %dma_start3A_564 = tpu.memref_slice %arg9[%rem3A_545, %dma_start3A_563] : memref<2x128xi32, #tpu.memory_space<vmem>> -> memref<1x128xi32, #tpu.memory_space<vmem>>
          %dma_start3A_565 = tpu.memref_squeeze %dma_start3A_564 : memref<1x128xi32, #tpu.memory_space<vmem>> -> memref<128xi32, #tpu.memory_space<vmem>>
          %dma_start3A_566 = arith.constant 0 : i32
          %dma_start3A_567 = arith.constant 0 : i32
          %dma_start3A_568 = tpu.memref_slice %arg16[%dma_start3A_566, %dma_start3A_567] : memref<10000x64xf32, #tpu.memory_space<vmem_shared>> -> memref<10000x64xf32, #tpu.memory_space<vmem_shared>>
          tpu.enqueue_indirect_dma source(%dma_start3A_562 : memref<128x64xf32, #tpu.memory_space<vmem>>) target(%dma_start3A_568 : memref<10000x64xf32, #tpu.memory_space<vmem_shared>>) offsets(%dma_start3A_565 : memref<128xi32, #tpu.memory_space<vmem>>) semaphore(%run_scoped3A_558 : memref<!tpu.dma_semaphore, #tpu.memory_space<semaphore_mem>>) {add = true}
          %dma_wait3A_569 = arith.constant 0 : i32
          %dma_wait3A_570 = arith.constant 0 : i32
          %dma_wait3A_571 = tpu.memref_slice %arg11[%rem3A_545, %dma_wait3A_569, %dma_wait3A_570] : memref<2x128x64xf32, #tpu.memory_space<vmem>> -> memref<1x128x64xf32, #tpu.memory_space<vmem>>
          %dma_wait3A_572 = tpu.memref_squeeze %dma_wait3A_571 : memref<1x128x64xf32, #tpu.memory_space<vmem>> -> memref<128x64xf32, #tpu.memory_space<vmem>>
          %dma_wait3A_573 = arith.constant 0 : i32
          %dma_wait3A_574 = tpu.memref_slice %arg9[%rem3A_545, %dma_wait3A_573] : memref<2x128xi32, #tpu.memory_space<vmem>> -> memref<1x128xi32, #tpu.memory_space<vmem>>
          %dma_wait3A_575 = tpu.memref_squeeze %dma_wait3A_574 : memref<1x128xi32, #tpu.memory_space<vmem>> -> memref<128xi32, #tpu.memory_space<vmem>>
          %dma_wait3A_576 = arith.constant 0 : i32
          %dma_wait3A_577 = arith.constant 0 : i32
          %dma_wait3A_578 = tpu.memref_slice %arg16[%dma_wait3A_576, %dma_wait3A_577] : memref<10000x64xf32, #tpu.memory_space<vmem_shared>> -> memref<10000x64xf32, #tpu.memory_space<vmem_shared>>
          tpu.wait_indirect_dma semaphore(%run_scoped3A_558 : memref<!tpu.dma_semaphore, #tpu.memory_space<semaphore_mem>>) src(%dma_wait3A_572 : memref<128x64xf32, #tpu.memory_space<vmem>>) dst(%dma_wait3A_578 : memref<10000x64xf32, #tpu.memory_space<vmem_shared>>)
          tpu.yield
        }) : () -> ()
      }
      %scan3A_238 = arith.constant 155 : i32
      %dma_wait3A = arith.constant 1 : i32
      %dma_wait3A_239 = arith.constant 1 : i32
      %dma_wait3A_240 = arith.constant 1 : i32
      %dma_wait3A_241 = arith.constant 0 : i32
      %dma_wait3A_242 = arith.constant 0 : i32
      %dma_wait3A_243 = tpu.memref_slice %arg11[%dma_wait3A_239, %dma_wait3A_241, %dma_wait3A_242] : memref<2x128x64xf32, #tpu.memory_space<vmem>> -> memref<1x128x64xf32, #tpu.memory_space<vmem>>
      %dma_wait3A_244 = tpu.memref_squeeze %dma_wait3A_243 : memref<1x128x64xf32, #tpu.memory_space<vmem>> -> memref<128x64xf32, #tpu.memory_space<vmem>>
      %dma_wait3A_245 = arith.constant 0 : i32
      %dma_wait3A_246 = tpu.memref_slice %arg10[%dma_wait3A, %dma_wait3A_245] : memref<2x128xi32, #tpu.memory_space<vmem>> -> memref<1x128xi32, #tpu.memory_space<vmem>>
      %dma_wait3A_247 = tpu.memref_squeeze %dma_wait3A_246 : memref<1x128xi32, #tpu.memory_space<vmem>> -> memref<128xi32, #tpu.memory_space<vmem>>
      %dma_wait3A_248 = arith.constant 0 : i32
      %dma_wait3A_249 = arith.constant 0 : i32
      %dma_wait3A_250 = tpu.memref_slice %arg2[%dma_wait3A_248, %dma_wait3A_249] : memref<20000x64xf32, #tpu.memory_space<hbm>> -> memref<20000x64xf32, #tpu.memory_space<hbm>>
      %dma_wait3A_251 = tpu.memref_slice %arg15[%dma_wait3A_240] : memref<2x!tpu.dma_semaphore, #tpu.memory_space<semaphore_mem>> -> memref<1x!tpu.dma_semaphore, #tpu.memory_space<semaphore_mem>>
      %dma_wait3A_252 = tpu.memref_squeeze %dma_wait3A_251 : memref<1x!tpu.dma_semaphore, #tpu.memory_space<semaphore_mem>> -> memref<!tpu.dma_semaphore, #tpu.memory_space<semaphore_mem>>
      tpu.wait_indirect_dma semaphore(%dma_wait3A_252 : memref<!tpu.dma_semaphore, #tpu.memory_space<semaphore_mem>>) src(%dma_wait3A_250 : memref<20000x64xf32, #tpu.memory_space<hbm>>) dst(%dma_wait3A_244 : memref<128x64xf32, #tpu.memory_space<vmem>>)
      %run_scoped3A = arith.constant 1 : i32
      %run_scoped3A_253 = arith.constant 1 : i32
      "tpu.region"() ({
        %run_scoped3A_312 = tpu.sem_alloc : memref<!tpu.dma_semaphore, #tpu.memory_space<semaphore_mem>>
        %dma_start3A_313 = arith.constant 0 : i32
        %dma_start3A_314 = arith.constant 0 : i32
        %dma_start3A_315 = tpu.memref_slice %arg11[%run_scoped3A, %dma_start3A_313, %dma_start3A_314] : memref<2x128x64xf32, #tpu.memory_space<vmem>> -> memref<1x128x64xf32, #tpu.memory_space<vmem>>
        %dma_start3A_316 = tpu.memref_squeeze %dma_start3A_315 : memref<1x128x64xf32, #tpu.memory_space<vmem>> -> memref<128x64xf32, #tpu.memory_space<vmem>>
        %dma_start3A_317 = arith.constant 0 : i32
        %dma_start3A_318 = tpu.memref_slice %arg9[%run_scoped3A_253, %dma_start3A_317] : memref<2x128xi32, #tpu.memory_space<vmem>> -> memref<1x128xi32, #tpu.memory_space<vmem>>
        %dma_start3A_319 = tpu.memref_squeeze %dma_start3A_318 : memref<1x128xi32, #tpu.memory_space<vmem>> -> memref<128xi32, #tpu.memory_space<vmem>>
        %dma_start3A_320 = arith.constant 0 : i32
        %dma_start3A_321 = arith.constant 0 : i32
        %dma_start3A_322 = tpu.memref_slice %arg16[%dma_start3A_320, %dma_start3A_321] : memref<10000x64xf32, #tpu.memory_space<vmem_shared>> -> memref<10000x64xf32, #tpu.memory_space<vmem_shared>>
        tpu.enqueue_indirect_dma source(%dma_start3A_316 : memref<128x64xf32, #tpu.memory_space<vmem>>) target(%dma_start3A_322 : memref<10000x64xf32, #tpu.memory_space<vmem_shared>>) offsets(%dma_start3A_319 : memref<128xi32, #tpu.memory_space<vmem>>) semaphore(%run_scoped3A_312 : memref<!tpu.dma_semaphore, #tpu.memory_space<semaphore_mem>>) {add = true}
        %dma_wait3A_323 = arith.constant 0 : i32
        %dma_wait3A_324 = arith.constant 0 : i32
        %dma_wait3A_325 = tpu.memref_slice %arg11[%run_scoped3A, %dma_wait3A_323, %dma_wait3A_324] : memref<2x128x64xf32, #tpu.memory_space<vmem>> -> memref<1x128x64xf32, #tpu.memory_space<vmem>>
        %dma_wait3A_326 = tpu.memref_squeeze %dma_wait3A_325 : memref<1x128x64xf32, #tpu.memory_space<vmem>> -> memref<128x64xf32, #tpu.memory_space<vmem>>
        %dma_wait3A_327 = arith.constant 0 : i32
        %dma_wait3A_328 = tpu.memref_slice %arg9[%run_scoped3A_253, %dma_wait3A_327] : memref<2x128xi32, #tpu.memory_space<vmem>> -> memref<1x128xi32, #tpu.memory_space<vmem>>
        %dma_wait3A_329 = tpu.memref_squeeze %dma_wait3A_328 : memref<1x128xi32, #tpu.memory_space<vmem>> -> memref<128xi32, #tpu.memory_space<vmem>>
        %dma_wait3A_330 = arith.constant 0 : i32
        %dma_wait3A_331 = arith.constant 0 : i32
        %dma_wait3A_332 = tpu.memref_slice %arg16[%dma_wait3A_330, %dma_wait3A_331] : memref<10000x64xf32, #tpu.memory_space<vmem_shared>> -> memref<10000x64xf32, #tpu.memory_space<vmem_shared>>
        tpu.wait_indirect_dma semaphore(%run_scoped3A_312 : memref<!tpu.dma_semaphore, #tpu.memory_space<semaphore_mem>>) src(%dma_wait3A_326 : memref<128x64xf32, #tpu.memory_space<vmem>>) dst(%dma_wait3A_332 : memref<10000x64xf32, #tpu.memory_space<vmem_shared>>)
        tpu.yield
      }) : () -> ()
      %get3A_254 = arith.constant 19968 : index
      %get3A_255 = tpu.vector_load %arg8[%get3A_254] {strides = array<i32>} : memref<20000xi32, #tpu.memory_space<vmem>>, vector<16xi32>,
      %get3A_256 = vector.shape_cast %get3A_255 : vector<16xi32> to vector<16xi32>
      %swap3A_257 = arith.constant 0 : index
      %swap3A_258 = tpu.vector_load %arg12[%swap3A_257] {strides = array<i32>} : memref<32xi32, #tpu.memory_space<vmem>>, vector<16xi32>,
      %swap3A_259 = vector.shape_cast %swap3A_258 : vector<16xi32> to vector<16xi32>
      %swap3A_260 = vector.shape_cast %get3A_256 : vector<16xi32> to vector<16xi32>
      tpu.vector_store %arg12[%swap3A_257], %swap3A_260 {strides = array<i32>} : memref<32xi32, #tpu.memory_space<vmem>>, vector<16xi32>,
      %get3A_261 = arith.constant 19968 : index
      %get3A_262 = tpu.vector_load %arg7[%get3A_261] {strides = array<i32>} : memref<20000xi32, #tpu.memory_space<vmem>>, vector<16xi32>,
      %get3A_263 = vector.shape_cast %get3A_262 : vector<16xi32> to vector<16xi32>
      %mul3A_264 = arith.constant 2 : i32
      %mul3A_265 = vector.broadcast %mul3A_264 : i32 to vector<16xi32>
      %mul3A_266 = arith.muli %get3A_263, %mul3A_265 : vector<16xi32>
      %swap3A_267 = arith.constant 0 : i32
      %swap3A_268 = arith.index_cast %swap3A_267 : i32 to index
      %swap3A_269 = arith.constant 0 : index
      %swap3A_270 = tpu.vector_load %arg10[%swap3A_268, %swap3A_269] {strides = array<i32>} : memref<2x128xi32, #tpu.memory_space<vmem>>, vector<1x16xi32>,
      %swap3A_271 = vector.shape_cast %swap3A_270 : vector<1x16xi32> to vector<16xi32>
      %swap3A_272 = vector.shape_cast %mul3A_266 : vector<16xi32> to vector<1x16xi32>
      tpu.vector_store %arg10[%swap3A_268, %swap3A_269], %swap3A_272 {strides = array<i32>} : memref<2x128xi32, #tpu.memory_space<vmem>>, vector<1x16xi32>,
      %get3A_273 = arith.constant 19984 : index
      %get3A_274 = tpu.vector_load %arg8[%get3A_273] {strides = array<i32>} : memref<20000xi32, #tpu.memory_space<vmem>>, vector<16xi32>,
      %get3A_275 = vector.shape_cast %get3A_274 : vector<16xi32> to vector<16xi32>
      %swap3A_276 = arith.constant 16 : index
      %swap3A_277 = tpu.vector_load %arg12[%swap3A_276] {strides = array<i32>} : memref<32xi32, #tpu.memory_space<vmem>>, vector<16xi32>,
      %swap3A_278 = vector.shape_cast %swap3A_277 : vector<16xi32> to vector<16xi32>
      %swap3A_279 = vector.shape_cast %get3A_275 : vector<16xi32> to vector<16xi32>
      tpu.vector_store %arg12[%swap3A_276], %swap3A_279 {strides = array<i32>} : memref<32xi32, #tpu.memory_space<vmem>>, vector<16xi32>,
      %get3A_280 = arith.constant 19984 : index
      %get3A_281 = tpu.vector_load %arg7[%get3A_280] {strides = array<i32>} : memref<20000xi32, #tpu.memory_space<vmem>>, vector<16xi32>,
      %get3A_282 = vector.shape_cast %get3A_281 : vector<16xi32> to vector<16xi32>
      %mul3A_283 = arith.constant 2 : i32
      %mul3A_284 = vector.broadcast %mul3A_283 : i32 to vector<16xi32>
      %mul3A_285 = arith.muli %get3A_282, %mul3A_284 : vector<16xi32>
      %swap3A_286 = arith.constant 0 : i32
      %swap3A_287 = arith.index_cast %swap3A_286 : i32 to index
      %swap3A_288 = arith.constant 16 : index
      %swap3A_289 = tpu.vector_load %arg10[%swap3A_287, %swap3A_288] {strides = array<i32>} : memref<2x128xi32, #tpu.memory_space<vmem>>, vector<1x16xi32>,
      %swap3A_290 = vector.shape_cast %swap3A_289 : vector<1x16xi32> to vector<16xi32>
      %swap3A_291 = vector.shape_cast %mul3A_285 : vector<16xi32> to vector<1x16xi32>
      tpu.vector_store %arg10[%swap3A_287, %swap3A_288], %swap3A_291 {strides = array<i32>} : memref<2x128xi32, #tpu.memory_space<vmem>>, vector<1x16xi32>,
      %dma_start3A_292 = arith.constant 0 : i32
      %dma_start3A_293 = arith.constant 0 : i32
      %dma_start3A_294 = arith.constant 0 : i32
      %dma_start3A_295 = tpu.memref_slice %arg10[%dma_start3A_292, %dma_start3A_294] : memref<2x128xi32, #tpu.memory_space<vmem>> -> memref<1x32xi32, #tpu.memory_space<vmem>>
      %dma_start3A_296 = tpu.memref_squeeze %dma_start3A_295 : memref<1x32xi32, #tpu.memory_space<vmem>> -> memref<32xi32, #tpu.memory_space<vmem>>
      %dma_start3A_297 = arith.constant 0 : i32
      %dma_start3A_298 = arith.constant 0 : i32
      %dma_start3A_299 = tpu.memref_slice %arg2[%dma_start3A_297, %dma_start3A_298] : memref<20000x64xf32, #tpu.memory_space<hbm>> -> memref<20000x64xf32, #tpu.memory_space<hbm>>
      %dma_start3A_300 = tpu.memref_slice %arg15[%dma_start3A_293] : memref<2x!tpu.dma_semaphore, #tpu.memory_space<semaphore_mem>> -> memref<1x!tpu.dma_semaphore, #tpu.memory_space<semaphore_mem>>
      %dma_start3A_301 = tpu.memref_squeeze %dma_start3A_300 : memref<1x!tpu.dma_semaphore, #tpu.memory_space<semaphore_mem>> -> memref<!tpu.dma_semaphore, #tpu.memory_space<semaphore_mem>>
      tpu.enqueue_indirect_dma source(%dma_start3A_299 : memref<20000x64xf32, #tpu.memory_space<hbm>>) target(%arg13 : memref<32x64xf32, #tpu.memory_space<vmem>>) offsets(%dma_start3A_296 : memref<32xi32, #tpu.memory_space<vmem>>) semaphore(%dma_start3A_301 : memref<!tpu.dma_semaphore, #tpu.memory_space<semaphore_mem>>)
      %dma_wait3A_302 = arith.constant 0 : i32
      %dma_wait3A_303 = arith.constant 0 : i32
      %dma_wait3A_304 = arith.constant 0 : i32
      %dma_wait3A_305 = tpu.memref_slice %arg10[%dma_wait3A_302, %dma_wait3A_304] : memref<2x128xi32, #tpu.memory_space<vmem>> -> memref<1x32xi32, #tpu.memory_space<vmem>>
      %dma_wait3A_306 = tpu.memref_squeeze %dma_wait3A_305 : memref<1x32xi32, #tpu.memory_space<vmem>> -> memref<32xi32, #tpu.memory_space<vmem>>
      %dma_wait3A_307 = arith.constant 0 : i32
      %dma_wait3A_308 = arith.constant 0 : i32
      %dma_wait3A_309 = tpu.memref_slice %arg2[%dma_wait3A_307, %dma_wait3A_308] : memref<20000x64xf32, #tpu.memory_space<hbm>> -> memref<20000x64xf32, #tpu.memory_space<hbm>>
      %dma_wait3A_310 = tpu.memref_slice %arg15[%dma_wait3A_303] : memref<2x!tpu.dma_semaphore, #tpu.memory_space<semaphore_mem>> -> memref<1x!tpu.dma_semaphore, #tpu.memory_space<semaphore_mem>>
      %dma_wait3A_311 = tpu.memref_squeeze %dma_wait3A_310 : memref<1x!tpu.dma_semaphore, #tpu.memory_space<semaphore_mem>> -> memref<!tpu.dma_semaphore, #tpu.memory_space<semaphore_mem>>
      tpu.wait_indirect_dma semaphore(%dma_wait3A_311 : memref<!tpu.dma_semaphore, #tpu.memory_space<semaphore_mem>>) src(%dma_wait3A_309 : memref<20000x64xf32, #tpu.memory_space<hbm>>) dst(%arg13 : memref<32x64xf32, #tpu.memory_space<vmem>>)
      "tpu.region"() ({
        %run_scoped3A_312 = tpu.sem_alloc : memref<!tpu.dma_semaphore, #tpu.memory_space<semaphore_mem>>
        %dma_start3A_313 = arith.constant 0 : i32
        %dma_start3A_314 = arith.constant 0 : i32
        %dma_start3A_315 = tpu.memref_slice %arg16[%dma_start3A_313, %dma_start3A_314] : memref<10000x64xf32, #tpu.memory_space<vmem_shared>> -> memref<10000x64xf32, #tpu.memory_space<vmem_shared>>
        tpu.enqueue_indirect_dma source(%arg13 : memref<32x64xf32, #tpu.memory_space<vmem>>) target(%dma_start3A_315 : memref<10000x64xf32, #tpu.memory_space<vmem_shared>>) offsets(%arg12 : memref<32xi32, #tpu.memory_space<vmem>>) semaphore(%run_scoped3A_312 : memref<!tpu.dma_semaphore, #tpu.memory_space<semaphore_mem>>) {add = true}
        %dma_wait3A_316 = arith.constant 0 : i32
        %dma_wait3A_317 = arith.constant 0 : i32
        %dma_wait3A_318 = tpu.memref_slice %arg16[%dma_wait3A_316, %dma_wait3A_317] : memref<10000x64xf32, #tpu.memory_space<vmem_shared>> -> memref<10000x64xf32, #tpu.memory_space<vmem_shared>>
        tpu.wait_indirect_dma semaphore(%run_scoped3A_312 : memref<!tpu.dma_semaphore, #tpu.memory_space<semaphore_mem>>) src(%arg13 : memref<32x64xf32, #tpu.memory_space<vmem>>) dst(%dma_wait3A_318 : memref<10000x64xf32, #tpu.memory_space<vmem_shared>>)
        tpu.yield
      }) : () -> ()
    } else {
    }
    %eq3A_27 = arith.constant 1 : i32
    %eq3A_28 = arith.cmpi eq, %arg0, %eq3A_27 : i32
    %convert_element_type3A_29 = arith.extui %eq3A_28 : i1 to i32
    %cond3A_30 = arith.constant 0 : i32
    %cond3A_31 = arith.cmpi ne, %convert_element_type3A_29, %cond3A_30 : i32
    scf.if %cond3A_31 {
      %get3A = arith.constant 0 : index
      %get3A_54 = tpu.vector_load %arg8[%get3A] {strides = array<i32>} : memref<20000xi32, #tpu.memory_space<vmem>>, vector<16xi32>,
      %get3A_55 = vector.shape_cast %get3A_54 : vector<16xi32> to vector<16xi32>
      %swap3A = arith.constant 0 : i32
      %swap3A_56 = arith.index_cast %swap3A : i32 to index
      %swap3A_57 = arith.constant 0 : index
      %swap3A_58 = tpu.vector_load %arg9[%swap3A_56, %swap3A_57] {strides = array<i32>} : memref<2x128xi32, #tpu.memory_space<vmem>>, vector<1x16xi32>,
      %swap3A_59 = vector.shape_cast %swap3A_58 : vector<1x16xi32> to vector<16xi32>
      %swap3A_60 = vector.shape_cast %get3A_55 : vector<16xi32> to vector<1x16xi32>
      tpu.vector_store %arg9[%swap3A_56, %swap3A_57], %swap3A_60 {strides = array<i32>} : memref<2x128xi32, #tpu.memory_space<vmem>>, vector<1x16xi32>,
      %get3A_61 = arith.constant 0 : index
      %get3A_62 = tpu.vector_load %arg7[%get3A_61] {strides = array<i32>} : memref<20000xi32, #tpu.memory_space<vmem>>, vector<16xi32>,
      %get3A_63 = vector.shape_cast %get3A_62 : vector<16xi32> to vector<16xi32>
      %mul3A = arith.constant 2 : i32
      %mul3A_64 = vector.broadcast %mul3A : i32 to vector<16xi32>
      %mul3A_65 = arith.muli %get3A_63, %mul3A_64 : vector<16xi32>
      %swap3A_66 = arith.constant 0 : i32
      %swap3A_67 = arith.index_cast %swap3A_66 : i32 to index
      %swap3A_68 = arith.constant 0 : index
      %swap3A_69 = tpu.vector_load %arg10[%swap3A_67, %swap3A_68] {strides = array<i32>} : memref<2x128xi32, #tpu.memory_space<vmem>>, vector<1x16xi32>,
      %swap3A_70 = vector.shape_cast %swap3A_69 : vector<1x16xi32> to vector<16xi32>
      %swap3A_71 = vector.shape_cast %mul3A_65 : vector<16xi32> to vector<1x16xi32>
      tpu.vector_store %arg10[%swap3A_67, %swap3A_68], %swap3A_71 {strides = array<i32>} : memref<2x128xi32, #tpu.memory_space<vmem>>, vector<1x16xi32>,
      %get3A_72 = arith.constant 16 : index
      %get3A_73 = tpu.vector_load %arg8[%get3A_72] {strides = array<i32>} : memref<20000xi32, #tpu.memory_space<vmem>>, vector<16xi32>,
      %get3A_74 = vector.shape_cast %get3A_73 : vector<16xi32> to vector<16xi32>
      %swap3A_75 = arith.constant 0 : i32
      %swap3A_76 = arith.index_cast %swap3A_75 : i32 to index
      %swap3A_77 = arith.constant 16 : index
      %swap3A_78 = tpu.vector_load %arg9[%swap3A_76, %swap3A_77] {strides = array<i32>} : memref<2x128xi32, #tpu.memory_space<vmem>>, vector<1x16xi32>,
      %swap3A_79 = vector.shape_cast %swap3A_78 : vector<1x16xi32> to vector<16xi32>
      %swap3A_80 = vector.shape_cast %get3A_74 : vector<16xi32> to vector<1x16xi32>
      tpu.vector_store %arg9[%swap3A_76, %swap3A_77], %swap3A_80 {strides = array<i32>} : memref<2x128xi32, #tpu.memory_space<vmem>>, vector<1x16xi32>,
      %get3A_81 = arith.constant 16 : index
      %get3A_82 = tpu.vector_load %arg7[%get3A_81] {strides = array<i32>} : memref<20000xi32, #tpu.memory_space<vmem>>, vector<16xi32>,
      %get3A_83 = vector.shape_cast %get3A_82 : vector<16xi32> to vector<16xi32>
      %mul3A_84 = arith.constant 2 : i32
      %mul3A_85 = vector.broadcast %mul3A_84 : i32 to vector<16xi32>
      %mul3A_86 = arith.muli %get3A_83, %mul3A_85 : vector<16xi32>
      %swap3A_87 = arith.constant 0 : i32
      %swap3A_88 = arith.index_cast %swap3A_87 : i32 to index
      %swap3A_89 = arith.constant 16 : index
      %swap3A_90 = tpu.vector_load %arg10[%swap3A_88, %swap3A_89] {strides = array<i32>} : memref<2x128xi32, #tpu.memory_space<vmem>>, vector<1x16xi32>,
      %swap3A_91 = vector.shape_cast %swap3A_90 : vector<1x16xi32> to vector<16xi32>
      %swap3A_92 = vector.shape_cast %mul3A_86 : vector<16xi32> to vector<1x16xi32>
      tpu.vector_store %arg10[%swap3A_88, %swap3A_89], %swap3A_92 {strides = array<i32>} : memref<2x128xi32, #tpu.memory_space<vmem>>, vector<1x16xi32>,
      %get3A_93 = arith.constant 32 : index
      %get3A_94 = tpu.vector_load %arg8[%get3A_93] {strides = array<i32>} : memref<20000xi32, #tpu.memory_space<vmem>>, vector<16xi32>,
      %get3A_95 = vector.shape_cast %get3A_94 : vector<16xi32> to vector<16xi32>
      %swap3A_96 = arith.constant 0 : i32
      %swap3A_97 = arith.index_cast %swap3A_96 : i32 to index
      %swap3A_98 = arith.constant 32 : index
      %swap3A_99 = tpu.vector_load %arg9[%swap3A_97, %swap3A_98] {strides = array<i32>} : memref<2x128xi32, #tpu.memory_space<vmem>>, vector<1x16xi32>,
      %swap3A_100 = vector.shape_cast %swap3A_99 : vector<1x16xi32> to vector<16xi32>
      %swap3A_101 = vector.shape_cast %get3A_95 : vector<16xi32> to vector<1x16xi32>
      tpu.vector_store %arg9[%swap3A_97, %swap3A_98], %swap3A_101 {strides = array<i32>} : memref<2x128xi32, #tpu.memory_space<vmem>>, vector<1x16xi32>,
      %get3A_102 = arith.constant 32 : index
      %get3A_103 = tpu.vector_load %arg7[%get3A_102] {strides = array<i32>} : memref<20000xi32, #tpu.memory_space<vmem>>, vector<16xi32>,
      %get3A_104 = vector.shape_cast %get3A_103 : vector<16xi32> to vector<16xi32>
      %mul3A_105 = arith.constant 2 : i32
      %mul3A_106 = vector.broadcast %mul3A_105 : i32 to vector<16xi32>
      %mul3A_107 = arith.muli %get3A_104, %mul3A_106 : vector<16xi32>
      %swap3A_108 = arith.constant 0 : i32
      %swap3A_109 = arith.index_cast %swap3A_108 : i32 to index
      %swap3A_110 = arith.constant 32 : index
      %swap3A_111 = tpu.vector_load %arg10[%swap3A_109, %swap3A_110] {strides = array<i32>} : memref<2x128xi32, #tpu.memory_space<vmem>>, vector<1x16xi32>,
      %swap3A_112 = vector.shape_cast %swap3A_111 : vector<1x16xi32> to vector<16xi32>
      %swap3A_113 = vector.shape_cast %mul3A_107 : vector<16xi32> to vector<1x16xi32>
      tpu.vector_store %arg10[%swap3A_109, %swap3A_110], %swap3A_113 {strides = array<i32>} : memref<2x128xi32, #tpu.memory_space<vmem>>, vector<1x16xi32>,
      %get3A_114 = arith.constant 48 : index
      %get3A_115 = tpu.vector_load %arg8[%get3A_114] {strides = array<i32>} : memref<20000xi32, #tpu.memory_space<vmem>>, vector<16xi32>,
      %get3A_116 = vector.shape_cast %get3A_115 : vector<16xi32> to vector<16xi32>
      %swap3A_117 = arith.constant 0 : i32
      %swap3A_118 = arith.index_cast %swap3A_117 : i32 to index
      %swap3A_119 = arith.constant 48 : index
      %swap3A_120 = tpu.vector_load %arg9[%swap3A_118, %swap3A_119] {strides = array<i32>} : memref<2x128xi32, #tpu.memory_space<vmem>>, vector<1x16xi32>,
      %swap3A_121 = vector.shape_cast %swap3A_120 : vector<1x16xi32> to vector<16xi32>
      %swap3A_122 = vector.shape_cast %get3A_116 : vector<16xi32> to vector<1x16xi32>
      tpu.vector_store %arg9[%swap3A_118, %swap3A_119], %swap3A_122 {strides = array<i32>} : memref<2x128xi32, #tpu.memory_space<vmem>>, vector<1x16xi32>,
      %get3A_123 = arith.constant 48 : index
      %get3A_124 = tpu.vector_load %arg7[%get3A_123] {strides = array<i32>} : memref<20000xi32, #tpu.memory_space<vmem>>, vector<16xi32>,
      %get3A_125 = vector.shape_cast %get3A_124 : vector<16xi32> to vector<16xi32>
      %mul3A_126 = arith.constant 2 : i32
      %mul3A_127 = vector.broadcast %mul3A_126 : i32 to vector<16xi32>
      %mul3A_128 = arith.muli %get3A_125, %mul3A_127 : vector<16xi32>
      %swap3A_129 = arith.constant 0 : i32
      %swap3A_130 = arith.index_cast %swap3A_129 : i32 to index
      %swap3A_131 = arith.constant 48 : index
      %swap3A_132 = tpu.vector_load %arg10[%swap3A_130, %swap3A_131] {strides = array<i32>} : memref<2x128xi32, #tpu.memory_space<vmem>>, vector<1x16xi32>,
      %swap3A_133 = vector.shape_cast %swap3A_132 : vector<1x16xi32> to vector<16xi32>
      %swap3A_134 = vector.shape_cast %mul3A_128 : vector<16xi32> to vector<1x16xi32>
      tpu.vector_store %arg10[%swap3A_130, %swap3A_131], %swap3A_134 {strides = array<i32>} : memref<2x128xi32, #tpu.memory_space<vmem>>, vector<1x16xi32>,
      %get3A_135 = arith.constant 64 : index
      %get3A_136 = tpu.vector_load %arg8[%get3A_135] {strides = array<i32>} : memref<20000xi32, #tpu.memory_space<vmem>>, vector<16xi32>,
      %get3A_137 = vector.shape_cast %get3A_136 : vector<16xi32> to vector<16xi32>
      %swap3A_138 = arith.constant 0 : i32
      %swap3A_139 = arith.index_cast %swap3A_138 : i32 to index
      %swap3A_140 = arith.constant 64 : index
      %swap3A_141 = tpu.vector_load %arg9[%swap3A_139, %swap3A_140] {strides = array<i32>} : memref<2x128xi32, #tpu.memory_space<vmem>>, vector<1x16xi32>,
      %swap3A_142 = vector.shape_cast %swap3A_141 : vector<1x16xi32> to vector<16xi32>
      %swap3A_143 = vector.shape_cast %get3A_137 : vector<16xi32> to vector<1x16xi32>
      tpu.vector_store %arg9[%swap3A_139, %swap3A_140], %swap3A_143 {strides = array<i32>} : memref<2x128xi32, #tpu.memory_space<vmem>>, vector<1x16xi32>,
      %get3A_144 = arith.constant 64 : index
      %get3A_145 = tpu.vector_load %arg7[%get3A_144] {strides = array<i32>} : memref<20000xi32, #tpu.memory_space<vmem>>, vector<16xi32>,
      %get3A_146 = vector.shape_cast %get3A_145 : vector<16xi32> to vector<16xi32>
      %mul3A_147 = arith.constant 2 : i32
      %mul3A_148 = vector.broadcast %mul3A_147 : i32 to vector<16xi32>
      %mul3A_149 = arith.muli %get3A_146, %mul3A_148 : vector<16xi32>
      %swap3A_150 = arith.constant 0 : i32
      %swap3A_151 = arith.index_cast %swap3A_150 : i32 to index
      %swap3A_152 = arith.constant 64 : index
      %swap3A_153 = tpu.vector_load %arg10[%swap3A_151, %swap3A_152] {strides = array<i32>} : memref<2x128xi32, #tpu.memory_space<vmem>>, vector<1x16xi32>,
      %swap3A_154 = vector.shape_cast %swap3A_153 : vector<1x16xi32> to vector<16xi32>
      %swap3A_155 = vector.shape_cast %mul3A_149 : vector<16xi32> to vector<1x16xi32>
      tpu.vector_store %arg10[%swap3A_151, %swap3A_152], %swap3A_155 {strides = array<i32>} : memref<2x128xi32, #tpu.memory_space<vmem>>, vector<1x16xi32>,
      %get3A_156 = arith.constant 80 : index
      %get3A_157 = tpu.vector_load %arg8[%get3A_156] {strides = array<i32>} : memref<20000xi32, #tpu.memory_space<vmem>>, vector<16xi32>,
      %get3A_158 = vector.shape_cast %get3A_157 : vector<16xi32> to vector<16xi32>
      %swap3A_159 = arith.constant 0 : i32
      %swap3A_160 = arith.index_cast %swap3A_159 : i32 to index
      %swap3A_161 = arith.constant 80 : index
      %swap3A_162 = tpu.vector_load %arg9[%swap3A_160, %swap3A_161] {strides = array<i32>} : memref<2x128xi32, #tpu.memory_space<vmem>>, vector<1x16xi32>,
      %swap3A_163 = vector.shape_cast %swap3A_162 : vector<1x16xi32> to vector<16xi32>
      %swap3A_164 = vector.shape_cast %get3A_158 : vector<16xi32> to vector<1x16xi32>
      tpu.vector_store %arg9[%swap3A_160, %swap3A_161], %swap3A_164 {strides = array<i32>} : memref<2x128xi32, #tpu.memory_space<vmem>>, vector<1x16xi32>,
      %get3A_165 = arith.constant 80 : index
      %get3A_166 = tpu.vector_load %arg7[%get3A_165] {strides = array<i32>} : memref<20000xi32, #tpu.memory_space<vmem>>, vector<16xi32>,
      %get3A_167 = vector.shape_cast %get3A_166 : vector<16xi32> to vector<16xi32>
      %mul3A_168 = arith.constant 2 : i32
      %mul3A_169 = vector.broadcast %mul3A_168 : i32 to vector<16xi32>
      %mul3A_170 = arith.muli %get3A_167, %mul3A_169 : vector<16xi32>
      %swap3A_171 = arith.constant 0 : i32
      %swap3A_172 = arith.index_cast %swap3A_171 : i32 to index
      %swap3A_173 = arith.constant 80 : index
      %swap3A_174 = tpu.vector_load %arg10[%swap3A_172, %swap3A_173] {strides = array<i32>} : memref<2x128xi32, #tpu.memory_space<vmem>>, vector<1x16xi32>,
      %swap3A_175 = vector.shape_cast %swap3A_174 : vector<1x16xi32> to vector<16xi32>
      %swap3A_176 = vector.shape_cast %mul3A_170 : vector<16xi32> to vector<1x16xi32>
      tpu.vector_store %arg10[%swap3A_172, %swap3A_173], %swap3A_176 {strides = array<i32>} : memref<2x128xi32, #tpu.memory_space<vmem>>, vector<1x16xi32>,
      %get3A_177 = arith.constant 96 : index
      %get3A_178 = tpu.vector_load %arg8[%get3A_177] {strides = array<i32>} : memref<20000xi32, #tpu.memory_space<vmem>>, vector<16xi32>,
      %get3A_179 = vector.shape_cast %get3A_178 : vector<16xi32> to vector<16xi32>
      %swap3A_180 = arith.constant 0 : i32
      %swap3A_181 = arith.index_cast %swap3A_180 : i32 to index
      %swap3A_182 = arith.constant 96 : index
      %swap3A_183 = tpu.vector_load %arg9[%swap3A_181, %swap3A_182] {strides = array<i32>} : memref<2x128xi32, #tpu.memory_space<vmem>>, vector<1x16xi32>,
      %swap3A_184 = vector.shape_cast %swap3A_183 : vector<1x16xi32> to vector<16xi32>
      %swap3A_185 = vector.shape_cast %get3A_179 : vector<16xi32> to vector<1x16xi32>
      tpu.vector_store %arg9[%swap3A_181, %swap3A_182], %swap3A_185 {strides = array<i32>} : memref<2x128xi32, #tpu.memory_space<vmem>>, vector<1x16xi32>,
      %get3A_186 = arith.constant 96 : index
      %get3A_187 = tpu.vector_load %arg7[%get3A_186] {strides = array<i32>} : memref<20000xi32, #tpu.memory_space<vmem>>, vector<16xi32>,
      %get3A_188 = vector.shape_cast %get3A_187 : vector<16xi32> to vector<16xi32>
      %mul3A_189 = arith.constant 2 : i32
      %mul3A_190 = vector.broadcast %mul3A_189 : i32 to vector<16xi32>
      %mul3A_191 = arith.muli %get3A_188, %mul3A_190 : vector<16xi32>
      %swap3A_192 = arith.constant 0 : i32
      %swap3A_193 = arith.index_cast %swap3A_192 : i32 to index
      %swap3A_194 = arith.constant 96 : index
      %swap3A_195 = tpu.vector_load %arg10[%swap3A_193, %swap3A_194] {strides = array<i32>} : memref<2x128xi32, #tpu.memory_space<vmem>>, vector<1x16xi32>,
      %swap3A_196 = vector.shape_cast %swap3A_195 : vector<1x16xi32> to vector<16xi32>
      %swap3A_197 = vector.shape_cast %mul3A_191 : vector<16xi32> to vector<1x16xi32>
      tpu.vector_store %arg10[%swap3A_193, %swap3A_194], %swap3A_197 {strides = array<i32>} : memref<2x128xi32, #tpu.memory_space<vmem>>, vector<1x16xi32>,
      %get3A_198 = arith.constant 112 : index
      %get3A_199 = tpu.vector_load %arg8[%get3A_198] {strides = array<i32>} : memref<20000xi32, #tpu.memory_space<vmem>>, vector<16xi32>,
      %get3A_200 = vector.shape_cast %get3A_199 : vector<16xi32> to vector<16xi32>
      %swap3A_201 = arith.constant 0 : i32
      %swap3A_202 = arith.index_cast %swap3A_201 : i32 to index
      %swap3A_203 = arith.constant 112 : index
      %swap3A_204 = tpu.vector_load %arg9[%swap3A_202, %swap3A_203] {strides = array<i32>} : memref<2x128xi32, #tpu.memory_space<vmem>>, vector<1x16xi32>,
      %swap3A_205 = vector.shape_cast %swap3A_204 : vector<1x16xi32> to vector<16xi32>
      %swap3A_206 = vector.shape_cast %get3A_200 : vector<16xi32> to vector<1x16xi32>
      tpu.vector_store %arg9[%swap3A_202, %swap3A_203], %swap3A_206 {strides = array<i32>} : memref<2x128xi32, #tpu.memory_space<vmem>>, vector<1x16xi32>,
      %get3A_207 = arith.constant 112 : index
      %get3A_208 = tpu.vector_load %arg7[%get3A_207] {strides = array<i32>} : memref<20000xi32, #tpu.memory_space<vmem>>, vector<16xi32>,
      %get3A_209 = vector.shape_cast %get3A_208 : vector<16xi32> to vector<16xi32>
      %mul3A_210 = arith.constant 2 : i32
      %mul3A_211 = vector.broadcast %mul3A_210 : i32 to vector<16xi32>
      %mul3A_212 = arith.muli %get3A_209, %mul3A_211 : vector<16xi32>
      %swap3A_213 = arith.constant 0 : i32
      %swap3A_214 = arith.index_cast %swap3A_213 : i32 to index
      %swap3A_215 = arith.constant 112 : index
      %swap3A_216 = tpu.vector_load %arg10[%swap3A_214, %swap3A_215] {strides = array<i32>} : memref<2x128xi32, #tpu.memory_space<vmem>>, vector<1x16xi32>,
      %swap3A_217 = vector.shape_cast %swap3A_216 : vector<1x16xi32> to vector<16xi32>
      %swap3A_218 = vector.shape_cast %mul3A_212 : vector<16xi32> to vector<1x16xi32>
      tpu.vector_store %arg10[%swap3A_214, %swap3A_215], %swap3A_218 {strides = array<i32>} : memref<2x128xi32, #tpu.memory_space<vmem>>, vector<1x16xi32>,
      %dma_start3A = arith.constant 0 : i32
      %dma_start3A_219 = arith.constant 0 : i32
      %dma_start3A_220 = arith.constant 0 : i32
      %dma_start3A_221 = arith.constant 0 : i32
      %dma_start3A_222 = arith.constant 0 : i32
      %dma_start3A_223 = tpu.memref_slice %arg11[%dma_start3A_219, %dma_start3A_221, %dma_start3A_222] : memref<2x128x64xf32, #tpu.memory_space<vmem>> -> memref<1x128x64xf32, #tpu.memory_space<vmem>>
      %dma_start3A_224 = tpu.memref_squeeze %dma_start3A_223 : memref<1x128x64xf32, #tpu.memory_space<vmem>> -> memref<128x64xf32, #tpu.memory_space<vmem>>
      %dma_start3A_225 = arith.constant 0 : i32
      %dma_start3A_226 = tpu.memref_slice %arg10[%dma_start3A, %dma_start3A_225] : memref<2x128xi32, #tpu.memory_space<vmem>> -> memref<1x128xi32, #tpu.memory_space<vmem>>
      %dma_start3A_227 = tpu.memref_squeeze %dma_start3A_226 : memref<1x128xi32, #tpu.memory_space<vmem>> -> memref<128xi32, #tpu.memory_space<vmem>>
      %dma_start3A_228 = arith.constant 0 : i32
      %dma_start3A_229 = arith.constant 0 : i32
      %dma_start3A_230 = tpu.memref_slice %arg3[%dma_start3A_228, %dma_start3A_229] : memref<20000x64xf32, #tpu.memory_space<hbm>> -> memref<20000x64xf32, #tpu.memory_space<hbm>>
      %dma_start3A_231 = tpu.memref_slice %arg15[%dma_start3A_220] : memref<2x!tpu.dma_semaphore, #tpu.memory_space<semaphore_mem>> -> memref<1x!tpu.dma_semaphore, #tpu.memory_space<semaphore_mem>>
      %dma_start3A_232 = tpu.memref_squeeze %dma_start3A_231 : memref<1x!tpu.dma_semaphore, #tpu.memory_space<semaphore_mem>> -> memref<!tpu.dma_semaphore, #tpu.memory_space<semaphore_mem>>
      tpu.enqueue_indirect_dma source(%dma_start3A_230 : memref<20000x64xf32, #tpu.memory_space<hbm>>) target(%dma_start3A_224 : memref<128x64xf32, #tpu.memory_space<vmem>>) offsets(%dma_start3A_227 : memref<128xi32, #tpu.memory_space<vmem>>) semaphore(%dma_start3A_232 : memref<!tpu.dma_semaphore, #tpu.memory_space<semaphore_mem>>)
      %scan3A_233 = arith.constant 0 : i32
      %scan3A_234 = arith.constant 1 : i32
      %scan3A_235 = arith.constant 155 : i32
      %scan3A_236 = arith.addi %scan3A_234, %scan3A_235 : i32
      %scan3A_237 = arith.constant 1 : i32
      scf.for %scan3A_312 = %scan3A_234 to %scan3A_236 step %scan3A_237  : i32 {
        %rem3A = arith.constant 2 : i32
        %rem3A_313 = arith.remsi %scan3A_312, %rem3A : i32
        %mul3A_314 = arith.constant 128 : i32
        %mul3A_315 = arith.muli %scan3A_312, %mul3A_314 : i32
        %add3A_316 = arith.constant 0 : i32
        %add3A_317 = arith.addi %mul3A_315, %add3A_316 : i32
        %get3A_318 = arith.index_cast %add3A_317 : i32 to index
        %get3A_319 = tpu.vector_load %arg8[%get3A_318] {strides = array<i32>} : memref<20000xi32, #tpu.memory_space<vmem>>, vector<16xi32>,
        %get3A_320 = vector.shape_cast %get3A_319 : vector<16xi32> to vector<16xi32>
        %swap3A_321 = arith.index_cast %rem3A_313 : i32 to index
        %swap3A_322 = arith.constant 0 : index
        %swap3A_323 = tpu.vector_load %arg9[%swap3A_321, %swap3A_322] {strides = array<i32>} : memref<2x128xi32, #tpu.memory_space<vmem>>, vector<1x16xi32>,
        %swap3A_324 = vector.shape_cast %swap3A_323 : vector<1x16xi32> to vector<16xi32>
        %swap3A_325 = vector.shape_cast %get3A_320 : vector<16xi32> to vector<1x16xi32>
        tpu.vector_store %arg9[%swap3A_321, %swap3A_322], %swap3A_325 {strides = array<i32>} : memref<2x128xi32, #tpu.memory_space<vmem>>, vector<1x16xi32>,
        %mul3A_326 = arith.constant 128 : i32
        %mul3A_327 = arith.muli %scan3A_312, %mul3A_326 : i32
        %add3A_328 = arith.constant 0 : i32
        %add3A_329 = arith.addi %mul3A_327, %add3A_328 : i32
        %get3A_330 = arith.index_cast %add3A_329 : i32 to index
        %get3A_331 = tpu.vector_load %arg7[%get3A_330] {strides = array<i32>} : memref<20000xi32, #tpu.memory_space<vmem>>, vector<16xi32>,
        %get3A_332 = vector.shape_cast %get3A_331 : vector<16xi32> to vector<16xi32>
        %mul3A_333 = arith.constant 2 : i32
        %mul3A_334 = vector.broadcast %mul3A_333 : i32 to vector<16xi32>
        %mul3A_335 = arith.muli %get3A_332, %mul3A_334 : vector<16xi32>
        %swap3A_336 = arith.index_cast %rem3A_313 : i32 to index
        %swap3A_337 = arith.constant 0 : index
        %swap3A_338 = tpu.vector_load %arg10[%swap3A_336, %swap3A_337] {strides = array<i32>} : memref<2x128xi32, #tpu.memory_space<vmem>>, vector<1x16xi32>,
        %swap3A_339 = vector.shape_cast %swap3A_338 : vector<1x16xi32> to vector<16xi32>
        %swap3A_340 = vector.shape_cast %mul3A_335 : vector<16xi32> to vector<1x16xi32>
        tpu.vector_store %arg10[%swap3A_336, %swap3A_337], %swap3A_340 {strides = array<i32>} : memref<2x128xi32, #tpu.memory_space<vmem>>, vector<1x16xi32>,
        %mul3A_341 = arith.constant 128 : i32
        %mul3A_342 = arith.muli %scan3A_312, %mul3A_341 : i32
        %add3A_343 = arith.constant 16 : i32
        %add3A_344 = arith.addi %mul3A_342, %add3A_343 : i32
        %get3A_345 = arith.index_cast %add3A_344 : i32 to index
        %get3A_346 = tpu.vector_load %arg8[%get3A_345] {strides = array<i32>} : memref<20000xi32, #tpu.memory_space<vmem>>, vector<16xi32>,
        %get3A_347 = vector.shape_cast %get3A_346 : vector<16xi32> to vector<16xi32>
        %swap3A_348 = arith.index_cast %rem3A_313 : i32 to index
        %swap3A_349 = arith.constant 16 : index
        %swap3A_350 = tpu.vector_load %arg9[%swap3A_348, %swap3A_349] {strides = array<i32>} : memref<2x128xi32, #tpu.memory_space<vmem>>, vector<1x16xi32>,
        %swap3A_351 = vector.shape_cast %swap3A_350 : vector<1x16xi32> to vector<16xi32>
        %swap3A_352 = vector.shape_cast %get3A_347 : vector<16xi32> to vector<1x16xi32>
        tpu.vector_store %arg9[%swap3A_348, %swap3A_349], %swap3A_352 {strides = array<i32>} : memref<2x128xi32, #tpu.memory_space<vmem>>, vector<1x16xi32>,
        %mul3A_353 = arith.constant 128 : i32
        %mul3A_354 = arith.muli %scan3A_312, %mul3A_353 : i32
        %add3A_355 = arith.constant 16 : i32
        %add3A_356 = arith.addi %mul3A_354, %add3A_355 : i32
        %get3A_357 = arith.index_cast %add3A_356 : i32 to index
        %get3A_358 = tpu.vector_load %arg7[%get3A_357] {strides = array<i32>} : memref<20000xi32, #tpu.memory_space<vmem>>, vector<16xi32>,
        %get3A_359 = vector.shape_cast %get3A_358 : vector<16xi32> to vector<16xi32>
        %mul3A_360 = arith.constant 2 : i32
        %mul3A_361 = vector.broadcast %mul3A_360 : i32 to vector<16xi32>
        %mul3A_362 = arith.muli %get3A_359, %mul3A_361 : vector<16xi32>
        %swap3A_363 = arith.index_cast %rem3A_313 : i32 to index
        %swap3A_364 = arith.constant 16 : index
        %swap3A_365 = tpu.vector_load %arg10[%swap3A_363, %swap3A_364] {strides = array<i32>} : memref<2x128xi32, #tpu.memory_space<vmem>>, vector<1x16xi32>,
        %swap3A_366 = vector.shape_cast %swap3A_365 : vector<1x16xi32> to vector<16xi32>
        %swap3A_367 = vector.shape_cast %mul3A_362 : vector<16xi32> to vector<1x16xi32>
        tpu.vector_store %arg10[%swap3A_363, %swap3A_364], %swap3A_367 {strides = array<i32>} : memref<2x128xi32, #tpu.memory_space<vmem>>, vector<1x16xi32>,
        %mul3A_368 = arith.constant 128 : i32
        %mul3A_369 = arith.muli %scan3A_312, %mul3A_368 : i32
        %add3A_370 = arith.constant 32 : i32
        %add3A_371 = arith.addi %mul3A_369, %add3A_370 : i32
        %get3A_372 = arith.index_cast %add3A_371 : i32 to index
        %get3A_373 = tpu.vector_load %arg8[%get3A_372] {strides = array<i32>} : memref<20000xi32, #tpu.memory_space<vmem>>, vector<16xi32>,
        %get3A_374 = vector.shape_cast %get3A_373 : vector<16xi32> to vector<16xi32>
        %swap3A_375 = arith.index_cast %rem3A_313 : i32 to index
        %swap3A_376 = arith.constant 32 : index
        %swap3A_377 = tpu.vector_load %arg9[%swap3A_375, %swap3A_376] {strides = array<i32>} : memref<2x128xi32, #tpu.memory_space<vmem>>, vector<1x16xi32>,
        %swap3A_378 = vector.shape_cast %swap3A_377 : vector<1x16xi32> to vector<16xi32>
        %swap3A_379 = vector.shape_cast %get3A_374 : vector<16xi32> to vector<1x16xi32>
        tpu.vector_store %arg9[%swap3A_375, %swap3A_376], %swap3A_379 {strides = array<i32>} : memref<2x128xi32, #tpu.memory_space<vmem>>, vector<1x16xi32>,
        %mul3A_380 = arith.constant 128 : i32
        %mul3A_381 = arith.muli %scan3A_312, %mul3A_380 : i32
        %add3A_382 = arith.constant 32 : i32
        %add3A_383 = arith.addi %mul3A_381, %add3A_382 : i32
        %get3A_384 = arith.index_cast %add3A_383 : i32 to index
        %get3A_385 = tpu.vector_load %arg7[%get3A_384] {strides = array<i32>} : memref<20000xi32, #tpu.memory_space<vmem>>, vector<16xi32>,
        %get3A_386 = vector.shape_cast %get3A_385 : vector<16xi32> to vector<16xi32>
        %mul3A_387 = arith.constant 2 : i32
        %mul3A_388 = vector.broadcast %mul3A_387 : i32 to vector<16xi32>
        %mul3A_389 = arith.muli %get3A_386, %mul3A_388 : vector<16xi32>
        %swap3A_390 = arith.index_cast %rem3A_313 : i32 to index
        %swap3A_391 = arith.constant 32 : index
        %swap3A_392 = tpu.vector_load %arg10[%swap3A_390, %swap3A_391] {strides = array<i32>} : memref<2x128xi32, #tpu.memory_space<vmem>>, vector<1x16xi32>,
        %swap3A_393 = vector.shape_cast %swap3A_392 : vector<1x16xi32> to vector<16xi32>
        %swap3A_394 = vector.shape_cast %mul3A_389 : vector<16xi32> to vector<1x16xi32>
        tpu.vector_store %arg10[%swap3A_390, %swap3A_391], %swap3A_394 {strides = array<i32>} : memref<2x128xi32, #tpu.memory_space<vmem>>, vector<1x16xi32>,
        %mul3A_395 = arith.constant 128 : i32
        %mul3A_396 = arith.muli %scan3A_312, %mul3A_395 : i32
        %add3A_397 = arith.constant 48 : i32
        %add3A_398 = arith.addi %mul3A_396, %add3A_397 : i32
        %get3A_399 = arith.index_cast %add3A_398 : i32 to index
        %get3A_400 = tpu.vector_load %arg8[%get3A_399] {strides = array<i32>} : memref<20000xi32, #tpu.memory_space<vmem>>, vector<16xi32>,
        %get3A_401 = vector.shape_cast %get3A_400 : vector<16xi32> to vector<16xi32>
        %swap3A_402 = arith.index_cast %rem3A_313 : i32 to index
        %swap3A_403 = arith.constant 48 : index
        %swap3A_404 = tpu.vector_load %arg9[%swap3A_402, %swap3A_403] {strides = array<i32>} : memref<2x128xi32, #tpu.memory_space<vmem>>, vector<1x16xi32>,
        %swap3A_405 = vector.shape_cast %swap3A_404 : vector<1x16xi32> to vector<16xi32>
        %swap3A_406 = vector.shape_cast %get3A_401 : vector<16xi32> to vector<1x16xi32>
        tpu.vector_store %arg9[%swap3A_402, %swap3A_403], %swap3A_406 {strides = array<i32>} : memref<2x128xi32, #tpu.memory_space<vmem>>, vector<1x16xi32>,
        %mul3A_407 = arith.constant 128 : i32
        %mul3A_408 = arith.muli %scan3A_312, %mul3A_407 : i32
        %add3A_409 = arith.constant 48 : i32
        %add3A_410 = arith.addi %mul3A_408, %add3A_409 : i32
        %get3A_411 = arith.index_cast %add3A_410 : i32 to index
        %get3A_412 = tpu.vector_load %arg7[%get3A_411] {strides = array<i32>} : memref<20000xi32, #tpu.memory_space<vmem>>, vector<16xi32>,
        %get3A_413 = vector.shape_cast %get3A_412 : vector<16xi32> to vector<16xi32>
        %mul3A_414 = arith.constant 2 : i32
        %mul3A_415 = vector.broadcast %mul3A_414 : i32 to vector<16xi32>
        %mul3A_416 = arith.muli %get3A_413, %mul3A_415 : vector<16xi32>
        %swap3A_417 = arith.index_cast %rem3A_313 : i32 to index
        %swap3A_418 = arith.constant 48 : index
        %swap3A_419 = tpu.vector_load %arg10[%swap3A_417, %swap3A_418] {strides = array<i32>} : memref<2x128xi32, #tpu.memory_space<vmem>>, vector<1x16xi32>,
        %swap3A_420 = vector.shape_cast %swap3A_419 : vector<1x16xi32> to vector<16xi32>
        %swap3A_421 = vector.shape_cast %mul3A_416 : vector<16xi32> to vector<1x16xi32>
        tpu.vector_store %arg10[%swap3A_417, %swap3A_418], %swap3A_421 {strides = array<i32>} : memref<2x128xi32, #tpu.memory_space<vmem>>, vector<1x16xi32>,
        %mul3A_422 = arith.constant 128 : i32
        %mul3A_423 = arith.muli %scan3A_312, %mul3A_422 : i32
        %add3A_424 = arith.constant 64 : i32
        %add3A_425 = arith.addi %mul3A_423, %add3A_424 : i32
        %get3A_426 = arith.index_cast %add3A_425 : i32 to index
        %get3A_427 = tpu.vector_load %arg8[%get3A_426] {strides = array<i32>} : memref<20000xi32, #tpu.memory_space<vmem>>, vector<16xi32>,
        %get3A_428 = vector.shape_cast %get3A_427 : vector<16xi32> to vector<16xi32>
        %swap3A_429 = arith.index_cast %rem3A_313 : i32 to index
        %swap3A_430 = arith.constant 64 : index
        %swap3A_431 = tpu.vector_load %arg9[%swap3A_429, %swap3A_430] {strides = array<i32>} : memref<2x128xi32, #tpu.memory_space<vmem>>, vector<1x16xi32>,
        %swap3A_432 = vector.shape_cast %swap3A_431 : vector<1x16xi32> to vector<16xi32>
        %swap3A_433 = vector.shape_cast %get3A_428 : vector<16xi32> to vector<1x16xi32>
        tpu.vector_store %arg9[%swap3A_429, %swap3A_430], %swap3A_433 {strides = array<i32>} : memref<2x128xi32, #tpu.memory_space<vmem>>, vector<1x16xi32>,
        %mul3A_434 = arith.constant 128 : i32
        %mul3A_435 = arith.muli %scan3A_312, %mul3A_434 : i32
        %add3A_436 = arith.constant 64 : i32
        %add3A_437 = arith.addi %mul3A_435, %add3A_436 : i32
        %get3A_438 = arith.index_cast %add3A_437 : i32 to index
        %get3A_439 = tpu.vector_load %arg7[%get3A_438] {strides = array<i32>} : memref<20000xi32, #tpu.memory_space<vmem>>, vector<16xi32>,
        %get3A_440 = vector.shape_cast %get3A_439 : vector<16xi32> to vector<16xi32>
        %mul3A_441 = arith.constant 2 : i32
        %mul3A_442 = vector.broadcast %mul3A_441 : i32 to vector<16xi32>
        %mul3A_443 = arith.muli %get3A_440, %mul3A_442 : vector<16xi32>
        %swap3A_444 = arith.index_cast %rem3A_313 : i32 to index
        %swap3A_445 = arith.constant 64 : index
        %swap3A_446 = tpu.vector_load %arg10[%swap3A_444, %swap3A_445] {strides = array<i32>} : memref<2x128xi32, #tpu.memory_space<vmem>>, vector<1x16xi32>,
        %swap3A_447 = vector.shape_cast %swap3A_446 : vector<1x16xi32> to vector<16xi32>
        %swap3A_448 = vector.shape_cast %mul3A_443 : vector<16xi32> to vector<1x16xi32>
        tpu.vector_store %arg10[%swap3A_444, %swap3A_445], %swap3A_448 {strides = array<i32>} : memref<2x128xi32, #tpu.memory_space<vmem>>, vector<1x16xi32>,
        %mul3A_449 = arith.constant 128 : i32
        %mul3A_450 = arith.muli %scan3A_312, %mul3A_449 : i32
        %add3A_451 = arith.constant 80 : i32
        %add3A_452 = arith.addi %mul3A_450, %add3A_451 : i32
        %get3A_453 = arith.index_cast %add3A_452 : i32 to index
        %get3A_454 = tpu.vector_load %arg8[%get3A_453] {strides = array<i32>} : memref<20000xi32, #tpu.memory_space<vmem>>, vector<16xi32>,
        %get3A_455 = vector.shape_cast %get3A_454 : vector<16xi32> to vector<16xi32>
        %swap3A_456 = arith.index_cast %rem3A_313 : i32 to index
        %swap3A_457 = arith.constant 80 : index
        %swap3A_458 = tpu.vector_load %arg9[%swap3A_456, %swap3A_457] {strides = array<i32>} : memref<2x128xi32, #tpu.memory_space<vmem>>, vector<1x16xi32>,
        %swap3A_459 = vector.shape_cast %swap3A_458 : vector<1x16xi32> to vector<16xi32>
        %swap3A_460 = vector.shape_cast %get3A_455 : vector<16xi32> to vector<1x16xi32>
        tpu.vector_store %arg9[%swap3A_456, %swap3A_457], %swap3A_460 {strides = array<i32>} : memref<2x128xi32, #tpu.memory_space<vmem>>, vector<1x16xi32>,
        %mul3A_461 = arith.constant 128 : i32
        %mul3A_462 = arith.muli %scan3A_312, %mul3A_461 : i32
        %add3A_463 = arith.constant 80 : i32
        %add3A_464 = arith.addi %mul3A_462, %add3A_463 : i32
        %get3A_465 = arith.index_cast %add3A_464 : i32 to index
        %get3A_466 = tpu.vector_load %arg7[%get3A_465] {strides = array<i32>} : memref<20000xi32, #tpu.memory_space<vmem>>, vector<16xi32>,
        %get3A_467 = vector.shape_cast %get3A_466 : vector<16xi32> to vector<16xi32>
        %mul3A_468 = arith.constant 2 : i32
        %mul3A_469 = vector.broadcast %mul3A_468 : i32 to vector<16xi32>
        %mul3A_470 = arith.muli %get3A_467, %mul3A_469 : vector<16xi32>
        %swap3A_471 = arith.index_cast %rem3A_313 : i32 to index
        %swap3A_472 = arith.constant 80 : index
        %swap3A_473 = tpu.vector_load %arg10[%swap3A_471, %swap3A_472] {strides = array<i32>} : memref<2x128xi32, #tpu.memory_space<vmem>>, vector<1x16xi32>,
        %swap3A_474 = vector.shape_cast %swap3A_473 : vector<1x16xi32> to vector<16xi32>
        %swap3A_475 = vector.shape_cast %mul3A_470 : vector<16xi32> to vector<1x16xi32>
        tpu.vector_store %arg10[%swap3A_471, %swap3A_472], %swap3A_475 {strides = array<i32>} : memref<2x128xi32, #tpu.memory_space<vmem>>, vector<1x16xi32>,
        %mul3A_476 = arith.constant 128 : i32
        %mul3A_477 = arith.muli %scan3A_312, %mul3A_476 : i32
        %add3A_478 = arith.constant 96 : i32
        %add3A_479 = arith.addi %mul3A_477, %add3A_478 : i32
        %get3A_480 = arith.index_cast %add3A_479 : i32 to index
        %get3A_481 = tpu.vector_load %arg8[%get3A_480] {strides = array<i32>} : memref<20000xi32, #tpu.memory_space<vmem>>, vector<16xi32>,
        %get3A_482 = vector.shape_cast %get3A_481 : vector<16xi32> to vector<16xi32>
        %swap3A_483 = arith.index_cast %rem3A_313 : i32 to index
        %swap3A_484 = arith.constant 96 : index
        %swap3A_485 = tpu.vector_load %arg9[%swap3A_483, %swap3A_484] {strides = array<i32>} : memref<2x128xi32, #tpu.memory_space<vmem>>, vector<1x16xi32>,
        %swap3A_486 = vector.shape_cast %swap3A_485 : vector<1x16xi32> to vector<16xi32>
        %swap3A_487 = vector.shape_cast %get3A_482 : vector<16xi32> to vector<1x16xi32>
        tpu.vector_store %arg9[%swap3A_483, %swap3A_484], %swap3A_487 {strides = array<i32>} : memref<2x128xi32, #tpu.memory_space<vmem>>, vector<1x16xi32>,
        %mul3A_488 = arith.constant 128 : i32
        %mul3A_489 = arith.muli %scan3A_312, %mul3A_488 : i32
        %add3A_490 = arith.constant 96 : i32
        %add3A_491 = arith.addi %mul3A_489, %add3A_490 : i32
        %get3A_492 = arith.index_cast %add3A_491 : i32 to index
        %get3A_493 = tpu.vector_load %arg7[%get3A_492] {strides = array<i32>} : memref<20000xi32, #tpu.memory_space<vmem>>, vector<16xi32>,
        %get3A_494 = vector.shape_cast %get3A_493 : vector<16xi32> to vector<16xi32>
        %mul3A_495 = arith.constant 2 : i32
        %mul3A_496 = vector.broadcast %mul3A_495 : i32 to vector<16xi32>
        %mul3A_497 = arith.muli %get3A_494, %mul3A_496 : vector<16xi32>
        %swap3A_498 = arith.index_cast %rem3A_313 : i32 to index
        %swap3A_499 = arith.constant 96 : index
        %swap3A_500 = tpu.vector_load %arg10[%swap3A_498, %swap3A_499] {strides = array<i32>} : memref<2x128xi32, #tpu.memory_space<vmem>>, vector<1x16xi32>,
        %swap3A_501 = vector.shape_cast %swap3A_500 : vector<1x16xi32> to vector<16xi32>
        %swap3A_502 = vector.shape_cast %mul3A_497 : vector<16xi32> to vector<1x16xi32>
        tpu.vector_store %arg10[%swap3A_498, %swap3A_499], %swap3A_502 {strides = array<i32>} : memref<2x128xi32, #tpu.memory_space<vmem>>, vector<1x16xi32>,
        %mul3A_503 = arith.constant 128 : i32
        %mul3A_504 = arith.muli %scan3A_312, %mul3A_503 : i32
        %add3A_505 = arith.constant 112 : i32
        %add3A_506 = arith.addi %mul3A_504, %add3A_505 : i32
        %get3A_507 = arith.index_cast %add3A_506 : i32 to index
        %get3A_508 = tpu.vector_load %arg8[%get3A_507] {strides = array<i32>} : memref<20000xi32, #tpu.memory_space<vmem>>, vector<16xi32>,
        %get3A_509 = vector.shape_cast %get3A_508 : vector<16xi32> to vector<16xi32>
        %swap3A_510 = arith.index_cast %rem3A_313 : i32 to index
        %swap3A_511 = arith.constant 112 : index
        %swap3A_512 = tpu.vector_load %arg9[%swap3A_510, %swap3A_511] {strides = array<i32>} : memref<2x128xi32, #tpu.memory_space<vmem>>, vector<1x16xi32>,
        %swap3A_513 = vector.shape_cast %swap3A_512 : vector<1x16xi32> to vector<16xi32>
        %swap3A_514 = vector.shape_cast %get3A_509 : vector<16xi32> to vector<1x16xi32>
        tpu.vector_store %arg9[%swap3A_510, %swap3A_511], %swap3A_514 {strides = array<i32>} : memref<2x128xi32, #tpu.memory_space<vmem>>, vector<1x16xi32>,
        %mul3A_515 = arith.constant 128 : i32
        %mul3A_516 = arith.muli %scan3A_312, %mul3A_515 : i32
        %add3A_517 = arith.constant 112 : i32
        %add3A_518 = arith.addi %mul3A_516, %add3A_517 : i32
        %get3A_519 = arith.index_cast %add3A_518 : i32 to index
        %get3A_520 = tpu.vector_load %arg7[%get3A_519] {strides = array<i32>} : memref<20000xi32, #tpu.memory_space<vmem>>, vector<16xi32>,
        %get3A_521 = vector.shape_cast %get3A_520 : vector<16xi32> to vector<16xi32>
        %mul3A_522 = arith.constant 2 : i32
        %mul3A_523 = vector.broadcast %mul3A_522 : i32 to vector<16xi32>
        %mul3A_524 = arith.muli %get3A_521, %mul3A_523 : vector<16xi32>
        %swap3A_525 = arith.index_cast %rem3A_313 : i32 to index
        %swap3A_526 = arith.constant 112 : index
        %swap3A_527 = tpu.vector_load %arg10[%swap3A_525, %swap3A_526] {strides = array<i32>} : memref<2x128xi32, #tpu.memory_space<vmem>>, vector<1x16xi32>,
        %swap3A_528 = vector.shape_cast %swap3A_527 : vector<1x16xi32> to vector<16xi32>
        %swap3A_529 = vector.shape_cast %mul3A_524 : vector<16xi32> to vector<1x16xi32>
        tpu.vector_store %arg10[%swap3A_525, %swap3A_526], %swap3A_529 {strides = array<i32>} : memref<2x128xi32, #tpu.memory_space<vmem>>, vector<1x16xi32>,
        %dma_start3A_530 = arith.constant 0 : i32
        %dma_start3A_531 = arith.constant 0 : i32
        %dma_start3A_532 = tpu.memref_slice %arg11[%rem3A_313, %dma_start3A_530, %dma_start3A_531] : memref<2x128x64xf32, #tpu.memory_space<vmem>> -> memref<1x128x64xf32, #tpu.memory_space<vmem>>
        %dma_start3A_533 = tpu.memref_squeeze %dma_start3A_532 : memref<1x128x64xf32, #tpu.memory_space<vmem>> -> memref<128x64xf32, #tpu.memory_space<vmem>>
        %dma_start3A_534 = arith.constant 0 : i32
        %dma_start3A_535 = tpu.memref_slice %arg10[%rem3A_313, %dma_start3A_534] : memref<2x128xi32, #tpu.memory_space<vmem>> -> memref<1x128xi32, #tpu.memory_space<vmem>>
        %dma_start3A_536 = tpu.memref_squeeze %dma_start3A_535 : memref<1x128xi32, #tpu.memory_space<vmem>> -> memref<128xi32, #tpu.memory_space<vmem>>
        %dma_start3A_537 = arith.constant 0 : i32
        %dma_start3A_538 = arith.constant 0 : i32
        %dma_start3A_539 = tpu.memref_slice %arg3[%dma_start3A_537, %dma_start3A_538] : memref<20000x64xf32, #tpu.memory_space<hbm>> -> memref<20000x64xf32, #tpu.memory_space<hbm>>
        %dma_start3A_540 = tpu.memref_slice %arg15[%rem3A_313] : memref<2x!tpu.dma_semaphore, #tpu.memory_space<semaphore_mem>> -> memref<1x!tpu.dma_semaphore, #tpu.memory_space<semaphore_mem>>
        %dma_start3A_541 = tpu.memref_squeeze %dma_start3A_540 : memref<1x!tpu.dma_semaphore, #tpu.memory_space<semaphore_mem>> -> memref<!tpu.dma_semaphore, #tpu.memory_space<semaphore_mem>>
        tpu.enqueue_indirect_dma source(%dma_start3A_539 : memref<20000x64xf32, #tpu.memory_space<hbm>>) target(%dma_start3A_533 : memref<128x64xf32, #tpu.memory_space<vmem>>) offsets(%dma_start3A_536 : memref<128xi32, #tpu.memory_space<vmem>>) semaphore(%dma_start3A_541 : memref<!tpu.dma_semaphore, #tpu.memory_space<semaphore_mem>>)
        %add3A_542 = arith.constant 1 : i32
        %add3A_543 = arith.addi %scan3A_312, %add3A_542 : i32
        %rem3A_544 = arith.constant 2 : i32
        %rem3A_545 = arith.remsi %add3A_543, %rem3A_544 : i32
        %dma_wait3A_546 = arith.constant 0 : i32
        %dma_wait3A_547 = arith.constant 0 : i32
        %dma_wait3A_548 = tpu.memref_slice %arg11[%rem3A_545, %dma_wait3A_546, %dma_wait3A_547] : memref<2x128x64xf32, #tpu.memory_space<vmem>> -> memref<1x128x64xf32, #tpu.memory_space<vmem>>
        %dma_wait3A_549 = tpu.memref_squeeze %dma_wait3A_548 : memref<1x128x64xf32, #tpu.memory_space<vmem>> -> memref<128x64xf32, #tpu.memory_space<vmem>>
        %dma_wait3A_550 = arith.constant 0 : i32
        %dma_wait3A_551 = tpu.memref_slice %arg10[%rem3A_545, %dma_wait3A_550] : memref<2x128xi32, #tpu.memory_space<vmem>> -> memref<1x128xi32, #tpu.memory_space<vmem>>
        %dma_wait3A_552 = tpu.memref_squeeze %dma_wait3A_551 : memref<1x128xi32, #tpu.memory_space<vmem>> -> memref<128xi32, #tpu.memory_space<vmem>>
        %dma_wait3A_553 = arith.constant 0 : i32
        %dma_wait3A_554 = arith.constant 0 : i32
        %dma_wait3A_555 = tpu.memref_slice %arg3[%dma_wait3A_553, %dma_wait3A_554] : memref<20000x64xf32, #tpu.memory_space<hbm>> -> memref<20000x64xf32, #tpu.memory_space<hbm>>
        %dma_wait3A_556 = tpu.memref_slice %arg15[%rem3A_545] : memref<2x!tpu.dma_semaphore, #tpu.memory_space<semaphore_mem>> -> memref<1x!tpu.dma_semaphore, #tpu.memory_space<semaphore_mem>>
        %dma_wait3A_557 = tpu.memref_squeeze %dma_wait3A_556 : memref<1x!tpu.dma_semaphore, #tpu.memory_space<semaphore_mem>> -> memref<!tpu.dma_semaphore, #tpu.memory_space<semaphore_mem>>
        tpu.wait_indirect_dma semaphore(%dma_wait3A_557 : memref<!tpu.dma_semaphore, #tpu.memory_space<semaphore_mem>>) src(%dma_wait3A_555 : memref<20000x64xf32, #tpu.memory_space<hbm>>) dst(%dma_wait3A_549 : memref<128x64xf32, #tpu.memory_space<vmem>>)
        "tpu.region"() ({
          %run_scoped3A_558 = tpu.sem_alloc : memref<!tpu.dma_semaphore, #tpu.memory_space<semaphore_mem>>
          %dma_start3A_559 = arith.constant 0 : i32
          %dma_start3A_560 = arith.constant 0 : i32
          %dma_start3A_561 = tpu.memref_slice %arg11[%rem3A_545, %dma_start3A_559, %dma_start3A_560] : memref<2x128x64xf32, #tpu.memory_space<vmem>> -> memref<1x128x64xf32, #tpu.memory_space<vmem>>
          %dma_start3A_562 = tpu.memref_squeeze %dma_start3A_561 : memref<1x128x64xf32, #tpu.memory_space<vmem>> -> memref<128x64xf32, #tpu.memory_space<vmem>>
          %dma_start3A_563 = arith.constant 0 : i32
          %dma_start3A_564 = tpu.memref_slice %arg9[%rem3A_545, %dma_start3A_563] : memref<2x128xi32, #tpu.memory_space<vmem>> -> memref<1x128xi32, #tpu.memory_space<vmem>>
          %dma_start3A_565 = tpu.memref_squeeze %dma_start3A_564 : memref<1x128xi32, #tpu.memory_space<vmem>> -> memref<128xi32, #tpu.memory_space<vmem>>
          %dma_start3A_566 = arith.constant 0 : i32
          %dma_start3A_567 = arith.constant 0 : i32
          %dma_start3A_568 = tpu.memref_slice %arg16[%dma_start3A_566, %dma_start3A_567] : memref<10000x64xf32, #tpu.memory_space<vmem_shared>> -> memref<10000x64xf32, #tpu.memory_space<vmem_shared>>
          tpu.enqueue_indirect_dma source(%dma_start3A_562 : memref<128x64xf32, #tpu.memory_space<vmem>>) target(%dma_start3A_568 : memref<10000x64xf32, #tpu.memory_space<vmem_shared>>) offsets(%dma_start3A_565 : memref<128xi32, #tpu.memory_space<vmem>>) semaphore(%run_scoped3A_558 : memref<!tpu.dma_semaphore, #tpu.memory_space<semaphore_mem>>) {add = true}
          %dma_wait3A_569 = arith.constant 0 : i32
          %dma_wait3A_570 = arith.constant 0 : i32
          %dma_wait3A_571 = tpu.memref_slice %arg11[%rem3A_545, %dma_wait3A_569, %dma_wait3A_570] : memref<2x128x64xf32, #tpu.memory_space<vmem>> -> memref<1x128x64xf32, #tpu.memory_space<vmem>>
          %dma_wait3A_572 = tpu.memref_squeeze %dma_wait3A_571 : memref<1x128x64xf32, #tpu.memory_space<vmem>> -> memref<128x64xf32, #tpu.memory_space<vmem>>
          %dma_wait3A_573 = arith.constant 0 : i32
          %dma_wait3A_574 = tpu.memref_slice %arg9[%rem3A_545, %dma_wait3A_573] : memref<2x128xi32, #tpu.memory_space<vmem>> -> memref<1x128xi32, #tpu.memory_space<vmem>>
          %dma_wait3A_575 = tpu.memref_squeeze %dma_wait3A_574 : memref<1x128xi32, #tpu.memory_space<vmem>> -> memref<128xi32, #tpu.memory_space<vmem>>
          %dma_wait3A_576 = arith.constant 0 : i32
          %dma_wait3A_577 = arith.constant 0 : i32
          %dma_wait3A_578 = tpu.memref_slice %arg16[%dma_wait3A_576, %dma_wait3A_577] : memref<10000x64xf32, #tpu.memory_space<vmem_shared>> -> memref<10000x64xf32, #tpu.memory_space<vmem_shared>>
          tpu.wait_indirect_dma semaphore(%run_scoped3A_558 : memref<!tpu.dma_semaphore, #tpu.memory_space<semaphore_mem>>) src(%dma_wait3A_572 : memref<128x64xf32, #tpu.memory_space<vmem>>) dst(%dma_wait3A_578 : memref<10000x64xf32, #tpu.memory_space<vmem_shared>>)
          tpu.yield
        }) : () -> ()
      }
      %scan3A_238 = arith.constant 155 : i32
      %dma_wait3A = arith.constant 1 : i32
      %dma_wait3A_239 = arith.constant 1 : i32
      %dma_wait3A_240 = arith.constant 1 : i32
      %dma_wait3A_241 = arith.constant 0 : i32
      %dma_wait3A_242 = arith.constant 0 : i32
      %dma_wait3A_243 = tpu.memref_slice %arg11[%dma_wait3A_239, %dma_wait3A_241, %dma_wait3A_242] : memref<2x128x64xf32, #tpu.memory_space<vmem>> -> memref<1x128x64xf32, #tpu.memory_space<vmem>>
      %dma_wait3A_244 = tpu.memref_squeeze %dma_wait3A_243 : memref<1x128x64xf32, #tpu.memory_space<vmem>> -> memref<128x64xf32, #tpu.memory_space<vmem>>
      %dma_wait3A_245 = arith.constant 0 : i32
      %dma_wait3A_246 = tpu.memref_slice %arg10[%dma_wait3A, %dma_wait3A_245] : memref<2x128xi32, #tpu.memory_space<vmem>> -> memref<1x128xi32, #tpu.memory_space<vmem>>
      %dma_wait3A_247 = tpu.memref_squeeze %dma_wait3A_246 : memref<1x128xi32, #tpu.memory_space<vmem>> -> memref<128xi32, #tpu.memory_space<vmem>>
      %dma_wait3A_248 = arith.constant 0 : i32
      %dma_wait3A_249 = arith.constant 0 : i32
      %dma_wait3A_250 = tpu.memref_slice %arg3[%dma_wait3A_248, %dma_wait3A_249] : memref<20000x64xf32, #tpu.memory_space<hbm>> -> memref<20000x64xf32, #tpu.memory_space<hbm>>
      %dma_wait3A_251 = tpu.memref_slice %arg15[%dma_wait3A_240] : memref<2x!tpu.dma_semaphore, #tpu.memory_space<semaphore_mem>> -> memref<1x!tpu.dma_semaphore, #tpu.memory_space<semaphore_mem>>
      %dma_wait3A_252 = tpu.memref_squeeze %dma_wait3A_251 : memref<1x!tpu.dma_semaphore, #tpu.memory_space<semaphore_mem>> -> memref<!tpu.dma_semaphore, #tpu.memory_space<semaphore_mem>>
      tpu.wait_indirect_dma semaphore(%dma_wait3A_252 : memref<!tpu.dma_semaphore, #tpu.memory_space<semaphore_mem>>) src(%dma_wait3A_250 : memref<20000x64xf32, #tpu.memory_space<hbm>>) dst(%dma_wait3A_244 : memref<128x64xf32, #tpu.memory_space<vmem>>)
      %run_scoped3A = arith.constant 1 : i32
      %run_scoped3A_253 = arith.constant 1 : i32
      "tpu.region"() ({
        %run_scoped3A_312 = tpu.sem_alloc : memref<!tpu.dma_semaphore, #tpu.memory_space<semaphore_mem>>
        %dma_start3A_313 = arith.constant 0 : i32
        %dma_start3A_314 = arith.constant 0 : i32
        %dma_start3A_315 = tpu.memref_slice %arg11[%run_scoped3A, %dma_start3A_313, %dma_start3A_314] : memref<2x128x64xf32, #tpu.memory_space<vmem>> -> memref<1x128x64xf32, #tpu.memory_space<vmem>>
        %dma_start3A_316 = tpu.memref_squeeze %dma_start3A_315 : memref<1x128x64xf32, #tpu.memory_space<vmem>> -> memref<128x64xf32, #tpu.memory_space<vmem>>
        %dma_start3A_317 = arith.constant 0 : i32
        %dma_start3A_318 = tpu.memref_slice %arg9[%run_scoped3A_253, %dma_start3A_317] : memref<2x128xi32, #tpu.memory_space<vmem>> -> memref<1x128xi32, #tpu.memory_space<vmem>>
        %dma_start3A_319 = tpu.memref_squeeze %dma_start3A_318 : memref<1x128xi32, #tpu.memory_space<vmem>> -> memref<128xi32, #tpu.memory_space<vmem>>
        %dma_start3A_320 = arith.constant 0 : i32
        %dma_start3A_321 = arith.constant 0 : i32
        %dma_start3A_322 = tpu.memref_slice %arg16[%dma_start3A_320, %dma_start3A_321] : memref<10000x64xf32, #tpu.memory_space<vmem_shared>> -> memref<10000x64xf32, #tpu.memory_space<vmem_shared>>
        tpu.enqueue_indirect_dma source(%dma_start3A_316 : memref<128x64xf32, #tpu.memory_space<vmem>>) target(%dma_start3A_322 : memref<10000x64xf32, #tpu.memory_space<vmem_shared>>) offsets(%dma_start3A_319 : memref<128xi32, #tpu.memory_space<vmem>>) semaphore(%run_scoped3A_312 : memref<!tpu.dma_semaphore, #tpu.memory_space<semaphore_mem>>) {add = true}
        %dma_wait3A_323 = arith.constant 0 : i32
        %dma_wait3A_324 = arith.constant 0 : i32
        %dma_wait3A_325 = tpu.memref_slice %arg11[%run_scoped3A, %dma_wait3A_323, %dma_wait3A_324] : memref<2x128x64xf32, #tpu.memory_space<vmem>> -> memref<1x128x64xf32, #tpu.memory_space<vmem>>
        %dma_wait3A_326 = tpu.memref_squeeze %dma_wait3A_325 : memref<1x128x64xf32, #tpu.memory_space<vmem>> -> memref<128x64xf32, #tpu.memory_space<vmem>>
        %dma_wait3A_327 = arith.constant 0 : i32
        %dma_wait3A_328 = tpu.memref_slice %arg9[%run_scoped3A_253, %dma_wait3A_327] : memref<2x128xi32, #tpu.memory_space<vmem>> -> memref<1x128xi32, #tpu.memory_space<vmem>>
        %dma_wait3A_329 = tpu.memref_squeeze %dma_wait3A_328 : memref<1x128xi32, #tpu.memory_space<vmem>> -> memref<128xi32, #tpu.memory_space<vmem>>
        %dma_wait3A_330 = arith.constant 0 : i32
        %dma_wait3A_331 = arith.constant 0 : i32
        %dma_wait3A_332 = tpu.memref_slice %arg16[%dma_wait3A_330, %dma_wait3A_331] : memref<10000x64xf32, #tpu.memory_space<vmem_shared>> -> memref<10000x64xf32, #tpu.memory_space<vmem_shared>>
        tpu.wait_indirect_dma semaphore(%run_scoped3A_312 : memref<!tpu.dma_semaphore, #tpu.memory_space<semaphore_mem>>) src(%dma_wait3A_326 : memref<128x64xf32, #tpu.memory_space<vmem>>) dst(%dma_wait3A_332 : memref<10000x64xf32, #tpu.memory_space<vmem_shared>>)
        tpu.yield
      }) : () -> ()
      %get3A_254 = arith.constant 19968 : index
      %get3A_255 = tpu.vector_load %arg8[%get3A_254] {strides = array<i32>} : memref<20000xi32, #tpu.memory_space<vmem>>, vector<16xi32>,
      %get3A_256 = vector.shape_cast %get3A_255 : vector<16xi32> to vector<16xi32>
      %swap3A_257 = arith.constant 0 : index
      %swap3A_258 = tpu.vector_load %arg12[%swap3A_257] {strides = array<i32>} : memref<32xi32, #tpu.memory_space<vmem>>, vector<16xi32>,
      %swap3A_259 = vector.shape_cast %swap3A_258 : vector<16xi32> to vector<16xi32>
      %swap3A_260 = vector.shape_cast %get3A_256 : vector<16xi32> to vector<16xi32>
      tpu.vector_store %arg12[%swap3A_257], %swap3A_260 {strides = array<i32>} : memref<32xi32, #tpu.memory_space<vmem>>, vector<16xi32>,
      %get3A_261 = arith.constant 19968 : index
      %get3A_262 = tpu.vector_load %arg7[%get3A_261] {strides = array<i32>} : memref<20000xi32, #tpu.memory_space<vmem>>, vector<16xi32>,
      %get3A_263 = vector.shape_cast %get3A_262 : vector<16xi32> to vector<16xi32>
      %mul3A_264 = arith.constant 2 : i32
      %mul3A_265 = vector.broadcast %mul3A_264 : i32 to vector<16xi32>
      %mul3A_266 = arith.muli %get3A_263, %mul3A_265 : vector<16xi32>
      %swap3A_267 = arith.constant 0 : i32
      %swap3A_268 = arith.index_cast %swap3A_267 : i32 to index
      %swap3A_269 = arith.constant 0 : index
      %swap3A_270 = tpu.vector_load %arg10[%swap3A_268, %swap3A_269] {strides = array<i32>} : memref<2x128xi32, #tpu.memory_space<vmem>>, vector<1x16xi32>,
      %swap3A_271 = vector.shape_cast %swap3A_270 : vector<1x16xi32> to vector<16xi32>
      %swap3A_272 = vector.shape_cast %mul3A_266 : vector<16xi32> to vector<1x16xi32>
      tpu.vector_store %arg10[%swap3A_268, %swap3A_269], %swap3A_272 {strides = array<i32>} : memref<2x128xi32, #tpu.memory_space<vmem>>, vector<1x16xi32>,
      %get3A_273 = arith.constant 19984 : index
      %get3A_274 = tpu.vector_load %arg8[%get3A_273] {strides = array<i32>} : memref<20000xi32, #tpu.memory_space<vmem>>, vector<16xi32>,
      %get3A_275 = vector.shape_cast %get3A_274 : vector<16xi32> to vector<16xi32>
      %swap3A_276 = arith.constant 16 : index
      %swap3A_277 = tpu.vector_load %arg12[%swap3A_276] {strides = array<i32>} : memref<32xi32, #tpu.memory_space<vmem>>, vector<16xi32>,
      %swap3A_278 = vector.shape_cast %swap3A_277 : vector<16xi32> to vector<16xi32>
      %swap3A_279 = vector.shape_cast %get3A_275 : vector<16xi32> to vector<16xi32>
      tpu.vector_store %arg12[%swap3A_276], %swap3A_279 {strides = array<i32>} : memref<32xi32, #tpu.memory_space<vmem>>, vector<16xi32>,
      %get3A_280 = arith.constant 19984 : index
      %get3A_281 = tpu.vector_load %arg7[%get3A_280] {strides = array<i32>} : memref<20000xi32, #tpu.memory_space<vmem>>, vector<16xi32>,
      %get3A_282 = vector.shape_cast %get3A_281 : vector<16xi32> to vector<16xi32>
      %mul3A_283 = arith.constant 2 : i32
      %mul3A_284 = vector.broadcast %mul3A_283 : i32 to vector<16xi32>
      %mul3A_285 = arith.muli %get3A_282, %mul3A_284 : vector<16xi32>
      %swap3A_286 = arith.constant 0 : i32
      %swap3A_287 = arith.index_cast %swap3A_286 : i32 to index
      %swap3A_288 = arith.constant 16 : index
      %swap3A_289 = tpu.vector_load %arg10[%swap3A_287, %swap3A_288] {strides = array<i32>} : memref<2x128xi32, #tpu.memory_space<vmem>>, vector<1x16xi32>,
      %swap3A_290 = vector.shape_cast %swap3A_289 : vector<1x16xi32> to vector<16xi32>
      %swap3A_291 = vector.shape_cast %mul3A_285 : vector<16xi32> to vector<1x16xi32>
      tpu.vector_store %arg10[%swap3A_287, %swap3A_288], %swap3A_291 {strides = array<i32>} : memref<2x128xi32, #tpu.memory_space<vmem>>, vector<1x16xi32>,
      %dma_start3A_292 = arith.constant 0 : i32
      %dma_start3A_293 = arith.constant 0 : i32
      %dma_start3A_294 = arith.constant 0 : i32
      %dma_start3A_295 = tpu.memref_slice %arg10[%dma_start3A_292, %dma_start3A_294] : memref<2x128xi32, #tpu.memory_space<vmem>> -> memref<1x32xi32, #tpu.memory_space<vmem>>
      %dma_start3A_296 = tpu.memref_squeeze %dma_start3A_295 : memref<1x32xi32, #tpu.memory_space<vmem>> -> memref<32xi32, #tpu.memory_space<vmem>>
      %dma_start3A_297 = arith.constant 0 : i32
      %dma_start3A_298 = arith.constant 0 : i32
      %dma_start3A_299 = tpu.memref_slice %arg3[%dma_start3A_297, %dma_start3A_298] : memref<20000x64xf32, #tpu.memory_space<hbm>> -> memref<20000x64xf32, #tpu.memory_space<hbm>>
      %dma_start3A_300 = tpu.memref_slice %arg15[%dma_start3A_293] : memref<2x!tpu.dma_semaphore, #tpu.memory_space<semaphore_mem>> -> memref<1x!tpu.dma_semaphore, #tpu.memory_space<semaphore_mem>>
      %dma_start3A_301 = tpu.memref_squeeze %dma_start3A_300 : memref<1x!tpu.dma_semaphore, #tpu.memory_space<semaphore_mem>> -> memref<!tpu.dma_semaphore, #tpu.memory_space<semaphore_mem>>
      tpu.enqueue_indirect_dma source(%dma_start3A_299 : memref<20000x64xf32, #tpu.memory_space<hbm>>) target(%arg13 : memref<32x64xf32, #tpu.memory_space<vmem>>) offsets(%dma_start3A_296 : memref<32xi32, #tpu.memory_space<vmem>>) semaphore(%dma_start3A_301 : memref<!tpu.dma_semaphore, #tpu.memory_space<semaphore_mem>>)
      %dma_wait3A_302 = arith.constant 0 : i32
      %dma_wait3A_303 = arith.constant 0 : i32
      %dma_wait3A_304 = arith.constant 0 : i32
      %dma_wait3A_305 = tpu.memref_slice %arg10[%dma_wait3A_302, %dma_wait3A_304] : memref<2x128xi32, #tpu.memory_space<vmem>> -> memref<1x32xi32, #tpu.memory_space<vmem>>
      %dma_wait3A_306 = tpu.memref_squeeze %dma_wait3A_305 : memref<1x32xi32, #tpu.memory_space<vmem>> -> memref<32xi32, #tpu.memory_space<vmem>>
      %dma_wait3A_307 = arith.constant 0 : i32
      %dma_wait3A_308 = arith.constant 0 : i32
      %dma_wait3A_309 = tpu.memref_slice %arg3[%dma_wait3A_307, %dma_wait3A_308] : memref<20000x64xf32, #tpu.memory_space<hbm>> -> memref<20000x64xf32, #tpu.memory_space<hbm>>
      %dma_wait3A_310 = tpu.memref_slice %arg15[%dma_wait3A_303] : memref<2x!tpu.dma_semaphore, #tpu.memory_space<semaphore_mem>> -> memref<1x!tpu.dma_semaphore, #tpu.memory_space<semaphore_mem>>
      %dma_wait3A_311 = tpu.memref_squeeze %dma_wait3A_310 : memref<1x!tpu.dma_semaphore, #tpu.memory_space<semaphore_mem>> -> memref<!tpu.dma_semaphore, #tpu.memory_space<semaphore_mem>>
      tpu.wait_indirect_dma semaphore(%dma_wait3A_311 : memref<!tpu.dma_semaphore, #tpu.memory_space<semaphore_mem>>) src(%dma_wait3A_309 : memref<20000x64xf32, #tpu.memory_space<hbm>>) dst(%arg13 : memref<32x64xf32, #tpu.memory_space<vmem>>)
      "tpu.region"() ({
        %run_scoped3A_312 = tpu.sem_alloc : memref<!tpu.dma_semaphore, #tpu.memory_space<semaphore_mem>>
        %dma_start3A_313 = arith.constant 0 : i32
        %dma_start3A_314 = arith.constant 0 : i32
        %dma_start3A_315 = tpu.memref_slice %arg16[%dma_start3A_313, %dma_start3A_314] : memref<10000x64xf32, #tpu.memory_space<vmem_shared>> -> memref<10000x64xf32, #tpu.memory_space<vmem_shared>>
        tpu.enqueue_indirect_dma source(%arg13 : memref<32x64xf32, #tpu.memory_space<vmem>>) target(%dma_start3A_315 : memref<10000x64xf32, #tpu.memory_space<vmem_shared>>) offsets(%arg12 : memref<32xi32, #tpu.memory_space<vmem>>) semaphore(%run_scoped3A_312 : memref<!tpu.dma_semaphore, #tpu.memory_space<semaphore_mem>>) {add = true}
        %dma_wait3A_316 = arith.constant 0 : i32
        %dma_wait3A_317 = arith.constant 0 : i32
        %dma_wait3A_318 = tpu.memref_slice %arg16[%dma_wait3A_316, %dma_wait3A_317] : memref<10000x64xf32, #tpu.memory_space<vmem_shared>> -> memref<10000x64xf32, #tpu.memory_space<vmem_shared>>
        tpu.wait_indirect_dma semaphore(%run_scoped3A_312 : memref<!tpu.dma_semaphore, #tpu.memory_space<semaphore_mem>>) src(%arg13 : memref<32x64xf32, #tpu.memory_space<vmem>>) dst(%dma_wait3A_318 : memref<10000x64xf32, #tpu.memory_space<vmem_shared>>)
        tpu.yield
      }) : () -> ()
    } else {
    }
    %barrier3A_32 = arith.constant 0 : index
    tpu.barrier barrier_id(%barrier3A_32)
    %add3A_33 = arith.constant 0 : i32
    %add3A_34 = arith.addi %arg1, %add3A_33 : i32
    %lt3A_35 = arith.constant 25 : i32
    %lt3A_36 = arith.cmpi slt, %add3A_34, %lt3A_35 : i32
    %convert_element_type3A_37 = arith.extui %lt3A_36 : i1 to i32
    %cond3A_38 = arith.constant 0 : i32
    %cond3A_39 = arith.cmpi ne, %convert_element_type3A_37, %cond3A_38 : i32
    scf.if %cond3A_39 {
      %mul3A = arith.constant 400 : i32
      %mul3A_54 = arith.muli %add3A_34, %mul3A : i32
      "tpu.region"() ({
        %run_scoped3A = tpu.sem_alloc : memref<!tpu.dma_semaphore, #tpu.memory_space<semaphore_mem>>
        %dma_start3A = arith.constant 0 : i32
        %dma_start3A_57 = tpu.memref_slice %arg16[%mul3A_54, %dma_start3A] : memref<10000x64xf32, #tpu.memory_space<vmem_shared>> -> memref<400x64xf32, #tpu.memory_space<vmem_shared>>
        %dma_start3A_58 = arith.constant 0 : i32
        %dma_start3A_59 = tpu.memref_slice %arg16[%mul3A_54, %dma_start3A_58] : memref<10000x64xf32, #tpu.memory_space<vmem_shared>> -> memref<400x64xf32, #tpu.memory_space<vmem_shared>>
        tpu.enqueue_dma source(%dma_start3A_59 : memref<400x64xf32, #tpu.memory_space<vmem_shared>>) target(%arg14 : memref<400x64xf32, #tpu.memory_space<vmem>>) target_semaphore(%run_scoped3A : memref<!tpu.dma_semaphore, #tpu.memory_space<semaphore_mem>>)
        %dma_wait3A = arith.constant 0 : i32
        %dma_wait3A_60 = tpu.memref_slice %arg16[%mul3A_54, %dma_wait3A] : memref<10000x64xf32, #tpu.memory_space<vmem_shared>> -> memref<400x64xf32, #tpu.memory_space<vmem_shared>>
        %dma_wait3A_61 = arith.constant 0 : i32
        %dma_wait3A_62 = tpu.memref_slice %arg16[%mul3A_54, %dma_wait3A_61] : memref<10000x64xf32, #tpu.memory_space<vmem_shared>> -> memref<400x64xf32, #tpu.memory_space<vmem_shared>>
        tpu.wait_dma2 semaphore(%run_scoped3A : memref<!tpu.dma_semaphore, #tpu.memory_space<semaphore_mem>>) src(%dma_wait3A_62 : memref<400x64xf32, #tpu.memory_space<vmem_shared>>) dst(%arg14 : memref<400x64xf32, #tpu.memory_space<vmem>>)
        tpu.yield
      }) : () -> ()
      %mul3A_55 = arith.constant 400 : i32
      %mul3A_56 = arith.muli %add3A_34, %mul3A_55 : i32
      "tpu.region"() ({
        %run_scoped3A = tpu.sem_alloc : memref<!tpu.dma_semaphore, #tpu.memory_space<semaphore_mem>>
        %dma_start3A = arith.constant 0 : i32
        %dma_start3A_57 = tpu.memref_slice %arg6[%arg0, %mul3A_56, %dma_start3A] : memref<2x10000x128xf32, #tpu.memory_space<hbm>> -> memref<1x400x64xf32, #tpu.memory_space<hbm>>
        %dma_start3A_58 = tpu.memref_squeeze %dma_start3A_57 : memref<1x400x64xf32, #tpu.memory_space<hbm>> -> memref<400x64xf32, #tpu.memory_space<hbm>>
        %dma_start3A_59 = arith.constant 0 : i32
        %dma_start3A_60 = tpu.memref_slice %arg6[%arg0, %mul3A_56, %dma_start3A_59] : memref<2x10000x128xf32, #tpu.memory_space<hbm>> -> memref<1x400x64xf32, #tpu.memory_space<hbm>>
        %dma_start3A_61 = tpu.memref_squeeze %dma_start3A_60 : memref<1x400x64xf32, #tpu.memory_space<hbm>> -> memref<400x64xf32, #tpu.memory_space<hbm>>
        tpu.enqueue_dma source(%arg14 : memref<400x64xf32, #tpu.memory_space<vmem>>) target(%dma_start3A_61 : memref<400x64xf32, #tpu.memory_space<hbm>>) target_semaphore(%run_scoped3A : memref<!tpu.dma_semaphore, #tpu.memory_space<semaphore_mem>>)
        %dma_wait3A = arith.constant 0 : i32
        %dma_wait3A_62 = tpu.memref_slice %arg6[%arg0, %mul3A_56, %dma_wait3A] : memref<2x10000x128xf32, #tpu.memory_space<hbm>> -> memref<1x400x64xf32, #tpu.memory_space<hbm>>
        %dma_wait3A_63 = tpu.memref_squeeze %dma_wait3A_62 : memref<1x400x64xf32, #tpu.memory_space<hbm>> -> memref<400x64xf32, #tpu.memory_space<hbm>>
        %dma_wait3A_64 = arith.constant 0 : i32
        %dma_wait3A_65 = tpu.memref_slice %arg6[%arg0, %mul3A_56, %dma_wait3A_64] : memref<2x10000x128xf32, #tpu.memory_space<hbm>> -> memref<1x400x64xf32, #tpu.memory_space<hbm>>
        %dma_wait3A_66 = tpu.memref_squeeze %dma_wait3A_65 : memref<1x400x64xf32, #tpu.memory_space<hbm>> -> memref<400x64xf32, #tpu.memory_space<hbm>>
        tpu.wait_dma2 semaphore(%run_scoped3A : memref<!tpu.dma_semaphore, #tpu.memory_space<semaphore_mem>>) src(%arg14 : memref<400x64xf32, #tpu.memory_space<vmem>>) dst(%dma_wait3A_66 : memref<400x64xf32, #tpu.memory_space<hbm>>)
        tpu.yield
      }) : () -> ()
    } else {
    }
    %add3A_40 = arith.constant 16 : i32
    %add3A_41 = arith.addi %arg1, %add3A_40 : i32
    %lt3A_42 = arith.constant 25 : i32
    %lt3A_43 = arith.cmpi slt, %add3A_41, %lt3A_42 : i32
    %convert_element_type3A_44 = arith.extui %lt3A_43 : i1 to i32
    %cond3A_45 = arith.constant 0 : i32
    %cond3A_46 = arith.cmpi ne, %convert_element_type3A_44, %cond3A_45 : i32
    scf.if %cond3A_46 {
      %mul3A = arith.constant 400 : i32
      %mul3A_54 = arith.muli %add3A_41, %mul3A : i32
      "tpu.region"() ({
        %run_scoped3A = tpu.sem_alloc : memref<!tpu.dma_semaphore, #tpu.memory_space<semaphore_mem>>
        %dma_start3A = arith.constant 0 : i32
        %dma_start3A_57 = tpu.memref_slice %arg16[%mul3A_54, %dma_start3A] : memref<10000x64xf32, #tpu.memory_space<vmem_shared>> -> memref<400x64xf32, #tpu.memory_space<vmem_shared>>
        %dma_start3A_58 = arith.constant 0 : i32
        %dma_start3A_59 = tpu.memref_slice %arg16[%mul3A_54, %dma_start3A_58] : memref<10000x64xf32, #tpu.memory_space<vmem_shared>> -> memref<400x64xf32, #tpu.memory_space<vmem_shared>>
        tpu.enqueue_dma source(%dma_start3A_59 : memref<400x64xf32, #tpu.memory_space<vmem_shared>>) target(%arg14 : memref<400x64xf32, #tpu.memory_space<vmem>>) target_semaphore(%run_scoped3A : memref<!tpu.dma_semaphore, #tpu.memory_space<semaphore_mem>>)
        %dma_wait3A = arith.constant 0 : i32
        %dma_wait3A_60 = tpu.memref_slice %arg16[%mul3A_54, %dma_wait3A] : memref<10000x64xf32, #tpu.memory_space<vmem_shared>> -> memref<400x64xf32, #tpu.memory_space<vmem_shared>>
        %dma_wait3A_61 = arith.constant 0 : i32
        %dma_wait3A_62 = tpu.memref_slice %arg16[%mul3A_54, %dma_wait3A_61] : memref<10000x64xf32, #tpu.memory_space<vmem_shared>> -> memref<400x64xf32, #tpu.memory_space<vmem_shared>>
        tpu.wait_dma2 semaphore(%run_scoped3A : memref<!tpu.dma_semaphore, #tpu.memory_space<semaphore_mem>>) src(%dma_wait3A_62 : memref<400x64xf32, #tpu.memory_space<vmem_shared>>) dst(%arg14 : memref<400x64xf32, #tpu.memory_space<vmem>>)
        tpu.yield
      }) : () -> ()
      %mul3A_55 = arith.constant 400 : i32
      %mul3A_56 = arith.muli %add3A_41, %mul3A_55 : i32
      "tpu.region"() ({
        %run_scoped3A = tpu.sem_alloc : memref<!tpu.dma_semaphore, #tpu.memory_space<semaphore_mem>>
        %dma_start3A = arith.constant 0 : i32
        %dma_start3A_57 = tpu.memref_slice %arg6[%arg0, %mul3A_56, %dma_start3A] : memref<2x10000x128xf32, #tpu.memory_space<hbm>> -> memref<1x400x64xf32, #tpu.memory_space<hbm>>
        %dma_start3A_58 = tpu.memref_squeeze %dma_start3A_57 : memref<1x400x64xf32, #tpu.memory_space<hbm>> -> memref<400x64xf32, #tpu.memory_space<hbm>>
        %dma_start3A_59 = arith.constant 0 : i32
        %dma_start3A_60 = tpu.memref_slice %arg6[%arg0, %mul3A_56, %dma_start3A_59] : memref<2x10000x128xf32, #tpu.memory_space<hbm>> -> memref<1x400x64xf32, #tpu.memory_space<hbm>>
        %dma_start3A_61 = tpu.memref_squeeze %dma_start3A_60 : memref<1x400x64xf32, #tpu.memory_space<hbm>> -> memref<400x64xf32, #tpu.memory_space<hbm>>
        tpu.enqueue_dma source(%arg14 : memref<400x64xf32, #tpu.memory_space<vmem>>) target(%dma_start3A_61 : memref<400x64xf32, #tpu.memory_space<hbm>>) target_semaphore(%run_scoped3A : memref<!tpu.dma_semaphore, #tpu.memory_space<semaphore_mem>>)
        %dma_wait3A = arith.constant 0 : i32
        %dma_wait3A_62 = tpu.memref_slice %arg6[%arg0, %mul3A_56, %dma_wait3A] : memref<2x10000x128xf32, #tpu.memory_space<hbm>> -> memref<1x400x64xf32, #tpu.memory_space<hbm>>
        %dma_wait3A_63 = tpu.memref_squeeze %dma_wait3A_62 : memref<1x400x64xf32, #tpu.memory_space<hbm>> -> memref<400x64xf32, #tpu.memory_space<hbm>>
        %dma_wait3A_64 = arith.constant 0 : i32
        %dma_wait3A_65 = tpu.memref_slice %arg6[%arg0, %mul3A_56, %dma_wait3A_64] : memref<2x10000x128xf32, #tpu.memory_space<hbm>> -> memref<1x400x64xf32, #tpu.memory_space<hbm>>
        %dma_wait3A_66 = tpu.memref_squeeze %dma_wait3A_65 : memref<1x400x64xf32, #tpu.memory_space<hbm>> -> memref<400x64xf32, #tpu.memory_space<hbm>>
        tpu.wait_dma2 semaphore(%run_scoped3A : memref<!tpu.dma_semaphore, #tpu.memory_space<semaphore_mem>>) src(%arg14 : memref<400x64xf32, #tpu.memory_space<vmem>>) dst(%dma_wait3A_66 : memref<400x64xf32, #tpu.memory_space<hbm>>)
        tpu.yield
      }) : () -> ()
    } else {
    }
    %add3A_47 = arith.constant 32 : i32
    %add3A_48 = arith.addi %arg1, %add3A_47 : i32
    %lt3A_49 = arith.constant 25 : i32
    %lt3A_50 = arith.cmpi slt, %add3A_48, %lt3A_49 : i32
    %convert_element_type3A_51 = arith.extui %lt3A_50 : i1 to i32
    %cond3A_52 = arith.constant 0 : i32
    %cond3A_53 = arith.cmpi ne, %convert_element_type3A_51, %cond3A_52 : i32
    scf.if %cond3A_53 {
      %mul3A = arith.constant 400 : i32
      %mul3A_54 = arith.muli %add3A_48, %mul3A : i32
      "tpu.region"() ({
        %run_scoped3A = tpu.sem_alloc : memref<!tpu.dma_semaphore, #tpu.memory_space<semaphore_mem>>
        %dma_start3A = arith.constant 0 : i32
        %dma_start3A_57 = tpu.memref_slice %arg16[%mul3A_54, %dma_start3A] : memref<10000x64xf32, #tpu.memory_space<vmem_shared>> -> memref<400x64xf32, #tpu.memory_space<vmem_shared>>
        %dma_start3A_58 = arith.constant 0 : i32
        %dma_start3A_59 = tpu.memref_slice %arg16[%mul3A_54, %dma_start3A_58] : memref<10000x64xf32, #tpu.memory_space<vmem_shared>> -> memref<400x64xf32, #tpu.memory_space<vmem_shared>>
        tpu.enqueue_dma source(%dma_start3A_59 : memref<400x64xf32, #tpu.memory_space<vmem_shared>>) target(%arg14 : memref<400x64xf32, #tpu.memory_space<vmem>>) target_semaphore(%run_scoped3A : memref<!tpu.dma_semaphore, #tpu.memory_space<semaphore_mem>>)
        %dma_wait3A = arith.constant 0 : i32
        %dma_wait3A_60 = tpu.memref_slice %arg16[%mul3A_54, %dma_wait3A] : memref<10000x64xf32, #tpu.memory_space<vmem_shared>> -> memref<400x64xf32, #tpu.memory_space<vmem_shared>>
        %dma_wait3A_61 = arith.constant 0 : i32
        %dma_wait3A_62 = tpu.memref_slice %arg16[%mul3A_54, %dma_wait3A_61] : memref<10000x64xf32, #tpu.memory_space<vmem_shared>> -> memref<400x64xf32, #tpu.memory_space<vmem_shared>>
        tpu.wait_dma2 semaphore(%run_scoped3A : memref<!tpu.dma_semaphore, #tpu.memory_space<semaphore_mem>>) src(%dma_wait3A_62 : memref<400x64xf32, #tpu.memory_space<vmem_shared>>) dst(%arg14 : memref<400x64xf32, #tpu.memory_space<vmem>>)
        tpu.yield
      }) : () -> ()
      %mul3A_55 = arith.constant 400 : i32
      %mul3A_56 = arith.muli %add3A_48, %mul3A_55 : i32
      "tpu.region"() ({
        %run_scoped3A = tpu.sem_alloc : memref<!tpu.dma_semaphore, #tpu.memory_space<semaphore_mem>>
        %dma_start3A = arith.constant 0 : i32
        %dma_start3A_57 = tpu.memref_slice %arg6[%arg0, %mul3A_56, %dma_start3A] : memref<2x10000x128xf32, #tpu.memory_space<hbm>> -> memref<1x400x64xf32, #tpu.memory_space<hbm>>
        %dma_start3A_58 = tpu.memref_squeeze %dma_start3A_57 : memref<1x400x64xf32, #tpu.memory_space<hbm>> -> memref<400x64xf32, #tpu.memory_space<hbm>>
        %dma_start3A_59 = arith.constant 0 : i32
        %dma_start3A_60 = tpu.memref_slice %arg6[%arg0, %mul3A_56, %dma_start3A_59] : memref<2x10000x128xf32, #tpu.memory_space<hbm>> -> memref<1x400x64xf32, #tpu.memory_space<hbm>>
        %dma_start3A_61 = tpu.memref_squeeze %dma_start3A_60 : memref<1x400x64xf32, #tpu.memory_space<hbm>> -> memref<400x64xf32, #tpu.memory_space<hbm>>
        tpu.enqueue_dma source(%arg14 : memref<400x64xf32, #tpu.memory_space<vmem>>) target(%dma_start3A_61 : memref<400x64xf32, #tpu.memory_space<hbm>>) target_semaphore(%run_scoped3A : memref<!tpu.dma_semaphore, #tpu.memory_space<semaphore_mem>>)
        %dma_wait3A = arith.constant 0 : i32
        %dma_wait3A_62 = tpu.memref_slice %arg6[%arg0, %mul3A_56, %dma_wait3A] : memref<2x10000x128xf32, #tpu.memory_space<hbm>> -> memref<1x400x64xf32, #tpu.memory_space<hbm>>
        %dma_wait3A_63 = tpu.memref_squeeze %dma_wait3A_62 : memref<1x400x64xf32, #tpu.memory_space<hbm>> -> memref<400x64xf32, #tpu.memory_space<hbm>>
        %dma_wait3A_64 = arith.constant 0 : i32
        %dma_wait3A_65 = tpu.memref_slice %arg6[%arg0, %mul3A_56, %dma_wait3A_64] : memref<2x10000x128xf32, #tpu.memory_space<hbm>> -> memref<1x400x64xf32, #tpu.memory_space<hbm>>
        %dma_wait3A_66 = tpu.memref_squeeze %dma_wait3A_65 : memref<1x400x64xf32, #tpu.memory_space<hbm>> -> memref<400x64xf32, #tpu.memory_space<hbm>>
        tpu.wait_dma2 semaphore(%run_scoped3A : memref<!tpu.dma_semaphore, #tpu.memory_space<semaphore_mem>>) src(%arg14 : memref<400x64xf32, #tpu.memory_space<vmem>>) dst(%dma_wait3A_66 : memref<400x64xf32, #tpu.memory_space<hbm>>)
        tpu.yield
      }) : () -> ()
    } else {
    }
    return
  }
}

#map = affine_map<(d0, d1) -> (0, 0)>
#map1 = affine_map<(d0, d1) -> (0, 0, 0)>
module attributes {stable_mosaic.version = 14 : i64} {
  func.func @_sc_degree(%arg0: i32, %arg1: i32, %arg2: memref<32x10000xi32, #tpu.memory_space<hbm>>, %arg3: memref<2x625x16xf32, #tpu.memory_space<hbm>>, %arg4: memref<10000xi32, #tpu.memory_space<vmem>>, %arg5: memref<640x16xf32, #tpu.memory_space<vmem>>, %arg6: memref<5x128xi32, #tpu.memory_space<vmem>>, %arg7: memref<25x16xf32, #tpu.memory_space<vmem>>, %arg8: memref<626x16xf32, #tpu.memory_space<vmem_shared>>) attributes {dimension_semantics = [#tpu.dimension_semantics<core_parallel>, #tpu.dimension_semantics<subcore_parallel>], iteration_bounds = array<i64: 2, 16>, scalar_prefetch = 0 : i64, scratch_operands = 5 : i64, tpu.core_type = #tpu.core_type<sc_vector_subcore>, window_params = [{transform_indices = #map}, {transform_indices = #map1}]} {
    %mul3A = arith.constant 16 : i32
    %mul3A_0 = arith.muli %arg0, %mul3A : i32
    %add3A = arith.addi %mul3A_0, %arg1 : i32
    "tpu.region"() ({
      %run_scoped3A_441 = tpu.sem_alloc : memref<!tpu.dma_semaphore, #tpu.memory_space<semaphore_mem>>
      %dma_start3A = arith.constant 0 : i32
      %dma_start3A_442 = tpu.memref_slice %arg2[%add3A, %dma_start3A] : memref<32x10000xi32, #tpu.memory_space<hbm>> -> memref<1x10000xi32, #tpu.memory_space<hbm>>
      %dma_start3A_443 = tpu.memref_squeeze %dma_start3A_442 : memref<1x10000xi32, #tpu.memory_space<hbm>> -> memref<10000xi32, #tpu.memory_space<hbm>>
      %dma_start3A_444 = arith.constant 0 : i32
      %dma_start3A_445 = tpu.memref_slice %arg2[%add3A, %dma_start3A_444] : memref<32x10000xi32, #tpu.memory_space<hbm>> -> memref<1x10000xi32, #tpu.memory_space<hbm>>
      %dma_start3A_446 = tpu.memref_squeeze %dma_start3A_445 : memref<1x10000xi32, #tpu.memory_space<hbm>> -> memref<10000xi32, #tpu.memory_space<hbm>>
      tpu.enqueue_dma source(%dma_start3A_446 : memref<10000xi32, #tpu.memory_space<hbm>>) target(%arg4 : memref<10000xi32, #tpu.memory_space<vmem>>) target_semaphore(%run_scoped3A_441 : memref<!tpu.dma_semaphore, #tpu.memory_space<semaphore_mem>>)
      %dma_wait3A = arith.constant 0 : i32
      %dma_wait3A_447 = tpu.memref_slice %arg2[%add3A, %dma_wait3A] : memref<32x10000xi32, #tpu.memory_space<hbm>> -> memref<1x10000xi32, #tpu.memory_space<hbm>>
      %dma_wait3A_448 = tpu.memref_squeeze %dma_wait3A_447 : memref<1x10000xi32, #tpu.memory_space<hbm>> -> memref<10000xi32, #tpu.memory_space<hbm>>
      %dma_wait3A_449 = arith.constant 0 : i32
      %dma_wait3A_450 = tpu.memref_slice %arg2[%add3A, %dma_wait3A_449] : memref<32x10000xi32, #tpu.memory_space<hbm>> -> memref<1x10000xi32, #tpu.memory_space<hbm>>
      %dma_wait3A_451 = tpu.memref_squeeze %dma_wait3A_450 : memref<1x10000xi32, #tpu.memory_space<hbm>> -> memref<10000xi32, #tpu.memory_space<hbm>>
      tpu.wait_dma2 semaphore(%run_scoped3A_441 : memref<!tpu.dma_semaphore, #tpu.memory_space<semaphore_mem>>) src(%dma_wait3A_451 : memref<10000xi32, #tpu.memory_space<hbm>>) dst(%arg4 : memref<10000xi32, #tpu.memory_space<vmem>>)
      tpu.yield
    }) : () -> ()
    %broadcast_in_dim3A = arith.constant 1.000000e+00 : f32
    %broadcast_in_dim3A_1 = vector.broadcast %broadcast_in_dim3A : f32 to vector<16xf32>
    %broadcast_in_dim3A_2 = arith.constant 0.000000e+00 : f32
    %broadcast_in_dim3A_3 = vector.broadcast %broadcast_in_dim3A_2 : f32 to vector<16xf32>
    %iota3A = tpu.iota {dimensions = array<i32: 0>} : vector<16xi32>
    %scan3A = arith.constant 0 : i32
    %scan3A_4 = arith.constant 0 : i32
    %scan3A_5 = arith.constant 640 : i32
    %scan3A_6 = arith.addi %scan3A_4, %scan3A_5 : i32
    %scan3A_7 = arith.constant 1 : i32
    scf.for %scan3A_441 = %scan3A_4 to %scan3A_6 step %scan3A_7  : i32 {
      %swap3A_442 = arith.index_cast %scan3A_441 : i32 to index
      %swap3A_443 = arith.constant 0 : index
      %swap3A_444 = tpu.vector_load %arg5[%swap3A_442, %swap3A_443] {strides = array<i32>} : memref<640x16xf32, #tpu.memory_space<vmem>>, vector<16xf32>,
      tpu.vector_store %arg5[%swap3A_442, %swap3A_443], %broadcast_in_dim3A_3 {strides = array<i32>} : memref<640x16xf32, #tpu.memory_space<vmem>>, vector<16xf32>,
    }
    %scan3A_8 = arith.constant 640 : i32
    %eq3A = arith.constant 0 : i32
    %eq3A_9 = arith.cmpi eq, %arg1, %eq3A : i32
    %convert_element_type3A = arith.extui %eq3A_9 : i1 to i32
    %cond3A = arith.constant 0 : i32
    %cond3A_10 = arith.cmpi ne, %convert_element_type3A, %cond3A : i32
    scf.if %cond3A_10 {
      "tpu.region"() ({
        %run_scoped3A_441 = tpu.sem_alloc : memref<!tpu.dma_semaphore, #tpu.memory_space<semaphore_mem>>
        %dma_start3A = arith.constant 0 : i32
        %dma_start3A_442 = arith.constant 0 : i32
        %dma_start3A_443 = tpu.memref_slice %arg5[%dma_start3A, %dma_start3A_442] : memref<640x16xf32, #tpu.memory_space<vmem>> -> memref<626x16xf32, #tpu.memory_space<vmem>>
        %dma_start3A_444 = arith.constant 0 : i32
        %dma_start3A_445 = arith.constant 0 : i32
        %dma_start3A_446 = tpu.memref_slice %arg5[%dma_start3A_444, %dma_start3A_445] : memref<640x16xf32, #tpu.memory_space<vmem>> -> memref<626x16xf32, #tpu.memory_space<vmem>>
        tpu.enqueue_dma source(%dma_start3A_446 : memref<626x16xf32, #tpu.memory_space<vmem>>) target(%arg8 : memref<626x16xf32, #tpu.memory_space<vmem_shared>>) target_semaphore(%run_scoped3A_441 : memref<!tpu.dma_semaphore, #tpu.memory_space<semaphore_mem>>)
        %dma_wait3A = arith.constant 0 : i32
        %dma_wait3A_447 = arith.constant 0 : i32
        %dma_wait3A_448 = tpu.memref_slice %arg5[%dma_wait3A, %dma_wait3A_447] : memref<640x16xf32, #tpu.memory_space<vmem>> -> memref<626x16xf32, #tpu.memory_space<vmem>>
        %dma_wait3A_449 = arith.constant 0 : i32
        %dma_wait3A_450 = arith.constant 0 : i32
        %dma_wait3A_451 = tpu.memref_slice %arg5[%dma_wait3A_449, %dma_wait3A_450] : memref<640x16xf32, #tpu.memory_space<vmem>> -> memref<626x16xf32, #tpu.memory_space<vmem>>
        tpu.wait_dma2 semaphore(%run_scoped3A_441 : memref<!tpu.dma_semaphore, #tpu.memory_space<semaphore_mem>>) src(%dma_wait3A_451 : memref<626x16xf32, #tpu.memory_space<vmem>>) dst(%arg8 : memref<626x16xf32, #tpu.memory_space<vmem_shared>>)
        tpu.yield
      }) : () -> ()
    } else {
    }
    %add3A_11 = arith.constant 0 : i32
    %add3A_12 = vector.broadcast %add3A_11 : i32 to vector<16xi32>
    %add3A_13 = arith.addi %add3A_12, %iota3A : vector<16xi32>
    %min3A = arith.constant 625 : i32
    %min3A_14 = vector.broadcast %min3A : i32 to vector<16xi32>
    %min3A_15 = arith.minsi %add3A_13, %min3A_14 : vector<16xi32>
    %swap3A = arith.constant 0 : i32
    %swap3A_16 = arith.index_cast %swap3A : i32 to index
    %swap3A_17 = arith.constant 0 : index
    %swap3A_18 = tpu.vector_load %arg6[%swap3A_16, %swap3A_17] {strides = array<i32>} : memref<5x128xi32, #tpu.memory_space<vmem>>, vector<16xi32>,
    tpu.vector_store %arg6[%swap3A_16, %swap3A_17], %min3A_15 {strides = array<i32>} : memref<5x128xi32, #tpu.memory_space<vmem>>, vector<16xi32>,
    %add3A_19 = arith.constant 16 : i32
    %add3A_20 = vector.broadcast %add3A_19 : i32 to vector<16xi32>
    %add3A_21 = arith.addi %add3A_20, %iota3A : vector<16xi32>
    %min3A_22 = arith.constant 625 : i32
    %min3A_23 = vector.broadcast %min3A_22 : i32 to vector<16xi32>
    %min3A_24 = arith.minsi %add3A_21, %min3A_23 : vector<16xi32>
    %swap3A_25 = arith.constant 0 : i32
    %swap3A_26 = arith.index_cast %swap3A_25 : i32 to index
    %swap3A_27 = arith.constant 16 : index
    %swap3A_28 = tpu.vector_load %arg6[%swap3A_26, %swap3A_27] {strides = array<i32>} : memref<5x128xi32, #tpu.memory_space<vmem>>, vector<16xi32>,
    tpu.vector_store %arg6[%swap3A_26, %swap3A_27], %min3A_24 {strides = array<i32>} : memref<5x128xi32, #tpu.memory_space<vmem>>, vector<16xi32>,
    %add3A_29 = arith.constant 32 : i32
    %add3A_30 = vector.broadcast %add3A_29 : i32 to vector<16xi32>
    %add3A_31 = arith.addi %add3A_30, %iota3A : vector<16xi32>
    %min3A_32 = arith.constant 625 : i32
    %min3A_33 = vector.broadcast %min3A_32 : i32 to vector<16xi32>
    %min3A_34 = arith.minsi %add3A_31, %min3A_33 : vector<16xi32>
    %swap3A_35 = arith.constant 0 : i32
    %swap3A_36 = arith.index_cast %swap3A_35 : i32 to index
    %swap3A_37 = arith.constant 32 : index
    %swap3A_38 = tpu.vector_load %arg6[%swap3A_36, %swap3A_37] {strides = array<i32>} : memref<5x128xi32, #tpu.memory_space<vmem>>, vector<16xi32>,
    tpu.vector_store %arg6[%swap3A_36, %swap3A_37], %min3A_34 {strides = array<i32>} : memref<5x128xi32, #tpu.memory_space<vmem>>, vector<16xi32>,
    %add3A_39 = arith.constant 48 : i32
    %add3A_40 = vector.broadcast %add3A_39 : i32 to vector<16xi32>
    %add3A_41 = arith.addi %add3A_40, %iota3A : vector<16xi32>
    %min3A_42 = arith.constant 625 : i32
    %min3A_43 = vector.broadcast %min3A_42 : i32 to vector<16xi32>
    %min3A_44 = arith.minsi %add3A_41, %min3A_43 : vector<16xi32>
    %swap3A_45 = arith.constant 0 : i32
    %swap3A_46 = arith.index_cast %swap3A_45 : i32 to index
    %swap3A_47 = arith.constant 48 : index
    %swap3A_48 = tpu.vector_load %arg6[%swap3A_46, %swap3A_47] {strides = array<i32>} : memref<5x128xi32, #tpu.memory_space<vmem>>, vector<16xi32>,
    tpu.vector_store %arg6[%swap3A_46, %swap3A_47], %min3A_44 {strides = array<i32>} : memref<5x128xi32, #tpu.memory_space<vmem>>, vector<16xi32>,
    %add3A_49 = arith.constant 64 : i32
    %add3A_50 = vector.broadcast %add3A_49 : i32 to vector<16xi32>
    %add3A_51 = arith.addi %add3A_50, %iota3A : vector<16xi32>
    %min3A_52 = arith.constant 625 : i32
    %min3A_53 = vector.broadcast %min3A_52 : i32 to vector<16xi32>
    %min3A_54 = arith.minsi %add3A_51, %min3A_53 : vector<16xi32>
    %swap3A_55 = arith.constant 0 : i32
    %swap3A_56 = arith.index_cast %swap3A_55 : i32 to index
    %swap3A_57 = arith.constant 64 : index
    %swap3A_58 = tpu.vector_load %arg6[%swap3A_56, %swap3A_57] {strides = array<i32>} : memref<5x128xi32, #tpu.memory_space<vmem>>, vector<16xi32>,
    tpu.vector_store %arg6[%swap3A_56, %swap3A_57], %min3A_54 {strides = array<i32>} : memref<5x128xi32, #tpu.memory_space<vmem>>, vector<16xi32>,
    %add3A_59 = arith.constant 80 : i32
    %add3A_60 = vector.broadcast %add3A_59 : i32 to vector<16xi32>
    %add3A_61 = arith.addi %add3A_60, %iota3A : vector<16xi32>
    %min3A_62 = arith.constant 625 : i32
    %min3A_63 = vector.broadcast %min3A_62 : i32 to vector<16xi32>
    %min3A_64 = arith.minsi %add3A_61, %min3A_63 : vector<16xi32>
    %swap3A_65 = arith.constant 0 : i32
    %swap3A_66 = arith.index_cast %swap3A_65 : i32 to index
    %swap3A_67 = arith.constant 80 : index
    %swap3A_68 = tpu.vector_load %arg6[%swap3A_66, %swap3A_67] {strides = array<i32>} : memref<5x128xi32, #tpu.memory_space<vmem>>, vector<16xi32>,
    tpu.vector_store %arg6[%swap3A_66, %swap3A_67], %min3A_64 {strides = array<i32>} : memref<5x128xi32, #tpu.memory_space<vmem>>, vector<16xi32>,
    %add3A_69 = arith.constant 96 : i32
    %add3A_70 = vector.broadcast %add3A_69 : i32 to vector<16xi32>
    %add3A_71 = arith.addi %add3A_70, %iota3A : vector<16xi32>
    %min3A_72 = arith.constant 625 : i32
    %min3A_73 = vector.broadcast %min3A_72 : i32 to vector<16xi32>
    %min3A_74 = arith.minsi %add3A_71, %min3A_73 : vector<16xi32>
    %swap3A_75 = arith.constant 0 : i32
    %swap3A_76 = arith.index_cast %swap3A_75 : i32 to index
    %swap3A_77 = arith.constant 96 : index
    %swap3A_78 = tpu.vector_load %arg6[%swap3A_76, %swap3A_77] {strides = array<i32>} : memref<5x128xi32, #tpu.memory_space<vmem>>, vector<16xi32>,
    tpu.vector_store %arg6[%swap3A_76, %swap3A_77], %min3A_74 {strides = array<i32>} : memref<5x128xi32, #tpu.memory_space<vmem>>, vector<16xi32>,
    %add3A_79 = arith.constant 112 : i32
    %add3A_80 = vector.broadcast %add3A_79 : i32 to vector<16xi32>
    %add3A_81 = arith.addi %add3A_80, %iota3A : vector<16xi32>
    %min3A_82 = arith.constant 625 : i32
    %min3A_83 = vector.broadcast %min3A_82 : i32 to vector<16xi32>
    %min3A_84 = arith.minsi %add3A_81, %min3A_83 : vector<16xi32>
    %swap3A_85 = arith.constant 0 : i32
    %swap3A_86 = arith.index_cast %swap3A_85 : i32 to index
    %swap3A_87 = arith.constant 112 : index
    %swap3A_88 = tpu.vector_load %arg6[%swap3A_86, %swap3A_87] {strides = array<i32>} : memref<5x128xi32, #tpu.memory_space<vmem>>, vector<16xi32>,
    tpu.vector_store %arg6[%swap3A_86, %swap3A_87], %min3A_84 {strides = array<i32>} : memref<5x128xi32, #tpu.memory_space<vmem>>, vector<16xi32>,
    %add3A_89 = arith.constant 128 : i32
    %add3A_90 = vector.broadcast %add3A_89 : i32 to vector<16xi32>
    %add3A_91 = arith.addi %add3A_90, %iota3A : vector<16xi32>
    %min3A_92 = arith.constant 625 : i32
    %min3A_93 = vector.broadcast %min3A_92 : i32 to vector<16xi32>
    %min3A_94 = arith.minsi %add3A_91, %min3A_93 : vector<16xi32>
    %swap3A_95 = arith.constant 1 : i32
    %swap3A_96 = arith.index_cast %swap3A_95 : i32 to index
    %swap3A_97 = arith.constant 0 : index
    %swap3A_98 = tpu.vector_load %arg6[%swap3A_96, %swap3A_97] {strides = array<i32>} : memref<5x128xi32, #tpu.memory_space<vmem>>, vector<16xi32>,
    tpu.vector_store %arg6[%swap3A_96, %swap3A_97], %min3A_94 {strides = array<i32>} : memref<5x128xi32, #tpu.memory_space<vmem>>, vector<16xi32>,
    %add3A_99 = arith.constant 144 : i32
    %add3A_100 = vector.broadcast %add3A_99 : i32 to vector<16xi32>
    %add3A_101 = arith.addi %add3A_100, %iota3A : vector<16xi32>
    %min3A_102 = arith.constant 625 : i32
    %min3A_103 = vector.broadcast %min3A_102 : i32 to vector<16xi32>
    %min3A_104 = arith.minsi %add3A_101, %min3A_103 : vector<16xi32>
    %swap3A_105 = arith.constant 1 : i32
    %swap3A_106 = arith.index_cast %swap3A_105 : i32 to index
    %swap3A_107 = arith.constant 16 : index
    %swap3A_108 = tpu.vector_load %arg6[%swap3A_106, %swap3A_107] {strides = array<i32>} : memref<5x128xi32, #tpu.memory_space<vmem>>, vector<16xi32>,
    tpu.vector_store %arg6[%swap3A_106, %swap3A_107], %min3A_104 {strides = array<i32>} : memref<5x128xi32, #tpu.memory_space<vmem>>, vector<16xi32>,
    %add3A_109 = arith.constant 160 : i32
    %add3A_110 = vector.broadcast %add3A_109 : i32 to vector<16xi32>
    %add3A_111 = arith.addi %add3A_110, %iota3A : vector<16xi32>
    %min3A_112 = arith.constant 625 : i32
    %min3A_113 = vector.broadcast %min3A_112 : i32 to vector<16xi32>
    %min3A_114 = arith.minsi %add3A_111, %min3A_113 : vector<16xi32>
    %swap3A_115 = arith.constant 1 : i32
    %swap3A_116 = arith.index_cast %swap3A_115 : i32 to index
    %swap3A_117 = arith.constant 32 : index
    %swap3A_118 = tpu.vector_load %arg6[%swap3A_116, %swap3A_117] {strides = array<i32>} : memref<5x128xi32, #tpu.memory_space<vmem>>, vector<16xi32>,
    tpu.vector_store %arg6[%swap3A_116, %swap3A_117], %min3A_114 {strides = array<i32>} : memref<5x128xi32, #tpu.memory_space<vmem>>, vector<16xi32>,
    %add3A_119 = arith.constant 176 : i32
    %add3A_120 = vector.broadcast %add3A_119 : i32 to vector<16xi32>
    %add3A_121 = arith.addi %add3A_120, %iota3A : vector<16xi32>
    %min3A_122 = arith.constant 625 : i32
    %min3A_123 = vector.broadcast %min3A_122 : i32 to vector<16xi32>
    %min3A_124 = arith.minsi %add3A_121, %min3A_123 : vector<16xi32>
    %swap3A_125 = arith.constant 1 : i32
    %swap3A_126 = arith.index_cast %swap3A_125 : i32 to index
    %swap3A_127 = arith.constant 48 : index
    %swap3A_128 = tpu.vector_load %arg6[%swap3A_126, %swap3A_127] {strides = array<i32>} : memref<5x128xi32, #tpu.memory_space<vmem>>, vector<16xi32>,
    tpu.vector_store %arg6[%swap3A_126, %swap3A_127], %min3A_124 {strides = array<i32>} : memref<5x128xi32, #tpu.memory_space<vmem>>, vector<16xi32>,
    %add3A_129 = arith.constant 192 : i32
    %add3A_130 = vector.broadcast %add3A_129 : i32 to vector<16xi32>
    %add3A_131 = arith.addi %add3A_130, %iota3A : vector<16xi32>
    %min3A_132 = arith.constant 625 : i32
    %min3A_133 = vector.broadcast %min3A_132 : i32 to vector<16xi32>
    %min3A_134 = arith.minsi %add3A_131, %min3A_133 : vector<16xi32>
    %swap3A_135 = arith.constant 1 : i32
    %swap3A_136 = arith.index_cast %swap3A_135 : i32 to index
    %swap3A_137 = arith.constant 64 : index
    %swap3A_138 = tpu.vector_load %arg6[%swap3A_136, %swap3A_137] {strides = array<i32>} : memref<5x128xi32, #tpu.memory_space<vmem>>, vector<16xi32>,
    tpu.vector_store %arg6[%swap3A_136, %swap3A_137], %min3A_134 {strides = array<i32>} : memref<5x128xi32, #tpu.memory_space<vmem>>, vector<16xi32>,
    %add3A_139 = arith.constant 208 : i32
    %add3A_140 = vector.broadcast %add3A_139 : i32 to vector<16xi32>
    %add3A_141 = arith.addi %add3A_140, %iota3A : vector<16xi32>
    %min3A_142 = arith.constant 625 : i32
    %min3A_143 = vector.broadcast %min3A_142 : i32 to vector<16xi32>
    %min3A_144 = arith.minsi %add3A_141, %min3A_143 : vector<16xi32>
    %swap3A_145 = arith.constant 1 : i32
    %swap3A_146 = arith.index_cast %swap3A_145 : i32 to index
    %swap3A_147 = arith.constant 80 : index
    %swap3A_148 = tpu.vector_load %arg6[%swap3A_146, %swap3A_147] {strides = array<i32>} : memref<5x128xi32, #tpu.memory_space<vmem>>, vector<16xi32>,
    tpu.vector_store %arg6[%swap3A_146, %swap3A_147], %min3A_144 {strides = array<i32>} : memref<5x128xi32, #tpu.memory_space<vmem>>, vector<16xi32>,
    %add3A_149 = arith.constant 224 : i32
    %add3A_150 = vector.broadcast %add3A_149 : i32 to vector<16xi32>
    %add3A_151 = arith.addi %add3A_150, %iota3A : vector<16xi32>
    %min3A_152 = arith.constant 625 : i32
    %min3A_153 = vector.broadcast %min3A_152 : i32 to vector<16xi32>
    %min3A_154 = arith.minsi %add3A_151, %min3A_153 : vector<16xi32>
    %swap3A_155 = arith.constant 1 : i32
    %swap3A_156 = arith.index_cast %swap3A_155 : i32 to index
    %swap3A_157 = arith.constant 96 : index
    %swap3A_158 = tpu.vector_load %arg6[%swap3A_156, %swap3A_157] {strides = array<i32>} : memref<5x128xi32, #tpu.memory_space<vmem>>, vector<16xi32>,
    tpu.vector_store %arg6[%swap3A_156, %swap3A_157], %min3A_154 {strides = array<i32>} : memref<5x128xi32, #tpu.memory_space<vmem>>, vector<16xi32>,
    %add3A_159 = arith.constant 240 : i32
    %add3A_160 = vector.broadcast %add3A_159 : i32 to vector<16xi32>
    %add3A_161 = arith.addi %add3A_160, %iota3A : vector<16xi32>
    %min3A_162 = arith.constant 625 : i32
    %min3A_163 = vector.broadcast %min3A_162 : i32 to vector<16xi32>
    %min3A_164 = arith.minsi %add3A_161, %min3A_163 : vector<16xi32>
    %swap3A_165 = arith.constant 1 : i32
    %swap3A_166 = arith.index_cast %swap3A_165 : i32 to index
    %swap3A_167 = arith.constant 112 : index
    %swap3A_168 = tpu.vector_load %arg6[%swap3A_166, %swap3A_167] {strides = array<i32>} : memref<5x128xi32, #tpu.memory_space<vmem>>, vector<16xi32>,
    tpu.vector_store %arg6[%swap3A_166, %swap3A_167], %min3A_164 {strides = array<i32>} : memref<5x128xi32, #tpu.memory_space<vmem>>, vector<16xi32>,
    %add3A_169 = arith.constant 256 : i32
    %add3A_170 = vector.broadcast %add3A_169 : i32 to vector<16xi32>
    %add3A_171 = arith.addi %add3A_170, %iota3A : vector<16xi32>
    %min3A_172 = arith.constant 625 : i32
    %min3A_173 = vector.broadcast %min3A_172 : i32 to vector<16xi32>
    %min3A_174 = arith.minsi %add3A_171, %min3A_173 : vector<16xi32>
    %swap3A_175 = arith.constant 2 : i32
    %swap3A_176 = arith.index_cast %swap3A_175 : i32 to index
    %swap3A_177 = arith.constant 0 : index
    %swap3A_178 = tpu.vector_load %arg6[%swap3A_176, %swap3A_177] {strides = array<i32>} : memref<5x128xi32, #tpu.memory_space<vmem>>, vector<16xi32>,
    tpu.vector_store %arg6[%swap3A_176, %swap3A_177], %min3A_174 {strides = array<i32>} : memref<5x128xi32, #tpu.memory_space<vmem>>, vector<16xi32>,
    %add3A_179 = arith.constant 272 : i32
    %add3A_180 = vector.broadcast %add3A_179 : i32 to vector<16xi32>
    %add3A_181 = arith.addi %add3A_180, %iota3A : vector<16xi32>
    %min3A_182 = arith.constant 625 : i32
    %min3A_183 = vector.broadcast %min3A_182 : i32 to vector<16xi32>
    %min3A_184 = arith.minsi %add3A_181, %min3A_183 : vector<16xi32>
    %swap3A_185 = arith.constant 2 : i32
    %swap3A_186 = arith.index_cast %swap3A_185 : i32 to index
    %swap3A_187 = arith.constant 16 : index
    %swap3A_188 = tpu.vector_load %arg6[%swap3A_186, %swap3A_187] {strides = array<i32>} : memref<5x128xi32, #tpu.memory_space<vmem>>, vector<16xi32>,
    tpu.vector_store %arg6[%swap3A_186, %swap3A_187], %min3A_184 {strides = array<i32>} : memref<5x128xi32, #tpu.memory_space<vmem>>, vector<16xi32>,
    %add3A_189 = arith.constant 288 : i32
    %add3A_190 = vector.broadcast %add3A_189 : i32 to vector<16xi32>
    %add3A_191 = arith.addi %add3A_190, %iota3A : vector<16xi32>
    %min3A_192 = arith.constant 625 : i32
    %min3A_193 = vector.broadcast %min3A_192 : i32 to vector<16xi32>
    %min3A_194 = arith.minsi %add3A_191, %min3A_193 : vector<16xi32>
    %swap3A_195 = arith.constant 2 : i32
    %swap3A_196 = arith.index_cast %swap3A_195 : i32 to index
    %swap3A_197 = arith.constant 32 : index
    %swap3A_198 = tpu.vector_load %arg6[%swap3A_196, %swap3A_197] {strides = array<i32>} : memref<5x128xi32, #tpu.memory_space<vmem>>, vector<16xi32>,
    tpu.vector_store %arg6[%swap3A_196, %swap3A_197], %min3A_194 {strides = array<i32>} : memref<5x128xi32, #tpu.memory_space<vmem>>, vector<16xi32>,
    %add3A_199 = arith.constant 304 : i32
    %add3A_200 = vector.broadcast %add3A_199 : i32 to vector<16xi32>
    %add3A_201 = arith.addi %add3A_200, %iota3A : vector<16xi32>
    %min3A_202 = arith.constant 625 : i32
    %min3A_203 = vector.broadcast %min3A_202 : i32 to vector<16xi32>
    %min3A_204 = arith.minsi %add3A_201, %min3A_203 : vector<16xi32>
    %swap3A_205 = arith.constant 2 : i32
    %swap3A_206 = arith.index_cast %swap3A_205 : i32 to index
    %swap3A_207 = arith.constant 48 : index
    %swap3A_208 = tpu.vector_load %arg6[%swap3A_206, %swap3A_207] {strides = array<i32>} : memref<5x128xi32, #tpu.memory_space<vmem>>, vector<16xi32>,
    tpu.vector_store %arg6[%swap3A_206, %swap3A_207], %min3A_204 {strides = array<i32>} : memref<5x128xi32, #tpu.memory_space<vmem>>, vector<16xi32>,
    %add3A_209 = arith.constant 320 : i32
    %add3A_210 = vector.broadcast %add3A_209 : i32 to vector<16xi32>
    %add3A_211 = arith.addi %add3A_210, %iota3A : vector<16xi32>
    %min3A_212 = arith.constant 625 : i32
    %min3A_213 = vector.broadcast %min3A_212 : i32 to vector<16xi32>
    %min3A_214 = arith.minsi %add3A_211, %min3A_213 : vector<16xi32>
    %swap3A_215 = arith.constant 2 : i32
    %swap3A_216 = arith.index_cast %swap3A_215 : i32 to index
    %swap3A_217 = arith.constant 64 : index
    %swap3A_218 = tpu.vector_load %arg6[%swap3A_216, %swap3A_217] {strides = array<i32>} : memref<5x128xi32, #tpu.memory_space<vmem>>, vector<16xi32>,
    tpu.vector_store %arg6[%swap3A_216, %swap3A_217], %min3A_214 {strides = array<i32>} : memref<5x128xi32, #tpu.memory_space<vmem>>, vector<16xi32>,
    %add3A_219 = arith.constant 336 : i32
    %add3A_220 = vector.broadcast %add3A_219 : i32 to vector<16xi32>
    %add3A_221 = arith.addi %add3A_220, %iota3A : vector<16xi32>
    %min3A_222 = arith.constant 625 : i32
    %min3A_223 = vector.broadcast %min3A_222 : i32 to vector<16xi32>
    %min3A_224 = arith.minsi %add3A_221, %min3A_223 : vector<16xi32>
    %swap3A_225 = arith.constant 2 : i32
    %swap3A_226 = arith.index_cast %swap3A_225 : i32 to index
    %swap3A_227 = arith.constant 80 : index
    %swap3A_228 = tpu.vector_load %arg6[%swap3A_226, %swap3A_227] {strides = array<i32>} : memref<5x128xi32, #tpu.memory_space<vmem>>, vector<16xi32>,
    tpu.vector_store %arg6[%swap3A_226, %swap3A_227], %min3A_224 {strides = array<i32>} : memref<5x128xi32, #tpu.memory_space<vmem>>, vector<16xi32>,
    %add3A_229 = arith.constant 352 : i32
    %add3A_230 = vector.broadcast %add3A_229 : i32 to vector<16xi32>
    %add3A_231 = arith.addi %add3A_230, %iota3A : vector<16xi32>
    %min3A_232 = arith.constant 625 : i32
    %min3A_233 = vector.broadcast %min3A_232 : i32 to vector<16xi32>
    %min3A_234 = arith.minsi %add3A_231, %min3A_233 : vector<16xi32>
    %swap3A_235 = arith.constant 2 : i32
    %swap3A_236 = arith.index_cast %swap3A_235 : i32 to index
    %swap3A_237 = arith.constant 96 : index
    %swap3A_238 = tpu.vector_load %arg6[%swap3A_236, %swap3A_237] {strides = array<i32>} : memref<5x128xi32, #tpu.memory_space<vmem>>, vector<16xi32>,
    tpu.vector_store %arg6[%swap3A_236, %swap3A_237], %min3A_234 {strides = array<i32>} : memref<5x128xi32, #tpu.memory_space<vmem>>, vector<16xi32>,
    %add3A_239 = arith.constant 368 : i32
    %add3A_240 = vector.broadcast %add3A_239 : i32 to vector<16xi32>
    %add3A_241 = arith.addi %add3A_240, %iota3A : vector<16xi32>
    %min3A_242 = arith.constant 625 : i32
    %min3A_243 = vector.broadcast %min3A_242 : i32 to vector<16xi32>
    %min3A_244 = arith.minsi %add3A_241, %min3A_243 : vector<16xi32>
    %swap3A_245 = arith.constant 2 : i32
    %swap3A_246 = arith.index_cast %swap3A_245 : i32 to index
    %swap3A_247 = arith.constant 112 : index
    %swap3A_248 = tpu.vector_load %arg6[%swap3A_246, %swap3A_247] {strides = array<i32>} : memref<5x128xi32, #tpu.memory_space<vmem>>, vector<16xi32>,
    tpu.vector_store %arg6[%swap3A_246, %swap3A_247], %min3A_244 {strides = array<i32>} : memref<5x128xi32, #tpu.memory_space<vmem>>, vector<16xi32>,
    %add3A_249 = arith.constant 384 : i32
    %add3A_250 = vector.broadcast %add3A_249 : i32 to vector<16xi32>
    %add3A_251 = arith.addi %add3A_250, %iota3A : vector<16xi32>
    %min3A_252 = arith.constant 625 : i32
    %min3A_253 = vector.broadcast %min3A_252 : i32 to vector<16xi32>
    %min3A_254 = arith.minsi %add3A_251, %min3A_253 : vector<16xi32>
    %swap3A_255 = arith.constant 3 : i32
    %swap3A_256 = arith.index_cast %swap3A_255 : i32 to index
    %swap3A_257 = arith.constant 0 : index
    %swap3A_258 = tpu.vector_load %arg6[%swap3A_256, %swap3A_257] {strides = array<i32>} : memref<5x128xi32, #tpu.memory_space<vmem>>, vector<16xi32>,
    tpu.vector_store %arg6[%swap3A_256, %swap3A_257], %min3A_254 {strides = array<i32>} : memref<5x128xi32, #tpu.memory_space<vmem>>, vector<16xi32>,
    %add3A_259 = arith.constant 400 : i32
    %add3A_260 = vector.broadcast %add3A_259 : i32 to vector<16xi32>
    %add3A_261 = arith.addi %add3A_260, %iota3A : vector<16xi32>
    %min3A_262 = arith.constant 625 : i32
    %min3A_263 = vector.broadcast %min3A_262 : i32 to vector<16xi32>
    %min3A_264 = arith.minsi %add3A_261, %min3A_263 : vector<16xi32>
    %swap3A_265 = arith.constant 3 : i32
    %swap3A_266 = arith.index_cast %swap3A_265 : i32 to index
    %swap3A_267 = arith.constant 16 : index
    %swap3A_268 = tpu.vector_load %arg6[%swap3A_266, %swap3A_267] {strides = array<i32>} : memref<5x128xi32, #tpu.memory_space<vmem>>, vector<16xi32>,
    tpu.vector_store %arg6[%swap3A_266, %swap3A_267], %min3A_264 {strides = array<i32>} : memref<5x128xi32, #tpu.memory_space<vmem>>, vector<16xi32>,
    %add3A_269 = arith.constant 416 : i32
    %add3A_270 = vector.broadcast %add3A_269 : i32 to vector<16xi32>
    %add3A_271 = arith.addi %add3A_270, %iota3A : vector<16xi32>
    %min3A_272 = arith.constant 625 : i32
    %min3A_273 = vector.broadcast %min3A_272 : i32 to vector<16xi32>
    %min3A_274 = arith.minsi %add3A_271, %min3A_273 : vector<16xi32>
    %swap3A_275 = arith.constant 3 : i32
    %swap3A_276 = arith.index_cast %swap3A_275 : i32 to index
    %swap3A_277 = arith.constant 32 : index
    %swap3A_278 = tpu.vector_load %arg6[%swap3A_276, %swap3A_277] {strides = array<i32>} : memref<5x128xi32, #tpu.memory_space<vmem>>, vector<16xi32>,
    tpu.vector_store %arg6[%swap3A_276, %swap3A_277], %min3A_274 {strides = array<i32>} : memref<5x128xi32, #tpu.memory_space<vmem>>, vector<16xi32>,
    %add3A_279 = arith.constant 432 : i32
    %add3A_280 = vector.broadcast %add3A_279 : i32 to vector<16xi32>
    %add3A_281 = arith.addi %add3A_280, %iota3A : vector<16xi32>
    %min3A_282 = arith.constant 625 : i32
    %min3A_283 = vector.broadcast %min3A_282 : i32 to vector<16xi32>
    %min3A_284 = arith.minsi %add3A_281, %min3A_283 : vector<16xi32>
    %swap3A_285 = arith.constant 3 : i32
    %swap3A_286 = arith.index_cast %swap3A_285 : i32 to index
    %swap3A_287 = arith.constant 48 : index
    %swap3A_288 = tpu.vector_load %arg6[%swap3A_286, %swap3A_287] {strides = array<i32>} : memref<5x128xi32, #tpu.memory_space<vmem>>, vector<16xi32>,
    tpu.vector_store %arg6[%swap3A_286, %swap3A_287], %min3A_284 {strides = array<i32>} : memref<5x128xi32, #tpu.memory_space<vmem>>, vector<16xi32>,
    %add3A_289 = arith.constant 448 : i32
    %add3A_290 = vector.broadcast %add3A_289 : i32 to vector<16xi32>
    %add3A_291 = arith.addi %add3A_290, %iota3A : vector<16xi32>
    %min3A_292 = arith.constant 625 : i32
    %min3A_293 = vector.broadcast %min3A_292 : i32 to vector<16xi32>
    %min3A_294 = arith.minsi %add3A_291, %min3A_293 : vector<16xi32>
    %swap3A_295 = arith.constant 3 : i32
    %swap3A_296 = arith.index_cast %swap3A_295 : i32 to index
    %swap3A_297 = arith.constant 64 : index
    %swap3A_298 = tpu.vector_load %arg6[%swap3A_296, %swap3A_297] {strides = array<i32>} : memref<5x128xi32, #tpu.memory_space<vmem>>, vector<16xi32>,
    tpu.vector_store %arg6[%swap3A_296, %swap3A_297], %min3A_294 {strides = array<i32>} : memref<5x128xi32, #tpu.memory_space<vmem>>, vector<16xi32>,
    %add3A_299 = arith.constant 464 : i32
    %add3A_300 = vector.broadcast %add3A_299 : i32 to vector<16xi32>
    %add3A_301 = arith.addi %add3A_300, %iota3A : vector<16xi32>
    %min3A_302 = arith.constant 625 : i32
    %min3A_303 = vector.broadcast %min3A_302 : i32 to vector<16xi32>
    %min3A_304 = arith.minsi %add3A_301, %min3A_303 : vector<16xi32>
    %swap3A_305 = arith.constant 3 : i32
    %swap3A_306 = arith.index_cast %swap3A_305 : i32 to index
    %swap3A_307 = arith.constant 80 : index
    %swap3A_308 = tpu.vector_load %arg6[%swap3A_306, %swap3A_307] {strides = array<i32>} : memref<5x128xi32, #tpu.memory_space<vmem>>, vector<16xi32>,
    tpu.vector_store %arg6[%swap3A_306, %swap3A_307], %min3A_304 {strides = array<i32>} : memref<5x128xi32, #tpu.memory_space<vmem>>, vector<16xi32>,
    %add3A_309 = arith.constant 480 : i32
    %add3A_310 = vector.broadcast %add3A_309 : i32 to vector<16xi32>
    %add3A_311 = arith.addi %add3A_310, %iota3A : vector<16xi32>
    %min3A_312 = arith.constant 625 : i32
    %min3A_313 = vector.broadcast %min3A_312 : i32 to vector<16xi32>
    %min3A_314 = arith.minsi %add3A_311, %min3A_313 : vector<16xi32>
    %swap3A_315 = arith.constant 3 : i32
    %swap3A_316 = arith.index_cast %swap3A_315 : i32 to index
    %swap3A_317 = arith.constant 96 : index
    %swap3A_318 = tpu.vector_load %arg6[%swap3A_316, %swap3A_317] {strides = array<i32>} : memref<5x128xi32, #tpu.memory_space<vmem>>, vector<16xi32>,
    tpu.vector_store %arg6[%swap3A_316, %swap3A_317], %min3A_314 {strides = array<i32>} : memref<5x128xi32, #tpu.memory_space<vmem>>, vector<16xi32>,
    %add3A_319 = arith.constant 496 : i32
    %add3A_320 = vector.broadcast %add3A_319 : i32 to vector<16xi32>
    %add3A_321 = arith.addi %add3A_320, %iota3A : vector<16xi32>
    %min3A_322 = arith.constant 625 : i32
    %min3A_323 = vector.broadcast %min3A_322 : i32 to vector<16xi32>
    %min3A_324 = arith.minsi %add3A_321, %min3A_323 : vector<16xi32>
    %swap3A_325 = arith.constant 3 : i32
    %swap3A_326 = arith.index_cast %swap3A_325 : i32 to index
    %swap3A_327 = arith.constant 112 : index
    %swap3A_328 = tpu.vector_load %arg6[%swap3A_326, %swap3A_327] {strides = array<i32>} : memref<5x128xi32, #tpu.memory_space<vmem>>, vector<16xi32>,
    tpu.vector_store %arg6[%swap3A_326, %swap3A_327], %min3A_324 {strides = array<i32>} : memref<5x128xi32, #tpu.memory_space<vmem>>, vector<16xi32>,
    %add3A_329 = arith.constant 512 : i32
    %add3A_330 = vector.broadcast %add3A_329 : i32 to vector<16xi32>
    %add3A_331 = arith.addi %add3A_330, %iota3A : vector<16xi32>
    %min3A_332 = arith.constant 625 : i32
    %min3A_333 = vector.broadcast %min3A_332 : i32 to vector<16xi32>
    %min3A_334 = arith.minsi %add3A_331, %min3A_333 : vector<16xi32>
    %swap3A_335 = arith.constant 4 : i32
    %swap3A_336 = arith.index_cast %swap3A_335 : i32 to index
    %swap3A_337 = arith.constant 0 : index
    %swap3A_338 = tpu.vector_load %arg6[%swap3A_336, %swap3A_337] {strides = array<i32>} : memref<5x128xi32, #tpu.memory_space<vmem>>, vector<16xi32>,
    tpu.vector_store %arg6[%swap3A_336, %swap3A_337], %min3A_334 {strides = array<i32>} : memref<5x128xi32, #tpu.memory_space<vmem>>, vector<16xi32>,
    %add3A_339 = arith.constant 528 : i32
    %add3A_340 = vector.broadcast %add3A_339 : i32 to vector<16xi32>
    %add3A_341 = arith.addi %add3A_340, %iota3A : vector<16xi32>
    %min3A_342 = arith.constant 625 : i32
    %min3A_343 = vector.broadcast %min3A_342 : i32 to vector<16xi32>
    %min3A_344 = arith.minsi %add3A_341, %min3A_343 : vector<16xi32>
    %swap3A_345 = arith.constant 4 : i32
    %swap3A_346 = arith.index_cast %swap3A_345 : i32 to index
    %swap3A_347 = arith.constant 16 : index
    %swap3A_348 = tpu.vector_load %arg6[%swap3A_346, %swap3A_347] {strides = array<i32>} : memref<5x128xi32, #tpu.memory_space<vmem>>, vector<16xi32>,
    tpu.vector_store %arg6[%swap3A_346, %swap3A_347], %min3A_344 {strides = array<i32>} : memref<5x128xi32, #tpu.memory_space<vmem>>, vector<16xi32>,
    %add3A_349 = arith.constant 544 : i32
    %add3A_350 = vector.broadcast %add3A_349 : i32 to vector<16xi32>
    %add3A_351 = arith.addi %add3A_350, %iota3A : vector<16xi32>
    %min3A_352 = arith.constant 625 : i32
    %min3A_353 = vector.broadcast %min3A_352 : i32 to vector<16xi32>
    %min3A_354 = arith.minsi %add3A_351, %min3A_353 : vector<16xi32>
    %swap3A_355 = arith.constant 4 : i32
    %swap3A_356 = arith.index_cast %swap3A_355 : i32 to index
    %swap3A_357 = arith.constant 32 : index
    %swap3A_358 = tpu.vector_load %arg6[%swap3A_356, %swap3A_357] {strides = array<i32>} : memref<5x128xi32, #tpu.memory_space<vmem>>, vector<16xi32>,
    tpu.vector_store %arg6[%swap3A_356, %swap3A_357], %min3A_354 {strides = array<i32>} : memref<5x128xi32, #tpu.memory_space<vmem>>, vector<16xi32>,
    %add3A_359 = arith.constant 560 : i32
    %add3A_360 = vector.broadcast %add3A_359 : i32 to vector<16xi32>
    %add3A_361 = arith.addi %add3A_360, %iota3A : vector<16xi32>
    %min3A_362 = arith.constant 625 : i32
    %min3A_363 = vector.broadcast %min3A_362 : i32 to vector<16xi32>
    %min3A_364 = arith.minsi %add3A_361, %min3A_363 : vector<16xi32>
    %swap3A_365 = arith.constant 4 : i32
    %swap3A_366 = arith.index_cast %swap3A_365 : i32 to index
    %swap3A_367 = arith.constant 48 : index
    %swap3A_368 = tpu.vector_load %arg6[%swap3A_366, %swap3A_367] {strides = array<i32>} : memref<5x128xi32, #tpu.memory_space<vmem>>, vector<16xi32>,
    tpu.vector_store %arg6[%swap3A_366, %swap3A_367], %min3A_364 {strides = array<i32>} : memref<5x128xi32, #tpu.memory_space<vmem>>, vector<16xi32>,
    %add3A_369 = arith.constant 576 : i32
    %add3A_370 = vector.broadcast %add3A_369 : i32 to vector<16xi32>
    %add3A_371 = arith.addi %add3A_370, %iota3A : vector<16xi32>
    %min3A_372 = arith.constant 625 : i32
    %min3A_373 = vector.broadcast %min3A_372 : i32 to vector<16xi32>
    %min3A_374 = arith.minsi %add3A_371, %min3A_373 : vector<16xi32>
    %swap3A_375 = arith.constant 4 : i32
    %swap3A_376 = arith.index_cast %swap3A_375 : i32 to index
    %swap3A_377 = arith.constant 64 : index
    %swap3A_378 = tpu.vector_load %arg6[%swap3A_376, %swap3A_377] {strides = array<i32>} : memref<5x128xi32, #tpu.memory_space<vmem>>, vector<16xi32>,
    tpu.vector_store %arg6[%swap3A_376, %swap3A_377], %min3A_374 {strides = array<i32>} : memref<5x128xi32, #tpu.memory_space<vmem>>, vector<16xi32>,
    %add3A_379 = arith.constant 592 : i32
    %add3A_380 = vector.broadcast %add3A_379 : i32 to vector<16xi32>
    %add3A_381 = arith.addi %add3A_380, %iota3A : vector<16xi32>
    %min3A_382 = arith.constant 625 : i32
    %min3A_383 = vector.broadcast %min3A_382 : i32 to vector<16xi32>
    %min3A_384 = arith.minsi %add3A_381, %min3A_383 : vector<16xi32>
    %swap3A_385 = arith.constant 4 : i32
    %swap3A_386 = arith.index_cast %swap3A_385 : i32 to index
    %swap3A_387 = arith.constant 80 : index
    %swap3A_388 = tpu.vector_load %arg6[%swap3A_386, %swap3A_387] {strides = array<i32>} : memref<5x128xi32, #tpu.memory_space<vmem>>, vector<16xi32>,
    tpu.vector_store %arg6[%swap3A_386, %swap3A_387], %min3A_384 {strides = array<i32>} : memref<5x128xi32, #tpu.memory_space<vmem>>, vector<16xi32>,
    %add3A_389 = arith.constant 608 : i32
    %add3A_390 = vector.broadcast %add3A_389 : i32 to vector<16xi32>
    %add3A_391 = arith.addi %add3A_390, %iota3A : vector<16xi32>
    %min3A_392 = arith.constant 625 : i32
    %min3A_393 = vector.broadcast %min3A_392 : i32 to vector<16xi32>
    %min3A_394 = arith.minsi %add3A_391, %min3A_393 : vector<16xi32>
    %swap3A_395 = arith.constant 4 : i32
    %swap3A_396 = arith.index_cast %swap3A_395 : i32 to index
    %swap3A_397 = arith.constant 96 : index
    %swap3A_398 = tpu.vector_load %arg6[%swap3A_396, %swap3A_397] {strides = array<i32>} : memref<5x128xi32, #tpu.memory_space<vmem>>, vector<16xi32>,
    tpu.vector_store %arg6[%swap3A_396, %swap3A_397], %min3A_394 {strides = array<i32>} : memref<5x128xi32, #tpu.memory_space<vmem>>, vector<16xi32>,
    %add3A_399 = arith.constant 624 : i32
    %add3A_400 = vector.broadcast %add3A_399 : i32 to vector<16xi32>
    %add3A_401 = arith.addi %add3A_400, %iota3A : vector<16xi32>
    %min3A_402 = arith.constant 625 : i32
    %min3A_403 = vector.broadcast %min3A_402 : i32 to vector<16xi32>
    %min3A_404 = arith.minsi %add3A_401, %min3A_403 : vector<16xi32>
    %swap3A_405 = arith.constant 4 : i32
    %swap3A_406 = arith.index_cast %swap3A_405 : i32 to index
    %swap3A_407 = arith.constant 112 : index
    %swap3A_408 = tpu.vector_load %arg6[%swap3A_406, %swap3A_407] {strides = array<i32>} : memref<5x128xi32, #tpu.memory_space<vmem>>, vector<16xi32>,
    tpu.vector_store %arg6[%swap3A_406, %swap3A_407], %min3A_404 {strides = array<i32>} : memref<5x128xi32, #tpu.memory_space<vmem>>, vector<16xi32>,
    %barrier3A = arith.constant 0 : index
    tpu.barrier barrier_id(%barrier3A)
    %scan3A_409 = arith.constant 0 : i32
    %scan3A_410 = arith.constant 0 : i32
    %scan3A_411 = arith.constant 625 : i32
    %scan3A_412 = arith.addi %scan3A_410, %scan3A_411 : i32
    %scan3A_413 = arith.constant 1 : i32
    scf.for %scan3A_441 = %scan3A_410 to %scan3A_412 step %scan3A_413  : i32 {
      %mul3A_442 = arith.constant 16 : i32
      %mul3A_443 = arith.muli %scan3A_441, %mul3A_442 : i32
      %get3A = arith.index_cast %mul3A_443 : i32 to index
      %get3A_444 = tpu.vector_load %arg4[%get3A] {strides = array<i32>} : memref<10000xi32, #tpu.memory_space<vmem>>, vector<16xi32>,
      %shift_right_logical3A = arith.constant 4 : i32
      %shift_right_logical3A_445 = vector.broadcast %shift_right_logical3A : i32 to vector<16xi32>
      %shift_right_logical3A_446 = arith.shrui %get3A_444, %shift_right_logical3A_445 : vector<16xi32>
      %and3A = arith.constant 15 : i32
      %and3A_447 = vector.broadcast %and3A : i32 to vector<16xi32>
      %and3A_448 = arith.andi %get3A_444, %and3A_447 : vector<16xi32>
      tpu.vector_store_idx %arg5[%shift_right_logical3A_446, %and3A_448], %broadcast_in_dim3A_1 {add = true} : memref<640x16xf32, #tpu.memory_space<vmem>>[vector<16xi32>, vector<16xi32>], vector<16xf32>,
    }
    %scan3A_414 = arith.constant 625 : i32
    %barrier3A_415 = arith.constant 0 : index
    tpu.barrier barrier_id(%barrier3A_415)
    %run_scoped3A = arith.constant 0 : i32
    "tpu.region"() ({
      %run_scoped3A_441 = tpu.sem_alloc : memref<!tpu.dma_semaphore, #tpu.memory_space<semaphore_mem>>
      %dma_start3A = arith.constant 0 : i32
      %dma_start3A_442 = arith.constant 0 : i32
      %dma_start3A_443 = tpu.memref_slice %arg5[%dma_start3A, %dma_start3A_442] : memref<640x16xf32, #tpu.memory_space<vmem>> -> memref<128x16xf32, #tpu.memory_space<vmem>>
      %dma_start3A_444 = arith.constant 0 : i32
      %dma_start3A_445 = tpu.memref_slice %arg6[%run_scoped3A, %dma_start3A_444] : memref<5x128xi32, #tpu.memory_space<vmem>> -> memref<1x128xi32, #tpu.memory_space<vmem>>
      %dma_start3A_446 = tpu.memref_squeeze %dma_start3A_445 : memref<1x128xi32, #tpu.memory_space<vmem>> -> memref<128xi32, #tpu.memory_space<vmem>>
      %dma_start3A_447 = arith.constant 0 : i32
      %dma_start3A_448 = arith.constant 0 : i32
      %dma_start3A_449 = tpu.memref_slice %arg8[%dma_start3A_447, %dma_start3A_448] : memref<626x16xf32, #tpu.memory_space<vmem_shared>> -> memref<626x16xf32, #tpu.memory_space<vmem_shared>>
      tpu.enqueue_indirect_dma source(%dma_start3A_443 : memref<128x16xf32, #tpu.memory_space<vmem>>) target(%dma_start3A_449 : memref<626x16xf32, #tpu.memory_space<vmem_shared>>) offsets(%dma_start3A_446 : memref<128xi32, #tpu.memory_space<vmem>>) semaphore(%run_scoped3A_441 : memref<!tpu.dma_semaphore, #tpu.memory_space<semaphore_mem>>) {add = true}
      %dma_wait3A = arith.constant 0 : i32
      %dma_wait3A_450 = arith.constant 0 : i32
      %dma_wait3A_451 = tpu.memref_slice %arg5[%dma_wait3A, %dma_wait3A_450] : memref<640x16xf32, #tpu.memory_space<vmem>> -> memref<128x16xf32, #tpu.memory_space<vmem>>
      %dma_wait3A_452 = arith.constant 0 : i32
      %dma_wait3A_453 = tpu.memref_slice %arg6[%run_scoped3A, %dma_wait3A_452] : memref<5x128xi32, #tpu.memory_space<vmem>> -> memref<1x128xi32, #tpu.memory_space<vmem>>
      %dma_wait3A_454 = tpu.memref_squeeze %dma_wait3A_453 : memref<1x128xi32, #tpu.memory_space<vmem>> -> memref<128xi32, #tpu.memory_space<vmem>>
      %dma_wait3A_455 = arith.constant 0 : i32
      %dma_wait3A_456 = arith.constant 0 : i32
      %dma_wait3A_457 = tpu.memref_slice %arg8[%dma_wait3A_455, %dma_wait3A_456] : memref<626x16xf32, #tpu.memory_space<vmem_shared>> -> memref<626x16xf32, #tpu.memory_space<vmem_shared>>
      tpu.wait_indirect_dma semaphore(%run_scoped3A_441 : memref<!tpu.dma_semaphore, #tpu.memory_space<semaphore_mem>>) src(%dma_wait3A_451 : memref<128x16xf32, #tpu.memory_space<vmem>>) dst(%dma_wait3A_457 : memref<626x16xf32, #tpu.memory_space<vmem_shared>>)
      tpu.yield
    }) : () -> ()
    %run_scoped3A_416 = arith.constant 1 : i32
    "tpu.region"() ({
      %run_scoped3A_441 = tpu.sem_alloc : memref<!tpu.dma_semaphore, #tpu.memory_space<semaphore_mem>>
      %dma_start3A = arith.constant 128 : i32
      %dma_start3A_442 = arith.constant 0 : i32
      %dma_start3A_443 = tpu.memref_slice %arg5[%dma_start3A, %dma_start3A_442] : memref<640x16xf32, #tpu.memory_space<vmem>> -> memref<128x16xf32, #tpu.memory_space<vmem>>
      %dma_start3A_444 = arith.constant 0 : i32
      %dma_start3A_445 = tpu.memref_slice %arg6[%run_scoped3A_416, %dma_start3A_444] : memref<5x128xi32, #tpu.memory_space<vmem>> -> memref<1x128xi32, #tpu.memory_space<vmem>>
      %dma_start3A_446 = tpu.memref_squeeze %dma_start3A_445 : memref<1x128xi32, #tpu.memory_space<vmem>> -> memref<128xi32, #tpu.memory_space<vmem>>
      %dma_start3A_447 = arith.constant 0 : i32
      %dma_start3A_448 = arith.constant 0 : i32
      %dma_start3A_449 = tpu.memref_slice %arg8[%dma_start3A_447, %dma_start3A_448] : memref<626x16xf32, #tpu.memory_space<vmem_shared>> -> memref<626x16xf32, #tpu.memory_space<vmem_shared>>
      tpu.enqueue_indirect_dma source(%dma_start3A_443 : memref<128x16xf32, #tpu.memory_space<vmem>>) target(%dma_start3A_449 : memref<626x16xf32, #tpu.memory_space<vmem_shared>>) offsets(%dma_start3A_446 : memref<128xi32, #tpu.memory_space<vmem>>) semaphore(%run_scoped3A_441 : memref<!tpu.dma_semaphore, #tpu.memory_space<semaphore_mem>>) {add = true}
      %dma_wait3A = arith.constant 128 : i32
      %dma_wait3A_450 = arith.constant 0 : i32
      %dma_wait3A_451 = tpu.memref_slice %arg5[%dma_wait3A, %dma_wait3A_450] : memref<640x16xf32, #tpu.memory_space<vmem>> -> memref<128x16xf32, #tpu.memory_space<vmem>>
      %dma_wait3A_452 = arith.constant 0 : i32
      %dma_wait3A_453 = tpu.memref_slice %arg6[%run_scoped3A_416, %dma_wait3A_452] : memref<5x128xi32, #tpu.memory_space<vmem>> -> memref<1x128xi32, #tpu.memory_space<vmem>>
      %dma_wait3A_454 = tpu.memref_squeeze %dma_wait3A_453 : memref<1x128xi32, #tpu.memory_space<vmem>> -> memref<128xi32, #tpu.memory_space<vmem>>
      %dma_wait3A_455 = arith.constant 0 : i32
      %dma_wait3A_456 = arith.constant 0 : i32
      %dma_wait3A_457 = tpu.memref_slice %arg8[%dma_wait3A_455, %dma_wait3A_456] : memref<626x16xf32, #tpu.memory_space<vmem_shared>> -> memref<626x16xf32, #tpu.memory_space<vmem_shared>>
      tpu.wait_indirect_dma semaphore(%run_scoped3A_441 : memref<!tpu.dma_semaphore, #tpu.memory_space<semaphore_mem>>) src(%dma_wait3A_451 : memref<128x16xf32, #tpu.memory_space<vmem>>) dst(%dma_wait3A_457 : memref<626x16xf32, #tpu.memory_space<vmem_shared>>)
      tpu.yield
    }) : () -> ()
    %run_scoped3A_417 = arith.constant 2 : i32
    "tpu.region"() ({
      %run_scoped3A_441 = tpu.sem_alloc : memref<!tpu.dma_semaphore, #tpu.memory_space<semaphore_mem>>
      %dma_start3A = arith.constant 256 : i32
      %dma_start3A_442 = arith.constant 0 : i32
      %dma_start3A_443 = tpu.memref_slice %arg5[%dma_start3A, %dma_start3A_442] : memref<640x16xf32, #tpu.memory_space<vmem>> -> memref<128x16xf32, #tpu.memory_space<vmem>>
      %dma_start3A_444 = arith.constant 0 : i32
      %dma_start3A_445 = tpu.memref_slice %arg6[%run_scoped3A_417, %dma_start3A_444] : memref<5x128xi32, #tpu.memory_space<vmem>> -> memref<1x128xi32, #tpu.memory_space<vmem>>
      %dma_start3A_446 = tpu.memref_squeeze %dma_start3A_445 : memref<1x128xi32, #tpu.memory_space<vmem>> -> memref<128xi32, #tpu.memory_space<vmem>>
      %dma_start3A_447 = arith.constant 0 : i32
      %dma_start3A_448 = arith.constant 0 : i32
      %dma_start3A_449 = tpu.memref_slice %arg8[%dma_start3A_447, %dma_start3A_448] : memref<626x16xf32, #tpu.memory_space<vmem_shared>> -> memref<626x16xf32, #tpu.memory_space<vmem_shared>>
      tpu.enqueue_indirect_dma source(%dma_start3A_443 : memref<128x16xf32, #tpu.memory_space<vmem>>) target(%dma_start3A_449 : memref<626x16xf32, #tpu.memory_space<vmem_shared>>) offsets(%dma_start3A_446 : memref<128xi32, #tpu.memory_space<vmem>>) semaphore(%run_scoped3A_441 : memref<!tpu.dma_semaphore, #tpu.memory_space<semaphore_mem>>) {add = true}
      %dma_wait3A = arith.constant 256 : i32
      %dma_wait3A_450 = arith.constant 0 : i32
      %dma_wait3A_451 = tpu.memref_slice %arg5[%dma_wait3A, %dma_wait3A_450] : memref<640x16xf32, #tpu.memory_space<vmem>> -> memref<128x16xf32, #tpu.memory_space<vmem>>
      %dma_wait3A_452 = arith.constant 0 : i32
      %dma_wait3A_453 = tpu.memref_slice %arg6[%run_scoped3A_417, %dma_wait3A_452] : memref<5x128xi32, #tpu.memory_space<vmem>> -> memref<1x128xi32, #tpu.memory_space<vmem>>
      %dma_wait3A_454 = tpu.memref_squeeze %dma_wait3A_453 : memref<1x128xi32, #tpu.memory_space<vmem>> -> memref<128xi32, #tpu.memory_space<vmem>>
      %dma_wait3A_455 = arith.constant 0 : i32
      %dma_wait3A_456 = arith.constant 0 : i32
      %dma_wait3A_457 = tpu.memref_slice %arg8[%dma_wait3A_455, %dma_wait3A_456] : memref<626x16xf32, #tpu.memory_space<vmem_shared>> -> memref<626x16xf32, #tpu.memory_space<vmem_shared>>
      tpu.wait_indirect_dma semaphore(%run_scoped3A_441 : memref<!tpu.dma_semaphore, #tpu.memory_space<semaphore_mem>>) src(%dma_wait3A_451 : memref<128x16xf32, #tpu.memory_space<vmem>>) dst(%dma_wait3A_457 : memref<626x16xf32, #tpu.memory_space<vmem_shared>>)
      tpu.yield
    }) : () -> ()
    %run_scoped3A_418 = arith.constant 3 : i32
    "tpu.region"() ({
      %run_scoped3A_441 = tpu.sem_alloc : memref<!tpu.dma_semaphore, #tpu.memory_space<semaphore_mem>>
      %dma_start3A = arith.constant 384 : i32
      %dma_start3A_442 = arith.constant 0 : i32
      %dma_start3A_443 = tpu.memref_slice %arg5[%dma_start3A, %dma_start3A_442] : memref<640x16xf32, #tpu.memory_space<vmem>> -> memref<128x16xf32, #tpu.memory_space<vmem>>
      %dma_start3A_444 = arith.constant 0 : i32
      %dma_start3A_445 = tpu.memref_slice %arg6[%run_scoped3A_418, %dma_start3A_444] : memref<5x128xi32, #tpu.memory_space<vmem>> -> memref<1x128xi32, #tpu.memory_space<vmem>>
      %dma_start3A_446 = tpu.memref_squeeze %dma_start3A_445 : memref<1x128xi32, #tpu.memory_space<vmem>> -> memref<128xi32, #tpu.memory_space<vmem>>
      %dma_start3A_447 = arith.constant 0 : i32
      %dma_start3A_448 = arith.constant 0 : i32
      %dma_start3A_449 = tpu.memref_slice %arg8[%dma_start3A_447, %dma_start3A_448] : memref<626x16xf32, #tpu.memory_space<vmem_shared>> -> memref<626x16xf32, #tpu.memory_space<vmem_shared>>
      tpu.enqueue_indirect_dma source(%dma_start3A_443 : memref<128x16xf32, #tpu.memory_space<vmem>>) target(%dma_start3A_449 : memref<626x16xf32, #tpu.memory_space<vmem_shared>>) offsets(%dma_start3A_446 : memref<128xi32, #tpu.memory_space<vmem>>) semaphore(%run_scoped3A_441 : memref<!tpu.dma_semaphore, #tpu.memory_space<semaphore_mem>>) {add = true}
      %dma_wait3A = arith.constant 384 : i32
      %dma_wait3A_450 = arith.constant 0 : i32
      %dma_wait3A_451 = tpu.memref_slice %arg5[%dma_wait3A, %dma_wait3A_450] : memref<640x16xf32, #tpu.memory_space<vmem>> -> memref<128x16xf32, #tpu.memory_space<vmem>>
      %dma_wait3A_452 = arith.constant 0 : i32
      %dma_wait3A_453 = tpu.memref_slice %arg6[%run_scoped3A_418, %dma_wait3A_452] : memref<5x128xi32, #tpu.memory_space<vmem>> -> memref<1x128xi32, #tpu.memory_space<vmem>>
      %dma_wait3A_454 = tpu.memref_squeeze %dma_wait3A_453 : memref<1x128xi32, #tpu.memory_space<vmem>> -> memref<128xi32, #tpu.memory_space<vmem>>
      %dma_wait3A_455 = arith.constant 0 : i32
      %dma_wait3A_456 = arith.constant 0 : i32
      %dma_wait3A_457 = tpu.memref_slice %arg8[%dma_wait3A_455, %dma_wait3A_456] : memref<626x16xf32, #tpu.memory_space<vmem_shared>> -> memref<626x16xf32, #tpu.memory_space<vmem_shared>>
      tpu.wait_indirect_dma semaphore(%run_scoped3A_441 : memref<!tpu.dma_semaphore, #tpu.memory_space<semaphore_mem>>) src(%dma_wait3A_451 : memref<128x16xf32, #tpu.memory_space<vmem>>) dst(%dma_wait3A_457 : memref<626x16xf32, #tpu.memory_space<vmem_shared>>)
      tpu.yield
    }) : () -> ()
    %run_scoped3A_419 = arith.constant 4 : i32
    "tpu.region"() ({
      %run_scoped3A_441 = tpu.sem_alloc : memref<!tpu.dma_semaphore, #tpu.memory_space<semaphore_mem>>
      %dma_start3A = arith.constant 512 : i32
      %dma_start3A_442 = arith.constant 0 : i32
      %dma_start3A_443 = tpu.memref_slice %arg5[%dma_start3A, %dma_start3A_442] : memref<640x16xf32, #tpu.memory_space<vmem>> -> memref<128x16xf32, #tpu.memory_space<vmem>>
      %dma_start3A_444 = arith.constant 0 : i32
      %dma_start3A_445 = tpu.memref_slice %arg6[%run_scoped3A_419, %dma_start3A_444] : memref<5x128xi32, #tpu.memory_space<vmem>> -> memref<1x128xi32, #tpu.memory_space<vmem>>
      %dma_start3A_446 = tpu.memref_squeeze %dma_start3A_445 : memref<1x128xi32, #tpu.memory_space<vmem>> -> memref<128xi32, #tpu.memory_space<vmem>>
      %dma_start3A_447 = arith.constant 0 : i32
      %dma_start3A_448 = arith.constant 0 : i32
      %dma_start3A_449 = tpu.memref_slice %arg8[%dma_start3A_447, %dma_start3A_448] : memref<626x16xf32, #tpu.memory_space<vmem_shared>> -> memref<626x16xf32, #tpu.memory_space<vmem_shared>>
      tpu.enqueue_indirect_dma source(%dma_start3A_443 : memref<128x16xf32, #tpu.memory_space<vmem>>) target(%dma_start3A_449 : memref<626x16xf32, #tpu.memory_space<vmem_shared>>) offsets(%dma_start3A_446 : memref<128xi32, #tpu.memory_space<vmem>>) semaphore(%run_scoped3A_441 : memref<!tpu.dma_semaphore, #tpu.memory_space<semaphore_mem>>) {add = true}
      %dma_wait3A = arith.constant 512 : i32
      %dma_wait3A_450 = arith.constant 0 : i32
      %dma_wait3A_451 = tpu.memref_slice %arg5[%dma_wait3A, %dma_wait3A_450] : memref<640x16xf32, #tpu.memory_space<vmem>> -> memref<128x16xf32, #tpu.memory_space<vmem>>
      %dma_wait3A_452 = arith.constant 0 : i32
      %dma_wait3A_453 = tpu.memref_slice %arg6[%run_scoped3A_419, %dma_wait3A_452] : memref<5x128xi32, #tpu.memory_space<vmem>> -> memref<1x128xi32, #tpu.memory_space<vmem>>
      %dma_wait3A_454 = tpu.memref_squeeze %dma_wait3A_453 : memref<1x128xi32, #tpu.memory_space<vmem>> -> memref<128xi32, #tpu.memory_space<vmem>>
      %dma_wait3A_455 = arith.constant 0 : i32
      %dma_wait3A_456 = arith.constant 0 : i32
      %dma_wait3A_457 = tpu.memref_slice %arg8[%dma_wait3A_455, %dma_wait3A_456] : memref<626x16xf32, #tpu.memory_space<vmem_shared>> -> memref<626x16xf32, #tpu.memory_space<vmem_shared>>
      tpu.wait_indirect_dma semaphore(%run_scoped3A_441 : memref<!tpu.dma_semaphore, #tpu.memory_space<semaphore_mem>>) src(%dma_wait3A_451 : memref<128x16xf32, #tpu.memory_space<vmem>>) dst(%dma_wait3A_457 : memref<626x16xf32, #tpu.memory_space<vmem_shared>>)
      tpu.yield
    }) : () -> ()
    %barrier3A_420 = arith.constant 0 : index
    tpu.barrier barrier_id(%barrier3A_420)
    %add3A_421 = arith.constant 0 : i32
    %add3A_422 = arith.addi %arg1, %add3A_421 : i32
    %lt3A = arith.constant 25 : i32
    %lt3A_423 = arith.cmpi slt, %add3A_422, %lt3A : i32
    %convert_element_type3A_424 = arith.extui %lt3A_423 : i1 to i32
    %cond3A_425 = arith.constant 0 : i32
    %cond3A_426 = arith.cmpi ne, %convert_element_type3A_424, %cond3A_425 : i32
    scf.if %cond3A_426 {
      %mul3A_441 = arith.constant 25 : i32
      %mul3A_442 = arith.muli %add3A_422, %mul3A_441 : i32
      "tpu.region"() ({
        %run_scoped3A_445 = tpu.sem_alloc : memref<!tpu.dma_semaphore, #tpu.memory_space<semaphore_mem>>
        %dma_start3A = arith.constant 0 : i32
        %dma_start3A_446 = tpu.memref_slice %arg8[%mul3A_442, %dma_start3A] : memref<626x16xf32, #tpu.memory_space<vmem_shared>> -> memref<25x16xf32, #tpu.memory_space<vmem_shared>>
        %dma_start3A_447 = arith.constant 0 : i32
        %dma_start3A_448 = tpu.memref_slice %arg8[%mul3A_442, %dma_start3A_447] : memref<626x16xf32, #tpu.memory_space<vmem_shared>> -> memref<25x16xf32, #tpu.memory_space<vmem_shared>>
        tpu.enqueue_dma source(%dma_start3A_448 : memref<25x16xf32, #tpu.memory_space<vmem_shared>>) target(%arg7 : memref<25x16xf32, #tpu.memory_space<vmem>>) target_semaphore(%run_scoped3A_445 : memref<!tpu.dma_semaphore, #tpu.memory_space<semaphore_mem>>)
        %dma_wait3A = arith.constant 0 : i32
        %dma_wait3A_449 = tpu.memref_slice %arg8[%mul3A_442, %dma_wait3A] : memref<626x16xf32, #tpu.memory_space<vmem_shared>> -> memref<25x16xf32, #tpu.memory_space<vmem_shared>>
        %dma_wait3A_450 = arith.constant 0 : i32
        %dma_wait3A_451 = tpu.memref_slice %arg8[%mul3A_442, %dma_wait3A_450] : memref<626x16xf32, #tpu.memory_space<vmem_shared>> -> memref<25x16xf32, #tpu.memory_space<vmem_shared>>
        tpu.wait_dma2 semaphore(%run_scoped3A_445 : memref<!tpu.dma_semaphore, #tpu.memory_space<semaphore_mem>>) src(%dma_wait3A_451 : memref<25x16xf32, #tpu.memory_space<vmem_shared>>) dst(%arg7 : memref<25x16xf32, #tpu.memory_space<vmem>>)
        tpu.yield
      }) : () -> ()
      %mul3A_443 = arith.constant 25 : i32
      %mul3A_444 = arith.muli %add3A_422, %mul3A_443 : i32
      "tpu.region"() ({
        %run_scoped3A_445 = tpu.sem_alloc : memref<!tpu.dma_semaphore, #tpu.memory_space<semaphore_mem>>
        %dma_start3A = arith.constant 0 : i32
        %dma_start3A_446 = tpu.memref_slice %arg3[%arg0, %mul3A_444, %dma_start3A] : memref<2x625x16xf32, #tpu.memory_space<hbm>> -> memref<1x25x16xf32, #tpu.memory_space<hbm>>
        %dma_start3A_447 = tpu.memref_squeeze %dma_start3A_446 : memref<1x25x16xf32, #tpu.memory_space<hbm>> -> memref<25x16xf32, #tpu.memory_space<hbm>>
        %dma_start3A_448 = arith.constant 0 : i32
        %dma_start3A_449 = tpu.memref_slice %arg3[%arg0, %mul3A_444, %dma_start3A_448] : memref<2x625x16xf32, #tpu.memory_space<hbm>> -> memref<1x25x16xf32, #tpu.memory_space<hbm>>
        %dma_start3A_450 = tpu.memref_squeeze %dma_start3A_449 : memref<1x25x16xf32, #tpu.memory_space<hbm>> -> memref<25x16xf32, #tpu.memory_space<hbm>>
        tpu.enqueue_dma source(%arg7 : memref<25x16xf32, #tpu.memory_space<vmem>>) target(%dma_start3A_450 : memref<25x16xf32, #tpu.memory_space<hbm>>) target_semaphore(%run_scoped3A_445 : memref<!tpu.dma_semaphore, #tpu.memory_space<semaphore_mem>>)
        %dma_wait3A = arith.constant 0 : i32
        %dma_wait3A_451 = tpu.memref_slice %arg3[%arg0, %mul3A_444, %dma_wait3A] : memref<2x625x16xf32, #tpu.memory_space<hbm>> -> memref<1x25x16xf32, #tpu.memory_space<hbm>>
        %dma_wait3A_452 = tpu.memref_squeeze %dma_wait3A_451 : memref<1x25x16xf32, #tpu.memory_space<hbm>> -> memref<25x16xf32, #tpu.memory_space<hbm>>
        %dma_wait3A_453 = arith.constant 0 : i32
        %dma_wait3A_454 = tpu.memref_slice %arg3[%arg0, %mul3A_444, %dma_wait3A_453] : memref<2x625x16xf32, #tpu.memory_space<hbm>> -> memref<1x25x16xf32, #tpu.memory_space<hbm>>
        %dma_wait3A_455 = tpu.memref_squeeze %dma_wait3A_454 : memref<1x25x16xf32, #tpu.memory_space<hbm>> -> memref<25x16xf32, #tpu.memory_space<hbm>>
        tpu.wait_dma2 semaphore(%run_scoped3A_445 : memref<!tpu.dma_semaphore, #tpu.memory_space<semaphore_mem>>) src(%arg7 : memref<25x16xf32, #tpu.memory_space<vmem>>) dst(%dma_wait3A_455 : memref<25x16xf32, #tpu.memory_space<hbm>>)
        tpu.yield
      }) : () -> ()
    } else {
    }
    %add3A_427 = arith.constant 16 : i32
    %add3A_428 = arith.addi %arg1, %add3A_427 : i32
    %lt3A_429 = arith.constant 25 : i32
    %lt3A_430 = arith.cmpi slt, %add3A_428, %lt3A_429 : i32
    %convert_element_type3A_431 = arith.extui %lt3A_430 : i1 to i32
    %cond3A_432 = arith.constant 0 : i32
    %cond3A_433 = arith.cmpi ne, %convert_element_type3A_431, %cond3A_432 : i32
    scf.if %cond3A_433 {
      %mul3A_441 = arith.constant 25 : i32
      %mul3A_442 = arith.muli %add3A_428, %mul3A_441 : i32
      "tpu.region"() ({
        %run_scoped3A_445 = tpu.sem_alloc : memref<!tpu.dma_semaphore, #tpu.memory_space<semaphore_mem>>
        %dma_start3A = arith.constant 0 : i32
        %dma_start3A_446 = tpu.memref_slice %arg8[%mul3A_442, %dma_start3A] : memref<626x16xf32, #tpu.memory_space<vmem_shared>> -> memref<25x16xf32, #tpu.memory_space<vmem_shared>>
        %dma_start3A_447 = arith.constant 0 : i32
        %dma_start3A_448 = tpu.memref_slice %arg8[%mul3A_442, %dma_start3A_447] : memref<626x16xf32, #tpu.memory_space<vmem_shared>> -> memref<25x16xf32, #tpu.memory_space<vmem_shared>>
        tpu.enqueue_dma source(%dma_start3A_448 : memref<25x16xf32, #tpu.memory_space<vmem_shared>>) target(%arg7 : memref<25x16xf32, #tpu.memory_space<vmem>>) target_semaphore(%run_scoped3A_445 : memref<!tpu.dma_semaphore, #tpu.memory_space<semaphore_mem>>)
        %dma_wait3A = arith.constant 0 : i32
        %dma_wait3A_449 = tpu.memref_slice %arg8[%mul3A_442, %dma_wait3A] : memref<626x16xf32, #tpu.memory_space<vmem_shared>> -> memref<25x16xf32, #tpu.memory_space<vmem_shared>>
        %dma_wait3A_450 = arith.constant 0 : i32
        %dma_wait3A_451 = tpu.memref_slice %arg8[%mul3A_442, %dma_wait3A_450] : memref<626x16xf32, #tpu.memory_space<vmem_shared>> -> memref<25x16xf32, #tpu.memory_space<vmem_shared>>
        tpu.wait_dma2 semaphore(%run_scoped3A_445 : memref<!tpu.dma_semaphore, #tpu.memory_space<semaphore_mem>>) src(%dma_wait3A_451 : memref<25x16xf32, #tpu.memory_space<vmem_shared>>) dst(%arg7 : memref<25x16xf32, #tpu.memory_space<vmem>>)
        tpu.yield
      }) : () -> ()
      %mul3A_443 = arith.constant 25 : i32
      %mul3A_444 = arith.muli %add3A_428, %mul3A_443 : i32
      "tpu.region"() ({
        %run_scoped3A_445 = tpu.sem_alloc : memref<!tpu.dma_semaphore, #tpu.memory_space<semaphore_mem>>
        %dma_start3A = arith.constant 0 : i32
        %dma_start3A_446 = tpu.memref_slice %arg3[%arg0, %mul3A_444, %dma_start3A] : memref<2x625x16xf32, #tpu.memory_space<hbm>> -> memref<1x25x16xf32, #tpu.memory_space<hbm>>
        %dma_start3A_447 = tpu.memref_squeeze %dma_start3A_446 : memref<1x25x16xf32, #tpu.memory_space<hbm>> -> memref<25x16xf32, #tpu.memory_space<hbm>>
        %dma_start3A_448 = arith.constant 0 : i32
        %dma_start3A_449 = tpu.memref_slice %arg3[%arg0, %mul3A_444, %dma_start3A_448] : memref<2x625x16xf32, #tpu.memory_space<hbm>> -> memref<1x25x16xf32, #tpu.memory_space<hbm>>
        %dma_start3A_450 = tpu.memref_squeeze %dma_start3A_449 : memref<1x25x16xf32, #tpu.memory_space<hbm>> -> memref<25x16xf32, #tpu.memory_space<hbm>>
        tpu.enqueue_dma source(%arg7 : memref<25x16xf32, #tpu.memory_space<vmem>>) target(%dma_start3A_450 : memref<25x16xf32, #tpu.memory_space<hbm>>) target_semaphore(%run_scoped3A_445 : memref<!tpu.dma_semaphore, #tpu.memory_space<semaphore_mem>>)
        %dma_wait3A = arith.constant 0 : i32
        %dma_wait3A_451 = tpu.memref_slice %arg3[%arg0, %mul3A_444, %dma_wait3A] : memref<2x625x16xf32, #tpu.memory_space<hbm>> -> memref<1x25x16xf32, #tpu.memory_space<hbm>>
        %dma_wait3A_452 = tpu.memref_squeeze %dma_wait3A_451 : memref<1x25x16xf32, #tpu.memory_space<hbm>> -> memref<25x16xf32, #tpu.memory_space<hbm>>
        %dma_wait3A_453 = arith.constant 0 : i32
        %dma_wait3A_454 = tpu.memref_slice %arg3[%arg0, %mul3A_444, %dma_wait3A_453] : memref<2x625x16xf32, #tpu.memory_space<hbm>> -> memref<1x25x16xf32, #tpu.memory_space<hbm>>
        %dma_wait3A_455 = tpu.memref_squeeze %dma_wait3A_454 : memref<1x25x16xf32, #tpu.memory_space<hbm>> -> memref<25x16xf32, #tpu.memory_space<hbm>>
        tpu.wait_dma2 semaphore(%run_scoped3A_445 : memref<!tpu.dma_semaphore, #tpu.memory_space<semaphore_mem>>) src(%arg7 : memref<25x16xf32, #tpu.memory_space<vmem>>) dst(%dma_wait3A_455 : memref<25x16xf32, #tpu.memory_space<hbm>>)
        tpu.yield
      }) : () -> ()
    } else {
    }
    %add3A_434 = arith.constant 32 : i32
    %add3A_435 = arith.addi %arg1, %add3A_434 : i32
    %lt3A_436 = arith.constant 25 : i32
    %lt3A_437 = arith.cmpi slt, %add3A_435, %lt3A_436 : i32
    %convert_element_type3A_438 = arith.extui %lt3A_437 : i1 to i32
    %cond3A_439 = arith.constant 0 : i32
    %cond3A_440 = arith.cmpi ne, %convert_element_type3A_438, %cond3A_439 : i32
    scf.if %cond3A_440 {
      %mul3A_441 = arith.constant 25 : i32
      %mul3A_442 = arith.muli %add3A_435, %mul3A_441 : i32
      "tpu.region"() ({
        %run_scoped3A_445 = tpu.sem_alloc : memref<!tpu.dma_semaphore, #tpu.memory_space<semaphore_mem>>
        %dma_start3A = arith.constant 0 : i32
        %dma_start3A_446 = tpu.memref_slice %arg8[%mul3A_442, %dma_start3A] : memref<626x16xf32, #tpu.memory_space<vmem_shared>> -> memref<25x16xf32, #tpu.memory_space<vmem_shared>>
        %dma_start3A_447 = arith.constant 0 : i32
        %dma_start3A_448 = tpu.memref_slice %arg8[%mul3A_442, %dma_start3A_447] : memref<626x16xf32, #tpu.memory_space<vmem_shared>> -> memref<25x16xf32, #tpu.memory_space<vmem_shared>>
        tpu.enqueue_dma source(%dma_start3A_448 : memref<25x16xf32, #tpu.memory_space<vmem_shared>>) target(%arg7 : memref<25x16xf32, #tpu.memory_space<vmem>>) target_semaphore(%run_scoped3A_445 : memref<!tpu.dma_semaphore, #tpu.memory_space<semaphore_mem>>)
        %dma_wait3A = arith.constant 0 : i32
        %dma_wait3A_449 = tpu.memref_slice %arg8[%mul3A_442, %dma_wait3A] : memref<626x16xf32, #tpu.memory_space<vmem_shared>> -> memref<25x16xf32, #tpu.memory_space<vmem_shared>>
        %dma_wait3A_450 = arith.constant 0 : i32
        %dma_wait3A_451 = tpu.memref_slice %arg8[%mul3A_442, %dma_wait3A_450] : memref<626x16xf32, #tpu.memory_space<vmem_shared>> -> memref<25x16xf32, #tpu.memory_space<vmem_shared>>
        tpu.wait_dma2 semaphore(%run_scoped3A_445 : memref<!tpu.dma_semaphore, #tpu.memory_space<semaphore_mem>>) src(%dma_wait3A_451 : memref<25x16xf32, #tpu.memory_space<vmem_shared>>) dst(%arg7 : memref<25x16xf32, #tpu.memory_space<vmem>>)
        tpu.yield
      }) : () -> ()
      %mul3A_443 = arith.constant 25 : i32
      %mul3A_444 = arith.muli %add3A_435, %mul3A_443 : i32
      "tpu.region"() ({
        %run_scoped3A_445 = tpu.sem_alloc : memref<!tpu.dma_semaphore, #tpu.memory_space<semaphore_mem>>
        %dma_start3A = arith.constant 0 : i32
        %dma_start3A_446 = tpu.memref_slice %arg3[%arg0, %mul3A_444, %dma_start3A] : memref<2x625x16xf32, #tpu.memory_space<hbm>> -> memref<1x25x16xf32, #tpu.memory_space<hbm>>
        %dma_start3A_447 = tpu.memref_squeeze %dma_start3A_446 : memref<1x25x16xf32, #tpu.memory_space<hbm>> -> memref<25x16xf32, #tpu.memory_space<hbm>>
        %dma_start3A_448 = arith.constant 0 : i32
        %dma_start3A_449 = tpu.memref_slice %arg3[%arg0, %mul3A_444, %dma_start3A_448] : memref<2x625x16xf32, #tpu.memory_space<hbm>> -> memref<1x25x16xf32, #tpu.memory_space<hbm>>
        %dma_start3A_450 = tpu.memref_squeeze %dma_start3A_449 : memref<1x25x16xf32, #tpu.memory_space<hbm>> -> memref<25x16xf32, #tpu.memory_space<hbm>>
        tpu.enqueue_dma source(%arg7 : memref<25x16xf32, #tpu.memory_space<vmem>>) target(%dma_start3A_450 : memref<25x16xf32, #tpu.memory_space<hbm>>) target_semaphore(%run_scoped3A_445 : memref<!tpu.dma_semaphore, #tpu.memory_space<semaphore_mem>>)
        %dma_wait3A = arith.constant 0 : i32
        %dma_wait3A_451 = tpu.memref_slice %arg3[%arg0, %mul3A_444, %dma_wait3A] : memref<2x625x16xf32, #tpu.memory_space<hbm>> -> memref<1x25x16xf32, #tpu.memory_space<hbm>>
        %dma_wait3A_452 = tpu.memref_squeeze %dma_wait3A_451 : memref<1x25x16xf32, #tpu.memory_space<hbm>> -> memref<25x16xf32, #tpu.memory_space<hbm>>
        %dma_wait3A_453 = arith.constant 0 : i32
        %dma_wait3A_454 = tpu.memref_slice %arg3[%arg0, %mul3A_444, %dma_wait3A_453] : memref<2x625x16xf32, #tpu.memory_space<hbm>> -> memref<1x25x16xf32, #tpu.memory_space<hbm>>
        %dma_wait3A_455 = tpu.memref_squeeze %dma_wait3A_454 : memref<1x25x16xf32, #tpu.memory_space<hbm>> -> memref<25x16xf32, #tpu.memory_space<hbm>>
        tpu.wait_dma2 semaphore(%run_scoped3A_445 : memref<!tpu.dma_semaphore, #tpu.memory_space<semaphore_mem>>) src(%arg7 : memref<25x16xf32, #tpu.memory_space<vmem>>) dst(%dma_wait3A_455 : memref<25x16xf32, #tpu.memory_space<hbm>>)
        tpu.yield
      }) : () -> ()
    } else {
    }
    return
  }
}

#map = affine_map<(d0, d1) -> (0, 0)>
#map1 = affine_map<(d0, d1) -> (0, 0, 0)>
module attributes {stable_mosaic.version = 14 : i64} {
  func.func @_sc_pair(%arg0: i32, %arg1: i32, %arg2: memref<10000x128xf32, #tpu.memory_space<hbm>>, %arg3: memref<10000x128xf32, #tpu.memory_space<hbm>>, %arg4: memref<32x16x128xi32, #tpu.memory_space<hbm>>, %arg5: memref<32x16x128xi32, #tpu.memory_space<hbm>>, %arg6: memref<65536x128xf32, #tpu.memory_space<hbm>>, %arg7: memref<65536x128xf32, #tpu.memory_space<hbm>>, %arg8: memref<16x128xi32, #tpu.memory_space<vmem>>, %arg9: memref<16x128xi32, #tpu.memory_space<vmem>>, %arg10: memref<128x128xf32, #tpu.memory_space<vmem>>, %arg11: memref<128x128xf32, #tpu.memory_space<vmem>>, %arg12: memref<128x128xf32, #tpu.memory_space<vmem>>, %arg13: memref<128x128xf32, #tpu.memory_space<vmem>>, %arg14: memref<!tpu.dma_semaphore, #tpu.memory_space<semaphore_mem>>, %arg15: memref<!tpu.dma_semaphore, #tpu.memory_space<semaphore_mem>>) attributes {dimension_semantics = [#tpu.dimension_semantics<core_parallel>, #tpu.dimension_semantics<subcore_parallel>], iteration_bounds = array<i64: 2, 16>, scalar_prefetch = 0 : i64, scratch_operands = 8 : i64, tpu.core_type = #tpu.core_type<sc_vector_subcore>, window_params = [{transform_indices = #map}, {transform_indices = #map}, {transform_indices = #map1}, {transform_indices = #map1}, {transform_indices = #map}, {transform_indices = #map}]} {
    %mul3A = arith.constant 16 : i32
    %mul3A_0 = arith.muli %arg0, %mul3A : i32
    %add3A = arith.addi %mul3A_0, %arg1 : i32
    "tpu.region"() ({
      %run_scoped3A = tpu.sem_alloc : memref<!tpu.dma_semaphore, #tpu.memory_space<semaphore_mem>>
      %dma_start3A_35 = arith.constant 0 : i32
      %dma_start3A_36 = arith.constant 0 : i32
      %dma_start3A_37 = tpu.memref_slice %arg4[%add3A, %dma_start3A_35, %dma_start3A_36] : memref<32x16x128xi32, #tpu.memory_space<hbm>> -> memref<1x16x128xi32, #tpu.memory_space<hbm>>
      %dma_start3A_38 = tpu.memref_squeeze %dma_start3A_37 : memref<1x16x128xi32, #tpu.memory_space<hbm>> -> memref<16x128xi32, #tpu.memory_space<hbm>>
      %dma_start3A_39 = arith.constant 0 : i32
      %dma_start3A_40 = arith.constant 0 : i32
      %dma_start3A_41 = tpu.memref_slice %arg4[%add3A, %dma_start3A_39, %dma_start3A_40] : memref<32x16x128xi32, #tpu.memory_space<hbm>> -> memref<1x16x128xi32, #tpu.memory_space<hbm>>
      %dma_start3A_42 = tpu.memref_squeeze %dma_start3A_41 : memref<1x16x128xi32, #tpu.memory_space<hbm>> -> memref<16x128xi32, #tpu.memory_space<hbm>>
      tpu.enqueue_dma source(%dma_start3A_42 : memref<16x128xi32, #tpu.memory_space<hbm>>) target(%arg8 : memref<16x128xi32, #tpu.memory_space<vmem>>) target_semaphore(%run_scoped3A : memref<!tpu.dma_semaphore, #tpu.memory_space<semaphore_mem>>)
      %dma_wait3A = arith.constant 0 : i32
      %dma_wait3A_43 = arith.constant 0 : i32
      %dma_wait3A_44 = tpu.memref_slice %arg4[%add3A, %dma_wait3A, %dma_wait3A_43] : memref<32x16x128xi32, #tpu.memory_space<hbm>> -> memref<1x16x128xi32, #tpu.memory_space<hbm>>
      %dma_wait3A_45 = tpu.memref_squeeze %dma_wait3A_44 : memref<1x16x128xi32, #tpu.memory_space<hbm>> -> memref<16x128xi32, #tpu.memory_space<hbm>>
      %dma_wait3A_46 = arith.constant 0 : i32
      %dma_wait3A_47 = arith.constant 0 : i32
      %dma_wait3A_48 = tpu.memref_slice %arg4[%add3A, %dma_wait3A_46, %dma_wait3A_47] : memref<32x16x128xi32, #tpu.memory_space<hbm>> -> memref<1x16x128xi32, #tpu.memory_space<hbm>>
      %dma_wait3A_49 = tpu.memref_squeeze %dma_wait3A_48 : memref<1x16x128xi32, #tpu.memory_space<hbm>> -> memref<16x128xi32, #tpu.memory_space<hbm>>
      tpu.wait_dma2 semaphore(%run_scoped3A : memref<!tpu.dma_semaphore, #tpu.memory_space<semaphore_mem>>) src(%dma_wait3A_49 : memref<16x128xi32, #tpu.memory_space<hbm>>) dst(%arg8 : memref<16x128xi32, #tpu.memory_space<vmem>>)
      tpu.yield
    }) : () -> ()
    "tpu.region"() ({
      %run_scoped3A = tpu.sem_alloc : memref<!tpu.dma_semaphore, #tpu.memory_space<semaphore_mem>>
      %dma_start3A_35 = arith.constant 0 : i32
      %dma_start3A_36 = arith.constant 0 : i32
      %dma_start3A_37 = tpu.memref_slice %arg5[%add3A, %dma_start3A_35, %dma_start3A_36] : memref<32x16x128xi32, #tpu.memory_space<hbm>> -> memref<1x16x128xi32, #tpu.memory_space<hbm>>
      %dma_start3A_38 = tpu.memref_squeeze %dma_start3A_37 : memref<1x16x128xi32, #tpu.memory_space<hbm>> -> memref<16x128xi32, #tpu.memory_space<hbm>>
      %dma_start3A_39 = arith.constant 0 : i32
      %dma_start3A_40 = arith.constant 0 : i32
      %dma_start3A_41 = tpu.memref_slice %arg5[%add3A, %dma_start3A_39, %dma_start3A_40] : memref<32x16x128xi32, #tpu.memory_space<hbm>> -> memref<1x16x128xi32, #tpu.memory_space<hbm>>
      %dma_start3A_42 = tpu.memref_squeeze %dma_start3A_41 : memref<1x16x128xi32, #tpu.memory_space<hbm>> -> memref<16x128xi32, #tpu.memory_space<hbm>>
      tpu.enqueue_dma source(%dma_start3A_42 : memref<16x128xi32, #tpu.memory_space<hbm>>) target(%arg9 : memref<16x128xi32, #tpu.memory_space<vmem>>) target_semaphore(%run_scoped3A : memref<!tpu.dma_semaphore, #tpu.memory_space<semaphore_mem>>)
      %dma_wait3A = arith.constant 0 : i32
      %dma_wait3A_43 = arith.constant 0 : i32
      %dma_wait3A_44 = tpu.memref_slice %arg5[%add3A, %dma_wait3A, %dma_wait3A_43] : memref<32x16x128xi32, #tpu.memory_space<hbm>> -> memref<1x16x128xi32, #tpu.memory_space<hbm>>
      %dma_wait3A_45 = tpu.memref_squeeze %dma_wait3A_44 : memref<1x16x128xi32, #tpu.memory_space<hbm>> -> memref<16x128xi32, #tpu.memory_space<hbm>>
      %dma_wait3A_46 = arith.constant 0 : i32
      %dma_wait3A_47 = arith.constant 0 : i32
      %dma_wait3A_48 = tpu.memref_slice %arg5[%add3A, %dma_wait3A_46, %dma_wait3A_47] : memref<32x16x128xi32, #tpu.memory_space<hbm>> -> memref<1x16x128xi32, #tpu.memory_space<hbm>>
      %dma_wait3A_49 = tpu.memref_squeeze %dma_wait3A_48 : memref<1x16x128xi32, #tpu.memory_space<hbm>> -> memref<16x128xi32, #tpu.memory_space<hbm>>
      tpu.wait_dma2 semaphore(%run_scoped3A : memref<!tpu.dma_semaphore, #tpu.memory_space<semaphore_mem>>) src(%dma_wait3A_49 : memref<16x128xi32, #tpu.memory_space<hbm>>) dst(%arg9 : memref<16x128xi32, #tpu.memory_space<vmem>>)
      tpu.yield
    }) : () -> ()
    %mul3A_1 = arith.constant 2048 : i32
    %mul3A_2 = arith.muli %add3A, %mul3A_1 : i32
    %dma_start3A = arith.constant 0 : i32
    %dma_start3A_3 = arith.constant 0 : i32
    %dma_start3A_4 = tpu.memref_slice %arg8[%dma_start3A, %dma_start3A_3] : memref<16x128xi32, #tpu.memory_space<vmem>> -> memref<1x128xi32, #tpu.memory_space<vmem>>
    %dma_start3A_5 = tpu.memref_squeeze %dma_start3A_4 : memref<1x128xi32, #tpu.memory_space<vmem>> -> memref<128xi32, #tpu.memory_space<vmem>>
    %dma_start3A_6 = arith.constant 0 : i32
    %dma_start3A_7 = arith.constant 0 : i32
    %dma_start3A_8 = tpu.memref_slice %arg2[%dma_start3A_6, %dma_start3A_7] : memref<10000x128xf32, #tpu.memory_space<hbm>> -> memref<10000x128xf32, #tpu.memory_space<hbm>>
    tpu.enqueue_indirect_dma source(%dma_start3A_8 : memref<10000x128xf32, #tpu.memory_space<hbm>>) target(%arg10 : memref<128x128xf32, #tpu.memory_space<vmem>>) offsets(%dma_start3A_5 : memref<128xi32, #tpu.memory_space<vmem>>) semaphore(%arg14 : memref<!tpu.dma_semaphore, #tpu.memory_space<semaphore_mem>>)
    %dma_start3A_9 = arith.constant 0 : i32
    %dma_start3A_10 = arith.constant 0 : i32
    %dma_start3A_11 = tpu.memref_slice %arg9[%dma_start3A_9, %dma_start3A_10] : memref<16x128xi32, #tpu.memory_space<vmem>> -> memref<1x128xi32, #tpu.memory_space<vmem>>
    %dma_start3A_12 = tpu.memref_squeeze %dma_start3A_11 : memref<1x128xi32, #tpu.memory_space<vmem>> -> memref<128xi32, #tpu.memory_space<vmem>>
    %dma_start3A_13 = arith.constant 0 : i32
    %dma_start3A_14 = arith.constant 0 : i32
    %dma_start3A_15 = tpu.memref_slice %arg3[%dma_start3A_13, %dma_start3A_14] : memref<10000x128xf32, #tpu.memory_space<hbm>> -> memref<10000x128xf32, #tpu.memory_space<hbm>>
    tpu.enqueue_indirect_dma source(%dma_start3A_15 : memref<10000x128xf32, #tpu.memory_space<hbm>>) target(%arg11 : memref<128x128xf32, #tpu.memory_space<vmem>>) offsets(%dma_start3A_12 : memref<128xi32, #tpu.memory_space<vmem>>) semaphore(%arg14 : memref<!tpu.dma_semaphore, #tpu.memory_space<semaphore_mem>>)
    %dma_start3A_16 = arith.constant 1 : i32
    %dma_start3A_17 = arith.constant 0 : i32
    %dma_start3A_18 = tpu.memref_slice %arg8[%dma_start3A_16, %dma_start3A_17] : memref<16x128xi32, #tpu.memory_space<vmem>> -> memref<1x128xi32, #tpu.memory_space<vmem>>
    %dma_start3A_19 = tpu.memref_squeeze %dma_start3A_18 : memref<1x128xi32, #tpu.memory_space<vmem>> -> memref<128xi32, #tpu.memory_space<vmem>>
    %dma_start3A_20 = arith.constant 0 : i32
    %dma_start3A_21 = arith.constant 0 : i32
    %dma_start3A_22 = tpu.memref_slice %arg2[%dma_start3A_20, %dma_start3A_21] : memref<10000x128xf32, #tpu.memory_space<hbm>> -> memref<10000x128xf32, #tpu.memory_space<hbm>>
    tpu.enqueue_indirect_dma source(%dma_start3A_22 : memref<10000x128xf32, #tpu.memory_space<hbm>>) target(%arg12 : memref<128x128xf32, #tpu.memory_space<vmem>>) offsets(%dma_start3A_19 : memref<128xi32, #tpu.memory_space<vmem>>) semaphore(%arg15 : memref<!tpu.dma_semaphore, #tpu.memory_space<semaphore_mem>>)
    %dma_start3A_23 = arith.constant 1 : i32
    %dma_start3A_24 = arith.constant 0 : i32
    %dma_start3A_25 = tpu.memref_slice %arg9[%dma_start3A_23, %dma_start3A_24] : memref<16x128xi32, #tpu.memory_space<vmem>> -> memref<1x128xi32, #tpu.memory_space<vmem>>
    %dma_start3A_26 = tpu.memref_squeeze %dma_start3A_25 : memref<1x128xi32, #tpu.memory_space<vmem>> -> memref<128xi32, #tpu.memory_space<vmem>>
    %dma_start3A_27 = arith.constant 0 : i32
    %dma_start3A_28 = arith.constant 0 : i32
    %dma_start3A_29 = tpu.memref_slice %arg3[%dma_start3A_27, %dma_start3A_28] : memref<10000x128xf32, #tpu.memory_space<hbm>> -> memref<10000x128xf32, #tpu.memory_space<hbm>>
    tpu.enqueue_indirect_dma source(%dma_start3A_29 : memref<10000x128xf32, #tpu.memory_space<hbm>>) target(%arg13 : memref<128x128xf32, #tpu.memory_space<vmem>>) offsets(%dma_start3A_26 : memref<128xi32, #tpu.memory_space<vmem>>) semaphore(%arg15 : memref<!tpu.dma_semaphore, #tpu.memory_space<semaphore_mem>>)
    %scan3A = arith.constant 0 : i32
    %scan3A_30 = arith.constant 0 : i32
    %scan3A_31 = arith.constant 8 : i32
    %scan3A_32 = arith.addi %scan3A_30, %scan3A_31 : i32
    %scan3A_33 = arith.constant 1 : i32
    scf.for %scan3A_35 = %scan3A_30 to %scan3A_32 step %scan3A_33  : i32 {
      %mul3A_36 = arith.constant 2 : i32
      %mul3A_37 = arith.muli %mul3A_36, %scan3A_35 : i32
      %add3A_38 = arith.constant 1 : i32
      %add3A_39 = arith.addi %mul3A_37, %add3A_38 : i32
      %dma_wait3A = arith.constant 0 : i32
      %dma_wait3A_40 = tpu.memref_slice %arg8[%mul3A_37, %dma_wait3A] : memref<16x128xi32, #tpu.memory_space<vmem>> -> memref<1x128xi32, #tpu.memory_space<vmem>>
      %dma_wait3A_41 = tpu.memref_squeeze %dma_wait3A_40 : memref<1x128xi32, #tpu.memory_space<vmem>> -> memref<128xi32, #tpu.memory_space<vmem>>
      %dma_wait3A_42 = arith.constant 0 : i32
      %dma_wait3A_43 = arith.constant 0 : i32
      %dma_wait3A_44 = tpu.memref_slice %arg2[%dma_wait3A_42, %dma_wait3A_43] : memref<10000x128xf32, #tpu.memory_space<hbm>> -> memref<10000x128xf32, #tpu.memory_space<hbm>>
      tpu.wait_indirect_dma semaphore(%arg14 : memref<!tpu.dma_semaphore, #tpu.memory_space<semaphore_mem>>) src(%dma_wait3A_44 : memref<10000x128xf32, #tpu.memory_space<hbm>>) dst(%arg10 : memref<128x128xf32, #tpu.memory_space<vmem>>)
      %dma_wait3A_45 = arith.constant 0 : i32
      %dma_wait3A_46 = tpu.memref_slice %arg9[%mul3A_37, %dma_wait3A_45] : memref<16x128xi32, #tpu.memory_space<vmem>> -> memref<1x128xi32, #tpu.memory_space<vmem>>
      %dma_wait3A_47 = tpu.memref_squeeze %dma_wait3A_46 : memref<1x128xi32, #tpu.memory_space<vmem>> -> memref<128xi32, #tpu.memory_space<vmem>>
      %dma_wait3A_48 = arith.constant 0 : i32
      %dma_wait3A_49 = arith.constant 0 : i32
      %dma_wait3A_50 = tpu.memref_slice %arg3[%dma_wait3A_48, %dma_wait3A_49] : memref<10000x128xf32, #tpu.memory_space<hbm>> -> memref<10000x128xf32, #tpu.memory_space<hbm>>
      tpu.wait_indirect_dma semaphore(%arg14 : memref<!tpu.dma_semaphore, #tpu.memory_space<semaphore_mem>>) src(%dma_wait3A_50 : memref<10000x128xf32, #tpu.memory_space<hbm>>) dst(%arg11 : memref<128x128xf32, #tpu.memory_space<vmem>>)
      %mul3A_51 = arith.constant 128 : i32
      %mul3A_52 = arith.muli %mul3A_37, %mul3A_51 : i32
      %add3A_53 = arith.addi %mul3A_2, %mul3A_52 : i32
      "tpu.region"() ({
        %run_scoped3A = tpu.sem_alloc : memref<!tpu.dma_semaphore, #tpu.memory_space<semaphore_mem>>
        %dma_start3A_86 = arith.constant 0 : i32
        %dma_start3A_87 = tpu.memref_slice %arg6[%add3A_53, %dma_start3A_86] : memref<65536x128xf32, #tpu.memory_space<hbm>> -> memref<128x128xf32, #tpu.memory_space<hbm>>
        %dma_start3A_88 = arith.constant 0 : i32
        %dma_start3A_89 = tpu.memref_slice %arg6[%add3A_53, %dma_start3A_88] : memref<65536x128xf32, #tpu.memory_space<hbm>> -> memref<128x128xf32, #tpu.memory_space<hbm>>
        tpu.enqueue_dma source(%arg10 : memref<128x128xf32, #tpu.memory_space<vmem>>) target(%dma_start3A_89 : memref<128x128xf32, #tpu.memory_space<hbm>>) target_semaphore(%run_scoped3A : memref<!tpu.dma_semaphore, #tpu.memory_space<semaphore_mem>>)
        %dma_wait3A_90 = arith.constant 0 : i32
        %dma_wait3A_91 = tpu.memref_slice %arg6[%add3A_53, %dma_wait3A_90] : memref<65536x128xf32, #tpu.memory_space<hbm>> -> memref<128x128xf32, #tpu.memory_space<hbm>>
        %dma_wait3A_92 = arith.constant 0 : i32
        %dma_wait3A_93 = tpu.memref_slice %arg6[%add3A_53, %dma_wait3A_92] : memref<65536x128xf32, #tpu.memory_space<hbm>> -> memref<128x128xf32, #tpu.memory_space<hbm>>
        tpu.wait_dma2 semaphore(%run_scoped3A : memref<!tpu.dma_semaphore, #tpu.memory_space<semaphore_mem>>) src(%arg10 : memref<128x128xf32, #tpu.memory_space<vmem>>) dst(%dma_wait3A_93 : memref<128x128xf32, #tpu.memory_space<hbm>>)
        tpu.yield
      }) : () -> ()
      %mul3A_54 = arith.constant 128 : i32
      %mul3A_55 = arith.muli %mul3A_37, %mul3A_54 : i32
      %add3A_56 = arith.addi %mul3A_2, %mul3A_55 : i32
      "tpu.region"() ({
        %run_scoped3A = tpu.sem_alloc : memref<!tpu.dma_semaphore, #tpu.memory_space<semaphore_mem>>
        %dma_start3A_86 = arith.constant 0 : i32
        %dma_start3A_87 = tpu.memref_slice %arg7[%add3A_56, %dma_start3A_86] : memref<65536x128xf32, #tpu.memory_space<hbm>> -> memref<128x128xf32, #tpu.memory_space<hbm>>
        %dma_start3A_88 = arith.constant 0 : i32
        %dma_start3A_89 = tpu.memref_slice %arg7[%add3A_56, %dma_start3A_88] : memref<65536x128xf32, #tpu.memory_space<hbm>> -> memref<128x128xf32, #tpu.memory_space<hbm>>
        tpu.enqueue_dma source(%arg11 : memref<128x128xf32, #tpu.memory_space<vmem>>) target(%dma_start3A_89 : memref<128x128xf32, #tpu.memory_space<hbm>>) target_semaphore(%run_scoped3A : memref<!tpu.dma_semaphore, #tpu.memory_space<semaphore_mem>>)
        %dma_wait3A_90 = arith.constant 0 : i32
        %dma_wait3A_91 = tpu.memref_slice %arg7[%add3A_56, %dma_wait3A_90] : memref<65536x128xf32, #tpu.memory_space<hbm>> -> memref<128x128xf32, #tpu.memory_space<hbm>>
        %dma_wait3A_92 = arith.constant 0 : i32
        %dma_wait3A_93 = tpu.memref_slice %arg7[%add3A_56, %dma_wait3A_92] : memref<65536x128xf32, #tpu.memory_space<hbm>> -> memref<128x128xf32, #tpu.memory_space<hbm>>
        tpu.wait_dma2 semaphore(%run_scoped3A : memref<!tpu.dma_semaphore, #tpu.memory_space<semaphore_mem>>) src(%arg11 : memref<128x128xf32, #tpu.memory_space<vmem>>) dst(%dma_wait3A_93 : memref<128x128xf32, #tpu.memory_space<hbm>>)
        tpu.yield
      }) : () -> ()
      %add3A_57 = arith.constant 2 : i32
      %add3A_58 = arith.addi %mul3A_37, %add3A_57 : i32
      %lt3A = arith.constant 16 : i32
      %lt3A_59 = arith.cmpi slt, %add3A_58, %lt3A : i32
      %convert_element_type3A = arith.extui %lt3A_59 : i1 to i32
      %cond3A = arith.constant 0 : i32
      %cond3A_60 = arith.cmpi ne, %convert_element_type3A, %cond3A : i32
      scf.if %cond3A_60 {
        %add3A_86 = arith.constant 2 : i32
        %add3A_87 = arith.addi %mul3A_37, %add3A_86 : i32
        %dma_start3A_88 = arith.constant 0 : i32
        %dma_start3A_89 = tpu.memref_slice %arg8[%add3A_87, %dma_start3A_88] : memref<16x128xi32, #tpu.memory_space<vmem>> -> memref<1x128xi32, #tpu.memory_space<vmem>>
        %dma_start3A_90 = tpu.memref_squeeze %dma_start3A_89 : memref<1x128xi32, #tpu.memory_space<vmem>> -> memref<128xi32, #tpu.memory_space<vmem>>
        %dma_start3A_91 = arith.constant 0 : i32
        %dma_start3A_92 = arith.constant 0 : i32
        %dma_start3A_93 = tpu.memref_slice %arg2[%dma_start3A_91, %dma_start3A_92] : memref<10000x128xf32, #tpu.memory_space<hbm>> -> memref<10000x128xf32, #tpu.memory_space<hbm>>
        tpu.enqueue_indirect_dma source(%dma_start3A_93 : memref<10000x128xf32, #tpu.memory_space<hbm>>) target(%arg10 : memref<128x128xf32, #tpu.memory_space<vmem>>) offsets(%dma_start3A_90 : memref<128xi32, #tpu.memory_space<vmem>>) semaphore(%arg14 : memref<!tpu.dma_semaphore, #tpu.memory_space<semaphore_mem>>)
        %dma_start3A_94 = arith.constant 0 : i32
        %dma_start3A_95 = tpu.memref_slice %arg9[%add3A_87, %dma_start3A_94] : memref<16x128xi32, #tpu.memory_space<vmem>> -> memref<1x128xi32, #tpu.memory_space<vmem>>
        %dma_start3A_96 = tpu.memref_squeeze %dma_start3A_95 : memref<1x128xi32, #tpu.memory_space<vmem>> -> memref<128xi32, #tpu.memory_space<vmem>>
        %dma_start3A_97 = arith.constant 0 : i32
        %dma_start3A_98 = arith.constant 0 : i32
        %dma_start3A_99 = tpu.memref_slice %arg3[%dma_start3A_97, %dma_start3A_98] : memref<10000x128xf32, #tpu.memory_space<hbm>> -> memref<10000x128xf32, #tpu.memory_space<hbm>>
        tpu.enqueue_indirect_dma source(%dma_start3A_99 : memref<10000x128xf32, #tpu.memory_space<hbm>>) target(%arg11 : memref<128x128xf32, #tpu.memory_space<vmem>>) offsets(%dma_start3A_96 : memref<128xi32, #tpu.memory_space<vmem>>) semaphore(%arg14 : memref<!tpu.dma_semaphore, #tpu.memory_space<semaphore_mem>>)
      } else {
      }
      %dma_wait3A_61 = arith.constant 0 : i32
      %dma_wait3A_62 = tpu.memref_slice %arg8[%add3A_39, %dma_wait3A_61] : memref<16x128xi32, #tpu.memory_space<vmem>> -> memref<1x128xi32, #tpu.memory_space<vmem>>
      %dma_wait3A_63 = tpu.memref_squeeze %dma_wait3A_62 : memref<1x128xi32, #tpu.memory_space<vmem>> -> memref<128xi32, #tpu.memory_space<vmem>>
      %dma_wait3A_64 = arith.constant 0 : i32
      %dma_wait3A_65 = arith.constant 0 : i32
      %dma_wait3A_66 = tpu.memref_slice %arg2[%dma_wait3A_64, %dma_wait3A_65] : memref<10000x128xf32, #tpu.memory_space<hbm>> -> memref<10000x128xf32, #tpu.memory_space<hbm>>
      tpu.wait_indirect_dma semaphore(%arg15 : memref<!tpu.dma_semaphore, #tpu.memory_space<semaphore_mem>>) src(%dma_wait3A_66 : memref<10000x128xf32, #tpu.memory_space<hbm>>) dst(%arg12 : memref<128x128xf32, #tpu.memory_space<vmem>>)
      %dma_wait3A_67 = arith.constant 0 : i32
      %dma_wait3A_68 = tpu.memref_slice %arg9[%add3A_39, %dma_wait3A_67] : memref<16x128xi32, #tpu.memory_space<vmem>> -> memref<1x128xi32, #tpu.memory_space<vmem>>
      %dma_wait3A_69 = tpu.memref_squeeze %dma_wait3A_68 : memref<1x128xi32, #tpu.memory_space<vmem>> -> memref<128xi32, #tpu.memory_space<vmem>>
      %dma_wait3A_70 = arith.constant 0 : i32
      %dma_wait3A_71 = arith.constant 0 : i32
      %dma_wait3A_72 = tpu.memref_slice %arg3[%dma_wait3A_70, %dma_wait3A_71] : memref<10000x128xf32, #tpu.memory_space<hbm>> -> memref<10000x128xf32, #tpu.memory_space<hbm>>
      tpu.wait_indirect_dma semaphore(%arg15 : memref<!tpu.dma_semaphore, #tpu.memory_space<semaphore_mem>>) src(%dma_wait3A_72 : memref<10000x128xf32, #tpu.memory_space<hbm>>) dst(%arg13 : memref<128x128xf32, #tpu.memory_space<vmem>>)
      %mul3A_73 = arith.constant 128 : i32
      %mul3A_74 = arith.muli %add3A_39, %mul3A_73 : i32
      %add3A_75 = arith.addi %mul3A_2, %mul3A_74 : i32
      "tpu.region"() ({
        %run_scoped3A = tpu.sem_alloc : memref<!tpu.dma_semaphore, #tpu.memory_space<semaphore_mem>>
        %dma_start3A_86 = arith.constant 0 : i32
        %dma_start3A_87 = tpu.memref_slice %arg6[%add3A_75, %dma_start3A_86] : memref<65536x128xf32, #tpu.memory_space<hbm>> -> memref<128x128xf32, #tpu.memory_space<hbm>>
        %dma_start3A_88 = arith.constant 0 : i32
        %dma_start3A_89 = tpu.memref_slice %arg6[%add3A_75, %dma_start3A_88] : memref<65536x128xf32, #tpu.memory_space<hbm>> -> memref<128x128xf32, #tpu.memory_space<hbm>>
        tpu.enqueue_dma source(%arg12 : memref<128x128xf32, #tpu.memory_space<vmem>>) target(%dma_start3A_89 : memref<128x128xf32, #tpu.memory_space<hbm>>) target_semaphore(%run_scoped3A : memref<!tpu.dma_semaphore, #tpu.memory_space<semaphore_mem>>)
        %dma_wait3A_90 = arith.constant 0 : i32
        %dma_wait3A_91 = tpu.memref_slice %arg6[%add3A_75, %dma_wait3A_90] : memref<65536x128xf32, #tpu.memory_space<hbm>> -> memref<128x128xf32, #tpu.memory_space<hbm>>
        %dma_wait3A_92 = arith.constant 0 : i32
        %dma_wait3A_93 = tpu.memref_slice %arg6[%add3A_75, %dma_wait3A_92] : memref<65536x128xf32, #tpu.memory_space<hbm>> -> memref<128x128xf32, #tpu.memory_space<hbm>>
        tpu.wait_dma2 semaphore(%run_scoped3A : memref<!tpu.dma_semaphore, #tpu.memory_space<semaphore_mem>>) src(%arg12 : memref<128x128xf32, #tpu.memory_space<vmem>>) dst(%dma_wait3A_93 : memref<128x128xf32, #tpu.memory_space<hbm>>)
        tpu.yield
      }) : () -> ()
      %mul3A_76 = arith.constant 128 : i32
      %mul3A_77 = arith.muli %add3A_39, %mul3A_76 : i32
      %add3A_78 = arith.addi %mul3A_2, %mul3A_77 : i32
      "tpu.region"() ({
        %run_scoped3A = tpu.sem_alloc : memref<!tpu.dma_semaphore, #tpu.memory_space<semaphore_mem>>
        %dma_start3A_86 = arith.constant 0 : i32
        %dma_start3A_87 = tpu.memref_slice %arg7[%add3A_78, %dma_start3A_86] : memref<65536x128xf32, #tpu.memory_space<hbm>> -> memref<128x128xf32, #tpu.memory_space<hbm>>
        %dma_start3A_88 = arith.constant 0 : i32
        %dma_start3A_89 = tpu.memref_slice %arg7[%add3A_78, %dma_start3A_88] : memref<65536x128xf32, #tpu.memory_space<hbm>> -> memref<128x128xf32, #tpu.memory_space<hbm>>
        tpu.enqueue_dma source(%arg13 : memref<128x128xf32, #tpu.memory_space<vmem>>) target(%dma_start3A_89 : memref<128x128xf32, #tpu.memory_space<hbm>>) target_semaphore(%run_scoped3A : memref<!tpu.dma_semaphore, #tpu.memory_space<semaphore_mem>>)
        %dma_wait3A_90 = arith.constant 0 : i32
        %dma_wait3A_91 = tpu.memref_slice %arg7[%add3A_78, %dma_wait3A_90] : memref<65536x128xf32, #tpu.memory_space<hbm>> -> memref<128x128xf32, #tpu.memory_space<hbm>>
        %dma_wait3A_92 = arith.constant 0 : i32
        %dma_wait3A_93 = tpu.memref_slice %arg7[%add3A_78, %dma_wait3A_92] : memref<65536x128xf32, #tpu.memory_space<hbm>> -> memref<128x128xf32, #tpu.memory_space<hbm>>
        tpu.wait_dma2 semaphore(%run_scoped3A : memref<!tpu.dma_semaphore, #tpu.memory_space<semaphore_mem>>) src(%arg13 : memref<128x128xf32, #tpu.memory_space<vmem>>) dst(%dma_wait3A_93 : memref<128x128xf32, #tpu.memory_space<hbm>>)
        tpu.yield
      }) : () -> ()
      %add3A_79 = arith.constant 2 : i32
      %add3A_80 = arith.addi %add3A_39, %add3A_79 : i32
      %lt3A_81 = arith.constant 16 : i32
      %lt3A_82 = arith.cmpi slt, %add3A_80, %lt3A_81 : i32
      %convert_element_type3A_83 = arith.extui %lt3A_82 : i1 to i32
      %cond3A_84 = arith.constant 0 : i32
      %cond3A_85 = arith.cmpi ne, %convert_element_type3A_83, %cond3A_84 : i32
      scf.if %cond3A_85 {
        %add3A_86 = arith.constant 2 : i32
        %add3A_87 = arith.addi %add3A_39, %add3A_86 : i32
        %dma_start3A_88 = arith.constant 0 : i32
        %dma_start3A_89 = tpu.memref_slice %arg8[%add3A_87, %dma_start3A_88] : memref<16x128xi32, #tpu.memory_space<vmem>> -> memref<1x128xi32, #tpu.memory_space<vmem>>
        %dma_start3A_90 = tpu.memref_squeeze %dma_start3A_89 : memref<1x128xi32, #tpu.memory_space<vmem>> -> memref<128xi32, #tpu.memory_space<vmem>>
        %dma_start3A_91 = arith.constant 0 : i32
        %dma_start3A_92 = arith.constant 0 : i32
        %dma_start3A_93 = tpu.memref_slice %arg2[%dma_start3A_91, %dma_start3A_92] : memref<10000x128xf32, #tpu.memory_space<hbm>> -> memref<10000x128xf32, #tpu.memory_space<hbm>>
        tpu.enqueue_indirect_dma source(%dma_start3A_93 : memref<10000x128xf32, #tpu.memory_space<hbm>>) target(%arg12 : memref<128x128xf32, #tpu.memory_space<vmem>>) offsets(%dma_start3A_90 : memref<128xi32, #tpu.memory_space<vmem>>) semaphore(%arg15 : memref<!tpu.dma_semaphore, #tpu.memory_space<semaphore_mem>>)
        %dma_start3A_94 = arith.constant 0 : i32
        %dma_start3A_95 = tpu.memref_slice %arg9[%add3A_87, %dma_start3A_94] : memref<16x128xi32, #tpu.memory_space<vmem>> -> memref<1x128xi32, #tpu.memory_space<vmem>>
        %dma_start3A_96 = tpu.memref_squeeze %dma_start3A_95 : memref<1x128xi32, #tpu.memory_space<vmem>> -> memref<128xi32, #tpu.memory_space<vmem>>
        %dma_start3A_97 = arith.constant 0 : i32
        %dma_start3A_98 = arith.constant 0 : i32
        %dma_start3A_99 = tpu.memref_slice %arg3[%dma_start3A_97, %dma_start3A_98] : memref<10000x128xf32, #tpu.memory_space<hbm>> -> memref<10000x128xf32, #tpu.memory_space<hbm>>
        tpu.enqueue_indirect_dma source(%dma_start3A_99 : memref<10000x128xf32, #tpu.memory_space<hbm>>) target(%arg13 : memref<128x128xf32, #tpu.memory_space<vmem>>) offsets(%dma_start3A_96 : memref<128xi32, #tpu.memory_space<vmem>>) semaphore(%arg15 : memref<!tpu.dma_semaphore, #tpu.memory_space<semaphore_mem>>)
      } else {
      }
    }
    %scan3A_34 = arith.constant 8 : i32
    return
  }
}

#map = affine_map<(d0, d1) -> (0, 0)>
#map1 = affine_map<(d0, d1) -> (0, 0, 0)>
module attributes {stable_mosaic.version = 14 : i64} {
  func.func @_sc_prop(%arg0: i32, %arg1: i32, %arg2: memref<20000x64xf32, #tpu.memory_space<hbm>>, %arg3: memref<20000x64xf32, #tpu.memory_space<hbm>>, %arg4: memref<16x20000xi32, #tpu.memory_space<hbm>>, %arg5: memref<16x20000xi32, #tpu.memory_space<hbm>>, %arg6: memref<2x10000x128xf32, #tpu.memory_space<hbm>>, %arg7: memref<20000xi32, #tpu.memory_space<vmem>>, %arg8: memref<20000xi32, #tpu.memory_space<vmem>>, %arg9: memref<2x128xi32, #tpu.memory_space<vmem>>, %arg10: memref<2x128xi32, #tpu.memory_space<vmem>>, %arg11: memref<2x128x64xf32, #tpu.memory_space<vmem>>, %arg12: memref<32xi32, #tpu.memory_space<vmem>>, %arg13: memref<32x64xf32, #tpu.memory_space<vmem>>, %arg14: memref<400x64xf32, #tpu.memory_space<vmem>>, %arg15: memref<2x!tpu.dma_semaphore, #tpu.memory_space<semaphore_mem>>, %arg16: memref<10000x64xf32, #tpu.memory_space<vmem_shared>>) attributes {dimension_semantics = [#tpu.dimension_semantics<core_parallel>, #tpu.dimension_semantics<subcore_parallel>], iteration_bounds = array<i64: 2, 16>, scalar_prefetch = 0 : i64, scratch_operands = 10 : i64, tpu.core_type = #tpu.core_type<sc_vector_subcore>, window_params = [{transform_indices = #map}, {transform_indices = #map}, {transform_indices = #map}, {transform_indices = #map}, {transform_indices = #map1}]} {
    "tpu.region"() ({
      %run_scoped3A = tpu.sem_alloc : memref<!tpu.dma_semaphore, #tpu.memory_space<semaphore_mem>>
      %dma_start3A = arith.constant 0 : i32
      %dma_start3A_54 = tpu.memref_slice %arg4[%arg1, %dma_start3A] : memref<16x20000xi32, #tpu.memory_space<hbm>> -> memref<1x20000xi32, #tpu.memory_space<hbm>>
      %dma_start3A_55 = tpu.memref_squeeze %dma_start3A_54 : memref<1x20000xi32, #tpu.memory_space<hbm>> -> memref<20000xi32, #tpu.memory_space<hbm>>
      %dma_start3A_56 = arith.constant 0 : i32
      %dma_start3A_57 = tpu.memref_slice %arg4[%arg1, %dma_start3A_56] : memref<16x20000xi32, #tpu.memory_space<hbm>> -> memref<1x20000xi32, #tpu.memory_space<hbm>>
      %dma_start3A_58 = tpu.memref_squeeze %dma_start3A_57 : memref<1x20000xi32, #tpu.memory_space<hbm>> -> memref<20000xi32, #tpu.memory_space<hbm>>
      tpu.enqueue_dma source(%dma_start3A_58 : memref<20000xi32, #tpu.memory_space<hbm>>) target(%arg7 : memref<20000xi32, #tpu.memory_space<vmem>>) target_semaphore(%run_scoped3A : memref<!tpu.dma_semaphore, #tpu.memory_space<semaphore_mem>>)
      %dma_wait3A = arith.constant 0 : i32
      %dma_wait3A_59 = tpu.memref_slice %arg4[%arg1, %dma_wait3A] : memref<16x20000xi32, #tpu.memory_space<hbm>> -> memref<1x20000xi32, #tpu.memory_space<hbm>>
      %dma_wait3A_60 = tpu.memref_squeeze %dma_wait3A_59 : memref<1x20000xi32, #tpu.memory_space<hbm>> -> memref<20000xi32, #tpu.memory_space<hbm>>
      %dma_wait3A_61 = arith.constant 0 : i32
      %dma_wait3A_62 = tpu.memref_slice %arg4[%arg1, %dma_wait3A_61] : memref<16x20000xi32, #tpu.memory_space<hbm>> -> memref<1x20000xi32, #tpu.memory_space<hbm>>
      %dma_wait3A_63 = tpu.memref_squeeze %dma_wait3A_62 : memref<1x20000xi32, #tpu.memory_space<hbm>> -> memref<20000xi32, #tpu.memory_space<hbm>>
      tpu.wait_dma2 semaphore(%run_scoped3A : memref<!tpu.dma_semaphore, #tpu.memory_space<semaphore_mem>>) src(%dma_wait3A_63 : memref<20000xi32, #tpu.memory_space<hbm>>) dst(%arg7 : memref<20000xi32, #tpu.memory_space<vmem>>)
      tpu.yield
    }) : () -> ()
    "tpu.region"() ({
      %run_scoped3A = tpu.sem_alloc : memref<!tpu.dma_semaphore, #tpu.memory_space<semaphore_mem>>
      %dma_start3A = arith.constant 0 : i32
      %dma_start3A_54 = tpu.memref_slice %arg5[%arg1, %dma_start3A] : memref<16x20000xi32, #tpu.memory_space<hbm>> -> memref<1x20000xi32, #tpu.memory_space<hbm>>
      %dma_start3A_55 = tpu.memref_squeeze %dma_start3A_54 : memref<1x20000xi32, #tpu.memory_space<hbm>> -> memref<20000xi32, #tpu.memory_space<hbm>>
      %dma_start3A_56 = arith.constant 0 : i32
      %dma_start3A_57 = tpu.memref_slice %arg5[%arg1, %dma_start3A_56] : memref<16x20000xi32, #tpu.memory_space<hbm>> -> memref<1x20000xi32, #tpu.memory_space<hbm>>
      %dma_start3A_58 = tpu.memref_squeeze %dma_start3A_57 : memref<1x20000xi32, #tpu.memory_space<hbm>> -> memref<20000xi32, #tpu.memory_space<hbm>>
      tpu.enqueue_dma source(%dma_start3A_58 : memref<20000xi32, #tpu.memory_space<hbm>>) target(%arg8 : memref<20000xi32, #tpu.memory_space<vmem>>) target_semaphore(%run_scoped3A : memref<!tpu.dma_semaphore, #tpu.memory_space<semaphore_mem>>)
      %dma_wait3A = arith.constant 0 : i32
      %dma_wait3A_59 = tpu.memref_slice %arg5[%arg1, %dma_wait3A] : memref<16x20000xi32, #tpu.memory_space<hbm>> -> memref<1x20000xi32, #tpu.memory_space<hbm>>
      %dma_wait3A_60 = tpu.memref_squeeze %dma_wait3A_59 : memref<1x20000xi32, #tpu.memory_space<hbm>> -> memref<20000xi32, #tpu.memory_space<hbm>>
      %dma_wait3A_61 = arith.constant 0 : i32
      %dma_wait3A_62 = tpu.memref_slice %arg5[%arg1, %dma_wait3A_61] : memref<16x20000xi32, #tpu.memory_space<hbm>> -> memref<1x20000xi32, #tpu.memory_space<hbm>>
      %dma_wait3A_63 = tpu.memref_squeeze %dma_wait3A_62 : memref<1x20000xi32, #tpu.memory_space<hbm>> -> memref<20000xi32, #tpu.memory_space<hbm>>
      tpu.wait_dma2 semaphore(%run_scoped3A : memref<!tpu.dma_semaphore, #tpu.memory_space<semaphore_mem>>) src(%dma_wait3A_63 : memref<20000xi32, #tpu.memory_space<hbm>>) dst(%arg8 : memref<20000xi32, #tpu.memory_space<vmem>>)
      tpu.yield
    }) : () -> ()
    %broadcast_in_dim3A = arith.constant 0.000000e+00 : f32
    %broadcast_in_dim3A_0 = vector.broadcast %broadcast_in_dim3A : f32 to vector<16xf32>
    %scan3A = arith.constant 0 : i32
    %scan3A_1 = arith.constant 0 : i32
    %scan3A_2 = arith.constant 400 : i32
    %scan3A_3 = arith.addi %scan3A_1, %scan3A_2 : i32
    %scan3A_4 = arith.constant 1 : i32
    scf.for %scan3A_54 = %scan3A_1 to %scan3A_3 step %scan3A_4  : i32 {
      %swap3A = arith.index_cast %scan3A_54 : i32 to index
      %swap3A_55 = arith.constant 0 : index
      %swap3A_56 = tpu.vector_load %arg14[%swap3A, %swap3A_55] {strides = array<i32>} : memref<400x64xf32, #tpu.memory_space<vmem>>, vector<1x16xf32>,
      %swap3A_57 = vector.shape_cast %swap3A_56 : vector<1x16xf32> to vector<16xf32>
      %swap3A_58 = vector.shape_cast %broadcast_in_dim3A_0 : vector<16xf32> to vector<1x16xf32>
      tpu.vector_store %arg14[%swap3A, %swap3A_55], %swap3A_58 {strides = array<i32>} : memref<400x64xf32, #tpu.memory_space<vmem>>, vector<1x16xf32>,
      %swap3A_59 = arith.index_cast %scan3A_54 : i32 to index
      %swap3A_60 = arith.constant 16 : index
      %swap3A_61 = tpu.vector_load %arg14[%swap3A_59, %swap3A_60] {strides = array<i32>} : memref<400x64xf32, #tpu.memory_space<vmem>>, vector<1x16xf32>,
      %swap3A_62 = vector.shape_cast %swap3A_61 : vector<1x16xf32> to vector<16xf32>
      %swap3A_63 = vector.shape_cast %broadcast_in_dim3A_0 : vector<16xf32> to vector<1x16xf32>
      tpu.vector_store %arg14[%swap3A_59, %swap3A_60], %swap3A_63 {strides = array<i32>} : memref<400x64xf32, #tpu.memory_space<vmem>>, vector<1x16xf32>,
      %swap3A_64 = arith.index_cast %scan3A_54 : i32 to index
      %swap3A_65 = arith.constant 32 : index
      %swap3A_66 = tpu.vector_load %arg14[%swap3A_64, %swap3A_65] {strides = array<i32>} : memref<400x64xf32, #tpu.memory_space<vmem>>, vector<1x16xf32>,
      %swap3A_67 = vector.shape_cast %swap3A_66 : vector<1x16xf32> to vector<16xf32>
      %swap3A_68 = vector.shape_cast %broadcast_in_dim3A_0 : vector<16xf32> to vector<1x16xf32>
      tpu.vector_store %arg14[%swap3A_64, %swap3A_65], %swap3A_68 {strides = array<i32>} : memref<400x64xf32, #tpu.memory_space<vmem>>, vector<1x16xf32>,
      %swap3A_69 = arith.index_cast %scan3A_54 : i32 to index
      %swap3A_70 = arith.constant 48 : index
      %swap3A_71 = tpu.vector_load %arg14[%swap3A_69, %swap3A_70] {strides = array<i32>} : memref<400x64xf32, #tpu.memory_space<vmem>>, vector<1x16xf32>,
      %swap3A_72 = vector.shape_cast %swap3A_71 : vector<1x16xf32> to vector<16xf32>
      %swap3A_73 = vector.shape_cast %broadcast_in_dim3A_0 : vector<16xf32> to vector<1x16xf32>
      tpu.vector_store %arg14[%swap3A_69, %swap3A_70], %swap3A_73 {strides = array<i32>} : memref<400x64xf32, #tpu.memory_space<vmem>>, vector<1x16xf32>,
    }
    %scan3A_5 = arith.constant 400 : i32
    %add3A = arith.constant 0 : i32
    %add3A_6 = arith.addi %arg1, %add3A : i32
    %lt3A = arith.constant 25 : i32
    %lt3A_7 = arith.cmpi slt, %add3A_6, %lt3A : i32
    %convert_element_type3A = arith.extui %lt3A_7 : i1 to i32
    %cond3A = arith.constant 0 : i32
    %cond3A_8 = arith.cmpi ne, %convert_element_type3A, %cond3A : i32
    scf.if %cond3A_8 {
      %mul3A = arith.constant 400 : i32
      %mul3A_54 = arith.muli %add3A_6, %mul3A : i32
      "tpu.region"() ({
        %run_scoped3A = tpu.sem_alloc : memref<!tpu.dma_semaphore, #tpu.memory_space<semaphore_mem>>
        %dma_start3A = arith.constant 0 : i32
        %dma_start3A_55 = tpu.memref_slice %arg16[%mul3A_54, %dma_start3A] : memref<10000x64xf32, #tpu.memory_space<vmem_shared>> -> memref<400x64xf32, #tpu.memory_space<vmem_shared>>
        %dma_start3A_56 = arith.constant 0 : i32
        %dma_start3A_57 = tpu.memref_slice %arg16[%mul3A_54, %dma_start3A_56] : memref<10000x64xf32, #tpu.memory_space<vmem_shared>> -> memref<400x64xf32, #tpu.memory_space<vmem_shared>>
        tpu.enqueue_dma source(%arg14 : memref<400x64xf32, #tpu.memory_space<vmem>>) target(%dma_start3A_57 : memref<400x64xf32, #tpu.memory_space<vmem_shared>>) target_semaphore(%run_scoped3A : memref<!tpu.dma_semaphore, #tpu.memory_space<semaphore_mem>>)
        %dma_wait3A = arith.constant 0 : i32
        %dma_wait3A_58 = tpu.memref_slice %arg16[%mul3A_54, %dma_wait3A] : memref<10000x64xf32, #tpu.memory_space<vmem_shared>> -> memref<400x64xf32, #tpu.memory_space<vmem_shared>>
        %dma_wait3A_59 = arith.constant 0 : i32
        %dma_wait3A_60 = tpu.memref_slice %arg16[%mul3A_54, %dma_wait3A_59] : memref<10000x64xf32, #tpu.memory_space<vmem_shared>> -> memref<400x64xf32, #tpu.memory_space<vmem_shared>>
        tpu.wait_dma2 semaphore(%run_scoped3A : memref<!tpu.dma_semaphore, #tpu.memory_space<semaphore_mem>>) src(%arg14 : memref<400x64xf32, #tpu.memory_space<vmem>>) dst(%dma_wait3A_60 : memref<400x64xf32, #tpu.memory_space<vmem_shared>>)
        tpu.yield
      }) : () -> ()
    } else {
    }
    %add3A_9 = arith.constant 16 : i32
    %add3A_10 = arith.addi %arg1, %add3A_9 : i32
    %lt3A_11 = arith.constant 25 : i32
    %lt3A_12 = arith.cmpi slt, %add3A_10, %lt3A_11 : i32
    %convert_element_type3A_13 = arith.extui %lt3A_12 : i1 to i32
    %cond3A_14 = arith.constant 0 : i32
    %cond3A_15 = arith.cmpi ne, %convert_element_type3A_13, %cond3A_14 : i32
    scf.if %cond3A_15 {
      %mul3A = arith.constant 400 : i32
      %mul3A_54 = arith.muli %add3A_10, %mul3A : i32
      "tpu.region"() ({
        %run_scoped3A = tpu.sem_alloc : memref<!tpu.dma_semaphore, #tpu.memory_space<semaphore_mem>>
        %dma_start3A = arith.constant 0 : i32
        %dma_start3A_55 = tpu.memref_slice %arg16[%mul3A_54, %dma_start3A] : memref<10000x64xf32, #tpu.memory_space<vmem_shared>> -> memref<400x64xf32, #tpu.memory_space<vmem_shared>>
        %dma_start3A_56 = arith.constant 0 : i32
        %dma_start3A_57 = tpu.memref_slice %arg16[%mul3A_54, %dma_start3A_56] : memref<10000x64xf32, #tpu.memory_space<vmem_shared>> -> memref<400x64xf32, #tpu.memory_space<vmem_shared>>
        tpu.enqueue_dma source(%arg14 : memref<400x64xf32, #tpu.memory_space<vmem>>) target(%dma_start3A_57 : memref<400x64xf32, #tpu.memory_space<vmem_shared>>) target_semaphore(%run_scoped3A : memref<!tpu.dma_semaphore, #tpu.memory_space<semaphore_mem>>)
        %dma_wait3A = arith.constant 0 : i32
        %dma_wait3A_58 = tpu.memref_slice %arg16[%mul3A_54, %dma_wait3A] : memref<10000x64xf32, #tpu.memory_space<vmem_shared>> -> memref<400x64xf32, #tpu.memory_space<vmem_shared>>
        %dma_wait3A_59 = arith.constant 0 : i32
        %dma_wait3A_60 = tpu.memref_slice %arg16[%mul3A_54, %dma_wait3A_59] : memref<10000x64xf32, #tpu.memory_space<vmem_shared>> -> memref<400x64xf32, #tpu.memory_space<vmem_shared>>
        tpu.wait_dma2 semaphore(%run_scoped3A : memref<!tpu.dma_semaphore, #tpu.memory_space<semaphore_mem>>) src(%arg14 : memref<400x64xf32, #tpu.memory_space<vmem>>) dst(%dma_wait3A_60 : memref<400x64xf32, #tpu.memory_space<vmem_shared>>)
        tpu.yield
      }) : () -> ()
    } else {
    }
    %add3A_16 = arith.constant 32 : i32
    %add3A_17 = arith.addi %arg1, %add3A_16 : i32
    %lt3A_18 = arith.constant 25 : i32
    %lt3A_19 = arith.cmpi slt, %add3A_17, %lt3A_18 : i32
    %convert_element_type3A_20 = arith.extui %lt3A_19 : i1 to i32
    %cond3A_21 = arith.constant 0 : i32
    %cond3A_22 = arith.cmpi ne, %convert_element_type3A_20, %cond3A_21 : i32
    scf.if %cond3A_22 {
      %mul3A = arith.constant 400 : i32
      %mul3A_54 = arith.muli %add3A_17, %mul3A : i32
      "tpu.region"() ({
        %run_scoped3A = tpu.sem_alloc : memref<!tpu.dma_semaphore, #tpu.memory_space<semaphore_mem>>
        %dma_start3A = arith.constant 0 : i32
        %dma_start3A_55 = tpu.memref_slice %arg16[%mul3A_54, %dma_start3A] : memref<10000x64xf32, #tpu.memory_space<vmem_shared>> -> memref<400x64xf32, #tpu.memory_space<vmem_shared>>
        %dma_start3A_56 = arith.constant 0 : i32
        %dma_start3A_57 = tpu.memref_slice %arg16[%mul3A_54, %dma_start3A_56] : memref<10000x64xf32, #tpu.memory_space<vmem_shared>> -> memref<400x64xf32, #tpu.memory_space<vmem_shared>>
        tpu.enqueue_dma source(%arg14 : memref<400x64xf32, #tpu.memory_space<vmem>>) target(%dma_start3A_57 : memref<400x64xf32, #tpu.memory_space<vmem_shared>>) target_semaphore(%run_scoped3A : memref<!tpu.dma_semaphore, #tpu.memory_space<semaphore_mem>>)
        %dma_wait3A = arith.constant 0 : i32
        %dma_wait3A_58 = tpu.memref_slice %arg16[%mul3A_54, %dma_wait3A] : memref<10000x64xf32, #tpu.memory_space<vmem_shared>> -> memref<400x64xf32, #tpu.memory_space<vmem_shared>>
        %dma_wait3A_59 = arith.constant 0 : i32
        %dma_wait3A_60 = tpu.memref_slice %arg16[%mul3A_54, %dma_wait3A_59] : memref<10000x64xf32, #tpu.memory_space<vmem_shared>> -> memref<400x64xf32, #tpu.memory_space<vmem_shared>>
        tpu.wait_dma2 semaphore(%run_scoped3A : memref<!tpu.dma_semaphore, #tpu.memory_space<semaphore_mem>>) src(%arg14 : memref<400x64xf32, #tpu.memory_space<vmem>>) dst(%dma_wait3A_60 : memref<400x64xf32, #tpu.memory_space<vmem_shared>>)
        tpu.yield
      }) : () -> ()
    } else {
    }
    %barrier3A = arith.constant 0 : index
    tpu.barrier barrier_id(%barrier3A)
    %eq3A = arith.constant 0 : i32
    %eq3A_23 = arith.cmpi eq, %arg0, %eq3A : i32
    %convert_element_type3A_24 = arith.extui %eq3A_23 : i1 to i32
    %cond3A_25 = arith.constant 0 : i32
    %cond3A_26 = arith.cmpi ne, %convert_element_type3A_24, %cond3A_25 : i32
    scf.if %cond3A_26 {
      %get3A = arith.constant 0 : index
      %get3A_54 = tpu.vector_load %arg8[%get3A] {strides = array<i32>} : memref<20000xi32, #tpu.memory_space<vmem>>, vector<16xi32>,
      %get3A_55 = vector.shape_cast %get3A_54 : vector<16xi32> to vector<16xi32>
      %swap3A = arith.constant 0 : i32
      %swap3A_56 = arith.index_cast %swap3A : i32 to index
      %swap3A_57 = arith.constant 0 : index
      %swap3A_58 = tpu.vector_load %arg9[%swap3A_56, %swap3A_57] {strides = array<i32>} : memref<2x128xi32, #tpu.memory_space<vmem>>, vector<1x16xi32>,
      %swap3A_59 = vector.shape_cast %swap3A_58 : vector<1x16xi32> to vector<16xi32>
      %swap3A_60 = vector.shape_cast %get3A_55 : vector<16xi32> to vector<1x16xi32>
      tpu.vector_store %arg9[%swap3A_56, %swap3A_57], %swap3A_60 {strides = array<i32>} : memref<2x128xi32, #tpu.memory_space<vmem>>, vector<1x16xi32>,
      %get3A_61 = arith.constant 0 : index
      %get3A_62 = tpu.vector_load %arg7[%get3A_61] {strides = array<i32>} : memref<20000xi32, #tpu.memory_space<vmem>>, vector<16xi32>,
      %get3A_63 = vector.shape_cast %get3A_62 : vector<16xi32> to vector<16xi32>
      %mul3A = arith.constant 2 : i32
      %mul3A_64 = vector.broadcast %mul3A : i32 to vector<16xi32>
      %mul3A_65 = arith.muli %get3A_63, %mul3A_64 : vector<16xi32>
      %swap3A_66 = arith.constant 0 : i32
      %swap3A_67 = arith.index_cast %swap3A_66 : i32 to index
      %swap3A_68 = arith.constant 0 : index
      %swap3A_69 = tpu.vector_load %arg10[%swap3A_67, %swap3A_68] {strides = array<i32>} : memref<2x128xi32, #tpu.memory_space<vmem>>, vector<1x16xi32>,
      %swap3A_70 = vector.shape_cast %swap3A_69 : vector<1x16xi32> to vector<16xi32>
      %swap3A_71 = vector.shape_cast %mul3A_65 : vector<16xi32> to vector<1x16xi32>
      tpu.vector_store %arg10[%swap3A_67, %swap3A_68], %swap3A_71 {strides = array<i32>} : memref<2x128xi32, #tpu.memory_space<vmem>>, vector<1x16xi32>,
      %get3A_72 = arith.constant 16 : index
      %get3A_73 = tpu.vector_load %arg8[%get3A_72] {strides = array<i32>} : memref<20000xi32, #tpu.memory_space<vmem>>, vector<16xi32>,
      %get3A_74 = vector.shape_cast %get3A_73 : vector<16xi32> to vector<16xi32>
      %swap3A_75 = arith.constant 0 : i32
      %swap3A_76 = arith.index_cast %swap3A_75 : i32 to index
      %swap3A_77 = arith.constant 16 : index
      %swap3A_78 = tpu.vector_load %arg9[%swap3A_76, %swap3A_77] {strides = array<i32>} : memref<2x128xi32, #tpu.memory_space<vmem>>, vector<1x16xi32>,
      %swap3A_79 = vector.shape_cast %swap3A_78 : vector<1x16xi32> to vector<16xi32>
      %swap3A_80 = vector.shape_cast %get3A_74 : vector<16xi32> to vector<1x16xi32>
      tpu.vector_store %arg9[%swap3A_76, %swap3A_77], %swap3A_80 {strides = array<i32>} : memref<2x128xi32, #tpu.memory_space<vmem>>, vector<1x16xi32>,
      %get3A_81 = arith.constant 16 : index
      %get3A_82 = tpu.vector_load %arg7[%get3A_81] {strides = array<i32>} : memref<20000xi32, #tpu.memory_space<vmem>>, vector<16xi32>,
      %get3A_83 = vector.shape_cast %get3A_82 : vector<16xi32> to vector<16xi32>
      %mul3A_84 = arith.constant 2 : i32
      %mul3A_85 = vector.broadcast %mul3A_84 : i32 to vector<16xi32>
      %mul3A_86 = arith.muli %get3A_83, %mul3A_85 : vector<16xi32>
      %swap3A_87 = arith.constant 0 : i32
      %swap3A_88 = arith.index_cast %swap3A_87 : i32 to index
      %swap3A_89 = arith.constant 16 : index
      %swap3A_90 = tpu.vector_load %arg10[%swap3A_88, %swap3A_89] {strides = array<i32>} : memref<2x128xi32, #tpu.memory_space<vmem>>, vector<1x16xi32>,
      %swap3A_91 = vector.shape_cast %swap3A_90 : vector<1x16xi32> to vector<16xi32>
      %swap3A_92 = vector.shape_cast %mul3A_86 : vector<16xi32> to vector<1x16xi32>
      tpu.vector_store %arg10[%swap3A_88, %swap3A_89], %swap3A_92 {strides = array<i32>} : memref<2x128xi32, #tpu.memory_space<vmem>>, vector<1x16xi32>,
      %get3A_93 = arith.constant 32 : index
      %get3A_94 = tpu.vector_load %arg8[%get3A_93] {strides = array<i32>} : memref<20000xi32, #tpu.memory_space<vmem>>, vector<16xi32>,
      %get3A_95 = vector.shape_cast %get3A_94 : vector<16xi32> to vector<16xi32>
      %swap3A_96 = arith.constant 0 : i32
      %swap3A_97 = arith.index_cast %swap3A_96 : i32 to index
      %swap3A_98 = arith.constant 32 : index
      %swap3A_99 = tpu.vector_load %arg9[%swap3A_97, %swap3A_98] {strides = array<i32>} : memref<2x128xi32, #tpu.memory_space<vmem>>, vector<1x16xi32>,
      %swap3A_100 = vector.shape_cast %swap3A_99 : vector<1x16xi32> to vector<16xi32>
      %swap3A_101 = vector.shape_cast %get3A_95 : vector<16xi32> to vector<1x16xi32>
      tpu.vector_store %arg9[%swap3A_97, %swap3A_98], %swap3A_101 {strides = array<i32>} : memref<2x128xi32, #tpu.memory_space<vmem>>, vector<1x16xi32>,
      %get3A_102 = arith.constant 32 : index
      %get3A_103 = tpu.vector_load %arg7[%get3A_102] {strides = array<i32>} : memref<20000xi32, #tpu.memory_space<vmem>>, vector<16xi32>,
      %get3A_104 = vector.shape_cast %get3A_103 : vector<16xi32> to vector<16xi32>
      %mul3A_105 = arith.constant 2 : i32
      %mul3A_106 = vector.broadcast %mul3A_105 : i32 to vector<16xi32>
      %mul3A_107 = arith.muli %get3A_104, %mul3A_106 : vector<16xi32>
      %swap3A_108 = arith.constant 0 : i32
      %swap3A_109 = arith.index_cast %swap3A_108 : i32 to index
      %swap3A_110 = arith.constant 32 : index
      %swap3A_111 = tpu.vector_load %arg10[%swap3A_109, %swap3A_110] {strides = array<i32>} : memref<2x128xi32, #tpu.memory_space<vmem>>, vector<1x16xi32>,
      %swap3A_112 = vector.shape_cast %swap3A_111 : vector<1x16xi32> to vector<16xi32>
      %swap3A_113 = vector.shape_cast %mul3A_107 : vector<16xi32> to vector<1x16xi32>
      tpu.vector_store %arg10[%swap3A_109, %swap3A_110], %swap3A_113 {strides = array<i32>} : memref<2x128xi32, #tpu.memory_space<vmem>>, vector<1x16xi32>,
      %get3A_114 = arith.constant 48 : index
      %get3A_115 = tpu.vector_load %arg8[%get3A_114] {strides = array<i32>} : memref<20000xi32, #tpu.memory_space<vmem>>, vector<16xi32>,
      %get3A_116 = vector.shape_cast %get3A_115 : vector<16xi32> to vector<16xi32>
      %swap3A_117 = arith.constant 0 : i32
      %swap3A_118 = arith.index_cast %swap3A_117 : i32 to index
      %swap3A_119 = arith.constant 48 : index
      %swap3A_120 = tpu.vector_load %arg9[%swap3A_118, %swap3A_119] {strides = array<i32>} : memref<2x128xi32, #tpu.memory_space<vmem>>, vector<1x16xi32>,
      %swap3A_121 = vector.shape_cast %swap3A_120 : vector<1x16xi32> to vector<16xi32>
      %swap3A_122 = vector.shape_cast %get3A_116 : vector<16xi32> to vector<1x16xi32>
      tpu.vector_store %arg9[%swap3A_118, %swap3A_119], %swap3A_122 {strides = array<i32>} : memref<2x128xi32, #tpu.memory_space<vmem>>, vector<1x16xi32>,
      %get3A_123 = arith.constant 48 : index
      %get3A_124 = tpu.vector_load %arg7[%get3A_123] {strides = array<i32>} : memref<20000xi32, #tpu.memory_space<vmem>>, vector<16xi32>,
      %get3A_125 = vector.shape_cast %get3A_124 : vector<16xi32> to vector<16xi32>
      %mul3A_126 = arith.constant 2 : i32
      %mul3A_127 = vector.broadcast %mul3A_126 : i32 to vector<16xi32>
      %mul3A_128 = arith.muli %get3A_125, %mul3A_127 : vector<16xi32>
      %swap3A_129 = arith.constant 0 : i32
      %swap3A_130 = arith.index_cast %swap3A_129 : i32 to index
      %swap3A_131 = arith.constant 48 : index
      %swap3A_132 = tpu.vector_load %arg10[%swap3A_130, %swap3A_131] {strides = array<i32>} : memref<2x128xi32, #tpu.memory_space<vmem>>, vector<1x16xi32>,
      %swap3A_133 = vector.shape_cast %swap3A_132 : vector<1x16xi32> to vector<16xi32>
      %swap3A_134 = vector.shape_cast %mul3A_128 : vector<16xi32> to vector<1x16xi32>
      tpu.vector_store %arg10[%swap3A_130, %swap3A_131], %swap3A_134 {strides = array<i32>} : memref<2x128xi32, #tpu.memory_space<vmem>>, vector<1x16xi32>,
      %get3A_135 = arith.constant 64 : index
      %get3A_136 = tpu.vector_load %arg8[%get3A_135] {strides = array<i32>} : memref<20000xi32, #tpu.memory_space<vmem>>, vector<16xi32>,
      %get3A_137 = vector.shape_cast %get3A_136 : vector<16xi32> to vector<16xi32>
      %swap3A_138 = arith.constant 0 : i32
      %swap3A_139 = arith.index_cast %swap3A_138 : i32 to index
      %swap3A_140 = arith.constant 64 : index
      %swap3A_141 = tpu.vector_load %arg9[%swap3A_139, %swap3A_140] {strides = array<i32>} : memref<2x128xi32, #tpu.memory_space<vmem>>, vector<1x16xi32>,
      %swap3A_142 = vector.shape_cast %swap3A_141 : vector<1x16xi32> to vector<16xi32>
      %swap3A_143 = vector.shape_cast %get3A_137 : vector<16xi32> to vector<1x16xi32>
      tpu.vector_store %arg9[%swap3A_139, %swap3A_140], %swap3A_143 {strides = array<i32>} : memref<2x128xi32, #tpu.memory_space<vmem>>, vector<1x16xi32>,
      %get3A_144 = arith.constant 64 : index
      %get3A_145 = tpu.vector_load %arg7[%get3A_144] {strides = array<i32>} : memref<20000xi32, #tpu.memory_space<vmem>>, vector<16xi32>,
      %get3A_146 = vector.shape_cast %get3A_145 : vector<16xi32> to vector<16xi32>
      %mul3A_147 = arith.constant 2 : i32
      %mul3A_148 = vector.broadcast %mul3A_147 : i32 to vector<16xi32>
      %mul3A_149 = arith.muli %get3A_146, %mul3A_148 : vector<16xi32>
      %swap3A_150 = arith.constant 0 : i32
      %swap3A_151 = arith.index_cast %swap3A_150 : i32 to index
      %swap3A_152 = arith.constant 64 : index
      %swap3A_153 = tpu.vector_load %arg10[%swap3A_151, %swap3A_152] {strides = array<i32>} : memref<2x128xi32, #tpu.memory_space<vmem>>, vector<1x16xi32>,
      %swap3A_154 = vector.shape_cast %swap3A_153 : vector<1x16xi32> to vector<16xi32>
      %swap3A_155 = vector.shape_cast %mul3A_149 : vector<16xi32> to vector<1x16xi32>
      tpu.vector_store %arg10[%swap3A_151, %swap3A_152], %swap3A_155 {strides = array<i32>} : memref<2x128xi32, #tpu.memory_space<vmem>>, vector<1x16xi32>,
      %get3A_156 = arith.constant 80 : index
      %get3A_157 = tpu.vector_load %arg8[%get3A_156] {strides = array<i32>} : memref<20000xi32, #tpu.memory_space<vmem>>, vector<16xi32>,
      %get3A_158 = vector.shape_cast %get3A_157 : vector<16xi32> to vector<16xi32>
      %swap3A_159 = arith.constant 0 : i32
      %swap3A_160 = arith.index_cast %swap3A_159 : i32 to index
      %swap3A_161 = arith.constant 80 : index
      %swap3A_162 = tpu.vector_load %arg9[%swap3A_160, %swap3A_161] {strides = array<i32>} : memref<2x128xi32, #tpu.memory_space<vmem>>, vector<1x16xi32>,
      %swap3A_163 = vector.shape_cast %swap3A_162 : vector<1x16xi32> to vector<16xi32>
      %swap3A_164 = vector.shape_cast %get3A_158 : vector<16xi32> to vector<1x16xi32>
      tpu.vector_store %arg9[%swap3A_160, %swap3A_161], %swap3A_164 {strides = array<i32>} : memref<2x128xi32, #tpu.memory_space<vmem>>, vector<1x16xi32>,
      %get3A_165 = arith.constant 80 : index
      %get3A_166 = tpu.vector_load %arg7[%get3A_165] {strides = array<i32>} : memref<20000xi32, #tpu.memory_space<vmem>>, vector<16xi32>,
      %get3A_167 = vector.shape_cast %get3A_166 : vector<16xi32> to vector<16xi32>
      %mul3A_168 = arith.constant 2 : i32
      %mul3A_169 = vector.broadcast %mul3A_168 : i32 to vector<16xi32>
      %mul3A_170 = arith.muli %get3A_167, %mul3A_169 : vector<16xi32>
      %swap3A_171 = arith.constant 0 : i32
      %swap3A_172 = arith.index_cast %swap3A_171 : i32 to index
      %swap3A_173 = arith.constant 80 : index
      %swap3A_174 = tpu.vector_load %arg10[%swap3A_172, %swap3A_173] {strides = array<i32>} : memref<2x128xi32, #tpu.memory_space<vmem>>, vector<1x16xi32>,
      %swap3A_175 = vector.shape_cast %swap3A_174 : vector<1x16xi32> to vector<16xi32>
      %swap3A_176 = vector.shape_cast %mul3A_170 : vector<16xi32> to vector<1x16xi32>
      tpu.vector_store %arg10[%swap3A_172, %swap3A_173], %swap3A_176 {strides = array<i32>} : memref<2x128xi32, #tpu.memory_space<vmem>>, vector<1x16xi32>,
      %get3A_177 = arith.constant 96 : index
      %get3A_178 = tpu.vector_load %arg8[%get3A_177] {strides = array<i32>} : memref<20000xi32, #tpu.memory_space<vmem>>, vector<16xi32>,
      %get3A_179 = vector.shape_cast %get3A_178 : vector<16xi32> to vector<16xi32>
      %swap3A_180 = arith.constant 0 : i32
      %swap3A_181 = arith.index_cast %swap3A_180 : i32 to index
      %swap3A_182 = arith.constant 96 : index
      %swap3A_183 = tpu.vector_load %arg9[%swap3A_181, %swap3A_182] {strides = array<i32>} : memref<2x128xi32, #tpu.memory_space<vmem>>, vector<1x16xi32>,
      %swap3A_184 = vector.shape_cast %swap3A_183 : vector<1x16xi32> to vector<16xi32>
      %swap3A_185 = vector.shape_cast %get3A_179 : vector<16xi32> to vector<1x16xi32>
      tpu.vector_store %arg9[%swap3A_181, %swap3A_182], %swap3A_185 {strides = array<i32>} : memref<2x128xi32, #tpu.memory_space<vmem>>, vector<1x16xi32>,
      %get3A_186 = arith.constant 96 : index
      %get3A_187 = tpu.vector_load %arg7[%get3A_186] {strides = array<i32>} : memref<20000xi32, #tpu.memory_space<vmem>>, vector<16xi32>,
      %get3A_188 = vector.shape_cast %get3A_187 : vector<16xi32> to vector<16xi32>
      %mul3A_189 = arith.constant 2 : i32
      %mul3A_190 = vector.broadcast %mul3A_189 : i32 to vector<16xi32>
      %mul3A_191 = arith.muli %get3A_188, %mul3A_190 : vector<16xi32>
      %swap3A_192 = arith.constant 0 : i32
      %swap3A_193 = arith.index_cast %swap3A_192 : i32 to index
      %swap3A_194 = arith.constant 96 : index
      %swap3A_195 = tpu.vector_load %arg10[%swap3A_193, %swap3A_194] {strides = array<i32>} : memref<2x128xi32, #tpu.memory_space<vmem>>, vector<1x16xi32>,
      %swap3A_196 = vector.shape_cast %swap3A_195 : vector<1x16xi32> to vector<16xi32>
      %swap3A_197 = vector.shape_cast %mul3A_191 : vector<16xi32> to vector<1x16xi32>
      tpu.vector_store %arg10[%swap3A_193, %swap3A_194], %swap3A_197 {strides = array<i32>} : memref<2x128xi32, #tpu.memory_space<vmem>>, vector<1x16xi32>,
      %get3A_198 = arith.constant 112 : index
      %get3A_199 = tpu.vector_load %arg8[%get3A_198] {strides = array<i32>} : memref<20000xi32, #tpu.memory_space<vmem>>, vector<16xi32>,
      %get3A_200 = vector.shape_cast %get3A_199 : vector<16xi32> to vector<16xi32>
      %swap3A_201 = arith.constant 0 : i32
      %swap3A_202 = arith.index_cast %swap3A_201 : i32 to index
      %swap3A_203 = arith.constant 112 : index
      %swap3A_204 = tpu.vector_load %arg9[%swap3A_202, %swap3A_203] {strides = array<i32>} : memref<2x128xi32, #tpu.memory_space<vmem>>, vector<1x16xi32>,
      %swap3A_205 = vector.shape_cast %swap3A_204 : vector<1x16xi32> to vector<16xi32>
      %swap3A_206 = vector.shape_cast %get3A_200 : vector<16xi32> to vector<1x16xi32>
      tpu.vector_store %arg9[%swap3A_202, %swap3A_203], %swap3A_206 {strides = array<i32>} : memref<2x128xi32, #tpu.memory_space<vmem>>, vector<1x16xi32>,
      %get3A_207 = arith.constant 112 : index
      %get3A_208 = tpu.vector_load %arg7[%get3A_207] {strides = array<i32>} : memref<20000xi32, #tpu.memory_space<vmem>>, vector<16xi32>,
      %get3A_209 = vector.shape_cast %get3A_208 : vector<16xi32> to vector<16xi32>
      %mul3A_210 = arith.constant 2 : i32
      %mul3A_211 = vector.broadcast %mul3A_210 : i32 to vector<16xi32>
      %mul3A_212 = arith.muli %get3A_209, %mul3A_211 : vector<16xi32>
      %swap3A_213 = arith.constant 0 : i32
      %swap3A_214 = arith.index_cast %swap3A_213 : i32 to index
      %swap3A_215 = arith.constant 112 : index
      %swap3A_216 = tpu.vector_load %arg10[%swap3A_214, %swap3A_215] {strides = array<i32>} : memref<2x128xi32, #tpu.memory_space<vmem>>, vector<1x16xi32>,
      %swap3A_217 = vector.shape_cast %swap3A_216 : vector<1x16xi32> to vector<16xi32>
      %swap3A_218 = vector.shape_cast %mul3A_212 : vector<16xi32> to vector<1x16xi32>
      tpu.vector_store %arg10[%swap3A_214, %swap3A_215], %swap3A_218 {strides = array<i32>} : memref<2x128xi32, #tpu.memory_space<vmem>>, vector<1x16xi32>,
      %dma_start3A = arith.constant 0 : i32
      %dma_start3A_219 = arith.constant 0 : i32
      %dma_start3A_220 = arith.constant 0 : i32
      %dma_start3A_221 = arith.constant 0 : i32
      %dma_start3A_222 = arith.constant 0 : i32
      %dma_start3A_223 = tpu.memref_slice %arg11[%dma_start3A_219, %dma_start3A_221, %dma_start3A_222] : memref<2x128x64xf32, #tpu.memory_space<vmem>> -> memref<1x128x64xf32, #tpu.memory_space<vmem>>
      %dma_start3A_224 = tpu.memref_squeeze %dma_start3A_223 : memref<1x128x64xf32, #tpu.memory_space<vmem>> -> memref<128x64xf32, #tpu.memory_space<vmem>>
      %dma_start3A_225 = arith.constant 0 : i32
      %dma_start3A_226 = tpu.memref_slice %arg10[%dma_start3A, %dma_start3A_225] : memref<2x128xi32, #tpu.memory_space<vmem>> -> memref<1x128xi32, #tpu.memory_space<vmem>>
      %dma_start3A_227 = tpu.memref_squeeze %dma_start3A_226 : memref<1x128xi32, #tpu.memory_space<vmem>> -> memref<128xi32, #tpu.memory_space<vmem>>
      %dma_start3A_228 = arith.constant 0 : i32
      %dma_start3A_229 = arith.constant 0 : i32
      %dma_start3A_230 = tpu.memref_slice %arg2[%dma_start3A_228, %dma_start3A_229] : memref<20000x64xf32, #tpu.memory_space<hbm>> -> memref<20000x64xf32, #tpu.memory_space<hbm>>
      %dma_start3A_231 = tpu.memref_slice %arg15[%dma_start3A_220] : memref<2x!tpu.dma_semaphore, #tpu.memory_space<semaphore_mem>> -> memref<1x!tpu.dma_semaphore, #tpu.memory_space<semaphore_mem>>
      %dma_start3A_232 = tpu.memref_squeeze %dma_start3A_231 : memref<1x!tpu.dma_semaphore, #tpu.memory_space<semaphore_mem>> -> memref<!tpu.dma_semaphore, #tpu.memory_space<semaphore_mem>>
      tpu.enqueue_indirect_dma source(%dma_start3A_230 : memref<20000x64xf32, #tpu.memory_space<hbm>>) target(%dma_start3A_224 : memref<128x64xf32, #tpu.memory_space<vmem>>) offsets(%dma_start3A_227 : memref<128xi32, #tpu.memory_space<vmem>>) semaphore(%dma_start3A_232 : memref<!tpu.dma_semaphore, #tpu.memory_space<semaphore_mem>>)
      %scan3A_233 = arith.constant 0 : i32
      %scan3A_234 = arith.constant 1 : i32
      %scan3A_235 = arith.constant 155 : i32
      %scan3A_236 = arith.addi %scan3A_234, %scan3A_235 : i32
      %scan3A_237 = arith.constant 1 : i32
      scf.for %scan3A_312 = %scan3A_234 to %scan3A_236 step %scan3A_237  : i32 {
        %rem3A = arith.constant 2 : i32
        %rem3A_313 = arith.remsi %scan3A_312, %rem3A : i32
        %mul3A_314 = arith.constant 128 : i32
        %mul3A_315 = arith.muli %scan3A_312, %mul3A_314 : i32
        %add3A_316 = arith.constant 0 : i32
        %add3A_317 = arith.addi %mul3A_315, %add3A_316 : i32
        %get3A_318 = arith.index_cast %add3A_317 : i32 to index
        %get3A_319 = tpu.vector_load %arg8[%get3A_318] {strides = array<i32>} : memref<20000xi32, #tpu.memory_space<vmem>>, vector<16xi32>,
        %get3A_320 = vector.shape_cast %get3A_319 : vector<16xi32> to vector<16xi32>
        %swap3A_321 = arith.index_cast %rem3A_313 : i32 to index
        %swap3A_322 = arith.constant 0 : index
        %swap3A_323 = tpu.vector_load %arg9[%swap3A_321, %swap3A_322] {strides = array<i32>} : memref<2x128xi32, #tpu.memory_space<vmem>>, vector<1x16xi32>,
        %swap3A_324 = vector.shape_cast %swap3A_323 : vector<1x16xi32> to vector<16xi32>
        %swap3A_325 = vector.shape_cast %get3A_320 : vector<16xi32> to vector<1x16xi32>
        tpu.vector_store %arg9[%swap3A_321, %swap3A_322], %swap3A_325 {strides = array<i32>} : memref<2x128xi32, #tpu.memory_space<vmem>>, vector<1x16xi32>,
        %mul3A_326 = arith.constant 128 : i32
        %mul3A_327 = arith.muli %scan3A_312, %mul3A_326 : i32
        %add3A_328 = arith.constant 0 : i32
        %add3A_329 = arith.addi %mul3A_327, %add3A_328 : i32
        %get3A_330 = arith.index_cast %add3A_329 : i32 to index
        %get3A_331 = tpu.vector_load %arg7[%get3A_330] {strides = array<i32>} : memref<20000xi32, #tpu.memory_space<vmem>>, vector<16xi32>,
        %get3A_332 = vector.shape_cast %get3A_331 : vector<16xi32> to vector<16xi32>
        %mul3A_333 = arith.constant 2 : i32
        %mul3A_334 = vector.broadcast %mul3A_333 : i32 to vector<16xi32>
        %mul3A_335 = arith.muli %get3A_332, %mul3A_334 : vector<16xi32>
        %swap3A_336 = arith.index_cast %rem3A_313 : i32 to index
        %swap3A_337 = arith.constant 0 : index
        %swap3A_338 = tpu.vector_load %arg10[%swap3A_336, %swap3A_337] {strides = array<i32>} : memref<2x128xi32, #tpu.memory_space<vmem>>, vector<1x16xi32>,
        %swap3A_339 = vector.shape_cast %swap3A_338 : vector<1x16xi32> to vector<16xi32>
        %swap3A_340 = vector.shape_cast %mul3A_335 : vector<16xi32> to vector<1x16xi32>
        tpu.vector_store %arg10[%swap3A_336, %swap3A_337], %swap3A_340 {strides = array<i32>} : memref<2x128xi32, #tpu.memory_space<vmem>>, vector<1x16xi32>,
        %mul3A_341 = arith.constant 128 : i32
        %mul3A_342 = arith.muli %scan3A_312, %mul3A_341 : i32
        %add3A_343 = arith.constant 16 : i32
        %add3A_344 = arith.addi %mul3A_342, %add3A_343 : i32
        %get3A_345 = arith.index_cast %add3A_344 : i32 to index
        %get3A_346 = tpu.vector_load %arg8[%get3A_345] {strides = array<i32>} : memref<20000xi32, #tpu.memory_space<vmem>>, vector<16xi32>,
        %get3A_347 = vector.shape_cast %get3A_346 : vector<16xi32> to vector<16xi32>
        %swap3A_348 = arith.index_cast %rem3A_313 : i32 to index
        %swap3A_349 = arith.constant 16 : index
        %swap3A_350 = tpu.vector_load %arg9[%swap3A_348, %swap3A_349] {strides = array<i32>} : memref<2x128xi32, #tpu.memory_space<vmem>>, vector<1x16xi32>,
        %swap3A_351 = vector.shape_cast %swap3A_350 : vector<1x16xi32> to vector<16xi32>
        %swap3A_352 = vector.shape_cast %get3A_347 : vector<16xi32> to vector<1x16xi32>
        tpu.vector_store %arg9[%swap3A_348, %swap3A_349], %swap3A_352 {strides = array<i32>} : memref<2x128xi32, #tpu.memory_space<vmem>>, vector<1x16xi32>,
        %mul3A_353 = arith.constant 128 : i32
        %mul3A_354 = arith.muli %scan3A_312, %mul3A_353 : i32
        %add3A_355 = arith.constant 16 : i32
        %add3A_356 = arith.addi %mul3A_354, %add3A_355 : i32
        %get3A_357 = arith.index_cast %add3A_356 : i32 to index
        %get3A_358 = tpu.vector_load %arg7[%get3A_357] {strides = array<i32>} : memref<20000xi32, #tpu.memory_space<vmem>>, vector<16xi32>,
        %get3A_359 = vector.shape_cast %get3A_358 : vector<16xi32> to vector<16xi32>
        %mul3A_360 = arith.constant 2 : i32
        %mul3A_361 = vector.broadcast %mul3A_360 : i32 to vector<16xi32>
        %mul3A_362 = arith.muli %get3A_359, %mul3A_361 : vector<16xi32>
        %swap3A_363 = arith.index_cast %rem3A_313 : i32 to index
        %swap3A_364 = arith.constant 16 : index
        %swap3A_365 = tpu.vector_load %arg10[%swap3A_363, %swap3A_364] {strides = array<i32>} : memref<2x128xi32, #tpu.memory_space<vmem>>, vector<1x16xi32>,
        %swap3A_366 = vector.shape_cast %swap3A_365 : vector<1x16xi32> to vector<16xi32>
        %swap3A_367 = vector.shape_cast %mul3A_362 : vector<16xi32> to vector<1x16xi32>
        tpu.vector_store %arg10[%swap3A_363, %swap3A_364], %swap3A_367 {strides = array<i32>} : memref<2x128xi32, #tpu.memory_space<vmem>>, vector<1x16xi32>,
        %mul3A_368 = arith.constant 128 : i32
        %mul3A_369 = arith.muli %scan3A_312, %mul3A_368 : i32
        %add3A_370 = arith.constant 32 : i32
        %add3A_371 = arith.addi %mul3A_369, %add3A_370 : i32
        %get3A_372 = arith.index_cast %add3A_371 : i32 to index
        %get3A_373 = tpu.vector_load %arg8[%get3A_372] {strides = array<i32>} : memref<20000xi32, #tpu.memory_space<vmem>>, vector<16xi32>,
        %get3A_374 = vector.shape_cast %get3A_373 : vector<16xi32> to vector<16xi32>
        %swap3A_375 = arith.index_cast %rem3A_313 : i32 to index
        %swap3A_376 = arith.constant 32 : index
        %swap3A_377 = tpu.vector_load %arg9[%swap3A_375, %swap3A_376] {strides = array<i32>} : memref<2x128xi32, #tpu.memory_space<vmem>>, vector<1x16xi32>,
        %swap3A_378 = vector.shape_cast %swap3A_377 : vector<1x16xi32> to vector<16xi32>
        %swap3A_379 = vector.shape_cast %get3A_374 : vector<16xi32> to vector<1x16xi32>
        tpu.vector_store %arg9[%swap3A_375, %swap3A_376], %swap3A_379 {strides = array<i32>} : memref<2x128xi32, #tpu.memory_space<vmem>>, vector<1x16xi32>,
        %mul3A_380 = arith.constant 128 : i32
        %mul3A_381 = arith.muli %scan3A_312, %mul3A_380 : i32
        %add3A_382 = arith.constant 32 : i32
        %add3A_383 = arith.addi %mul3A_381, %add3A_382 : i32
        %get3A_384 = arith.index_cast %add3A_383 : i32 to index
        %get3A_385 = tpu.vector_load %arg7[%get3A_384] {strides = array<i32>} : memref<20000xi32, #tpu.memory_space<vmem>>, vector<16xi32>,
        %get3A_386 = vector.shape_cast %get3A_385 : vector<16xi32> to vector<16xi32>
        %mul3A_387 = arith.constant 2 : i32
        %mul3A_388 = vector.broadcast %mul3A_387 : i32 to vector<16xi32>
        %mul3A_389 = arith.muli %get3A_386, %mul3A_388 : vector<16xi32>
        %swap3A_390 = arith.index_cast %rem3A_313 : i32 to index
        %swap3A_391 = arith.constant 32 : index
        %swap3A_392 = tpu.vector_load %arg10[%swap3A_390, %swap3A_391] {strides = array<i32>} : memref<2x128xi32, #tpu.memory_space<vmem>>, vector<1x16xi32>,
        %swap3A_393 = vector.shape_cast %swap3A_392 : vector<1x16xi32> to vector<16xi32>
        %swap3A_394 = vector.shape_cast %mul3A_389 : vector<16xi32> to vector<1x16xi32>
        tpu.vector_store %arg10[%swap3A_390, %swap3A_391], %swap3A_394 {strides = array<i32>} : memref<2x128xi32, #tpu.memory_space<vmem>>, vector<1x16xi32>,
        %mul3A_395 = arith.constant 128 : i32
        %mul3A_396 = arith.muli %scan3A_312, %mul3A_395 : i32
        %add3A_397 = arith.constant 48 : i32
        %add3A_398 = arith.addi %mul3A_396, %add3A_397 : i32
        %get3A_399 = arith.index_cast %add3A_398 : i32 to index
        %get3A_400 = tpu.vector_load %arg8[%get3A_399] {strides = array<i32>} : memref<20000xi32, #tpu.memory_space<vmem>>, vector<16xi32>,
        %get3A_401 = vector.shape_cast %get3A_400 : vector<16xi32> to vector<16xi32>
        %swap3A_402 = arith.index_cast %rem3A_313 : i32 to index
        %swap3A_403 = arith.constant 48 : index
        %swap3A_404 = tpu.vector_load %arg9[%swap3A_402, %swap3A_403] {strides = array<i32>} : memref<2x128xi32, #tpu.memory_space<vmem>>, vector<1x16xi32>,
        %swap3A_405 = vector.shape_cast %swap3A_404 : vector<1x16xi32> to vector<16xi32>
        %swap3A_406 = vector.shape_cast %get3A_401 : vector<16xi32> to vector<1x16xi32>
        tpu.vector_store %arg9[%swap3A_402, %swap3A_403], %swap3A_406 {strides = array<i32>} : memref<2x128xi32, #tpu.memory_space<vmem>>, vector<1x16xi32>,
        %mul3A_407 = arith.constant 128 : i32
        %mul3A_408 = arith.muli %scan3A_312, %mul3A_407 : i32
        %add3A_409 = arith.constant 48 : i32
        %add3A_410 = arith.addi %mul3A_408, %add3A_409 : i32
        %get3A_411 = arith.index_cast %add3A_410 : i32 to index
        %get3A_412 = tpu.vector_load %arg7[%get3A_411] {strides = array<i32>} : memref<20000xi32, #tpu.memory_space<vmem>>, vector<16xi32>,
        %get3A_413 = vector.shape_cast %get3A_412 : vector<16xi32> to vector<16xi32>
        %mul3A_414 = arith.constant 2 : i32
        %mul3A_415 = vector.broadcast %mul3A_414 : i32 to vector<16xi32>
        %mul3A_416 = arith.muli %get3A_413, %mul3A_415 : vector<16xi32>
        %swap3A_417 = arith.index_cast %rem3A_313 : i32 to index
        %swap3A_418 = arith.constant 48 : index
        %swap3A_419 = tpu.vector_load %arg10[%swap3A_417, %swap3A_418] {strides = array<i32>} : memref<2x128xi32, #tpu.memory_space<vmem>>, vector<1x16xi32>,
        %swap3A_420 = vector.shape_cast %swap3A_419 : vector<1x16xi32> to vector<16xi32>
        %swap3A_421 = vector.shape_cast %mul3A_416 : vector<16xi32> to vector<1x16xi32>
        tpu.vector_store %arg10[%swap3A_417, %swap3A_418], %swap3A_421 {strides = array<i32>} : memref<2x128xi32, #tpu.memory_space<vmem>>, vector<1x16xi32>,
        %mul3A_422 = arith.constant 128 : i32
        %mul3A_423 = arith.muli %scan3A_312, %mul3A_422 : i32
        %add3A_424 = arith.constant 64 : i32
        %add3A_425 = arith.addi %mul3A_423, %add3A_424 : i32
        %get3A_426 = arith.index_cast %add3A_425 : i32 to index
        %get3A_427 = tpu.vector_load %arg8[%get3A_426] {strides = array<i32>} : memref<20000xi32, #tpu.memory_space<vmem>>, vector<16xi32>,
        %get3A_428 = vector.shape_cast %get3A_427 : vector<16xi32> to vector<16xi32>
        %swap3A_429 = arith.index_cast %rem3A_313 : i32 to index
        %swap3A_430 = arith.constant 64 : index
        %swap3A_431 = tpu.vector_load %arg9[%swap3A_429, %swap3A_430] {strides = array<i32>} : memref<2x128xi32, #tpu.memory_space<vmem>>, vector<1x16xi32>,
        %swap3A_432 = vector.shape_cast %swap3A_431 : vector<1x16xi32> to vector<16xi32>
        %swap3A_433 = vector.shape_cast %get3A_428 : vector<16xi32> to vector<1x16xi32>
        tpu.vector_store %arg9[%swap3A_429, %swap3A_430], %swap3A_433 {strides = array<i32>} : memref<2x128xi32, #tpu.memory_space<vmem>>, vector<1x16xi32>,
        %mul3A_434 = arith.constant 128 : i32
        %mul3A_435 = arith.muli %scan3A_312, %mul3A_434 : i32
        %add3A_436 = arith.constant 64 : i32
        %add3A_437 = arith.addi %mul3A_435, %add3A_436 : i32
        %get3A_438 = arith.index_cast %add3A_437 : i32 to index
        %get3A_439 = tpu.vector_load %arg7[%get3A_438] {strides = array<i32>} : memref<20000xi32, #tpu.memory_space<vmem>>, vector<16xi32>,
        %get3A_440 = vector.shape_cast %get3A_439 : vector<16xi32> to vector<16xi32>
        %mul3A_441 = arith.constant 2 : i32
        %mul3A_442 = vector.broadcast %mul3A_441 : i32 to vector<16xi32>
        %mul3A_443 = arith.muli %get3A_440, %mul3A_442 : vector<16xi32>
        %swap3A_444 = arith.index_cast %rem3A_313 : i32 to index
        %swap3A_445 = arith.constant 64 : index
        %swap3A_446 = tpu.vector_load %arg10[%swap3A_444, %swap3A_445] {strides = array<i32>} : memref<2x128xi32, #tpu.memory_space<vmem>>, vector<1x16xi32>,
        %swap3A_447 = vector.shape_cast %swap3A_446 : vector<1x16xi32> to vector<16xi32>
        %swap3A_448 = vector.shape_cast %mul3A_443 : vector<16xi32> to vector<1x16xi32>
        tpu.vector_store %arg10[%swap3A_444, %swap3A_445], %swap3A_448 {strides = array<i32>} : memref<2x128xi32, #tpu.memory_space<vmem>>, vector<1x16xi32>,
        %mul3A_449 = arith.constant 128 : i32
        %mul3A_450 = arith.muli %scan3A_312, %mul3A_449 : i32
        %add3A_451 = arith.constant 80 : i32
        %add3A_452 = arith.addi %mul3A_450, %add3A_451 : i32
        %get3A_453 = arith.index_cast %add3A_452 : i32 to index
        %get3A_454 = tpu.vector_load %arg8[%get3A_453] {strides = array<i32>} : memref<20000xi32, #tpu.memory_space<vmem>>, vector<16xi32>,
        %get3A_455 = vector.shape_cast %get3A_454 : vector<16xi32> to vector<16xi32>
        %swap3A_456 = arith.index_cast %rem3A_313 : i32 to index
        %swap3A_457 = arith.constant 80 : index
        %swap3A_458 = tpu.vector_load %arg9[%swap3A_456, %swap3A_457] {strides = array<i32>} : memref<2x128xi32, #tpu.memory_space<vmem>>, vector<1x16xi32>,
        %swap3A_459 = vector.shape_cast %swap3A_458 : vector<1x16xi32> to vector<16xi32>
        %swap3A_460 = vector.shape_cast %get3A_455 : vector<16xi32> to vector<1x16xi32>
        tpu.vector_store %arg9[%swap3A_456, %swap3A_457], %swap3A_460 {strides = array<i32>} : memref<2x128xi32, #tpu.memory_space<vmem>>, vector<1x16xi32>,
        %mul3A_461 = arith.constant 128 : i32
        %mul3A_462 = arith.muli %scan3A_312, %mul3A_461 : i32
        %add3A_463 = arith.constant 80 : i32
        %add3A_464 = arith.addi %mul3A_462, %add3A_463 : i32
        %get3A_465 = arith.index_cast %add3A_464 : i32 to index
        %get3A_466 = tpu.vector_load %arg7[%get3A_465] {strides = array<i32>} : memref<20000xi32, #tpu.memory_space<vmem>>, vector<16xi32>,
        %get3A_467 = vector.shape_cast %get3A_466 : vector<16xi32> to vector<16xi32>
        %mul3A_468 = arith.constant 2 : i32
        %mul3A_469 = vector.broadcast %mul3A_468 : i32 to vector<16xi32>
        %mul3A_470 = arith.muli %get3A_467, %mul3A_469 : vector<16xi32>
        %swap3A_471 = arith.index_cast %rem3A_313 : i32 to index
        %swap3A_472 = arith.constant 80 : index
        %swap3A_473 = tpu.vector_load %arg10[%swap3A_471, %swap3A_472] {strides = array<i32>} : memref<2x128xi32, #tpu.memory_space<vmem>>, vector<1x16xi32>,
        %swap3A_474 = vector.shape_cast %swap3A_473 : vector<1x16xi32> to vector<16xi32>
        %swap3A_475 = vector.shape_cast %mul3A_470 : vector<16xi32> to vector<1x16xi32>
        tpu.vector_store %arg10[%swap3A_471, %swap3A_472], %swap3A_475 {strides = array<i32>} : memref<2x128xi32, #tpu.memory_space<vmem>>, vector<1x16xi32>,
        %mul3A_476 = arith.constant 128 : i32
        %mul3A_477 = arith.muli %scan3A_312, %mul3A_476 : i32
        %add3A_478 = arith.constant 96 : i32
        %add3A_479 = arith.addi %mul3A_477, %add3A_478 : i32
        %get3A_480 = arith.index_cast %add3A_479 : i32 to index
        %get3A_481 = tpu.vector_load %arg8[%get3A_480] {strides = array<i32>} : memref<20000xi32, #tpu.memory_space<vmem>>, vector<16xi32>,
        %get3A_482 = vector.shape_cast %get3A_481 : vector<16xi32> to vector<16xi32>
        %swap3A_483 = arith.index_cast %rem3A_313 : i32 to index
        %swap3A_484 = arith.constant 96 : index
        %swap3A_485 = tpu.vector_load %arg9[%swap3A_483, %swap3A_484] {strides = array<i32>} : memref<2x128xi32, #tpu.memory_space<vmem>>, vector<1x16xi32>,
        %swap3A_486 = vector.shape_cast %swap3A_485 : vector<1x16xi32> to vector<16xi32>
        %swap3A_487 = vector.shape_cast %get3A_482 : vector<16xi32> to vector<1x16xi32>
        tpu.vector_store %arg9[%swap3A_483, %swap3A_484], %swap3A_487 {strides = array<i32>} : memref<2x128xi32, #tpu.memory_space<vmem>>, vector<1x16xi32>,
        %mul3A_488 = arith.constant 128 : i32
        %mul3A_489 = arith.muli %scan3A_312, %mul3A_488 : i32
        %add3A_490 = arith.constant 96 : i32
        %add3A_491 = arith.addi %mul3A_489, %add3A_490 : i32
        %get3A_492 = arith.index_cast %add3A_491 : i32 to index
        %get3A_493 = tpu.vector_load %arg7[%get3A_492] {strides = array<i32>} : memref<20000xi32, #tpu.memory_space<vmem>>, vector<16xi32>,
        %get3A_494 = vector.shape_cast %get3A_493 : vector<16xi32> to vector<16xi32>
        %mul3A_495 = arith.constant 2 : i32
        %mul3A_496 = vector.broadcast %mul3A_495 : i32 to vector<16xi32>
        %mul3A_497 = arith.muli %get3A_494, %mul3A_496 : vector<16xi32>
        %swap3A_498 = arith.index_cast %rem3A_313 : i32 to index
        %swap3A_499 = arith.constant 96 : index
        %swap3A_500 = tpu.vector_load %arg10[%swap3A_498, %swap3A_499] {strides = array<i32>} : memref<2x128xi32, #tpu.memory_space<vmem>>, vector<1x16xi32>,
        %swap3A_501 = vector.shape_cast %swap3A_500 : vector<1x16xi32> to vector<16xi32>
        %swap3A_502 = vector.shape_cast %mul3A_497 : vector<16xi32> to vector<1x16xi32>
        tpu.vector_store %arg10[%swap3A_498, %swap3A_499], %swap3A_502 {strides = array<i32>} : memref<2x128xi32, #tpu.memory_space<vmem>>, vector<1x16xi32>,
        %mul3A_503 = arith.constant 128 : i32
        %mul3A_504 = arith.muli %scan3A_312, %mul3A_503 : i32
        %add3A_505 = arith.constant 112 : i32
        %add3A_506 = arith.addi %mul3A_504, %add3A_505 : i32
        %get3A_507 = arith.index_cast %add3A_506 : i32 to index
        %get3A_508 = tpu.vector_load %arg8[%get3A_507] {strides = array<i32>} : memref<20000xi32, #tpu.memory_space<vmem>>, vector<16xi32>,
        %get3A_509 = vector.shape_cast %get3A_508 : vector<16xi32> to vector<16xi32>
        %swap3A_510 = arith.index_cast %rem3A_313 : i32 to index
        %swap3A_511 = arith.constant 112 : index
        %swap3A_512 = tpu.vector_load %arg9[%swap3A_510, %swap3A_511] {strides = array<i32>} : memref<2x128xi32, #tpu.memory_space<vmem>>, vector<1x16xi32>,
        %swap3A_513 = vector.shape_cast %swap3A_512 : vector<1x16xi32> to vector<16xi32>
        %swap3A_514 = vector.shape_cast %get3A_509 : vector<16xi32> to vector<1x16xi32>
        tpu.vector_store %arg9[%swap3A_510, %swap3A_511], %swap3A_514 {strides = array<i32>} : memref<2x128xi32, #tpu.memory_space<vmem>>, vector<1x16xi32>,
        %mul3A_515 = arith.constant 128 : i32
        %mul3A_516 = arith.muli %scan3A_312, %mul3A_515 : i32
        %add3A_517 = arith.constant 112 : i32
        %add3A_518 = arith.addi %mul3A_516, %add3A_517 : i32
        %get3A_519 = arith.index_cast %add3A_518 : i32 to index
        %get3A_520 = tpu.vector_load %arg7[%get3A_519] {strides = array<i32>} : memref<20000xi32, #tpu.memory_space<vmem>>, vector<16xi32>,
        %get3A_521 = vector.shape_cast %get3A_520 : vector<16xi32> to vector<16xi32>
        %mul3A_522 = arith.constant 2 : i32
        %mul3A_523 = vector.broadcast %mul3A_522 : i32 to vector<16xi32>
        %mul3A_524 = arith.muli %get3A_521, %mul3A_523 : vector<16xi32>
        %swap3A_525 = arith.index_cast %rem3A_313 : i32 to index
        %swap3A_526 = arith.constant 112 : index
        %swap3A_527 = tpu.vector_load %arg10[%swap3A_525, %swap3A_526] {strides = array<i32>} : memref<2x128xi32, #tpu.memory_space<vmem>>, vector<1x16xi32>,
        %swap3A_528 = vector.shape_cast %swap3A_527 : vector<1x16xi32> to vector<16xi32>
        %swap3A_529 = vector.shape_cast %mul3A_524 : vector<16xi32> to vector<1x16xi32>
        tpu.vector_store %arg10[%swap3A_525, %swap3A_526], %swap3A_529 {strides = array<i32>} : memref<2x128xi32, #tpu.memory_space<vmem>>, vector<1x16xi32>,
        %dma_start3A_530 = arith.constant 0 : i32
        %dma_start3A_531 = arith.constant 0 : i32
        %dma_start3A_532 = tpu.memref_slice %arg11[%rem3A_313, %dma_start3A_530, %dma_start3A_531] : memref<2x128x64xf32, #tpu.memory_space<vmem>> -> memref<1x128x64xf32, #tpu.memory_space<vmem>>
        %dma_start3A_533 = tpu.memref_squeeze %dma_start3A_532 : memref<1x128x64xf32, #tpu.memory_space<vmem>> -> memref<128x64xf32, #tpu.memory_space<vmem>>
        %dma_start3A_534 = arith.constant 0 : i32
        %dma_start3A_535 = tpu.memref_slice %arg10[%rem3A_313, %dma_start3A_534] : memref<2x128xi32, #tpu.memory_space<vmem>> -> memref<1x128xi32, #tpu.memory_space<vmem>>
        %dma_start3A_536 = tpu.memref_squeeze %dma_start3A_535 : memref<1x128xi32, #tpu.memory_space<vmem>> -> memref<128xi32, #tpu.memory_space<vmem>>
        %dma_start3A_537 = arith.constant 0 : i32
        %dma_start3A_538 = arith.constant 0 : i32
        %dma_start3A_539 = tpu.memref_slice %arg2[%dma_start3A_537, %dma_start3A_538] : memref<20000x64xf32, #tpu.memory_space<hbm>> -> memref<20000x64xf32, #tpu.memory_space<hbm>>
        %dma_start3A_540 = tpu.memref_slice %arg15[%rem3A_313] : memref<2x!tpu.dma_semaphore, #tpu.memory_space<semaphore_mem>> -> memref<1x!tpu.dma_semaphore, #tpu.memory_space<semaphore_mem>>
        %dma_start3A_541 = tpu.memref_squeeze %dma_start3A_540 : memref<1x!tpu.dma_semaphore, #tpu.memory_space<semaphore_mem>> -> memref<!tpu.dma_semaphore, #tpu.memory_space<semaphore_mem>>
        tpu.enqueue_indirect_dma source(%dma_start3A_539 : memref<20000x64xf32, #tpu.memory_space<hbm>>) target(%dma_start3A_533 : memref<128x64xf32, #tpu.memory_space<vmem>>) offsets(%dma_start3A_536 : memref<128xi32, #tpu.memory_space<vmem>>) semaphore(%dma_start3A_541 : memref<!tpu.dma_semaphore, #tpu.memory_space<semaphore_mem>>)
        %add3A_542 = arith.constant 1 : i32
        %add3A_543 = arith.addi %scan3A_312, %add3A_542 : i32
        %rem3A_544 = arith.constant 2 : i32
        %rem3A_545 = arith.remsi %add3A_543, %rem3A_544 : i32
        %dma_wait3A_546 = arith.constant 0 : i32
        %dma_wait3A_547 = arith.constant 0 : i32
        %dma_wait3A_548 = tpu.memref_slice %arg11[%rem3A_545, %dma_wait3A_546, %dma_wait3A_547] : memref<2x128x64xf32, #tpu.memory_space<vmem>> -> memref<1x128x64xf32, #tpu.memory_space<vmem>>
        %dma_wait3A_549 = tpu.memref_squeeze %dma_wait3A_548 : memref<1x128x64xf32, #tpu.memory_space<vmem>> -> memref<128x64xf32, #tpu.memory_space<vmem>>
        %dma_wait3A_550 = arith.constant 0 : i32
        %dma_wait3A_551 = tpu.memref_slice %arg10[%rem3A_545, %dma_wait3A_550] : memref<2x128xi32, #tpu.memory_space<vmem>> -> memref<1x128xi32, #tpu.memory_space<vmem>>
        %dma_wait3A_552 = tpu.memref_squeeze %dma_wait3A_551 : memref<1x128xi32, #tpu.memory_space<vmem>> -> memref<128xi32, #tpu.memory_space<vmem>>
        %dma_wait3A_553 = arith.constant 0 : i32
        %dma_wait3A_554 = arith.constant 0 : i32
        %dma_wait3A_555 = tpu.memref_slice %arg2[%dma_wait3A_553, %dma_wait3A_554] : memref<20000x64xf32, #tpu.memory_space<hbm>> -> memref<20000x64xf32, #tpu.memory_space<hbm>>
        %dma_wait3A_556 = tpu.memref_slice %arg15[%rem3A_545] : memref<2x!tpu.dma_semaphore, #tpu.memory_space<semaphore_mem>> -> memref<1x!tpu.dma_semaphore, #tpu.memory_space<semaphore_mem>>
        %dma_wait3A_557 = tpu.memref_squeeze %dma_wait3A_556 : memref<1x!tpu.dma_semaphore, #tpu.memory_space<semaphore_mem>> -> memref<!tpu.dma_semaphore, #tpu.memory_space<semaphore_mem>>
        tpu.wait_indirect_dma semaphore(%dma_wait3A_557 : memref<!tpu.dma_semaphore, #tpu.memory_space<semaphore_mem>>) src(%dma_wait3A_555 : memref<20000x64xf32, #tpu.memory_space<hbm>>) dst(%dma_wait3A_549 : memref<128x64xf32, #tpu.memory_space<vmem>>)
        "tpu.region"() ({
          %run_scoped3A_558 = tpu.sem_alloc : memref<!tpu.dma_semaphore, #tpu.memory_space<semaphore_mem>>
          %dma_start3A_559 = arith.constant 0 : i32
          %dma_start3A_560 = arith.constant 0 : i32
          %dma_start3A_561 = tpu.memref_slice %arg11[%rem3A_545, %dma_start3A_559, %dma_start3A_560] : memref<2x128x64xf32, #tpu.memory_space<vmem>> -> memref<1x128x64xf32, #tpu.memory_space<vmem>>
          %dma_start3A_562 = tpu.memref_squeeze %dma_start3A_561 : memref<1x128x64xf32, #tpu.memory_space<vmem>> -> memref<128x64xf32, #tpu.memory_space<vmem>>
          %dma_start3A_563 = arith.constant 0 : i32
          %dma_start3A_564 = tpu.memref_slice %arg9[%rem3A_545, %dma_start3A_563] : memref<2x128xi32, #tpu.memory_space<vmem>> -> memref<1x128xi32, #tpu.memory_space<vmem>>
          %dma_start3A_565 = tpu.memref_squeeze %dma_start3A_564 : memref<1x128xi32, #tpu.memory_space<vmem>> -> memref<128xi32, #tpu.memory_space<vmem>>
          %dma_start3A_566 = arith.constant 0 : i32
          %dma_start3A_567 = arith.constant 0 : i32
          %dma_start3A_568 = tpu.memref_slice %arg16[%dma_start3A_566, %dma_start3A_567] : memref<10000x64xf32, #tpu.memory_space<vmem_shared>> -> memref<10000x64xf32, #tpu.memory_space<vmem_shared>>
          tpu.enqueue_indirect_dma source(%dma_start3A_562 : memref<128x64xf32, #tpu.memory_space<vmem>>) target(%dma_start3A_568 : memref<10000x64xf32, #tpu.memory_space<vmem_shared>>) offsets(%dma_start3A_565 : memref<128xi32, #tpu.memory_space<vmem>>) semaphore(%run_scoped3A_558 : memref<!tpu.dma_semaphore, #tpu.memory_space<semaphore_mem>>) {add = true}
          %dma_wait3A_569 = arith.constant 0 : i32
          %dma_wait3A_570 = arith.constant 0 : i32
          %dma_wait3A_571 = tpu.memref_slice %arg11[%rem3A_545, %dma_wait3A_569, %dma_wait3A_570] : memref<2x128x64xf32, #tpu.memory_space<vmem>> -> memref<1x128x64xf32, #tpu.memory_space<vmem>>
          %dma_wait3A_572 = tpu.memref_squeeze %dma_wait3A_571 : memref<1x128x64xf32, #tpu.memory_space<vmem>> -> memref<128x64xf32, #tpu.memory_space<vmem>>
          %dma_wait3A_573 = arith.constant 0 : i32
          %dma_wait3A_574 = tpu.memref_slice %arg9[%rem3A_545, %dma_wait3A_573] : memref<2x128xi32, #tpu.memory_space<vmem>> -> memref<1x128xi32, #tpu.memory_space<vmem>>
          %dma_wait3A_575 = tpu.memref_squeeze %dma_wait3A_574 : memref<1x128xi32, #tpu.memory_space<vmem>> -> memref<128xi32, #tpu.memory_space<vmem>>
          %dma_wait3A_576 = arith.constant 0 : i32
          %dma_wait3A_577 = arith.constant 0 : i32
          %dma_wait3A_578 = tpu.memref_slice %arg16[%dma_wait3A_576, %dma_wait3A_577] : memref<10000x64xf32, #tpu.memory_space<vmem_shared>> -> memref<10000x64xf32, #tpu.memory_space<vmem_shared>>
          tpu.wait_indirect_dma semaphore(%run_scoped3A_558 : memref<!tpu.dma_semaphore, #tpu.memory_space<semaphore_mem>>) src(%dma_wait3A_572 : memref<128x64xf32, #tpu.memory_space<vmem>>) dst(%dma_wait3A_578 : memref<10000x64xf32, #tpu.memory_space<vmem_shared>>)
          tpu.yield
        }) : () -> ()
      }
      %scan3A_238 = arith.constant 155 : i32
      %dma_wait3A = arith.constant 1 : i32
      %dma_wait3A_239 = arith.constant 1 : i32
      %dma_wait3A_240 = arith.constant 1 : i32
      %dma_wait3A_241 = arith.constant 0 : i32
      %dma_wait3A_242 = arith.constant 0 : i32
      %dma_wait3A_243 = tpu.memref_slice %arg11[%dma_wait3A_239, %dma_wait3A_241, %dma_wait3A_242] : memref<2x128x64xf32, #tpu.memory_space<vmem>> -> memref<1x128x64xf32, #tpu.memory_space<vmem>>
      %dma_wait3A_244 = tpu.memref_squeeze %dma_wait3A_243 : memref<1x128x64xf32, #tpu.memory_space<vmem>> -> memref<128x64xf32, #tpu.memory_space<vmem>>
      %dma_wait3A_245 = arith.constant 0 : i32
      %dma_wait3A_246 = tpu.memref_slice %arg10[%dma_wait3A, %dma_wait3A_245] : memref<2x128xi32, #tpu.memory_space<vmem>> -> memref<1x128xi32, #tpu.memory_space<vmem>>
      %dma_wait3A_247 = tpu.memref_squeeze %dma_wait3A_246 : memref<1x128xi32, #tpu.memory_space<vmem>> -> memref<128xi32, #tpu.memory_space<vmem>>
      %dma_wait3A_248 = arith.constant 0 : i32
      %dma_wait3A_249 = arith.constant 0 : i32
      %dma_wait3A_250 = tpu.memref_slice %arg2[%dma_wait3A_248, %dma_wait3A_249] : memref<20000x64xf32, #tpu.memory_space<hbm>> -> memref<20000x64xf32, #tpu.memory_space<hbm>>
      %dma_wait3A_251 = tpu.memref_slice %arg15[%dma_wait3A_240] : memref<2x!tpu.dma_semaphore, #tpu.memory_space<semaphore_mem>> -> memref<1x!tpu.dma_semaphore, #tpu.memory_space<semaphore_mem>>
      %dma_wait3A_252 = tpu.memref_squeeze %dma_wait3A_251 : memref<1x!tpu.dma_semaphore, #tpu.memory_space<semaphore_mem>> -> memref<!tpu.dma_semaphore, #tpu.memory_space<semaphore_mem>>
      tpu.wait_indirect_dma semaphore(%dma_wait3A_252 : memref<!tpu.dma_semaphore, #tpu.memory_space<semaphore_mem>>) src(%dma_wait3A_250 : memref<20000x64xf32, #tpu.memory_space<hbm>>) dst(%dma_wait3A_244 : memref<128x64xf32, #tpu.memory_space<vmem>>)
      %run_scoped3A = arith.constant 1 : i32
      %run_scoped3A_253 = arith.constant 1 : i32
      "tpu.region"() ({
        %run_scoped3A_312 = tpu.sem_alloc : memref<!tpu.dma_semaphore, #tpu.memory_space<semaphore_mem>>
        %dma_start3A_313 = arith.constant 0 : i32
        %dma_start3A_314 = arith.constant 0 : i32
        %dma_start3A_315 = tpu.memref_slice %arg11[%run_scoped3A, %dma_start3A_313, %dma_start3A_314] : memref<2x128x64xf32, #tpu.memory_space<vmem>> -> memref<1x128x64xf32, #tpu.memory_space<vmem>>
        %dma_start3A_316 = tpu.memref_squeeze %dma_start3A_315 : memref<1x128x64xf32, #tpu.memory_space<vmem>> -> memref<128x64xf32, #tpu.memory_space<vmem>>
        %dma_start3A_317 = arith.constant 0 : i32
        %dma_start3A_318 = tpu.memref_slice %arg9[%run_scoped3A_253, %dma_start3A_317] : memref<2x128xi32, #tpu.memory_space<vmem>> -> memref<1x128xi32, #tpu.memory_space<vmem>>
        %dma_start3A_319 = tpu.memref_squeeze %dma_start3A_318 : memref<1x128xi32, #tpu.memory_space<vmem>> -> memref<128xi32, #tpu.memory_space<vmem>>
        %dma_start3A_320 = arith.constant 0 : i32
        %dma_start3A_321 = arith.constant 0 : i32
        %dma_start3A_322 = tpu.memref_slice %arg16[%dma_start3A_320, %dma_start3A_321] : memref<10000x64xf32, #tpu.memory_space<vmem_shared>> -> memref<10000x64xf32, #tpu.memory_space<vmem_shared>>
        tpu.enqueue_indirect_dma source(%dma_start3A_316 : memref<128x64xf32, #tpu.memory_space<vmem>>) target(%dma_start3A_322 : memref<10000x64xf32, #tpu.memory_space<vmem_shared>>) offsets(%dma_start3A_319 : memref<128xi32, #tpu.memory_space<vmem>>) semaphore(%run_scoped3A_312 : memref<!tpu.dma_semaphore, #tpu.memory_space<semaphore_mem>>) {add = true}
        %dma_wait3A_323 = arith.constant 0 : i32
        %dma_wait3A_324 = arith.constant 0 : i32
        %dma_wait3A_325 = tpu.memref_slice %arg11[%run_scoped3A, %dma_wait3A_323, %dma_wait3A_324] : memref<2x128x64xf32, #tpu.memory_space<vmem>> -> memref<1x128x64xf32, #tpu.memory_space<vmem>>
        %dma_wait3A_326 = tpu.memref_squeeze %dma_wait3A_325 : memref<1x128x64xf32, #tpu.memory_space<vmem>> -> memref<128x64xf32, #tpu.memory_space<vmem>>
        %dma_wait3A_327 = arith.constant 0 : i32
        %dma_wait3A_328 = tpu.memref_slice %arg9[%run_scoped3A_253, %dma_wait3A_327] : memref<2x128xi32, #tpu.memory_space<vmem>> -> memref<1x128xi32, #tpu.memory_space<vmem>>
        %dma_wait3A_329 = tpu.memref_squeeze %dma_wait3A_328 : memref<1x128xi32, #tpu.memory_space<vmem>> -> memref<128xi32, #tpu.memory_space<vmem>>
        %dma_wait3A_330 = arith.constant 0 : i32
        %dma_wait3A_331 = arith.constant 0 : i32
        %dma_wait3A_332 = tpu.memref_slice %arg16[%dma_wait3A_330, %dma_wait3A_331] : memref<10000x64xf32, #tpu.memory_space<vmem_shared>> -> memref<10000x64xf32, #tpu.memory_space<vmem_shared>>
        tpu.wait_indirect_dma semaphore(%run_scoped3A_312 : memref<!tpu.dma_semaphore, #tpu.memory_space<semaphore_mem>>) src(%dma_wait3A_326 : memref<128x64xf32, #tpu.memory_space<vmem>>) dst(%dma_wait3A_332 : memref<10000x64xf32, #tpu.memory_space<vmem_shared>>)
        tpu.yield
      }) : () -> ()
      %get3A_254 = arith.constant 19968 : index
      %get3A_255 = tpu.vector_load %arg8[%get3A_254] {strides = array<i32>} : memref<20000xi32, #tpu.memory_space<vmem>>, vector<16xi32>,
      %get3A_256 = vector.shape_cast %get3A_255 : vector<16xi32> to vector<16xi32>
      %swap3A_257 = arith.constant 0 : index
      %swap3A_258 = tpu.vector_load %arg12[%swap3A_257] {strides = array<i32>} : memref<32xi32, #tpu.memory_space<vmem>>, vector<16xi32>,
      %swap3A_259 = vector.shape_cast %swap3A_258 : vector<16xi32> to vector<16xi32>
      %swap3A_260 = vector.shape_cast %get3A_256 : vector<16xi32> to vector<16xi32>
      tpu.vector_store %arg12[%swap3A_257], %swap3A_260 {strides = array<i32>} : memref<32xi32, #tpu.memory_space<vmem>>, vector<16xi32>,
      %get3A_261 = arith.constant 19968 : index
      %get3A_262 = tpu.vector_load %arg7[%get3A_261] {strides = array<i32>} : memref<20000xi32, #tpu.memory_space<vmem>>, vector<16xi32>,
      %get3A_263 = vector.shape_cast %get3A_262 : vector<16xi32> to vector<16xi32>
      %mul3A_264 = arith.constant 2 : i32
      %mul3A_265 = vector.broadcast %mul3A_264 : i32 to vector<16xi32>
      %mul3A_266 = arith.muli %get3A_263, %mul3A_265 : vector<16xi32>
      %swap3A_267 = arith.constant 0 : i32
      %swap3A_268 = arith.index_cast %swap3A_267 : i32 to index
      %swap3A_269 = arith.constant 0 : index
      %swap3A_270 = tpu.vector_load %arg10[%swap3A_268, %swap3A_269] {strides = array<i32>} : memref<2x128xi32, #tpu.memory_space<vmem>>, vector<1x16xi32>,
      %swap3A_271 = vector.shape_cast %swap3A_270 : vector<1x16xi32> to vector<16xi32>
      %swap3A_272 = vector.shape_cast %mul3A_266 : vector<16xi32> to vector<1x16xi32>
      tpu.vector_store %arg10[%swap3A_268, %swap3A_269], %swap3A_272 {strides = array<i32>} : memref<2x128xi32, #tpu.memory_space<vmem>>, vector<1x16xi32>,
      %get3A_273 = arith.constant 19984 : index
      %get3A_274 = tpu.vector_load %arg8[%get3A_273] {strides = array<i32>} : memref<20000xi32, #tpu.memory_space<vmem>>, vector<16xi32>,
      %get3A_275 = vector.shape_cast %get3A_274 : vector<16xi32> to vector<16xi32>
      %swap3A_276 = arith.constant 16 : index
      %swap3A_277 = tpu.vector_load %arg12[%swap3A_276] {strides = array<i32>} : memref<32xi32, #tpu.memory_space<vmem>>, vector<16xi32>,
      %swap3A_278 = vector.shape_cast %swap3A_277 : vector<16xi32> to vector<16xi32>
      %swap3A_279 = vector.shape_cast %get3A_275 : vector<16xi32> to vector<16xi32>
      tpu.vector_store %arg12[%swap3A_276], %swap3A_279 {strides = array<i32>} : memref<32xi32, #tpu.memory_space<vmem>>, vector<16xi32>,
      %get3A_280 = arith.constant 19984 : index
      %get3A_281 = tpu.vector_load %arg7[%get3A_280] {strides = array<i32>} : memref<20000xi32, #tpu.memory_space<vmem>>, vector<16xi32>,
      %get3A_282 = vector.shape_cast %get3A_281 : vector<16xi32> to vector<16xi32>
      %mul3A_283 = arith.constant 2 : i32
      %mul3A_284 = vector.broadcast %mul3A_283 : i32 to vector<16xi32>
      %mul3A_285 = arith.muli %get3A_282, %mul3A_284 : vector<16xi32>
      %swap3A_286 = arith.constant 0 : i32
      %swap3A_287 = arith.index_cast %swap3A_286 : i32 to index
      %swap3A_288 = arith.constant 16 : index
      %swap3A_289 = tpu.vector_load %arg10[%swap3A_287, %swap3A_288] {strides = array<i32>} : memref<2x128xi32, #tpu.memory_space<vmem>>, vector<1x16xi32>,
      %swap3A_290 = vector.shape_cast %swap3A_289 : vector<1x16xi32> to vector<16xi32>
      %swap3A_291 = vector.shape_cast %mul3A_285 : vector<16xi32> to vector<1x16xi32>
      tpu.vector_store %arg10[%swap3A_287, %swap3A_288], %swap3A_291 {strides = array<i32>} : memref<2x128xi32, #tpu.memory_space<vmem>>, vector<1x16xi32>,
      %dma_start3A_292 = arith.constant 0 : i32
      %dma_start3A_293 = arith.constant 0 : i32
      %dma_start3A_294 = arith.constant 0 : i32
      %dma_start3A_295 = tpu.memref_slice %arg10[%dma_start3A_292, %dma_start3A_294] : memref<2x128xi32, #tpu.memory_space<vmem>> -> memref<1x32xi32, #tpu.memory_space<vmem>>
      %dma_start3A_296 = tpu.memref_squeeze %dma_start3A_295 : memref<1x32xi32, #tpu.memory_space<vmem>> -> memref<32xi32, #tpu.memory_space<vmem>>
      %dma_start3A_297 = arith.constant 0 : i32
      %dma_start3A_298 = arith.constant 0 : i32
      %dma_start3A_299 = tpu.memref_slice %arg2[%dma_start3A_297, %dma_start3A_298] : memref<20000x64xf32, #tpu.memory_space<hbm>> -> memref<20000x64xf32, #tpu.memory_space<hbm>>
      %dma_start3A_300 = tpu.memref_slice %arg15[%dma_start3A_293] : memref<2x!tpu.dma_semaphore, #tpu.memory_space<semaphore_mem>> -> memref<1x!tpu.dma_semaphore, #tpu.memory_space<semaphore_mem>>
      %dma_start3A_301 = tpu.memref_squeeze %dma_start3A_300 : memref<1x!tpu.dma_semaphore, #tpu.memory_space<semaphore_mem>> -> memref<!tpu.dma_semaphore, #tpu.memory_space<semaphore_mem>>
      tpu.enqueue_indirect_dma source(%dma_start3A_299 : memref<20000x64xf32, #tpu.memory_space<hbm>>) target(%arg13 : memref<32x64xf32, #tpu.memory_space<vmem>>) offsets(%dma_start3A_296 : memref<32xi32, #tpu.memory_space<vmem>>) semaphore(%dma_start3A_301 : memref<!tpu.dma_semaphore, #tpu.memory_space<semaphore_mem>>)
      %dma_wait3A_302 = arith.constant 0 : i32
      %dma_wait3A_303 = arith.constant 0 : i32
      %dma_wait3A_304 = arith.constant 0 : i32
      %dma_wait3A_305 = tpu.memref_slice %arg10[%dma_wait3A_302, %dma_wait3A_304] : memref<2x128xi32, #tpu.memory_space<vmem>> -> memref<1x32xi32, #tpu.memory_space<vmem>>
      %dma_wait3A_306 = tpu.memref_squeeze %dma_wait3A_305 : memref<1x32xi32, #tpu.memory_space<vmem>> -> memref<32xi32, #tpu.memory_space<vmem>>
      %dma_wait3A_307 = arith.constant 0 : i32
      %dma_wait3A_308 = arith.constant 0 : i32
      %dma_wait3A_309 = tpu.memref_slice %arg2[%dma_wait3A_307, %dma_wait3A_308] : memref<20000x64xf32, #tpu.memory_space<hbm>> -> memref<20000x64xf32, #tpu.memory_space<hbm>>
      %dma_wait3A_310 = tpu.memref_slice %arg15[%dma_wait3A_303] : memref<2x!tpu.dma_semaphore, #tpu.memory_space<semaphore_mem>> -> memref<1x!tpu.dma_semaphore, #tpu.memory_space<semaphore_mem>>
      %dma_wait3A_311 = tpu.memref_squeeze %dma_wait3A_310 : memref<1x!tpu.dma_semaphore, #tpu.memory_space<semaphore_mem>> -> memref<!tpu.dma_semaphore, #tpu.memory_space<semaphore_mem>>
      tpu.wait_indirect_dma semaphore(%dma_wait3A_311 : memref<!tpu.dma_semaphore, #tpu.memory_space<semaphore_mem>>) src(%dma_wait3A_309 : memref<20000x64xf32, #tpu.memory_space<hbm>>) dst(%arg13 : memref<32x64xf32, #tpu.memory_space<vmem>>)
      "tpu.region"() ({
        %run_scoped3A_312 = tpu.sem_alloc : memref<!tpu.dma_semaphore, #tpu.memory_space<semaphore_mem>>
        %dma_start3A_313 = arith.constant 0 : i32
        %dma_start3A_314 = arith.constant 0 : i32
        %dma_start3A_315 = tpu.memref_slice %arg16[%dma_start3A_313, %dma_start3A_314] : memref<10000x64xf32, #tpu.memory_space<vmem_shared>> -> memref<10000x64xf32, #tpu.memory_space<vmem_shared>>
        tpu.enqueue_indirect_dma source(%arg13 : memref<32x64xf32, #tpu.memory_space<vmem>>) target(%dma_start3A_315 : memref<10000x64xf32, #tpu.memory_space<vmem_shared>>) offsets(%arg12 : memref<32xi32, #tpu.memory_space<vmem>>) semaphore(%run_scoped3A_312 : memref<!tpu.dma_semaphore, #tpu.memory_space<semaphore_mem>>) {add = true}
        %dma_wait3A_316 = arith.constant 0 : i32
        %dma_wait3A_317 = arith.constant 0 : i32
        %dma_wait3A_318 = tpu.memref_slice %arg16[%dma_wait3A_316, %dma_wait3A_317] : memref<10000x64xf32, #tpu.memory_space<vmem_shared>> -> memref<10000x64xf32, #tpu.memory_space<vmem_shared>>
        tpu.wait_indirect_dma semaphore(%run_scoped3A_312 : memref<!tpu.dma_semaphore, #tpu.memory_space<semaphore_mem>>) src(%arg13 : memref<32x64xf32, #tpu.memory_space<vmem>>) dst(%dma_wait3A_318 : memref<10000x64xf32, #tpu.memory_space<vmem_shared>>)
        tpu.yield
      }) : () -> ()
    } else {
    }
    %eq3A_27 = arith.constant 1 : i32
    %eq3A_28 = arith.cmpi eq, %arg0, %eq3A_27 : i32
    %convert_element_type3A_29 = arith.extui %eq3A_28 : i1 to i32
    %cond3A_30 = arith.constant 0 : i32
    %cond3A_31 = arith.cmpi ne, %convert_element_type3A_29, %cond3A_30 : i32
    scf.if %cond3A_31 {
      %get3A = arith.constant 0 : index
      %get3A_54 = tpu.vector_load %arg8[%get3A] {strides = array<i32>} : memref<20000xi32, #tpu.memory_space<vmem>>, vector<16xi32>,
      %get3A_55 = vector.shape_cast %get3A_54 : vector<16xi32> to vector<16xi32>
      %swap3A = arith.constant 0 : i32
      %swap3A_56 = arith.index_cast %swap3A : i32 to index
      %swap3A_57 = arith.constant 0 : index
      %swap3A_58 = tpu.vector_load %arg9[%swap3A_56, %swap3A_57] {strides = array<i32>} : memref<2x128xi32, #tpu.memory_space<vmem>>, vector<1x16xi32>,
      %swap3A_59 = vector.shape_cast %swap3A_58 : vector<1x16xi32> to vector<16xi32>
      %swap3A_60 = vector.shape_cast %get3A_55 : vector<16xi32> to vector<1x16xi32>
      tpu.vector_store %arg9[%swap3A_56, %swap3A_57], %swap3A_60 {strides = array<i32>} : memref<2x128xi32, #tpu.memory_space<vmem>>, vector<1x16xi32>,
      %get3A_61 = arith.constant 0 : index
      %get3A_62 = tpu.vector_load %arg7[%get3A_61] {strides = array<i32>} : memref<20000xi32, #tpu.memory_space<vmem>>, vector<16xi32>,
      %get3A_63 = vector.shape_cast %get3A_62 : vector<16xi32> to vector<16xi32>
      %mul3A = arith.constant 2 : i32
      %mul3A_64 = vector.broadcast %mul3A : i32 to vector<16xi32>
      %mul3A_65 = arith.muli %get3A_63, %mul3A_64 : vector<16xi32>
      %swap3A_66 = arith.constant 0 : i32
      %swap3A_67 = arith.index_cast %swap3A_66 : i32 to index
      %swap3A_68 = arith.constant 0 : index
      %swap3A_69 = tpu.vector_load %arg10[%swap3A_67, %swap3A_68] {strides = array<i32>} : memref<2x128xi32, #tpu.memory_space<vmem>>, vector<1x16xi32>,
      %swap3A_70 = vector.shape_cast %swap3A_69 : vector<1x16xi32> to vector<16xi32>
      %swap3A_71 = vector.shape_cast %mul3A_65 : vector<16xi32> to vector<1x16xi32>
      tpu.vector_store %arg10[%swap3A_67, %swap3A_68], %swap3A_71 {strides = array<i32>} : memref<2x128xi32, #tpu.memory_space<vmem>>, vector<1x16xi32>,
      %get3A_72 = arith.constant 16 : index
      %get3A_73 = tpu.vector_load %arg8[%get3A_72] {strides = array<i32>} : memref<20000xi32, #tpu.memory_space<vmem>>, vector<16xi32>,
      %get3A_74 = vector.shape_cast %get3A_73 : vector<16xi32> to vector<16xi32>
      %swap3A_75 = arith.constant 0 : i32
      %swap3A_76 = arith.index_cast %swap3A_75 : i32 to index
      %swap3A_77 = arith.constant 16 : index
      %swap3A_78 = tpu.vector_load %arg9[%swap3A_76, %swap3A_77] {strides = array<i32>} : memref<2x128xi32, #tpu.memory_space<vmem>>, vector<1x16xi32>,
      %swap3A_79 = vector.shape_cast %swap3A_78 : vector<1x16xi32> to vector<16xi32>
      %swap3A_80 = vector.shape_cast %get3A_74 : vector<16xi32> to vector<1x16xi32>
      tpu.vector_store %arg9[%swap3A_76, %swap3A_77], %swap3A_80 {strides = array<i32>} : memref<2x128xi32, #tpu.memory_space<vmem>>, vector<1x16xi32>,
      %get3A_81 = arith.constant 16 : index
      %get3A_82 = tpu.vector_load %arg7[%get3A_81] {strides = array<i32>} : memref<20000xi32, #tpu.memory_space<vmem>>, vector<16xi32>,
      %get3A_83 = vector.shape_cast %get3A_82 : vector<16xi32> to vector<16xi32>
      %mul3A_84 = arith.constant 2 : i32
      %mul3A_85 = vector.broadcast %mul3A_84 : i32 to vector<16xi32>
      %mul3A_86 = arith.muli %get3A_83, %mul3A_85 : vector<16xi32>
      %swap3A_87 = arith.constant 0 : i32
      %swap3A_88 = arith.index_cast %swap3A_87 : i32 to index
      %swap3A_89 = arith.constant 16 : index
      %swap3A_90 = tpu.vector_load %arg10[%swap3A_88, %swap3A_89] {strides = array<i32>} : memref<2x128xi32, #tpu.memory_space<vmem>>, vector<1x16xi32>,
      %swap3A_91 = vector.shape_cast %swap3A_90 : vector<1x16xi32> to vector<16xi32>
      %swap3A_92 = vector.shape_cast %mul3A_86 : vector<16xi32> to vector<1x16xi32>
      tpu.vector_store %arg10[%swap3A_88, %swap3A_89], %swap3A_92 {strides = array<i32>} : memref<2x128xi32, #tpu.memory_space<vmem>>, vector<1x16xi32>,
      %get3A_93 = arith.constant 32 : index
      %get3A_94 = tpu.vector_load %arg8[%get3A_93] {strides = array<i32>} : memref<20000xi32, #tpu.memory_space<vmem>>, vector<16xi32>,
      %get3A_95 = vector.shape_cast %get3A_94 : vector<16xi32> to vector<16xi32>
      %swap3A_96 = arith.constant 0 : i32
      %swap3A_97 = arith.index_cast %swap3A_96 : i32 to index
      %swap3A_98 = arith.constant 32 : index
      %swap3A_99 = tpu.vector_load %arg9[%swap3A_97, %swap3A_98] {strides = array<i32>} : memref<2x128xi32, #tpu.memory_space<vmem>>, vector<1x16xi32>,
      %swap3A_100 = vector.shape_cast %swap3A_99 : vector<1x16xi32> to vector<16xi32>
      %swap3A_101 = vector.shape_cast %get3A_95 : vector<16xi32> to vector<1x16xi32>
      tpu.vector_store %arg9[%swap3A_97, %swap3A_98], %swap3A_101 {strides = array<i32>} : memref<2x128xi32, #tpu.memory_space<vmem>>, vector<1x16xi32>,
      %get3A_102 = arith.constant 32 : index
      %get3A_103 = tpu.vector_load %arg7[%get3A_102] {strides = array<i32>} : memref<20000xi32, #tpu.memory_space<vmem>>, vector<16xi32>,
      %get3A_104 = vector.shape_cast %get3A_103 : vector<16xi32> to vector<16xi32>
      %mul3A_105 = arith.constant 2 : i32
      %mul3A_106 = vector.broadcast %mul3A_105 : i32 to vector<16xi32>
      %mul3A_107 = arith.muli %get3A_104, %mul3A_106 : vector<16xi32>
      %swap3A_108 = arith.constant 0 : i32
      %swap3A_109 = arith.index_cast %swap3A_108 : i32 to index
      %swap3A_110 = arith.constant 32 : index
      %swap3A_111 = tpu.vector_load %arg10[%swap3A_109, %swap3A_110] {strides = array<i32>} : memref<2x128xi32, #tpu.memory_space<vmem>>, vector<1x16xi32>,
      %swap3A_112 = vector.shape_cast %swap3A_111 : vector<1x16xi32> to vector<16xi32>
      %swap3A_113 = vector.shape_cast %mul3A_107 : vector<16xi32> to vector<1x16xi32>
      tpu.vector_store %arg10[%swap3A_109, %swap3A_110], %swap3A_113 {strides = array<i32>} : memref<2x128xi32, #tpu.memory_space<vmem>>, vector<1x16xi32>,
      %get3A_114 = arith.constant 48 : index
      %get3A_115 = tpu.vector_load %arg8[%get3A_114] {strides = array<i32>} : memref<20000xi32, #tpu.memory_space<vmem>>, vector<16xi32>,
      %get3A_116 = vector.shape_cast %get3A_115 : vector<16xi32> to vector<16xi32>
      %swap3A_117 = arith.constant 0 : i32
      %swap3A_118 = arith.index_cast %swap3A_117 : i32 to index
      %swap3A_119 = arith.constant 48 : index
      %swap3A_120 = tpu.vector_load %arg9[%swap3A_118, %swap3A_119] {strides = array<i32>} : memref<2x128xi32, #tpu.memory_space<vmem>>, vector<1x16xi32>,
      %swap3A_121 = vector.shape_cast %swap3A_120 : vector<1x16xi32> to vector<16xi32>
      %swap3A_122 = vector.shape_cast %get3A_116 : vector<16xi32> to vector<1x16xi32>
      tpu.vector_store %arg9[%swap3A_118, %swap3A_119], %swap3A_122 {strides = array<i32>} : memref<2x128xi32, #tpu.memory_space<vmem>>, vector<1x16xi32>,
      %get3A_123 = arith.constant 48 : index
      %get3A_124 = tpu.vector_load %arg7[%get3A_123] {strides = array<i32>} : memref<20000xi32, #tpu.memory_space<vmem>>, vector<16xi32>,
      %get3A_125 = vector.shape_cast %get3A_124 : vector<16xi32> to vector<16xi32>
      %mul3A_126 = arith.constant 2 : i32
      %mul3A_127 = vector.broadcast %mul3A_126 : i32 to vector<16xi32>
      %mul3A_128 = arith.muli %get3A_125, %mul3A_127 : vector<16xi32>
      %swap3A_129 = arith.constant 0 : i32
      %swap3A_130 = arith.index_cast %swap3A_129 : i32 to index
      %swap3A_131 = arith.constant 48 : index
      %swap3A_132 = tpu.vector_load %arg10[%swap3A_130, %swap3A_131] {strides = array<i32>} : memref<2x128xi32, #tpu.memory_space<vmem>>, vector<1x16xi32>,
      %swap3A_133 = vector.shape_cast %swap3A_132 : vector<1x16xi32> to vector<16xi32>
      %swap3A_134 = vector.shape_cast %mul3A_128 : vector<16xi32> to vector<1x16xi32>
      tpu.vector_store %arg10[%swap3A_130, %swap3A_131], %swap3A_134 {strides = array<i32>} : memref<2x128xi32, #tpu.memory_space<vmem>>, vector<1x16xi32>,
      %get3A_135 = arith.constant 64 : index
      %get3A_136 = tpu.vector_load %arg8[%get3A_135] {strides = array<i32>} : memref<20000xi32, #tpu.memory_space<vmem>>, vector<16xi32>,
      %get3A_137 = vector.shape_cast %get3A_136 : vector<16xi32> to vector<16xi32>
      %swap3A_138 = arith.constant 0 : i32
      %swap3A_139 = arith.index_cast %swap3A_138 : i32 to index
      %swap3A_140 = arith.constant 64 : index
      %swap3A_141 = tpu.vector_load %arg9[%swap3A_139, %swap3A_140] {strides = array<i32>} : memref<2x128xi32, #tpu.memory_space<vmem>>, vector<1x16xi32>,
      %swap3A_142 = vector.shape_cast %swap3A_141 : vector<1x16xi32> to vector<16xi32>
      %swap3A_143 = vector.shape_cast %get3A_137 : vector<16xi32> to vector<1x16xi32>
      tpu.vector_store %arg9[%swap3A_139, %swap3A_140], %swap3A_143 {strides = array<i32>} : memref<2x128xi32, #tpu.memory_space<vmem>>, vector<1x16xi32>,
      %get3A_144 = arith.constant 64 : index
      %get3A_145 = tpu.vector_load %arg7[%get3A_144] {strides = array<i32>} : memref<20000xi32, #tpu.memory_space<vmem>>, vector<16xi32>,
      %get3A_146 = vector.shape_cast %get3A_145 : vector<16xi32> to vector<16xi32>
      %mul3A_147 = arith.constant 2 : i32
      %mul3A_148 = vector.broadcast %mul3A_147 : i32 to vector<16xi32>
      %mul3A_149 = arith.muli %get3A_146, %mul3A_148 : vector<16xi32>
      %swap3A_150 = arith.constant 0 : i32
      %swap3A_151 = arith.index_cast %swap3A_150 : i32 to index
      %swap3A_152 = arith.constant 64 : index
      %swap3A_153 = tpu.vector_load %arg10[%swap3A_151, %swap3A_152] {strides = array<i32>} : memref<2x128xi32, #tpu.memory_space<vmem>>, vector<1x16xi32>,
      %swap3A_154 = vector.shape_cast %swap3A_153 : vector<1x16xi32> to vector<16xi32>
      %swap3A_155 = vector.shape_cast %mul3A_149 : vector<16xi32> to vector<1x16xi32>
      tpu.vector_store %arg10[%swap3A_151, %swap3A_152], %swap3A_155 {strides = array<i32>} : memref<2x128xi32, #tpu.memory_space<vmem>>, vector<1x16xi32>,
      %get3A_156 = arith.constant 80 : index
      %get3A_157 = tpu.vector_load %arg8[%get3A_156] {strides = array<i32>} : memref<20000xi32, #tpu.memory_space<vmem>>, vector<16xi32>,
      %get3A_158 = vector.shape_cast %get3A_157 : vector<16xi32> to vector<16xi32>
      %swap3A_159 = arith.constant 0 : i32
      %swap3A_160 = arith.index_cast %swap3A_159 : i32 to index
      %swap3A_161 = arith.constant 80 : index
      %swap3A_162 = tpu.vector_load %arg9[%swap3A_160, %swap3A_161] {strides = array<i32>} : memref<2x128xi32, #tpu.memory_space<vmem>>, vector<1x16xi32>,
      %swap3A_163 = vector.shape_cast %swap3A_162 : vector<1x16xi32> to vector<16xi32>
      %swap3A_164 = vector.shape_cast %get3A_158 : vector<16xi32> to vector<1x16xi32>
      tpu.vector_store %arg9[%swap3A_160, %swap3A_161], %swap3A_164 {strides = array<i32>} : memref<2x128xi32, #tpu.memory_space<vmem>>, vector<1x16xi32>,
      %get3A_165 = arith.constant 80 : index
      %get3A_166 = tpu.vector_load %arg7[%get3A_165] {strides = array<i32>} : memref<20000xi32, #tpu.memory_space<vmem>>, vector<16xi32>,
      %get3A_167 = vector.shape_cast %get3A_166 : vector<16xi32> to vector<16xi32>
      %mul3A_168 = arith.constant 2 : i32
      %mul3A_169 = vector.broadcast %mul3A_168 : i32 to vector<16xi32>
      %mul3A_170 = arith.muli %get3A_167, %mul3A_169 : vector<16xi32>
      %swap3A_171 = arith.constant 0 : i32
      %swap3A_172 = arith.index_cast %swap3A_171 : i32 to index
      %swap3A_173 = arith.constant 80 : index
      %swap3A_174 = tpu.vector_load %arg10[%swap3A_172, %swap3A_173] {strides = array<i32>} : memref<2x128xi32, #tpu.memory_space<vmem>>, vector<1x16xi32>,
      %swap3A_175 = vector.shape_cast %swap3A_174 : vector<1x16xi32> to vector<16xi32>
      %swap3A_176 = vector.shape_cast %mul3A_170 : vector<16xi32> to vector<1x16xi32>
      tpu.vector_store %arg10[%swap3A_172, %swap3A_173], %swap3A_176 {strides = array<i32>} : memref<2x128xi32, #tpu.memory_space<vmem>>, vector<1x16xi32>,
      %get3A_177 = arith.constant 96 : index
      %get3A_178 = tpu.vector_load %arg8[%get3A_177] {strides = array<i32>} : memref<20000xi32, #tpu.memory_space<vmem>>, vector<16xi32>,
      %get3A_179 = vector.shape_cast %get3A_178 : vector<16xi32> to vector<16xi32>
      %swap3A_180 = arith.constant 0 : i32
      %swap3A_181 = arith.index_cast %swap3A_180 : i32 to index
      %swap3A_182 = arith.constant 96 : index
      %swap3A_183 = tpu.vector_load %arg9[%swap3A_181, %swap3A_182] {strides = array<i32>} : memref<2x128xi32, #tpu.memory_space<vmem>>, vector<1x16xi32>,
      %swap3A_184 = vector.shape_cast %swap3A_183 : vector<1x16xi32> to vector<16xi32>
      %swap3A_185 = vector.shape_cast %get3A_179 : vector<16xi32> to vector<1x16xi32>
      tpu.vector_store %arg9[%swap3A_181, %swap3A_182], %swap3A_185 {strides = array<i32>} : memref<2x128xi32, #tpu.memory_space<vmem>>, vector<1x16xi32>,
      %get3A_186 = arith.constant 96 : index
      %get3A_187 = tpu.vector_load %arg7[%get3A_186] {strides = array<i32>} : memref<20000xi32, #tpu.memory_space<vmem>>, vector<16xi32>,
      %get3A_188 = vector.shape_cast %get3A_187 : vector<16xi32> to vector<16xi32>
      %mul3A_189 = arith.constant 2 : i32
      %mul3A_190 = vector.broadcast %mul3A_189 : i32 to vector<16xi32>
      %mul3A_191 = arith.muli %get3A_188, %mul3A_190 : vector<16xi32>
      %swap3A_192 = arith.constant 0 : i32
      %swap3A_193 = arith.index_cast %swap3A_192 : i32 to index
      %swap3A_194 = arith.constant 96 : index
      %swap3A_195 = tpu.vector_load %arg10[%swap3A_193, %swap3A_194] {strides = array<i32>} : memref<2x128xi32, #tpu.memory_space<vmem>>, vector<1x16xi32>,
      %swap3A_196 = vector.shape_cast %swap3A_195 : vector<1x16xi32> to vector<16xi32>
      %swap3A_197 = vector.shape_cast %mul3A_191 : vector<16xi32> to vector<1x16xi32>
      tpu.vector_store %arg10[%swap3A_193, %swap3A_194], %swap3A_197 {strides = array<i32>} : memref<2x128xi32, #tpu.memory_space<vmem>>, vector<1x16xi32>,
      %get3A_198 = arith.constant 112 : index
      %get3A_199 = tpu.vector_load %arg8[%get3A_198] {strides = array<i32>} : memref<20000xi32, #tpu.memory_space<vmem>>, vector<16xi32>,
      %get3A_200 = vector.shape_cast %get3A_199 : vector<16xi32> to vector<16xi32>
      %swap3A_201 = arith.constant 0 : i32
      %swap3A_202 = arith.index_cast %swap3A_201 : i32 to index
      %swap3A_203 = arith.constant 112 : index
      %swap3A_204 = tpu.vector_load %arg9[%swap3A_202, %swap3A_203] {strides = array<i32>} : memref<2x128xi32, #tpu.memory_space<vmem>>, vector<1x16xi32>,
      %swap3A_205 = vector.shape_cast %swap3A_204 : vector<1x16xi32> to vector<16xi32>
      %swap3A_206 = vector.shape_cast %get3A_200 : vector<16xi32> to vector<1x16xi32>
      tpu.vector_store %arg9[%swap3A_202, %swap3A_203], %swap3A_206 {strides = array<i32>} : memref<2x128xi32, #tpu.memory_space<vmem>>, vector<1x16xi32>,
      %get3A_207 = arith.constant 112 : index
      %get3A_208 = tpu.vector_load %arg7[%get3A_207] {strides = array<i32>} : memref<20000xi32, #tpu.memory_space<vmem>>, vector<16xi32>,
      %get3A_209 = vector.shape_cast %get3A_208 : vector<16xi32> to vector<16xi32>
      %mul3A_210 = arith.constant 2 : i32
      %mul3A_211 = vector.broadcast %mul3A_210 : i32 to vector<16xi32>
      %mul3A_212 = arith.muli %get3A_209, %mul3A_211 : vector<16xi32>
      %swap3A_213 = arith.constant 0 : i32
      %swap3A_214 = arith.index_cast %swap3A_213 : i32 to index
      %swap3A_215 = arith.constant 112 : index
      %swap3A_216 = tpu.vector_load %arg10[%swap3A_214, %swap3A_215] {strides = array<i32>} : memref<2x128xi32, #tpu.memory_space<vmem>>, vector<1x16xi32>,
      %swap3A_217 = vector.shape_cast %swap3A_216 : vector<1x16xi32> to vector<16xi32>
      %swap3A_218 = vector.shape_cast %mul3A_212 : vector<16xi32> to vector<1x16xi32>
      tpu.vector_store %arg10[%swap3A_214, %swap3A_215], %swap3A_218 {strides = array<i32>} : memref<2x128xi32, #tpu.memory_space<vmem>>, vector<1x16xi32>,
      %dma_start3A = arith.constant 0 : i32
      %dma_start3A_219 = arith.constant 0 : i32
      %dma_start3A_220 = arith.constant 0 : i32
      %dma_start3A_221 = arith.constant 0 : i32
      %dma_start3A_222 = arith.constant 0 : i32
      %dma_start3A_223 = tpu.memref_slice %arg11[%dma_start3A_219, %dma_start3A_221, %dma_start3A_222] : memref<2x128x64xf32, #tpu.memory_space<vmem>> -> memref<1x128x64xf32, #tpu.memory_space<vmem>>
      %dma_start3A_224 = tpu.memref_squeeze %dma_start3A_223 : memref<1x128x64xf32, #tpu.memory_space<vmem>> -> memref<128x64xf32, #tpu.memory_space<vmem>>
      %dma_start3A_225 = arith.constant 0 : i32
      %dma_start3A_226 = tpu.memref_slice %arg10[%dma_start3A, %dma_start3A_225] : memref<2x128xi32, #tpu.memory_space<vmem>> -> memref<1x128xi32, #tpu.memory_space<vmem>>
      %dma_start3A_227 = tpu.memref_squeeze %dma_start3A_226 : memref<1x128xi32, #tpu.memory_space<vmem>> -> memref<128xi32, #tpu.memory_space<vmem>>
      %dma_start3A_228 = arith.constant 0 : i32
      %dma_start3A_229 = arith.constant 0 : i32
      %dma_start3A_230 = tpu.memref_slice %arg3[%dma_start3A_228, %dma_start3A_229] : memref<20000x64xf32, #tpu.memory_space<hbm>> -> memref<20000x64xf32, #tpu.memory_space<hbm>>
      %dma_start3A_231 = tpu.memref_slice %arg15[%dma_start3A_220] : memref<2x!tpu.dma_semaphore, #tpu.memory_space<semaphore_mem>> -> memref<1x!tpu.dma_semaphore, #tpu.memory_space<semaphore_mem>>
      %dma_start3A_232 = tpu.memref_squeeze %dma_start3A_231 : memref<1x!tpu.dma_semaphore, #tpu.memory_space<semaphore_mem>> -> memref<!tpu.dma_semaphore, #tpu.memory_space<semaphore_mem>>
      tpu.enqueue_indirect_dma source(%dma_start3A_230 : memref<20000x64xf32, #tpu.memory_space<hbm>>) target(%dma_start3A_224 : memref<128x64xf32, #tpu.memory_space<vmem>>) offsets(%dma_start3A_227 : memref<128xi32, #tpu.memory_space<vmem>>) semaphore(%dma_start3A_232 : memref<!tpu.dma_semaphore, #tpu.memory_space<semaphore_mem>>)
      %scan3A_233 = arith.constant 0 : i32
      %scan3A_234 = arith.constant 1 : i32
      %scan3A_235 = arith.constant 155 : i32
      %scan3A_236 = arith.addi %scan3A_234, %scan3A_235 : i32
      %scan3A_237 = arith.constant 1 : i32
      scf.for %scan3A_312 = %scan3A_234 to %scan3A_236 step %scan3A_237  : i32 {
        %rem3A = arith.constant 2 : i32
        %rem3A_313 = arith.remsi %scan3A_312, %rem3A : i32
        %mul3A_314 = arith.constant 128 : i32
        %mul3A_315 = arith.muli %scan3A_312, %mul3A_314 : i32
        %add3A_316 = arith.constant 0 : i32
        %add3A_317 = arith.addi %mul3A_315, %add3A_316 : i32
        %get3A_318 = arith.index_cast %add3A_317 : i32 to index
        %get3A_319 = tpu.vector_load %arg8[%get3A_318] {strides = array<i32>} : memref<20000xi32, #tpu.memory_space<vmem>>, vector<16xi32>,
        %get3A_320 = vector.shape_cast %get3A_319 : vector<16xi32> to vector<16xi32>
        %swap3A_321 = arith.index_cast %rem3A_313 : i32 to index
        %swap3A_322 = arith.constant 0 : index
        %swap3A_323 = tpu.vector_load %arg9[%swap3A_321, %swap3A_322] {strides = array<i32>} : memref<2x128xi32, #tpu.memory_space<vmem>>, vector<1x16xi32>,
        %swap3A_324 = vector.shape_cast %swap3A_323 : vector<1x16xi32> to vector<16xi32>
        %swap3A_325 = vector.shape_cast %get3A_320 : vector<16xi32> to vector<1x16xi32>
        tpu.vector_store %arg9[%swap3A_321, %swap3A_322], %swap3A_325 {strides = array<i32>} : memref<2x128xi32, #tpu.memory_space<vmem>>, vector<1x16xi32>,
        %mul3A_326 = arith.constant 128 : i32
        %mul3A_327 = arith.muli %scan3A_312, %mul3A_326 : i32
        %add3A_328 = arith.constant 0 : i32
        %add3A_329 = arith.addi %mul3A_327, %add3A_328 : i32
        %get3A_330 = arith.index_cast %add3A_329 : i32 to index
        %get3A_331 = tpu.vector_load %arg7[%get3A_330] {strides = array<i32>} : memref<20000xi32, #tpu.memory_space<vmem>>, vector<16xi32>,
        %get3A_332 = vector.shape_cast %get3A_331 : vector<16xi32> to vector<16xi32>
        %mul3A_333 = arith.constant 2 : i32
        %mul3A_334 = vector.broadcast %mul3A_333 : i32 to vector<16xi32>
        %mul3A_335 = arith.muli %get3A_332, %mul3A_334 : vector<16xi32>
        %swap3A_336 = arith.index_cast %rem3A_313 : i32 to index
        %swap3A_337 = arith.constant 0 : index
        %swap3A_338 = tpu.vector_load %arg10[%swap3A_336, %swap3A_337] {strides = array<i32>} : memref<2x128xi32, #tpu.memory_space<vmem>>, vector<1x16xi32>,
        %swap3A_339 = vector.shape_cast %swap3A_338 : vector<1x16xi32> to vector<16xi32>
        %swap3A_340 = vector.shape_cast %mul3A_335 : vector<16xi32> to vector<1x16xi32>
        tpu.vector_store %arg10[%swap3A_336, %swap3A_337], %swap3A_340 {strides = array<i32>} : memref<2x128xi32, #tpu.memory_space<vmem>>, vector<1x16xi32>,
        %mul3A_341 = arith.constant 128 : i32
        %mul3A_342 = arith.muli %scan3A_312, %mul3A_341 : i32
        %add3A_343 = arith.constant 16 : i32
        %add3A_344 = arith.addi %mul3A_342, %add3A_343 : i32
        %get3A_345 = arith.index_cast %add3A_344 : i32 to index
        %get3A_346 = tpu.vector_load %arg8[%get3A_345] {strides = array<i32>} : memref<20000xi32, #tpu.memory_space<vmem>>, vector<16xi32>,
        %get3A_347 = vector.shape_cast %get3A_346 : vector<16xi32> to vector<16xi32>
        %swap3A_348 = arith.index_cast %rem3A_313 : i32 to index
        %swap3A_349 = arith.constant 16 : index
        %swap3A_350 = tpu.vector_load %arg9[%swap3A_348, %swap3A_349] {strides = array<i32>} : memref<2x128xi32, #tpu.memory_space<vmem>>, vector<1x16xi32>,
        %swap3A_351 = vector.shape_cast %swap3A_350 : vector<1x16xi32> to vector<16xi32>
        %swap3A_352 = vector.shape_cast %get3A_347 : vector<16xi32> to vector<1x16xi32>
        tpu.vector_store %arg9[%swap3A_348, %swap3A_349], %swap3A_352 {strides = array<i32>} : memref<2x128xi32, #tpu.memory_space<vmem>>, vector<1x16xi32>,
        %mul3A_353 = arith.constant 128 : i32
        %mul3A_354 = arith.muli %scan3A_312, %mul3A_353 : i32
        %add3A_355 = arith.constant 16 : i32
        %add3A_356 = arith.addi %mul3A_354, %add3A_355 : i32
        %get3A_357 = arith.index_cast %add3A_356 : i32 to index
        %get3A_358 = tpu.vector_load %arg7[%get3A_357] {strides = array<i32>} : memref<20000xi32, #tpu.memory_space<vmem>>, vector<16xi32>,
        %get3A_359 = vector.shape_cast %get3A_358 : vector<16xi32> to vector<16xi32>
        %mul3A_360 = arith.constant 2 : i32
        %mul3A_361 = vector.broadcast %mul3A_360 : i32 to vector<16xi32>
        %mul3A_362 = arith.muli %get3A_359, %mul3A_361 : vector<16xi32>
        %swap3A_363 = arith.index_cast %rem3A_313 : i32 to index
        %swap3A_364 = arith.constant 16 : index
        %swap3A_365 = tpu.vector_load %arg10[%swap3A_363, %swap3A_364] {strides = array<i32>} : memref<2x128xi32, #tpu.memory_space<vmem>>, vector<1x16xi32>,
        %swap3A_366 = vector.shape_cast %swap3A_365 : vector<1x16xi32> to vector<16xi32>
        %swap3A_367 = vector.shape_cast %mul3A_362 : vector<16xi32> to vector<1x16xi32>
        tpu.vector_store %arg10[%swap3A_363, %swap3A_364], %swap3A_367 {strides = array<i32>} : memref<2x128xi32, #tpu.memory_space<vmem>>, vector<1x16xi32>,
        %mul3A_368 = arith.constant 128 : i32
        %mul3A_369 = arith.muli %scan3A_312, %mul3A_368 : i32
        %add3A_370 = arith.constant 32 : i32
        %add3A_371 = arith.addi %mul3A_369, %add3A_370 : i32
        %get3A_372 = arith.index_cast %add3A_371 : i32 to index
        %get3A_373 = tpu.vector_load %arg8[%get3A_372] {strides = array<i32>} : memref<20000xi32, #tpu.memory_space<vmem>>, vector<16xi32>,
        %get3A_374 = vector.shape_cast %get3A_373 : vector<16xi32> to vector<16xi32>
        %swap3A_375 = arith.index_cast %rem3A_313 : i32 to index
        %swap3A_376 = arith.constant 32 : index
        %swap3A_377 = tpu.vector_load %arg9[%swap3A_375, %swap3A_376] {strides = array<i32>} : memref<2x128xi32, #tpu.memory_space<vmem>>, vector<1x16xi32>,
        %swap3A_378 = vector.shape_cast %swap3A_377 : vector<1x16xi32> to vector<16xi32>
        %swap3A_379 = vector.shape_cast %get3A_374 : vector<16xi32> to vector<1x16xi32>
        tpu.vector_store %arg9[%swap3A_375, %swap3A_376], %swap3A_379 {strides = array<i32>} : memref<2x128xi32, #tpu.memory_space<vmem>>, vector<1x16xi32>,
        %mul3A_380 = arith.constant 128 : i32
        %mul3A_381 = arith.muli %scan3A_312, %mul3A_380 : i32
        %add3A_382 = arith.constant 32 : i32
        %add3A_383 = arith.addi %mul3A_381, %add3A_382 : i32
        %get3A_384 = arith.index_cast %add3A_383 : i32 to index
        %get3A_385 = tpu.vector_load %arg7[%get3A_384] {strides = array<i32>} : memref<20000xi32, #tpu.memory_space<vmem>>, vector<16xi32>,
        %get3A_386 = vector.shape_cast %get3A_385 : vector<16xi32> to vector<16xi32>
        %mul3A_387 = arith.constant 2 : i32
        %mul3A_388 = vector.broadcast %mul3A_387 : i32 to vector<16xi32>
        %mul3A_389 = arith.muli %get3A_386, %mul3A_388 : vector<16xi32>
        %swap3A_390 = arith.index_cast %rem3A_313 : i32 to index
        %swap3A_391 = arith.constant 32 : index
        %swap3A_392 = tpu.vector_load %arg10[%swap3A_390, %swap3A_391] {strides = array<i32>} : memref<2x128xi32, #tpu.memory_space<vmem>>, vector<1x16xi32>,
        %swap3A_393 = vector.shape_cast %swap3A_392 : vector<1x16xi32> to vector<16xi32>
        %swap3A_394 = vector.shape_cast %mul3A_389 : vector<16xi32> to vector<1x16xi32>
        tpu.vector_store %arg10[%swap3A_390, %swap3A_391], %swap3A_394 {strides = array<i32>} : memref<2x128xi32, #tpu.memory_space<vmem>>, vector<1x16xi32>,
        %mul3A_395 = arith.constant 128 : i32
        %mul3A_396 = arith.muli %scan3A_312, %mul3A_395 : i32
        %add3A_397 = arith.constant 48 : i32
        %add3A_398 = arith.addi %mul3A_396, %add3A_397 : i32
        %get3A_399 = arith.index_cast %add3A_398 : i32 to index
        %get3A_400 = tpu.vector_load %arg8[%get3A_399] {strides = array<i32>} : memref<20000xi32, #tpu.memory_space<vmem>>, vector<16xi32>,
        %get3A_401 = vector.shape_cast %get3A_400 : vector<16xi32> to vector<16xi32>
        %swap3A_402 = arith.index_cast %rem3A_313 : i32 to index
        %swap3A_403 = arith.constant 48 : index
        %swap3A_404 = tpu.vector_load %arg9[%swap3A_402, %swap3A_403] {strides = array<i32>} : memref<2x128xi32, #tpu.memory_space<vmem>>, vector<1x16xi32>,
        %swap3A_405 = vector.shape_cast %swap3A_404 : vector<1x16xi32> to vector<16xi32>
        %swap3A_406 = vector.shape_cast %get3A_401 : vector<16xi32> to vector<1x16xi32>
        tpu.vector_store %arg9[%swap3A_402, %swap3A_403], %swap3A_406 {strides = array<i32>} : memref<2x128xi32, #tpu.memory_space<vmem>>, vector<1x16xi32>,
        %mul3A_407 = arith.constant 128 : i32
        %mul3A_408 = arith.muli %scan3A_312, %mul3A_407 : i32
        %add3A_409 = arith.constant 48 : i32
        %add3A_410 = arith.addi %mul3A_408, %add3A_409 : i32
        %get3A_411 = arith.index_cast %add3A_410 : i32 to index
        %get3A_412 = tpu.vector_load %arg7[%get3A_411] {strides = array<i32>} : memref<20000xi32, #tpu.memory_space<vmem>>, vector<16xi32>,
        %get3A_413 = vector.shape_cast %get3A_412 : vector<16xi32> to vector<16xi32>
        %mul3A_414 = arith.constant 2 : i32
        %mul3A_415 = vector.broadcast %mul3A_414 : i32 to vector<16xi32>
        %mul3A_416 = arith.muli %get3A_413, %mul3A_415 : vector<16xi32>
        %swap3A_417 = arith.index_cast %rem3A_313 : i32 to index
        %swap3A_418 = arith.constant 48 : index
        %swap3A_419 = tpu.vector_load %arg10[%swap3A_417, %swap3A_418] {strides = array<i32>} : memref<2x128xi32, #tpu.memory_space<vmem>>, vector<1x16xi32>,
        %swap3A_420 = vector.shape_cast %swap3A_419 : vector<1x16xi32> to vector<16xi32>
        %swap3A_421 = vector.shape_cast %mul3A_416 : vector<16xi32> to vector<1x16xi32>
        tpu.vector_store %arg10[%swap3A_417, %swap3A_418], %swap3A_421 {strides = array<i32>} : memref<2x128xi32, #tpu.memory_space<vmem>>, vector<1x16xi32>,
        %mul3A_422 = arith.constant 128 : i32
        %mul3A_423 = arith.muli %scan3A_312, %mul3A_422 : i32
        %add3A_424 = arith.constant 64 : i32
        %add3A_425 = arith.addi %mul3A_423, %add3A_424 : i32
        %get3A_426 = arith.index_cast %add3A_425 : i32 to index
        %get3A_427 = tpu.vector_load %arg8[%get3A_426] {strides = array<i32>} : memref<20000xi32, #tpu.memory_space<vmem>>, vector<16xi32>,
        %get3A_428 = vector.shape_cast %get3A_427 : vector<16xi32> to vector<16xi32>
        %swap3A_429 = arith.index_cast %rem3A_313 : i32 to index
        %swap3A_430 = arith.constant 64 : index
        %swap3A_431 = tpu.vector_load %arg9[%swap3A_429, %swap3A_430] {strides = array<i32>} : memref<2x128xi32, #tpu.memory_space<vmem>>, vector<1x16xi32>,
        %swap3A_432 = vector.shape_cast %swap3A_431 : vector<1x16xi32> to vector<16xi32>
        %swap3A_433 = vector.shape_cast %get3A_428 : vector<16xi32> to vector<1x16xi32>
        tpu.vector_store %arg9[%swap3A_429, %swap3A_430], %swap3A_433 {strides = array<i32>} : memref<2x128xi32, #tpu.memory_space<vmem>>, vector<1x16xi32>,
        %mul3A_434 = arith.constant 128 : i32
        %mul3A_435 = arith.muli %scan3A_312, %mul3A_434 : i32
        %add3A_436 = arith.constant 64 : i32
        %add3A_437 = arith.addi %mul3A_435, %add3A_436 : i32
        %get3A_438 = arith.index_cast %add3A_437 : i32 to index
        %get3A_439 = tpu.vector_load %arg7[%get3A_438] {strides = array<i32>} : memref<20000xi32, #tpu.memory_space<vmem>>, vector<16xi32>,
        %get3A_440 = vector.shape_cast %get3A_439 : vector<16xi32> to vector<16xi32>
        %mul3A_441 = arith.constant 2 : i32
        %mul3A_442 = vector.broadcast %mul3A_441 : i32 to vector<16xi32>
        %mul3A_443 = arith.muli %get3A_440, %mul3A_442 : vector<16xi32>
        %swap3A_444 = arith.index_cast %rem3A_313 : i32 to index
        %swap3A_445 = arith.constant 64 : index
        %swap3A_446 = tpu.vector_load %arg10[%swap3A_444, %swap3A_445] {strides = array<i32>} : memref<2x128xi32, #tpu.memory_space<vmem>>, vector<1x16xi32>,
        %swap3A_447 = vector.shape_cast %swap3A_446 : vector<1x16xi32> to vector<16xi32>
        %swap3A_448 = vector.shape_cast %mul3A_443 : vector<16xi32> to vector<1x16xi32>
        tpu.vector_store %arg10[%swap3A_444, %swap3A_445], %swap3A_448 {strides = array<i32>} : memref<2x128xi32, #tpu.memory_space<vmem>>, vector<1x16xi32>,
        %mul3A_449 = arith.constant 128 : i32
        %mul3A_450 = arith.muli %scan3A_312, %mul3A_449 : i32
        %add3A_451 = arith.constant 80 : i32
        %add3A_452 = arith.addi %mul3A_450, %add3A_451 : i32
        %get3A_453 = arith.index_cast %add3A_452 : i32 to index
        %get3A_454 = tpu.vector_load %arg8[%get3A_453] {strides = array<i32>} : memref<20000xi32, #tpu.memory_space<vmem>>, vector<16xi32>,
        %get3A_455 = vector.shape_cast %get3A_454 : vector<16xi32> to vector<16xi32>
        %swap3A_456 = arith.index_cast %rem3A_313 : i32 to index
        %swap3A_457 = arith.constant 80 : index
        %swap3A_458 = tpu.vector_load %arg9[%swap3A_456, %swap3A_457] {strides = array<i32>} : memref<2x128xi32, #tpu.memory_space<vmem>>, vector<1x16xi32>,
        %swap3A_459 = vector.shape_cast %swap3A_458 : vector<1x16xi32> to vector<16xi32>
        %swap3A_460 = vector.shape_cast %get3A_455 : vector<16xi32> to vector<1x16xi32>
        tpu.vector_store %arg9[%swap3A_456, %swap3A_457], %swap3A_460 {strides = array<i32>} : memref<2x128xi32, #tpu.memory_space<vmem>>, vector<1x16xi32>,
        %mul3A_461 = arith.constant 128 : i32
        %mul3A_462 = arith.muli %scan3A_312, %mul3A_461 : i32
        %add3A_463 = arith.constant 80 : i32
        %add3A_464 = arith.addi %mul3A_462, %add3A_463 : i32
        %get3A_465 = arith.index_cast %add3A_464 : i32 to index
        %get3A_466 = tpu.vector_load %arg7[%get3A_465] {strides = array<i32>} : memref<20000xi32, #tpu.memory_space<vmem>>, vector<16xi32>,
        %get3A_467 = vector.shape_cast %get3A_466 : vector<16xi32> to vector<16xi32>
        %mul3A_468 = arith.constant 2 : i32
        %mul3A_469 = vector.broadcast %mul3A_468 : i32 to vector<16xi32>
        %mul3A_470 = arith.muli %get3A_467, %mul3A_469 : vector<16xi32>
        %swap3A_471 = arith.index_cast %rem3A_313 : i32 to index
        %swap3A_472 = arith.constant 80 : index
        %swap3A_473 = tpu.vector_load %arg10[%swap3A_471, %swap3A_472] {strides = array<i32>} : memref<2x128xi32, #tpu.memory_space<vmem>>, vector<1x16xi32>,
        %swap3A_474 = vector.shape_cast %swap3A_473 : vector<1x16xi32> to vector<16xi32>
        %swap3A_475 = vector.shape_cast %mul3A_470 : vector<16xi32> to vector<1x16xi32>
        tpu.vector_store %arg10[%swap3A_471, %swap3A_472], %swap3A_475 {strides = array<i32>} : memref<2x128xi32, #tpu.memory_space<vmem>>, vector<1x16xi32>,
        %mul3A_476 = arith.constant 128 : i32
        %mul3A_477 = arith.muli %scan3A_312, %mul3A_476 : i32
        %add3A_478 = arith.constant 96 : i32
        %add3A_479 = arith.addi %mul3A_477, %add3A_478 : i32
        %get3A_480 = arith.index_cast %add3A_479 : i32 to index
        %get3A_481 = tpu.vector_load %arg8[%get3A_480] {strides = array<i32>} : memref<20000xi32, #tpu.memory_space<vmem>>, vector<16xi32>,
        %get3A_482 = vector.shape_cast %get3A_481 : vector<16xi32> to vector<16xi32>
        %swap3A_483 = arith.index_cast %rem3A_313 : i32 to index
        %swap3A_484 = arith.constant 96 : index
        %swap3A_485 = tpu.vector_load %arg9[%swap3A_483, %swap3A_484] {strides = array<i32>} : memref<2x128xi32, #tpu.memory_space<vmem>>, vector<1x16xi32>,
        %swap3A_486 = vector.shape_cast %swap3A_485 : vector<1x16xi32> to vector<16xi32>
        %swap3A_487 = vector.shape_cast %get3A_482 : vector<16xi32> to vector<1x16xi32>
        tpu.vector_store %arg9[%swap3A_483, %swap3A_484], %swap3A_487 {strides = array<i32>} : memref<2x128xi32, #tpu.memory_space<vmem>>, vector<1x16xi32>,
        %mul3A_488 = arith.constant 128 : i32
        %mul3A_489 = arith.muli %scan3A_312, %mul3A_488 : i32
        %add3A_490 = arith.constant 96 : i32
        %add3A_491 = arith.addi %mul3A_489, %add3A_490 : i32
        %get3A_492 = arith.index_cast %add3A_491 : i32 to index
        %get3A_493 = tpu.vector_load %arg7[%get3A_492] {strides = array<i32>} : memref<20000xi32, #tpu.memory_space<vmem>>, vector<16xi32>,
        %get3A_494 = vector.shape_cast %get3A_493 : vector<16xi32> to vector<16xi32>
        %mul3A_495 = arith.constant 2 : i32
        %mul3A_496 = vector.broadcast %mul3A_495 : i32 to vector<16xi32>
        %mul3A_497 = arith.muli %get3A_494, %mul3A_496 : vector<16xi32>
        %swap3A_498 = arith.index_cast %rem3A_313 : i32 to index
        %swap3A_499 = arith.constant 96 : index
        %swap3A_500 = tpu.vector_load %arg10[%swap3A_498, %swap3A_499] {strides = array<i32>} : memref<2x128xi32, #tpu.memory_space<vmem>>, vector<1x16xi32>,
        %swap3A_501 = vector.shape_cast %swap3A_500 : vector<1x16xi32> to vector<16xi32>
        %swap3A_502 = vector.shape_cast %mul3A_497 : vector<16xi32> to vector<1x16xi32>
        tpu.vector_store %arg10[%swap3A_498, %swap3A_499], %swap3A_502 {strides = array<i32>} : memref<2x128xi32, #tpu.memory_space<vmem>>, vector<1x16xi32>,
        %mul3A_503 = arith.constant 128 : i32
        %mul3A_504 = arith.muli %scan3A_312, %mul3A_503 : i32
        %add3A_505 = arith.constant 112 : i32
        %add3A_506 = arith.addi %mul3A_504, %add3A_505 : i32
        %get3A_507 = arith.index_cast %add3A_506 : i32 to index
        %get3A_508 = tpu.vector_load %arg8[%get3A_507] {strides = array<i32>} : memref<20000xi32, #tpu.memory_space<vmem>>, vector<16xi32>,
        %get3A_509 = vector.shape_cast %get3A_508 : vector<16xi32> to vector<16xi32>
        %swap3A_510 = arith.index_cast %rem3A_313 : i32 to index
        %swap3A_511 = arith.constant 112 : index
        %swap3A_512 = tpu.vector_load %arg9[%swap3A_510, %swap3A_511] {strides = array<i32>} : memref<2x128xi32, #tpu.memory_space<vmem>>, vector<1x16xi32>,
        %swap3A_513 = vector.shape_cast %swap3A_512 : vector<1x16xi32> to vector<16xi32>
        %swap3A_514 = vector.shape_cast %get3A_509 : vector<16xi32> to vector<1x16xi32>
        tpu.vector_store %arg9[%swap3A_510, %swap3A_511], %swap3A_514 {strides = array<i32>} : memref<2x128xi32, #tpu.memory_space<vmem>>, vector<1x16xi32>,
        %mul3A_515 = arith.constant 128 : i32
        %mul3A_516 = arith.muli %scan3A_312, %mul3A_515 : i32
        %add3A_517 = arith.constant 112 : i32
        %add3A_518 = arith.addi %mul3A_516, %add3A_517 : i32
        %get3A_519 = arith.index_cast %add3A_518 : i32 to index
        %get3A_520 = tpu.vector_load %arg7[%get3A_519] {strides = array<i32>} : memref<20000xi32, #tpu.memory_space<vmem>>, vector<16xi32>,
        %get3A_521 = vector.shape_cast %get3A_520 : vector<16xi32> to vector<16xi32>
        %mul3A_522 = arith.constant 2 : i32
        %mul3A_523 = vector.broadcast %mul3A_522 : i32 to vector<16xi32>
        %mul3A_524 = arith.muli %get3A_521, %mul3A_523 : vector<16xi32>
        %swap3A_525 = arith.index_cast %rem3A_313 : i32 to index
        %swap3A_526 = arith.constant 112 : index
        %swap3A_527 = tpu.vector_load %arg10[%swap3A_525, %swap3A_526] {strides = array<i32>} : memref<2x128xi32, #tpu.memory_space<vmem>>, vector<1x16xi32>,
        %swap3A_528 = vector.shape_cast %swap3A_527 : vector<1x16xi32> to vector<16xi32>
        %swap3A_529 = vector.shape_cast %mul3A_524 : vector<16xi32> to vector<1x16xi32>
        tpu.vector_store %arg10[%swap3A_525, %swap3A_526], %swap3A_529 {strides = array<i32>} : memref<2x128xi32, #tpu.memory_space<vmem>>, vector<1x16xi32>,
        %dma_start3A_530 = arith.constant 0 : i32
        %dma_start3A_531 = arith.constant 0 : i32
        %dma_start3A_532 = tpu.memref_slice %arg11[%rem3A_313, %dma_start3A_530, %dma_start3A_531] : memref<2x128x64xf32, #tpu.memory_space<vmem>> -> memref<1x128x64xf32, #tpu.memory_space<vmem>>
        %dma_start3A_533 = tpu.memref_squeeze %dma_start3A_532 : memref<1x128x64xf32, #tpu.memory_space<vmem>> -> memref<128x64xf32, #tpu.memory_space<vmem>>
        %dma_start3A_534 = arith.constant 0 : i32
        %dma_start3A_535 = tpu.memref_slice %arg10[%rem3A_313, %dma_start3A_534] : memref<2x128xi32, #tpu.memory_space<vmem>> -> memref<1x128xi32, #tpu.memory_space<vmem>>
        %dma_start3A_536 = tpu.memref_squeeze %dma_start3A_535 : memref<1x128xi32, #tpu.memory_space<vmem>> -> memref<128xi32, #tpu.memory_space<vmem>>
        %dma_start3A_537 = arith.constant 0 : i32
        %dma_start3A_538 = arith.constant 0 : i32
        %dma_start3A_539 = tpu.memref_slice %arg3[%dma_start3A_537, %dma_start3A_538] : memref<20000x64xf32, #tpu.memory_space<hbm>> -> memref<20000x64xf32, #tpu.memory_space<hbm>>
        %dma_start3A_540 = tpu.memref_slice %arg15[%rem3A_313] : memref<2x!tpu.dma_semaphore, #tpu.memory_space<semaphore_mem>> -> memref<1x!tpu.dma_semaphore, #tpu.memory_space<semaphore_mem>>
        %dma_start3A_541 = tpu.memref_squeeze %dma_start3A_540 : memref<1x!tpu.dma_semaphore, #tpu.memory_space<semaphore_mem>> -> memref<!tpu.dma_semaphore, #tpu.memory_space<semaphore_mem>>
        tpu.enqueue_indirect_dma source(%dma_start3A_539 : memref<20000x64xf32, #tpu.memory_space<hbm>>) target(%dma_start3A_533 : memref<128x64xf32, #tpu.memory_space<vmem>>) offsets(%dma_start3A_536 : memref<128xi32, #tpu.memory_space<vmem>>) semaphore(%dma_start3A_541 : memref<!tpu.dma_semaphore, #tpu.memory_space<semaphore_mem>>)
        %add3A_542 = arith.constant 1 : i32
        %add3A_543 = arith.addi %scan3A_312, %add3A_542 : i32
        %rem3A_544 = arith.constant 2 : i32
        %rem3A_545 = arith.remsi %add3A_543, %rem3A_544 : i32
        %dma_wait3A_546 = arith.constant 0 : i32
        %dma_wait3A_547 = arith.constant 0 : i32
        %dma_wait3A_548 = tpu.memref_slice %arg11[%rem3A_545, %dma_wait3A_546, %dma_wait3A_547] : memref<2x128x64xf32, #tpu.memory_space<vmem>> -> memref<1x128x64xf32, #tpu.memory_space<vmem>>
        %dma_wait3A_549 = tpu.memref_squeeze %dma_wait3A_548 : memref<1x128x64xf32, #tpu.memory_space<vmem>> -> memref<128x64xf32, #tpu.memory_space<vmem>>
        %dma_wait3A_550 = arith.constant 0 : i32
        %dma_wait3A_551 = tpu.memref_slice %arg10[%rem3A_545, %dma_wait3A_550] : memref<2x128xi32, #tpu.memory_space<vmem>> -> memref<1x128xi32, #tpu.memory_space<vmem>>
        %dma_wait3A_552 = tpu.memref_squeeze %dma_wait3A_551 : memref<1x128xi32, #tpu.memory_space<vmem>> -> memref<128xi32, #tpu.memory_space<vmem>>
        %dma_wait3A_553 = arith.constant 0 : i32
        %dma_wait3A_554 = arith.constant 0 : i32
        %dma_wait3A_555 = tpu.memref_slice %arg3[%dma_wait3A_553, %dma_wait3A_554] : memref<20000x64xf32, #tpu.memory_space<hbm>> -> memref<20000x64xf32, #tpu.memory_space<hbm>>
        %dma_wait3A_556 = tpu.memref_slice %arg15[%rem3A_545] : memref<2x!tpu.dma_semaphore, #tpu.memory_space<semaphore_mem>> -> memref<1x!tpu.dma_semaphore, #tpu.memory_space<semaphore_mem>>
        %dma_wait3A_557 = tpu.memref_squeeze %dma_wait3A_556 : memref<1x!tpu.dma_semaphore, #tpu.memory_space<semaphore_mem>> -> memref<!tpu.dma_semaphore, #tpu.memory_space<semaphore_mem>>
        tpu.wait_indirect_dma semaphore(%dma_wait3A_557 : memref<!tpu.dma_semaphore, #tpu.memory_space<semaphore_mem>>) src(%dma_wait3A_555 : memref<20000x64xf32, #tpu.memory_space<hbm>>) dst(%dma_wait3A_549 : memref<128x64xf32, #tpu.memory_space<vmem>>)
        "tpu.region"() ({
          %run_scoped3A_558 = tpu.sem_alloc : memref<!tpu.dma_semaphore, #tpu.memory_space<semaphore_mem>>
          %dma_start3A_559 = arith.constant 0 : i32
          %dma_start3A_560 = arith.constant 0 : i32
          %dma_start3A_561 = tpu.memref_slice %arg11[%rem3A_545, %dma_start3A_559, %dma_start3A_560] : memref<2x128x64xf32, #tpu.memory_space<vmem>> -> memref<1x128x64xf32, #tpu.memory_space<vmem>>
          %dma_start3A_562 = tpu.memref_squeeze %dma_start3A_561 : memref<1x128x64xf32, #tpu.memory_space<vmem>> -> memref<128x64xf32, #tpu.memory_space<vmem>>
          %dma_start3A_563 = arith.constant 0 : i32
          %dma_start3A_564 = tpu.memref_slice %arg9[%rem3A_545, %dma_start3A_563] : memref<2x128xi32, #tpu.memory_space<vmem>> -> memref<1x128xi32, #tpu.memory_space<vmem>>
          %dma_start3A_565 = tpu.memref_squeeze %dma_start3A_564 : memref<1x128xi32, #tpu.memory_space<vmem>> -> memref<128xi32, #tpu.memory_space<vmem>>
          %dma_start3A_566 = arith.constant 0 : i32
          %dma_start3A_567 = arith.constant 0 : i32
          %dma_start3A_568 = tpu.memref_slice %arg16[%dma_start3A_566, %dma_start3A_567] : memref<10000x64xf32, #tpu.memory_space<vmem_shared>> -> memref<10000x64xf32, #tpu.memory_space<vmem_shared>>
          tpu.enqueue_indirect_dma source(%dma_start3A_562 : memref<128x64xf32, #tpu.memory_space<vmem>>) target(%dma_start3A_568 : memref<10000x64xf32, #tpu.memory_space<vmem_shared>>) offsets(%dma_start3A_565 : memref<128xi32, #tpu.memory_space<vmem>>) semaphore(%run_scoped3A_558 : memref<!tpu.dma_semaphore, #tpu.memory_space<semaphore_mem>>) {add = true}
          %dma_wait3A_569 = arith.constant 0 : i32
          %dma_wait3A_570 = arith.constant 0 : i32
          %dma_wait3A_571 = tpu.memref_slice %arg11[%rem3A_545, %dma_wait3A_569, %dma_wait3A_570] : memref<2x128x64xf32, #tpu.memory_space<vmem>> -> memref<1x128x64xf32, #tpu.memory_space<vmem>>
          %dma_wait3A_572 = tpu.memref_squeeze %dma_wait3A_571 : memref<1x128x64xf32, #tpu.memory_space<vmem>> -> memref<128x64xf32, #tpu.memory_space<vmem>>
          %dma_wait3A_573 = arith.constant 0 : i32
          %dma_wait3A_574 = tpu.memref_slice %arg9[%rem3A_545, %dma_wait3A_573] : memref<2x128xi32, #tpu.memory_space<vmem>> -> memref<1x128xi32, #tpu.memory_space<vmem>>
          %dma_wait3A_575 = tpu.memref_squeeze %dma_wait3A_574 : memref<1x128xi32, #tpu.memory_space<vmem>> -> memref<128xi32, #tpu.memory_space<vmem>>
          %dma_wait3A_576 = arith.constant 0 : i32
          %dma_wait3A_577 = arith.constant 0 : i32
          %dma_wait3A_578 = tpu.memref_slice %arg16[%dma_wait3A_576, %dma_wait3A_577] : memref<10000x64xf32, #tpu.memory_space<vmem_shared>> -> memref<10000x64xf32, #tpu.memory_space<vmem_shared>>
          tpu.wait_indirect_dma semaphore(%run_scoped3A_558 : memref<!tpu.dma_semaphore, #tpu.memory_space<semaphore_mem>>) src(%dma_wait3A_572 : memref<128x64xf32, #tpu.memory_space<vmem>>) dst(%dma_wait3A_578 : memref<10000x64xf32, #tpu.memory_space<vmem_shared>>)
          tpu.yield
        }) : () -> ()
      }
      %scan3A_238 = arith.constant 155 : i32
      %dma_wait3A = arith.constant 1 : i32
      %dma_wait3A_239 = arith.constant 1 : i32
      %dma_wait3A_240 = arith.constant 1 : i32
      %dma_wait3A_241 = arith.constant 0 : i32
      %dma_wait3A_242 = arith.constant 0 : i32
      %dma_wait3A_243 = tpu.memref_slice %arg11[%dma_wait3A_239, %dma_wait3A_241, %dma_wait3A_242] : memref<2x128x64xf32, #tpu.memory_space<vmem>> -> memref<1x128x64xf32, #tpu.memory_space<vmem>>
      %dma_wait3A_244 = tpu.memref_squeeze %dma_wait3A_243 : memref<1x128x64xf32, #tpu.memory_space<vmem>> -> memref<128x64xf32, #tpu.memory_space<vmem>>
      %dma_wait3A_245 = arith.constant 0 : i32
      %dma_wait3A_246 = tpu.memref_slice %arg10[%dma_wait3A, %dma_wait3A_245] : memref<2x128xi32, #tpu.memory_space<vmem>> -> memref<1x128xi32, #tpu.memory_space<vmem>>
      %dma_wait3A_247 = tpu.memref_squeeze %dma_wait3A_246 : memref<1x128xi32, #tpu.memory_space<vmem>> -> memref<128xi32, #tpu.memory_space<vmem>>
      %dma_wait3A_248 = arith.constant 0 : i32
      %dma_wait3A_249 = arith.constant 0 : i32
      %dma_wait3A_250 = tpu.memref_slice %arg3[%dma_wait3A_248, %dma_wait3A_249] : memref<20000x64xf32, #tpu.memory_space<hbm>> -> memref<20000x64xf32, #tpu.memory_space<hbm>>
      %dma_wait3A_251 = tpu.memref_slice %arg15[%dma_wait3A_240] : memref<2x!tpu.dma_semaphore, #tpu.memory_space<semaphore_mem>> -> memref<1x!tpu.dma_semaphore, #tpu.memory_space<semaphore_mem>>
      %dma_wait3A_252 = tpu.memref_squeeze %dma_wait3A_251 : memref<1x!tpu.dma_semaphore, #tpu.memory_space<semaphore_mem>> -> memref<!tpu.dma_semaphore, #tpu.memory_space<semaphore_mem>>
      tpu.wait_indirect_dma semaphore(%dma_wait3A_252 : memref<!tpu.dma_semaphore, #tpu.memory_space<semaphore_mem>>) src(%dma_wait3A_250 : memref<20000x64xf32, #tpu.memory_space<hbm>>) dst(%dma_wait3A_244 : memref<128x64xf32, #tpu.memory_space<vmem>>)
      %run_scoped3A = arith.constant 1 : i32
      %run_scoped3A_253 = arith.constant 1 : i32
      "tpu.region"() ({
        %run_scoped3A_312 = tpu.sem_alloc : memref<!tpu.dma_semaphore, #tpu.memory_space<semaphore_mem>>
        %dma_start3A_313 = arith.constant 0 : i32
        %dma_start3A_314 = arith.constant 0 : i32
        %dma_start3A_315 = tpu.memref_slice %arg11[%run_scoped3A, %dma_start3A_313, %dma_start3A_314] : memref<2x128x64xf32, #tpu.memory_space<vmem>> -> memref<1x128x64xf32, #tpu.memory_space<vmem>>
        %dma_start3A_316 = tpu.memref_squeeze %dma_start3A_315 : memref<1x128x64xf32, #tpu.memory_space<vmem>> -> memref<128x64xf32, #tpu.memory_space<vmem>>
        %dma_start3A_317 = arith.constant 0 : i32
        %dma_start3A_318 = tpu.memref_slice %arg9[%run_scoped3A_253, %dma_start3A_317] : memref<2x128xi32, #tpu.memory_space<vmem>> -> memref<1x128xi32, #tpu.memory_space<vmem>>
        %dma_start3A_319 = tpu.memref_squeeze %dma_start3A_318 : memref<1x128xi32, #tpu.memory_space<vmem>> -> memref<128xi32, #tpu.memory_space<vmem>>
        %dma_start3A_320 = arith.constant 0 : i32
        %dma_start3A_321 = arith.constant 0 : i32
        %dma_start3A_322 = tpu.memref_slice %arg16[%dma_start3A_320, %dma_start3A_321] : memref<10000x64xf32, #tpu.memory_space<vmem_shared>> -> memref<10000x64xf32, #tpu.memory_space<vmem_shared>>
        tpu.enqueue_indirect_dma source(%dma_start3A_316 : memref<128x64xf32, #tpu.memory_space<vmem>>) target(%dma_start3A_322 : memref<10000x64xf32, #tpu.memory_space<vmem_shared>>) offsets(%dma_start3A_319 : memref<128xi32, #tpu.memory_space<vmem>>) semaphore(%run_scoped3A_312 : memref<!tpu.dma_semaphore, #tpu.memory_space<semaphore_mem>>) {add = true}
        %dma_wait3A_323 = arith.constant 0 : i32
        %dma_wait3A_324 = arith.constant 0 : i32
        %dma_wait3A_325 = tpu.memref_slice %arg11[%run_scoped3A, %dma_wait3A_323, %dma_wait3A_324] : memref<2x128x64xf32, #tpu.memory_space<vmem>> -> memref<1x128x64xf32, #tpu.memory_space<vmem>>
        %dma_wait3A_326 = tpu.memref_squeeze %dma_wait3A_325 : memref<1x128x64xf32, #tpu.memory_space<vmem>> -> memref<128x64xf32, #tpu.memory_space<vmem>>
        %dma_wait3A_327 = arith.constant 0 : i32
        %dma_wait3A_328 = tpu.memref_slice %arg9[%run_scoped3A_253, %dma_wait3A_327] : memref<2x128xi32, #tpu.memory_space<vmem>> -> memref<1x128xi32, #tpu.memory_space<vmem>>
        %dma_wait3A_329 = tpu.memref_squeeze %dma_wait3A_328 : memref<1x128xi32, #tpu.memory_space<vmem>> -> memref<128xi32, #tpu.memory_space<vmem>>
        %dma_wait3A_330 = arith.constant 0 : i32
        %dma_wait3A_331 = arith.constant 0 : i32
        %dma_wait3A_332 = tpu.memref_slice %arg16[%dma_wait3A_330, %dma_wait3A_331] : memref<10000x64xf32, #tpu.memory_space<vmem_shared>> -> memref<10000x64xf32, #tpu.memory_space<vmem_shared>>
        tpu.wait_indirect_dma semaphore(%run_scoped3A_312 : memref<!tpu.dma_semaphore, #tpu.memory_space<semaphore_mem>>) src(%dma_wait3A_326 : memref<128x64xf32, #tpu.memory_space<vmem>>) dst(%dma_wait3A_332 : memref<10000x64xf32, #tpu.memory_space<vmem_shared>>)
        tpu.yield
      }) : () -> ()
      %get3A_254 = arith.constant 19968 : index
      %get3A_255 = tpu.vector_load %arg8[%get3A_254] {strides = array<i32>} : memref<20000xi32, #tpu.memory_space<vmem>>, vector<16xi32>,
      %get3A_256 = vector.shape_cast %get3A_255 : vector<16xi32> to vector<16xi32>
      %swap3A_257 = arith.constant 0 : index
      %swap3A_258 = tpu.vector_load %arg12[%swap3A_257] {strides = array<i32>} : memref<32xi32, #tpu.memory_space<vmem>>, vector<16xi32>,
      %swap3A_259 = vector.shape_cast %swap3A_258 : vector<16xi32> to vector<16xi32>
      %swap3A_260 = vector.shape_cast %get3A_256 : vector<16xi32> to vector<16xi32>
      tpu.vector_store %arg12[%swap3A_257], %swap3A_260 {strides = array<i32>} : memref<32xi32, #tpu.memory_space<vmem>>, vector<16xi32>,
      %get3A_261 = arith.constant 19968 : index
      %get3A_262 = tpu.vector_load %arg7[%get3A_261] {strides = array<i32>} : memref<20000xi32, #tpu.memory_space<vmem>>, vector<16xi32>,
      %get3A_263 = vector.shape_cast %get3A_262 : vector<16xi32> to vector<16xi32>
      %mul3A_264 = arith.constant 2 : i32
      %mul3A_265 = vector.broadcast %mul3A_264 : i32 to vector<16xi32>
      %mul3A_266 = arith.muli %get3A_263, %mul3A_265 : vector<16xi32>
      %swap3A_267 = arith.constant 0 : i32
      %swap3A_268 = arith.index_cast %swap3A_267 : i32 to index
      %swap3A_269 = arith.constant 0 : index
      %swap3A_270 = tpu.vector_load %arg10[%swap3A_268, %swap3A_269] {strides = array<i32>} : memref<2x128xi32, #tpu.memory_space<vmem>>, vector<1x16xi32>,
      %swap3A_271 = vector.shape_cast %swap3A_270 : vector<1x16xi32> to vector<16xi32>
      %swap3A_272 = vector.shape_cast %mul3A_266 : vector<16xi32> to vector<1x16xi32>
      tpu.vector_store %arg10[%swap3A_268, %swap3A_269], %swap3A_272 {strides = array<i32>} : memref<2x128xi32, #tpu.memory_space<vmem>>, vector<1x16xi32>,
      %get3A_273 = arith.constant 19984 : index
      %get3A_274 = tpu.vector_load %arg8[%get3A_273] {strides = array<i32>} : memref<20000xi32, #tpu.memory_space<vmem>>, vector<16xi32>,
      %get3A_275 = vector.shape_cast %get3A_274 : vector<16xi32> to vector<16xi32>
      %swap3A_276 = arith.constant 16 : index
      %swap3A_277 = tpu.vector_load %arg12[%swap3A_276] {strides = array<i32>} : memref<32xi32, #tpu.memory_space<vmem>>, vector<16xi32>,
      %swap3A_278 = vector.shape_cast %swap3A_277 : vector<16xi32> to vector<16xi32>
      %swap3A_279 = vector.shape_cast %get3A_275 : vector<16xi32> to vector<16xi32>
      tpu.vector_store %arg12[%swap3A_276], %swap3A_279 {strides = array<i32>} : memref<32xi32, #tpu.memory_space<vmem>>, vector<16xi32>,
      %get3A_280 = arith.constant 19984 : index
      %get3A_281 = tpu.vector_load %arg7[%get3A_280] {strides = array<i32>} : memref<20000xi32, #tpu.memory_space<vmem>>, vector<16xi32>,
      %get3A_282 = vector.shape_cast %get3A_281 : vector<16xi32> to vector<16xi32>
      %mul3A_283 = arith.constant 2 : i32
      %mul3A_284 = vector.broadcast %mul3A_283 : i32 to vector<16xi32>
      %mul3A_285 = arith.muli %get3A_282, %mul3A_284 : vector<16xi32>
      %swap3A_286 = arith.constant 0 : i32
      %swap3A_287 = arith.index_cast %swap3A_286 : i32 to index
      %swap3A_288 = arith.constant 16 : index
      %swap3A_289 = tpu.vector_load %arg10[%swap3A_287, %swap3A_288] {strides = array<i32>} : memref<2x128xi32, #tpu.memory_space<vmem>>, vector<1x16xi32>,
      %swap3A_290 = vector.shape_cast %swap3A_289 : vector<1x16xi32> to vector<16xi32>
      %swap3A_291 = vector.shape_cast %mul3A_285 : vector<16xi32> to vector<1x16xi32>
      tpu.vector_store %arg10[%swap3A_287, %swap3A_288], %swap3A_291 {strides = array<i32>} : memref<2x128xi32, #tpu.memory_space<vmem>>, vector<1x16xi32>,
      %dma_start3A_292 = arith.constant 0 : i32
      %dma_start3A_293 = arith.constant 0 : i32
      %dma_start3A_294 = arith.constant 0 : i32
      %dma_start3A_295 = tpu.memref_slice %arg10[%dma_start3A_292, %dma_start3A_294] : memref<2x128xi32, #tpu.memory_space<vmem>> -> memref<1x32xi32, #tpu.memory_space<vmem>>
      %dma_start3A_296 = tpu.memref_squeeze %dma_start3A_295 : memref<1x32xi32, #tpu.memory_space<vmem>> -> memref<32xi32, #tpu.memory_space<vmem>>
      %dma_start3A_297 = arith.constant 0 : i32
      %dma_start3A_298 = arith.constant 0 : i32
      %dma_start3A_299 = tpu.memref_slice %arg3[%dma_start3A_297, %dma_start3A_298] : memref<20000x64xf32, #tpu.memory_space<hbm>> -> memref<20000x64xf32, #tpu.memory_space<hbm>>
      %dma_start3A_300 = tpu.memref_slice %arg15[%dma_start3A_293] : memref<2x!tpu.dma_semaphore, #tpu.memory_space<semaphore_mem>> -> memref<1x!tpu.dma_semaphore, #tpu.memory_space<semaphore_mem>>
      %dma_start3A_301 = tpu.memref_squeeze %dma_start3A_300 : memref<1x!tpu.dma_semaphore, #tpu.memory_space<semaphore_mem>> -> memref<!tpu.dma_semaphore, #tpu.memory_space<semaphore_mem>>
      tpu.enqueue_indirect_dma source(%dma_start3A_299 : memref<20000x64xf32, #tpu.memory_space<hbm>>) target(%arg13 : memref<32x64xf32, #tpu.memory_space<vmem>>) offsets(%dma_start3A_296 : memref<32xi32, #tpu.memory_space<vmem>>) semaphore(%dma_start3A_301 : memref<!tpu.dma_semaphore, #tpu.memory_space<semaphore_mem>>)
      %dma_wait3A_302 = arith.constant 0 : i32
      %dma_wait3A_303 = arith.constant 0 : i32
      %dma_wait3A_304 = arith.constant 0 : i32
      %dma_wait3A_305 = tpu.memref_slice %arg10[%dma_wait3A_302, %dma_wait3A_304] : memref<2x128xi32, #tpu.memory_space<vmem>> -> memref<1x32xi32, #tpu.memory_space<vmem>>
      %dma_wait3A_306 = tpu.memref_squeeze %dma_wait3A_305 : memref<1x32xi32, #tpu.memory_space<vmem>> -> memref<32xi32, #tpu.memory_space<vmem>>
      %dma_wait3A_307 = arith.constant 0 : i32
      %dma_wait3A_308 = arith.constant 0 : i32
      %dma_wait3A_309 = tpu.memref_slice %arg3[%dma_wait3A_307, %dma_wait3A_308] : memref<20000x64xf32, #tpu.memory_space<hbm>> -> memref<20000x64xf32, #tpu.memory_space<hbm>>
      %dma_wait3A_310 = tpu.memref_slice %arg15[%dma_wait3A_303] : memref<2x!tpu.dma_semaphore, #tpu.memory_space<semaphore_mem>> -> memref<1x!tpu.dma_semaphore, #tpu.memory_space<semaphore_mem>>
      %dma_wait3A_311 = tpu.memref_squeeze %dma_wait3A_310 : memref<1x!tpu.dma_semaphore, #tpu.memory_space<semaphore_mem>> -> memref<!tpu.dma_semaphore, #tpu.memory_space<semaphore_mem>>
      tpu.wait_indirect_dma semaphore(%dma_wait3A_311 : memref<!tpu.dma_semaphore, #tpu.memory_space<semaphore_mem>>) src(%dma_wait3A_309 : memref<20000x64xf32, #tpu.memory_space<hbm>>) dst(%arg13 : memref<32x64xf32, #tpu.memory_space<vmem>>)
      "tpu.region"() ({
        %run_scoped3A_312 = tpu.sem_alloc : memref<!tpu.dma_semaphore, #tpu.memory_space<semaphore_mem>>
        %dma_start3A_313 = arith.constant 0 : i32
        %dma_start3A_314 = arith.constant 0 : i32
        %dma_start3A_315 = tpu.memref_slice %arg16[%dma_start3A_313, %dma_start3A_314] : memref<10000x64xf32, #tpu.memory_space<vmem_shared>> -> memref<10000x64xf32, #tpu.memory_space<vmem_shared>>
        tpu.enqueue_indirect_dma source(%arg13 : memref<32x64xf32, #tpu.memory_space<vmem>>) target(%dma_start3A_315 : memref<10000x64xf32, #tpu.memory_space<vmem_shared>>) offsets(%arg12 : memref<32xi32, #tpu.memory_space<vmem>>) semaphore(%run_scoped3A_312 : memref<!tpu.dma_semaphore, #tpu.memory_space<semaphore_mem>>) {add = true}
        %dma_wait3A_316 = arith.constant 0 : i32
        %dma_wait3A_317 = arith.constant 0 : i32
        %dma_wait3A_318 = tpu.memref_slice %arg16[%dma_wait3A_316, %dma_wait3A_317] : memref<10000x64xf32, #tpu.memory_space<vmem_shared>> -> memref<10000x64xf32, #tpu.memory_space<vmem_shared>>
        tpu.wait_indirect_dma semaphore(%run_scoped3A_312 : memref<!tpu.dma_semaphore, #tpu.memory_space<semaphore_mem>>) src(%arg13 : memref<32x64xf32, #tpu.memory_space<vmem>>) dst(%dma_wait3A_318 : memref<10000x64xf32, #tpu.memory_space<vmem_shared>>)
        tpu.yield
      }) : () -> ()
    } else {
    }
    %barrier3A_32 = arith.constant 0 : index
    tpu.barrier barrier_id(%barrier3A_32)
    %add3A_33 = arith.constant 0 : i32
    %add3A_34 = arith.addi %arg1, %add3A_33 : i32
    %lt3A_35 = arith.constant 25 : i32
    %lt3A_36 = arith.cmpi slt, %add3A_34, %lt3A_35 : i32
    %convert_element_type3A_37 = arith.extui %lt3A_36 : i1 to i32
    %cond3A_38 = arith.constant 0 : i32
    %cond3A_39 = arith.cmpi ne, %convert_element_type3A_37, %cond3A_38 : i32
    scf.if %cond3A_39 {
      %mul3A = arith.constant 400 : i32
      %mul3A_54 = arith.muli %add3A_34, %mul3A : i32
      "tpu.region"() ({
        %run_scoped3A = tpu.sem_alloc : memref<!tpu.dma_semaphore, #tpu.memory_space<semaphore_mem>>
        %dma_start3A = arith.constant 0 : i32
        %dma_start3A_57 = tpu.memref_slice %arg16[%mul3A_54, %dma_start3A] : memref<10000x64xf32, #tpu.memory_space<vmem_shared>> -> memref<400x64xf32, #tpu.memory_space<vmem_shared>>
        %dma_start3A_58 = arith.constant 0 : i32
        %dma_start3A_59 = tpu.memref_slice %arg16[%mul3A_54, %dma_start3A_58] : memref<10000x64xf32, #tpu.memory_space<vmem_shared>> -> memref<400x64xf32, #tpu.memory_space<vmem_shared>>
        tpu.enqueue_dma source(%dma_start3A_59 : memref<400x64xf32, #tpu.memory_space<vmem_shared>>) target(%arg14 : memref<400x64xf32, #tpu.memory_space<vmem>>) target_semaphore(%run_scoped3A : memref<!tpu.dma_semaphore, #tpu.memory_space<semaphore_mem>>)
        %dma_wait3A = arith.constant 0 : i32
        %dma_wait3A_60 = tpu.memref_slice %arg16[%mul3A_54, %dma_wait3A] : memref<10000x64xf32, #tpu.memory_space<vmem_shared>> -> memref<400x64xf32, #tpu.memory_space<vmem_shared>>
        %dma_wait3A_61 = arith.constant 0 : i32
        %dma_wait3A_62 = tpu.memref_slice %arg16[%mul3A_54, %dma_wait3A_61] : memref<10000x64xf32, #tpu.memory_space<vmem_shared>> -> memref<400x64xf32, #tpu.memory_space<vmem_shared>>
        tpu.wait_dma2 semaphore(%run_scoped3A : memref<!tpu.dma_semaphore, #tpu.memory_space<semaphore_mem>>) src(%dma_wait3A_62 : memref<400x64xf32, #tpu.memory_space<vmem_shared>>) dst(%arg14 : memref<400x64xf32, #tpu.memory_space<vmem>>)
        tpu.yield
      }) : () -> ()
      %mul3A_55 = arith.constant 400 : i32
      %mul3A_56 = arith.muli %add3A_34, %mul3A_55 : i32
      "tpu.region"() ({
        %run_scoped3A = tpu.sem_alloc : memref<!tpu.dma_semaphore, #tpu.memory_space<semaphore_mem>>
        %dma_start3A = arith.constant 0 : i32
        %dma_start3A_57 = tpu.memref_slice %arg6[%arg0, %mul3A_56, %dma_start3A] : memref<2x10000x128xf32, #tpu.memory_space<hbm>> -> memref<1x400x64xf32, #tpu.memory_space<hbm>>
        %dma_start3A_58 = tpu.memref_squeeze %dma_start3A_57 : memref<1x400x64xf32, #tpu.memory_space<hbm>> -> memref<400x64xf32, #tpu.memory_space<hbm>>
        %dma_start3A_59 = arith.constant 0 : i32
        %dma_start3A_60 = tpu.memref_slice %arg6[%arg0, %mul3A_56, %dma_start3A_59] : memref<2x10000x128xf32, #tpu.memory_space<hbm>> -> memref<1x400x64xf32, #tpu.memory_space<hbm>>
        %dma_start3A_61 = tpu.memref_squeeze %dma_start3A_60 : memref<1x400x64xf32, #tpu.memory_space<hbm>> -> memref<400x64xf32, #tpu.memory_space<hbm>>
        tpu.enqueue_dma source(%arg14 : memref<400x64xf32, #tpu.memory_space<vmem>>) target(%dma_start3A_61 : memref<400x64xf32, #tpu.memory_space<hbm>>) target_semaphore(%run_scoped3A : memref<!tpu.dma_semaphore, #tpu.memory_space<semaphore_mem>>)
        %dma_wait3A = arith.constant 0 : i32
        %dma_wait3A_62 = tpu.memref_slice %arg6[%arg0, %mul3A_56, %dma_wait3A] : memref<2x10000x128xf32, #tpu.memory_space<hbm>> -> memref<1x400x64xf32, #tpu.memory_space<hbm>>
        %dma_wait3A_63 = tpu.memref_squeeze %dma_wait3A_62 : memref<1x400x64xf32, #tpu.memory_space<hbm>> -> memref<400x64xf32, #tpu.memory_space<hbm>>
        %dma_wait3A_64 = arith.constant 0 : i32
        %dma_wait3A_65 = tpu.memref_slice %arg6[%arg0, %mul3A_56, %dma_wait3A_64] : memref<2x10000x128xf32, #tpu.memory_space<hbm>> -> memref<1x400x64xf32, #tpu.memory_space<hbm>>
        %dma_wait3A_66 = tpu.memref_squeeze %dma_wait3A_65 : memref<1x400x64xf32, #tpu.memory_space<hbm>> -> memref<400x64xf32, #tpu.memory_space<hbm>>
        tpu.wait_dma2 semaphore(%run_scoped3A : memref<!tpu.dma_semaphore, #tpu.memory_space<semaphore_mem>>) src(%arg14 : memref<400x64xf32, #tpu.memory_space<vmem>>) dst(%dma_wait3A_66 : memref<400x64xf32, #tpu.memory_space<hbm>>)
        tpu.yield
      }) : () -> ()
    } else {
    }
    %add3A_40 = arith.constant 16 : i32
    %add3A_41 = arith.addi %arg1, %add3A_40 : i32
    %lt3A_42 = arith.constant 25 : i32
    %lt3A_43 = arith.cmpi slt, %add3A_41, %lt3A_42 : i32
    %convert_element_type3A_44 = arith.extui %lt3A_43 : i1 to i32
    %cond3A_45 = arith.constant 0 : i32
    %cond3A_46 = arith.cmpi ne, %convert_element_type3A_44, %cond3A_45 : i32
    scf.if %cond3A_46 {
      %mul3A = arith.constant 400 : i32
      %mul3A_54 = arith.muli %add3A_41, %mul3A : i32
      "tpu.region"() ({
        %run_scoped3A = tpu.sem_alloc : memref<!tpu.dma_semaphore, #tpu.memory_space<semaphore_mem>>
        %dma_start3A = arith.constant 0 : i32
        %dma_start3A_57 = tpu.memref_slice %arg16[%mul3A_54, %dma_start3A] : memref<10000x64xf32, #tpu.memory_space<vmem_shared>> -> memref<400x64xf32, #tpu.memory_space<vmem_shared>>
        %dma_start3A_58 = arith.constant 0 : i32
        %dma_start3A_59 = tpu.memref_slice %arg16[%mul3A_54, %dma_start3A_58] : memref<10000x64xf32, #tpu.memory_space<vmem_shared>> -> memref<400x64xf32, #tpu.memory_space<vmem_shared>>
        tpu.enqueue_dma source(%dma_start3A_59 : memref<400x64xf32, #tpu.memory_space<vmem_shared>>) target(%arg14 : memref<400x64xf32, #tpu.memory_space<vmem>>) target_semaphore(%run_scoped3A : memref<!tpu.dma_semaphore, #tpu.memory_space<semaphore_mem>>)
        %dma_wait3A = arith.constant 0 : i32
        %dma_wait3A_60 = tpu.memref_slice %arg16[%mul3A_54, %dma_wait3A] : memref<10000x64xf32, #tpu.memory_space<vmem_shared>> -> memref<400x64xf32, #tpu.memory_space<vmem_shared>>
        %dma_wait3A_61 = arith.constant 0 : i32
        %dma_wait3A_62 = tpu.memref_slice %arg16[%mul3A_54, %dma_wait3A_61] : memref<10000x64xf32, #tpu.memory_space<vmem_shared>> -> memref<400x64xf32, #tpu.memory_space<vmem_shared>>
        tpu.wait_dma2 semaphore(%run_scoped3A : memref<!tpu.dma_semaphore, #tpu.memory_space<semaphore_mem>>) src(%dma_wait3A_62 : memref<400x64xf32, #tpu.memory_space<vmem_shared>>) dst(%arg14 : memref<400x64xf32, #tpu.memory_space<vmem>>)
        tpu.yield
      }) : () -> ()
      %mul3A_55 = arith.constant 400 : i32
      %mul3A_56 = arith.muli %add3A_41, %mul3A_55 : i32
      "tpu.region"() ({
        %run_scoped3A = tpu.sem_alloc : memref<!tpu.dma_semaphore, #tpu.memory_space<semaphore_mem>>
        %dma_start3A = arith.constant 0 : i32
        %dma_start3A_57 = tpu.memref_slice %arg6[%arg0, %mul3A_56, %dma_start3A] : memref<2x10000x128xf32, #tpu.memory_space<hbm>> -> memref<1x400x64xf32, #tpu.memory_space<hbm>>
        %dma_start3A_58 = tpu.memref_squeeze %dma_start3A_57 : memref<1x400x64xf32, #tpu.memory_space<hbm>> -> memref<400x64xf32, #tpu.memory_space<hbm>>
        %dma_start3A_59 = arith.constant 0 : i32
        %dma_start3A_60 = tpu.memref_slice %arg6[%arg0, %mul3A_56, %dma_start3A_59] : memref<2x10000x128xf32, #tpu.memory_space<hbm>> -> memref<1x400x64xf32, #tpu.memory_space<hbm>>
        %dma_start3A_61 = tpu.memref_squeeze %dma_start3A_60 : memref<1x400x64xf32, #tpu.memory_space<hbm>> -> memref<400x64xf32, #tpu.memory_space<hbm>>
        tpu.enqueue_dma source(%arg14 : memref<400x64xf32, #tpu.memory_space<vmem>>) target(%dma_start3A_61 : memref<400x64xf32, #tpu.memory_space<hbm>>) target_semaphore(%run_scoped3A : memref<!tpu.dma_semaphore, #tpu.memory_space<semaphore_mem>>)
        %dma_wait3A = arith.constant 0 : i32
        %dma_wait3A_62 = tpu.memref_slice %arg6[%arg0, %mul3A_56, %dma_wait3A] : memref<2x10000x128xf32, #tpu.memory_space<hbm>> -> memref<1x400x64xf32, #tpu.memory_space<hbm>>
        %dma_wait3A_63 = tpu.memref_squeeze %dma_wait3A_62 : memref<1x400x64xf32, #tpu.memory_space<hbm>> -> memref<400x64xf32, #tpu.memory_space<hbm>>
        %dma_wait3A_64 = arith.constant 0 : i32
        %dma_wait3A_65 = tpu.memref_slice %arg6[%arg0, %mul3A_56, %dma_wait3A_64] : memref<2x10000x128xf32, #tpu.memory_space<hbm>> -> memref<1x400x64xf32, #tpu.memory_space<hbm>>
        %dma_wait3A_66 = tpu.memref_squeeze %dma_wait3A_65 : memref<1x400x64xf32, #tpu.memory_space<hbm>> -> memref<400x64xf32, #tpu.memory_space<hbm>>
        tpu.wait_dma2 semaphore(%run_scoped3A : memref<!tpu.dma_semaphore, #tpu.memory_space<semaphore_mem>>) src(%arg14 : memref<400x64xf32, #tpu.memory_space<vmem>>) dst(%dma_wait3A_66 : memref<400x64xf32, #tpu.memory_space<hbm>>)
        tpu.yield
      }) : () -> ()
    } else {
    }
    %add3A_47 = arith.constant 32 : i32
    %add3A_48 = arith.addi %arg1, %add3A_47 : i32
    %lt3A_49 = arith.constant 25 : i32
    %lt3A_50 = arith.cmpi slt, %add3A_48, %lt3A_49 : i32
    %convert_element_type3A_51 = arith.extui %lt3A_50 : i1 to i32
    %cond3A_52 = arith.constant 0 : i32
    %cond3A_53 = arith.cmpi ne, %convert_element_type3A_51, %cond3A_52 : i32
    scf.if %cond3A_53 {
      %mul3A = arith.constant 400 : i32
      %mul3A_54 = arith.muli %add3A_48, %mul3A : i32
      "tpu.region"() ({
        %run_scoped3A = tpu.sem_alloc : memref<!tpu.dma_semaphore, #tpu.memory_space<semaphore_mem>>
        %dma_start3A = arith.constant 0 : i32
        %dma_start3A_57 = tpu.memref_slice %arg16[%mul3A_54, %dma_start3A] : memref<10000x64xf32, #tpu.memory_space<vmem_shared>> -> memref<400x64xf32, #tpu.memory_space<vmem_shared>>
        %dma_start3A_58 = arith.constant 0 : i32
        %dma_start3A_59 = tpu.memref_slice %arg16[%mul3A_54, %dma_start3A_58] : memref<10000x64xf32, #tpu.memory_space<vmem_shared>> -> memref<400x64xf32, #tpu.memory_space<vmem_shared>>
        tpu.enqueue_dma source(%dma_start3A_59 : memref<400x64xf32, #tpu.memory_space<vmem_shared>>) target(%arg14 : memref<400x64xf32, #tpu.memory_space<vmem>>) target_semaphore(%run_scoped3A : memref<!tpu.dma_semaphore, #tpu.memory_space<semaphore_mem>>)
        %dma_wait3A = arith.constant 0 : i32
        %dma_wait3A_60 = tpu.memref_slice %arg16[%mul3A_54, %dma_wait3A] : memref<10000x64xf32, #tpu.memory_space<vmem_shared>> -> memref<400x64xf32, #tpu.memory_space<vmem_shared>>
        %dma_wait3A_61 = arith.constant 0 : i32
        %dma_wait3A_62 = tpu.memref_slice %arg16[%mul3A_54, %dma_wait3A_61] : memref<10000x64xf32, #tpu.memory_space<vmem_shared>> -> memref<400x64xf32, #tpu.memory_space<vmem_shared>>
        tpu.wait_dma2 semaphore(%run_scoped3A : memref<!tpu.dma_semaphore, #tpu.memory_space<semaphore_mem>>) src(%dma_wait3A_62 : memref<400x64xf32, #tpu.memory_space<vmem_shared>>) dst(%arg14 : memref<400x64xf32, #tpu.memory_space<vmem>>)
        tpu.yield
      }) : () -> ()
      %mul3A_55 = arith.constant 400 : i32
      %mul3A_56 = arith.muli %add3A_48, %mul3A_55 : i32
      "tpu.region"() ({
        %run_scoped3A = tpu.sem_alloc : memref<!tpu.dma_semaphore, #tpu.memory_space<semaphore_mem>>
        %dma_start3A = arith.constant 0 : i32
        %dma_start3A_57 = tpu.memref_slice %arg6[%arg0, %mul3A_56, %dma_start3A] : memref<2x10000x128xf32, #tpu.memory_space<hbm>> -> memref<1x400x64xf32, #tpu.memory_space<hbm>>
        %dma_start3A_58 = tpu.memref_squeeze %dma_start3A_57 : memref<1x400x64xf32, #tpu.memory_space<hbm>> -> memref<400x64xf32, #tpu.memory_space<hbm>>
        %dma_start3A_59 = arith.constant 0 : i32
        %dma_start3A_60 = tpu.memref_slice %arg6[%arg0, %mul3A_56, %dma_start3A_59] : memref<2x10000x128xf32, #tpu.memory_space<hbm>> -> memref<1x400x64xf32, #tpu.memory_space<hbm>>
        %dma_start3A_61 = tpu.memref_squeeze %dma_start3A_60 : memref<1x400x64xf32, #tpu.memory_space<hbm>> -> memref<400x64xf32, #tpu.memory_space<hbm>>
        tpu.enqueue_dma source(%arg14 : memref<400x64xf32, #tpu.memory_space<vmem>>) target(%dma_start3A_61 : memref<400x64xf32, #tpu.memory_space<hbm>>) target_semaphore(%run_scoped3A : memref<!tpu.dma_semaphore, #tpu.memory_space<semaphore_mem>>)
        %dma_wait3A = arith.constant 0 : i32
        %dma_wait3A_62 = tpu.memref_slice %arg6[%arg0, %mul3A_56, %dma_wait3A] : memref<2x10000x128xf32, #tpu.memory_space<hbm>> -> memref<1x400x64xf32, #tpu.memory_space<hbm>>
        %dma_wait3A_63 = tpu.memref_squeeze %dma_wait3A_62 : memref<1x400x64xf32, #tpu.memory_space<hbm>> -> memref<400x64xf32, #tpu.memory_space<hbm>>
        %dma_wait3A_64 = arith.constant 0 : i32
        %dma_wait3A_65 = tpu.memref_slice %arg6[%arg0, %mul3A_56, %dma_wait3A_64] : memref<2x10000x128xf32, #tpu.memory_space<hbm>> -> memref<1x400x64xf32, #tpu.memory_space<hbm>>
        %dma_wait3A_66 = tpu.memref_squeeze %dma_wait3A_65 : memref<1x400x64xf32, #tpu.memory_space<hbm>> -> memref<400x64xf32, #tpu.memory_space<hbm>>
        tpu.wait_dma2 semaphore(%run_scoped3A : memref<!tpu.dma_semaphore, #tpu.memory_space<semaphore_mem>>) src(%arg14 : memref<400x64xf32, #tpu.memory_space<vmem>>) dst(%dma_wait3A_66 : memref<400x64xf32, #tpu.memory_space<hbm>>)
        tpu.yield
      }) : () -> ()
    } else {
    }
    return
  }
}

module attributes {stable_mosaic.version = 14 : i64} {
  func.func @_tc_in_body(%arg0: i32, %arg1: memref<2000x128xf32, #tpu.memory_space<vmem>>, %arg2: memref<128x128xf32, #tpu.memory_space<vmem>>, %arg3: memref<2000x2xf32, #tpu.memory_space<vmem>>, %arg4: memref<2000x128xf32, #tpu.memory_space<vmem>>, %arg5: memref<2000x128xf32, #tpu.memory_space<vmem>>) attributes {dimension_semantics = [#tpu.dimension_semantics<arbitrary>], iteration_bounds = array<i64: 5>, scalar_prefetch = 0 : i64, scratch_operands = 0 : i64, tpu.core_type = #tpu.core_type<tc>, window_params = [{transform_indices = @transform_0, window_bounds = array<i64: 2000, 128>}, {pipeline_mode = #tpu.pipeline_mode<synchronous>, transform_indices = @transform_1, window_bounds = array<i64: 128, 128>}, {transform_indices = @transform_2, window_bounds = array<i64: 2000, 2>}, {transform_indices = @transform_3, window_bounds = array<i64: 2000, 128>}, {transform_indices = @transform_4, window_bounds = array<i64: 2000, 128>}]} {
    %get3A = arith.constant 0 : index
    %get3A_0 = arith.constant 0 : index
    %get3A_1 = vector.load %arg1[%get3A, %get3A_0] : memref<2000x128xf32, #tpu.memory_space<vmem>>, vector<2000x128xf32>
    %get3A_2 = arith.constant 0 : index
    %get3A_3 = arith.constant 0 : index
    %get3A_4 = vector.load %arg2[%get3A_2, %get3A_3] : memref<128x128xf32, #tpu.memory_space<vmem>>, vector<128x128xf32>
    %dot_general3A = arith.constant dense<0.000000e+00> : vector<2000x128xf32>
    %dot_general3A_5 = tpu.matmul %get3A_1, %get3A_4, %dot_general3A {dimension_numbers = #tpu.dot_dimension_numbers<[1], [0], [0], [1], [0, 0, 1, 1], [], []>, transpose_lhs_hint = false} : vector<2000x128xf32>, vector<128x128xf32>, vector<2000x128xf32> -> vector<2000x128xf32>
    %get3A_6 = arith.constant 0 : index
    %get3A_7 = arith.constant 0 : index
    %get3A_8 = vector.load %arg3[%get3A_6, %get3A_7] : memref<2000x2xf32, #tpu.memory_space<vmem>>, vector<2000x1xf32>
    %get3A_9 = vector.shape_cast %get3A_8 : vector<2000x1xf32> to vector<2000xf32>
    %add3A = arith.constant 1.000000e+00 : f32
    %add3A_10 = vector.broadcast %add3A : f32 to vector<2000xf32>
    %add3A_11 = arith.addf %add3A_10, %get3A_9 : vector<2000xf32>
    %get3A_12 = arith.constant 0 : index
    %get3A_13 = arith.constant 1 : index
    %get3A_14 = vector.load %arg3[%get3A_12, %get3A_13] : memref<2000x2xf32, #tpu.memory_space<vmem>>, vector<2000x1xf32>
    %get3A_15 = vector.shape_cast %get3A_14 : vector<2000x1xf32> to vector<2000xf32>
    %add3A_16 = arith.addf %add3A_11, %get3A_15 : vector<2000xf32>
    %rsqrt3A = math.rsqrt %add3A_16 : vector<2000xf32>
    %broadcast_in_dim3A = vector.shape_cast %rsqrt3A : vector<2000xf32> to vector<2000x1xf32>
    %mul3A = vector.broadcast %broadcast_in_dim3A : vector<2000x1xf32> to vector<2000x128xf32>
    %mul3A_17 = arith.mulf %dot_general3A_5, %mul3A : vector<2000x128xf32>
    %slice3A = vector.extract_strided_slice %mul3A_17 {offsets = [0, 0], sizes = [2000, 64], strides = [1, 1]} : vector<2000x128xf32> to vector<2000x64xf32>
    %slice3A_18 = vector.extract_strided_slice %mul3A_17 {offsets = [0, 0], sizes = [2000, 64], strides = [1, 1]} : vector<2000x128xf32> to vector<2000x64xf32>
    %concatenate3A = tpu.concatenate %slice3A, %slice3A_18 in 1 : vector<2000x64xf32>, vector<2000x64xf32> -> vector<2000x128xf32>
    %swap3A = arith.constant 0 : index
    %swap3A_19 = arith.constant 0 : index
    %swap3A_20 = vector.load %arg4[%swap3A, %swap3A_19] : memref<2000x128xf32, #tpu.memory_space<vmem>>, vector<2000x128xf32>
    tpu.vector_store %arg4[%swap3A, %swap3A_19], %concatenate3A {strides = array<i32>} : memref<2000x128xf32, #tpu.memory_space<vmem>>, vector<2000x128xf32>,
    %slice3A_21 = vector.extract_strided_slice %mul3A_17 {offsets = [0, 64], sizes = [2000, 64], strides = [1, 1]} : vector<2000x128xf32> to vector<2000x64xf32>
    %slice3A_22 = vector.extract_strided_slice %mul3A_17 {offsets = [0, 64], sizes = [2000, 64], strides = [1, 1]} : vector<2000x128xf32> to vector<2000x64xf32>
    %concatenate3A_23 = tpu.concatenate %slice3A_21, %slice3A_22 in 1 : vector<2000x64xf32>, vector<2000x64xf32> -> vector<2000x128xf32>
    %swap3A_24 = arith.constant 0 : index
    %swap3A_25 = arith.constant 0 : index
    %swap3A_26 = vector.load %arg5[%swap3A_24, %swap3A_25] : memref<2000x128xf32, #tpu.memory_space<vmem>>, vector<2000x128xf32>
    tpu.vector_store %arg5[%swap3A_24, %swap3A_25], %concatenate3A_23 {strides = array<i32>} : memref<2000x128xf32, #tpu.memory_space<vmem>>, vector<2000x128xf32>,
    return
  }
  func.func @transform_0(%arg0: i32) -> (i32, i32) {
    %c0_i32 = arith.constant 0 : i32
    %c0_i32_0 = arith.constant 0 : i32
    return %arg0, %c0_i32 : i32, i32
  }
  func.func @transform_1(%arg0: i32) -> (i32, i32) {
    %c0_i32 = arith.constant 0 : i32
    %c0_i32_0 = arith.constant 0 : i32
    %c0_i32_1 = arith.constant 0 : i32
    return %c0_i32, %c0_i32_0 : i32, i32
  }
  func.func @transform_2(%arg0: i32) -> (i32, i32) {
    %c0_i32 = arith.constant 0 : i32
    %c0_i32_0 = arith.constant 0 : i32
    return %arg0, %c0_i32 : i32, i32
  }
  func.func @transform_3(%arg0: i32) -> (i32, i32) {
    %c0_i32 = arith.constant 0 : i32
    %c0_i32_0 = arith.constant 0 : i32
    return %arg0, %c0_i32 : i32, i32
  }
  func.func @transform_4(%arg0: i32) -> (i32, i32) {
    %c0_i32 = arith.constant 0 : i32
    %c0_i32_0 = arith.constant 0 : i32
    return %arg0, %c0_i32 : i32, i32
  }
}

module attributes {stable_mosaic.version = 14 : i64} {
  func.func @_tc_mid_body(%arg0: i32, %arg1: memref<2x2000x128xf32, #tpu.memory_space<vmem>>, %arg2: memref<2000x128xf32, #tpu.memory_space<vmem>>, %arg3: memref<2000x128xf32, #tpu.memory_space<vmem>>, %arg4: memref<2000x2xf32, #tpu.memory_space<vmem>>, %arg5: memref<1x128xf32, #tpu.memory_space<vmem>>, %arg6: memref<128x128xf32, #tpu.memory_space<vmem>>, %arg7: memref<2000x128xf32, #tpu.memory_space<vmem>>, %arg8: memref<2000x128xf32, #tpu.memory_space<vmem>>) attributes {dimension_semantics = [#tpu.dimension_semantics<arbitrary>], iteration_bounds = array<i64: 5>, scalar_prefetch = 0 : i64, scratch_operands = 0 : i64, tpu.core_type = #tpu.core_type<tc>, window_params = [{transform_indices = @transform_0, window_bounds = array<i64: 2, 2000, 128>}, {transform_indices = @transform_1, window_bounds = array<i64: 2000, 128>}, {transform_indices = @transform_2, window_bounds = array<i64: 2000, 128>}, {transform_indices = @transform_3, window_bounds = array<i64: 2000, 2>}, {pipeline_mode = #tpu.pipeline_mode<synchronous>, transform_indices = @transform_4, window_bounds = array<i64: 1, 128>}, {pipeline_mode = #tpu.pipeline_mode<synchronous>, transform_indices = @transform_5, window_bounds = array<i64: 128, 128>}, {transform_indices = @transform_6, window_bounds = array<i64: 2000, 128>}, {transform_indices = @transform_7, window_bounds = array<i64: 2000, 128>}]} {
    %get3A = arith.constant 0 : index
    %get3A_0 = arith.constant 0 : index
    %get3A_1 = vector.load %arg4[%get3A, %get3A_0] : memref<2000x2xf32, #tpu.memory_space<vmem>>, vector<2000x1xf32>
    %get3A_2 = vector.shape_cast %get3A_1 : vector<2000x1xf32> to vector<2000xf32>
    %add3A = arith.constant 1.000000e+00 : f32
    %add3A_3 = vector.broadcast %add3A : f32 to vector<2000xf32>
    %add3A_4 = arith.addf %add3A_3, %get3A_2 : vector<2000xf32>
    %get3A_5 = arith.constant 0 : index
    %get3A_6 = arith.constant 1 : index
    %get3A_7 = vector.load %arg4[%get3A_5, %get3A_6] : memref<2000x2xf32, #tpu.memory_space<vmem>>, vector<2000x1xf32>
    %get3A_8 = vector.shape_cast %get3A_7 : vector<2000x1xf32> to vector<2000xf32>
    %add3A_9 = arith.addf %add3A_4, %get3A_8 : vector<2000xf32>
    %rsqrt3A = math.rsqrt %add3A_9 : vector<2000xf32>
    %broadcast_in_dim3A = vector.shape_cast %rsqrt3A : vector<2000xf32> to vector<2000x1xf32>
    %get3A_10 = arith.constant 0 : index
    %get3A_11 = arith.constant 0 : index
    %get3A_12 = arith.constant 0 : index
    %get3A_13 = vector.load %arg1[%get3A_10, %get3A_11, %get3A_12] : memref<2x2000x128xf32, #tpu.memory_space<vmem>>, vector<1x2000x64xf32>
    %get3A_14 = vector.shape_cast %get3A_13 : vector<1x2000x64xf32> to vector<2000x64xf32>
    %get3A_15 = arith.constant 0 : index
    %get3A_16 = arith.constant 0 : index
    %get3A_17 = vector.load %arg2[%get3A_15, %get3A_16] : memref<2000x128xf32, #tpu.memory_space<vmem>>, vector<2000x64xf32>
    %add3A_18 = arith.addf %get3A_14, %get3A_17 : vector<2000x64xf32>
    %get3A_19 = arith.constant 1 : index
    %get3A_20 = arith.constant 0 : index
    %get3A_21 = arith.constant 0 : index
    %get3A_22 = vector.load %arg1[%get3A_19, %get3A_20, %get3A_21] : memref<2x2000x128xf32, #tpu.memory_space<vmem>>, vector<1x2000x64xf32>
    %get3A_23 = vector.shape_cast %get3A_22 : vector<1x2000x64xf32> to vector<2000x64xf32>
    %get3A_24 = arith.constant 0 : index
    %get3A_25 = arith.constant 0 : index
    %get3A_26 = vector.load %arg3[%get3A_24, %get3A_25] : memref<2000x128xf32, #tpu.memory_space<vmem>>, vector<2000x64xf32>
    %add3A_27 = arith.addf %get3A_23, %get3A_26 : vector<2000x64xf32>
    %concatenate3A = tpu.concatenate %add3A_18, %add3A_27 in 1 : vector<2000x64xf32>, vector<2000x64xf32> -> vector<2000x128xf32>
    %mul3A = vector.broadcast %broadcast_in_dim3A : vector<2000x1xf32> to vector<2000x128xf32>
    %mul3A_28 = arith.mulf %concatenate3A, %mul3A : vector<2000x128xf32>
    %get3A_29 = arith.constant 0 : index
    %get3A_30 = arith.constant 0 : index
    %get3A_31 = vector.load %arg5[%get3A_29, %get3A_30] : memref<1x128xf32, #tpu.memory_space<vmem>>, vector<1x128xf32>
    %add3A_32 = vector.broadcast %get3A_31 : vector<1x128xf32> to vector<2000x128xf32>
    %add3A_33 = arith.addf %mul3A_28, %add3A_32 : vector<2000x128xf32>
    %max3A = arith.constant 0.000000e+00 : f32
    %max3A_34 = vector.broadcast %max3A : f32 to vector<2000x128xf32>
    %max3A_35 = arith.maximumf %add3A_33, %max3A_34 : vector<2000x128xf32>
    %get3A_36 = arith.constant 0 : index
    %get3A_37 = arith.constant 0 : index
    %get3A_38 = vector.load %arg6[%get3A_36, %get3A_37] : memref<128x128xf32, #tpu.memory_space<vmem>>, vector<128x128xf32>
    %dot_general3A = arith.constant dense<0.000000e+00> : vector<2000x128xf32>
    %dot_general3A_39 = tpu.matmul %max3A_35, %get3A_38, %dot_general3A {dimension_numbers = #tpu.dot_dimension_numbers<[1], [0], [0], [1], [0, 0, 1, 1], [], []>, transpose_lhs_hint = false} : vector<2000x128xf32>, vector<128x128xf32>, vector<2000x128xf32> -> vector<2000x128xf32>
    %mul3A_40 = vector.broadcast %broadcast_in_dim3A : vector<2000x1xf32> to vector<2000x128xf32>
    %mul3A_41 = arith.mulf %dot_general3A_39, %mul3A_40 : vector<2000x128xf32>
    %slice3A = vector.extract_strided_slice %mul3A_41 {offsets = [0, 0], sizes = [2000, 64], strides = [1, 1]} : vector<2000x128xf32> to vector<2000x64xf32>
    %slice3A_42 = vector.extract_strided_slice %mul3A_41 {offsets = [0, 0], sizes = [2000, 64], strides = [1, 1]} : vector<2000x128xf32> to vector<2000x64xf32>
    %concatenate3A_43 = tpu.concatenate %slice3A, %slice3A_42 in 1 : vector<2000x64xf32>, vector<2000x64xf32> -> vector<2000x128xf32>
    %swap3A = arith.constant 0 : index
    %swap3A_44 = arith.constant 0 : index
    %swap3A_45 = vector.load %arg7[%swap3A, %swap3A_44] : memref<2000x128xf32, #tpu.memory_space<vmem>>, vector<2000x128xf32>
    tpu.vector_store %arg7[%swap3A, %swap3A_44], %concatenate3A_43 {strides = array<i32>} : memref<2000x128xf32, #tpu.memory_space<vmem>>, vector<2000x128xf32>,
    %slice3A_46 = vector.extract_strided_slice %mul3A_41 {offsets = [0, 64], sizes = [2000, 64], strides = [1, 1]} : vector<2000x128xf32> to vector<2000x64xf32>
    %slice3A_47 = vector.extract_strided_slice %mul3A_41 {offsets = [0, 64], sizes = [2000, 64], strides = [1, 1]} : vector<2000x128xf32> to vector<2000x64xf32>
    %concatenate3A_48 = tpu.concatenate %slice3A_46, %slice3A_47 in 1 : vector<2000x64xf32>, vector<2000x64xf32> -> vector<2000x128xf32>
    %swap3A_49 = arith.constant 0 : index
    %swap3A_50 = arith.constant 0 : index
    %swap3A_51 = vector.load %arg8[%swap3A_49, %swap3A_50] : memref<2000x128xf32, #tpu.memory_space<vmem>>, vector<2000x128xf32>
    tpu.vector_store %arg8[%swap3A_49, %swap3A_50], %concatenate3A_48 {strides = array<i32>} : memref<2000x128xf32, #tpu.memory_space<vmem>>, vector<2000x128xf32>,
    return
  }
  func.func @transform_0(%arg0: i32) -> (i32, i32, i32) {
    %c0_i32 = arith.constant 0 : i32
    %c0_i32_0 = arith.constant 0 : i32
    %c0_i32_1 = arith.constant 0 : i32
    return %c0_i32, %arg0, %c0_i32_0 : i32, i32, i32
  }
  func.func @transform_1(%arg0: i32) -> (i32, i32) {
    %c0_i32 = arith.constant 0 : i32
    %c0_i32_0 = arith.constant 0 : i32
    return %arg0, %c0_i32 : i32, i32
  }
  func.func @transform_2(%arg0: i32) -> (i32, i32) {
    %c0_i32 = arith.constant 0 : i32
    %c0_i32_0 = arith.constant 0 : i32
    return %arg0, %c0_i32 : i32, i32
  }
  func.func @transform_3(%arg0: i32) -> (i32, i32) {
    %c0_i32 = arith.constant 0 : i32
    %c0_i32_0 = arith.constant 0 : i32
    return %arg0, %c0_i32 : i32, i32
  }
  func.func @transform_4(%arg0: i32) -> (i32, i32) {
    %c0_i32 = arith.constant 0 : i32
    %c0_i32_0 = arith.constant 0 : i32
    %c0_i32_1 = arith.constant 0 : i32
    return %c0_i32, %c0_i32_0 : i32, i32
  }
  func.func @transform_5(%arg0: i32) -> (i32, i32) {
    %c0_i32 = arith.constant 0 : i32
    %c0_i32_0 = arith.constant 0 : i32
    %c0_i32_1 = arith.constant 0 : i32
    return %c0_i32, %c0_i32_0 : i32, i32
  }
  func.func @transform_6(%arg0: i32) -> (i32, i32) {
    %c0_i32 = arith.constant 0 : i32
    %c0_i32_0 = arith.constant 0 : i32
    return %arg0, %c0_i32 : i32, i32
  }
  func.func @transform_7(%arg0: i32) -> (i32, i32) {
    %c0_i32 = arith.constant 0 : i32
    %c0_i32_0 = arith.constant 0 : i32
    return %arg0, %c0_i32 : i32, i32
  }
}

module attributes {stable_mosaic.version = 14 : i64} {
  func.func @_tc_out_body(%arg0: i32, %arg1: memref<2x2000x128xf32, #tpu.memory_space<vmem>>, %arg2: memref<2000x128xf32, #tpu.memory_space<vmem>>, %arg3: memref<2000x128xf32, #tpu.memory_space<vmem>>, %arg4: memref<2000x2xf32, #tpu.memory_space<vmem>>, %arg5: memref<1x128xf32, #tpu.memory_space<vmem>>, %arg6: memref<256x128xf32, #tpu.memory_space<vmem>>, %arg7: memref<2000x128xf32, #tpu.memory_space<vmem>>, %arg8: memref<2000x128xf32, #tpu.memory_space<vmem>>) attributes {dimension_semantics = [#tpu.dimension_semantics<arbitrary>], iteration_bounds = array<i64: 5>, scalar_prefetch = 0 : i64, scratch_operands = 0 : i64, tpu.core_type = #tpu.core_type<tc>, window_params = [{transform_indices = @transform_0, window_bounds = array<i64: 2, 2000, 128>}, {transform_indices = @transform_1, window_bounds = array<i64: 2000, 128>}, {transform_indices = @transform_2, window_bounds = array<i64: 2000, 128>}, {transform_indices = @transform_3, window_bounds = array<i64: 2000, 2>}, {pipeline_mode = #tpu.pipeline_mode<synchronous>, transform_indices = @transform_4, window_bounds = array<i64: 1, 128>}, {pipeline_mode = #tpu.pipeline_mode<synchronous>, transform_indices = @transform_5, window_bounds = array<i64: 256, 128>}, {transform_indices = @transform_6, window_bounds = array<i64: 2000, 128>}, {transform_indices = @transform_7, window_bounds = array<i64: 2000, 128>}]} {
    %get3A = arith.constant 0 : index
    %get3A_0 = arith.constant 0 : index
    %get3A_1 = vector.load %arg4[%get3A, %get3A_0] : memref<2000x2xf32, #tpu.memory_space<vmem>>, vector<2000x1xf32>
    %get3A_2 = vector.shape_cast %get3A_1 : vector<2000x1xf32> to vector<2000xf32>
    %add3A = arith.constant 1.000000e+00 : f32
    %add3A_3 = vector.broadcast %add3A : f32 to vector<2000xf32>
    %add3A_4 = arith.addf %add3A_3, %get3A_2 : vector<2000xf32>
    %get3A_5 = arith.constant 0 : index
    %get3A_6 = arith.constant 1 : index
    %get3A_7 = vector.load %arg4[%get3A_5, %get3A_6] : memref<2000x2xf32, #tpu.memory_space<vmem>>, vector<2000x1xf32>
    %get3A_8 = vector.shape_cast %get3A_7 : vector<2000x1xf32> to vector<2000xf32>
    %add3A_9 = arith.addf %add3A_4, %get3A_8 : vector<2000xf32>
    %rsqrt3A = math.rsqrt %add3A_9 : vector<2000xf32>
    %broadcast_in_dim3A = vector.shape_cast %rsqrt3A : vector<2000xf32> to vector<2000x1xf32>
    %get3A_10 = arith.constant 0 : index
    %get3A_11 = arith.constant 0 : index
    %get3A_12 = arith.constant 0 : index
    %get3A_13 = vector.load %arg1[%get3A_10, %get3A_11, %get3A_12] : memref<2x2000x128xf32, #tpu.memory_space<vmem>>, vector<1x2000x64xf32>
    %get3A_14 = vector.shape_cast %get3A_13 : vector<1x2000x64xf32> to vector<2000x64xf32>
    %get3A_15 = arith.constant 0 : index
    %get3A_16 = arith.constant 0 : index
    %get3A_17 = vector.load %arg2[%get3A_15, %get3A_16] : memref<2000x128xf32, #tpu.memory_space<vmem>>, vector<2000x64xf32>
    %add3A_18 = arith.addf %get3A_14, %get3A_17 : vector<2000x64xf32>
    %get3A_19 = arith.constant 1 : index
    %get3A_20 = arith.constant 0 : index
    %get3A_21 = arith.constant 0 : index
    %get3A_22 = vector.load %arg1[%get3A_19, %get3A_20, %get3A_21] : memref<2x2000x128xf32, #tpu.memory_space<vmem>>, vector<1x2000x64xf32>
    %get3A_23 = vector.shape_cast %get3A_22 : vector<1x2000x64xf32> to vector<2000x64xf32>
    %get3A_24 = arith.constant 0 : index
    %get3A_25 = arith.constant 0 : index
    %get3A_26 = vector.load %arg3[%get3A_24, %get3A_25] : memref<2000x128xf32, #tpu.memory_space<vmem>>, vector<2000x64xf32>
    %add3A_27 = arith.addf %get3A_23, %get3A_26 : vector<2000x64xf32>
    %concatenate3A = tpu.concatenate %add3A_18, %add3A_27 in 1 : vector<2000x64xf32>, vector<2000x64xf32> -> vector<2000x128xf32>
    %mul3A = vector.broadcast %broadcast_in_dim3A : vector<2000x1xf32> to vector<2000x128xf32>
    %mul3A_28 = arith.mulf %concatenate3A, %mul3A : vector<2000x128xf32>
    %get3A_29 = arith.constant 0 : index
    %get3A_30 = arith.constant 0 : index
    %get3A_31 = vector.load %arg5[%get3A_29, %get3A_30] : memref<1x128xf32, #tpu.memory_space<vmem>>, vector<1x128xf32>
    %add3A_32 = vector.broadcast %get3A_31 : vector<1x128xf32> to vector<2000x128xf32>
    %add3A_33 = arith.addf %mul3A_28, %add3A_32 : vector<2000x128xf32>
    %get3A_34 = arith.constant 0 : index
    %get3A_35 = arith.constant 0 : index
    %get3A_36 = vector.load %arg6[%get3A_34, %get3A_35] : memref<256x128xf32, #tpu.memory_space<vmem>>, vector<128x128xf32>
    %dot_general3A = arith.constant dense<0.000000e+00> : vector<2000x128xf32>
    %dot_general3A_37 = tpu.matmul %add3A_33, %get3A_36, %dot_general3A {dimension_numbers = #tpu.dot_dimension_numbers<[1], [0], [0], [1], [0, 0, 1, 1], [], []>, transpose_lhs_hint = false} : vector<2000x128xf32>, vector<128x128xf32>, vector<2000x128xf32> -> vector<2000x128xf32>
    %swap3A = arith.constant 0 : index
    %swap3A_38 = arith.constant 0 : index
    %swap3A_39 = vector.load %arg7[%swap3A, %swap3A_38] : memref<2000x128xf32, #tpu.memory_space<vmem>>, vector<2000x128xf32>
    tpu.vector_store %arg7[%swap3A, %swap3A_38], %dot_general3A_37 {strides = array<i32>} : memref<2000x128xf32, #tpu.memory_space<vmem>>, vector<2000x128xf32>,
    %get3A_40 = arith.constant 128 : index
    %get3A_41 = arith.constant 0 : index
    %get3A_42 = vector.load %arg6[%get3A_40, %get3A_41] : memref<256x128xf32, #tpu.memory_space<vmem>>, vector<128x128xf32>
    %dot_general3A_43 = arith.constant dense<0.000000e+00> : vector<2000x128xf32>
    %dot_general3A_44 = tpu.matmul %add3A_33, %get3A_42, %dot_general3A_43 {dimension_numbers = #tpu.dot_dimension_numbers<[1], [0], [0], [1], [0, 0, 1, 1], [], []>, transpose_lhs_hint = false} : vector<2000x128xf32>, vector<128x128xf32>, vector<2000x128xf32> -> vector<2000x128xf32>
    %swap3A_45 = arith.constant 0 : index
    %swap3A_46 = arith.constant 0 : index
    %swap3A_47 = vector.load %arg8[%swap3A_45, %swap3A_46] : memref<2000x128xf32, #tpu.memory_space<vmem>>, vector<2000x128xf32>
    tpu.vector_store %arg8[%swap3A_45, %swap3A_46], %dot_general3A_44 {strides = array<i32>} : memref<2000x128xf32, #tpu.memory_space<vmem>>, vector<2000x128xf32>,
    return
  }
  func.func @transform_0(%arg0: i32) -> (i32, i32, i32) {
    %c0_i32 = arith.constant 0 : i32
    %c0_i32_0 = arith.constant 0 : i32
    %c0_i32_1 = arith.constant 0 : i32
    return %c0_i32, %arg0, %c0_i32_0 : i32, i32, i32
  }
  func.func @transform_1(%arg0: i32) -> (i32, i32) {
    %c0_i32 = arith.constant 0 : i32
    %c0_i32_0 = arith.constant 0 : i32
    return %arg0, %c0_i32 : i32, i32
  }
  func.func @transform_2(%arg0: i32) -> (i32, i32) {
    %c0_i32 = arith.constant 0 : i32
    %c0_i32_0 = arith.constant 0 : i32
    return %arg0, %c0_i32 : i32, i32
  }
  func.func @transform_3(%arg0: i32) -> (i32, i32) {
    %c0_i32 = arith.constant 0 : i32
    %c0_i32_0 = arith.constant 0 : i32
    return %arg0, %c0_i32 : i32, i32
  }
  func.func @transform_4(%arg0: i32) -> (i32, i32) {
    %c0_i32 = arith.constant 0 : i32
    %c0_i32_0 = arith.constant 0 : i32
    %c0_i32_1 = arith.constant 0 : i32
    return %c0_i32, %c0_i32_0 : i32, i32
  }
  func.func @transform_5(%arg0: i32) -> (i32, i32) {
    %c0_i32 = arith.constant 0 : i32
    %c0_i32_0 = arith.constant 0 : i32
    %c0_i32_1 = arith.constant 0 : i32
    return %c0_i32, %c0_i32_0 : i32, i32
  }
  func.func @transform_6(%arg0: i32) -> (i32, i32) {
    %c0_i32 = arith.constant 0 : i32
    %c0_i32_0 = arith.constant 0 : i32
    return %arg0, %c0_i32 : i32, i32
  }
  func.func @transform_7(%arg0: i32) -> (i32, i32) {
    %c0_i32 = arith.constant 0 : i32
    %c0_i32_0 = arith.constant 0 : i32
    return %arg0, %c0_i32 : i32, i32
  }
}

module attributes {stable_mosaic.version = 14 : i64} {
  func.func @_tc_head_body(%arg0: i32, %arg1: memref<2048x128xf32, #tpu.memory_space<vmem>>, %arg2: memref<2048x128xf32, #tpu.memory_space<vmem>>, %arg3: memref<1x128xf32, #tpu.memory_space<vmem>>, %arg4: memref<128x1xf32, #tpu.memory_space<vmem>>, %arg5: memref<1x1xf32, #tpu.memory_space<vmem>>, %arg6: memref<2048xf32, #tpu.memory_space<vmem>>) attributes {dimension_semantics = [#tpu.dimension_semantics<arbitrary>], iteration_bounds = array<i64: 32>, scalar_prefetch = 0 : i64, scratch_operands = 0 : i64, tpu.core_type = #tpu.core_type<tc>, window_params = [{transform_indices = @transform_0, window_bounds = array<i64: 2048, 128>}, {transform_indices = @transform_1, window_bounds = array<i64: 2048, 128>}, {pipeline_mode = #tpu.pipeline_mode<synchronous>, transform_indices = @transform_2, window_bounds = array<i64: 1, 128>}, {pipeline_mode = #tpu.pipeline_mode<synchronous>, transform_indices = @transform_3, window_bounds = array<i64: 128, 1>}, {pipeline_mode = #tpu.pipeline_mode<synchronous>, transform_indices = @transform_4, window_bounds = array<i64: 1, 1>}, {transform_indices = @transform_5, window_bounds = array<i64: 2048>}]} {
    %get3A = arith.constant 0 : index
    %get3A_0 = arith.constant 0 : index
    %get3A_1 = vector.load %arg1[%get3A, %get3A_0] : memref<2048x128xf32, #tpu.memory_space<vmem>>, vector<2048x128xf32>
    %get3A_2 = arith.constant 0 : index
    %get3A_3 = arith.constant 0 : index
    %get3A_4 = vector.load %arg2[%get3A_2, %get3A_3] : memref<2048x128xf32, #tpu.memory_space<vmem>>, vector<2048x128xf32>
    %add3A = arith.addf %get3A_1, %get3A_4 : vector<2048x128xf32>
    %get3A_5 = arith.constant 0 : index
    %get3A_6 = arith.constant 0 : index
    %get3A_7 = vector.load %arg3[%get3A_5, %get3A_6] : memref<1x128xf32, #tpu.memory_space<vmem>>, vector<1x128xf32>
    %add3A_8 = vector.broadcast %get3A_7 : vector<1x128xf32> to vector<2048x128xf32>
    %add3A_9 = arith.addf %add3A, %add3A_8 : vector<2048x128xf32>
    %max3A = arith.constant 0.000000e+00 : f32
    %max3A_10 = vector.broadcast %max3A : f32 to vector<2048x128xf32>
    %max3A_11 = arith.maximumf %add3A_9, %max3A_10 : vector<2048x128xf32>
    %get3A_12 = arith.constant 0 : index
    %get3A_13 = arith.constant 0 : index
    %get3A_14 = vector.load %arg4[%get3A_12, %get3A_13] : memref<128x1xf32, #tpu.memory_space<vmem>>, vector<128x1xf32>
    %dot_general3A = arith.constant dense<0.000000e+00> : vector<2048x1xf32>
    %dot_general3A_15 = tpu.matmul %max3A_11, %get3A_14, %dot_general3A {dimension_numbers = #tpu.dot_dimension_numbers<[1], [0], [0], [1], [0, 0, 1, 1], [], []>, transpose_lhs_hint = false} : vector<2048x128xf32>, vector<128x1xf32>, vector<2048x1xf32> -> vector<2048x1xf32>
    %get3A_16 = arith.constant 0 : index
    %get3A_17 = arith.constant 0 : index
    %get3A_18 = vector.load %arg5[%get3A_16, %get3A_17] : memref<1x1xf32, #tpu.memory_space<vmem>>, vector<1x1xf32>
    %get3A_19 = vector.extract %get3A_18[0, 0] : f32 from vector<1x1xf32>
    %add3A_20 = vector.broadcast %get3A_19 : f32 to vector<2048x1xf32>
    %add3A_21 = arith.addf %dot_general3A_15, %add3A_20 : vector<2048x1xf32>
    %logistic3A = arith.negf %add3A_21 : vector<2048x1xf32>
    %logistic3A_22 = math.exp %logistic3A : vector<2048x1xf32>
    %logistic3A_23 = arith.constant 1.000000e+00 : f32
    %logistic3A_24 = vector.broadcast %logistic3A_23 : f32 to vector<2048x1xf32>
    %logistic3A_25 = arith.addf %logistic3A_24, %logistic3A_22 : vector<2048x1xf32>
    %logistic3A_26 = arith.divf %logistic3A_24, %logistic3A_25 : vector<2048x1xf32>
    %squeeze3A = vector.shape_cast %logistic3A_26 : vector<2048x1xf32> to vector<2048xf32>
    %swap3A = arith.constant 0 : index
    %swap3A_27 = vector.load %arg6[%swap3A] : memref<2048xf32, #tpu.memory_space<vmem>>, vector<2048xf32>
    tpu.vector_store %arg6[%swap3A], %squeeze3A {strides = array<i32>} : memref<2048xf32, #tpu.memory_space<vmem>>, vector<2048xf32>,
    return
  }
  func.func @transform_0(%arg0: i32) -> (i32, i32) {
    %c0_i32 = arith.constant 0 : i32
    %c0_i32_0 = arith.constant 0 : i32
    return %arg0, %c0_i32 : i32, i32
  }
  func.func @transform_1(%arg0: i32) -> (i32, i32) {
    %c0_i32 = arith.constant 0 : i32
    %c0_i32_0 = arith.constant 0 : i32
    return %arg0, %c0_i32 : i32, i32
  }
  func.func @transform_2(%arg0: i32) -> (i32, i32) {
    %c0_i32 = arith.constant 0 : i32
    %c0_i32_0 = arith.constant 0 : i32
    %c0_i32_1 = arith.constant 0 : i32
    return %c0_i32, %c0_i32_0 : i32, i32
  }
  func.func @transform_3(%arg0: i32) -> (i32, i32) {
    %c0_i32 = arith.constant 0 : i32
    %c0_i32_0 = arith.constant 0 : i32
    %c0_i32_1 = arith.constant 0 : i32
    return %c0_i32, %c0_i32_0 : i32, i32
  }
  func.func @transform_4(%arg0: i32) -> (i32, i32) {
    %c0_i32 = arith.constant 0 : i32
    %c0_i32_0 = arith.constant 0 : i32
    %c0_i32_1 = arith.constant 0 : i32
    return %c0_i32, %c0_i32_0 : i32, i32
  }
  func.func @transform_5(%arg0: i32) -> i32 {
    %c0_i32 = arith.constant 0 : i32
    return %arg0 : i32
  }
}

</mosaic_0001>

<sc_bundles>
// kernel: kernel.10.cloned.1.call-start
scs
__scs_entry_jumppad:
0x0: {  	(pc) =	sbr.rel $0x88, $3  }
0x1: {  	(tag) =	ssettag $0x0;
	lr =	simm.s32 $0x1  }
0x2: {  	[smem:$0x3F96] =	sst lr;
	_ =	strace $0xD0000000  }
0x3: {  	_ = 	snop  }
0x4: {  	_ = 	snop  }
0x5: {  	_ = 	snop  }
0x6: {  	_ = 	snop  }
0x7: {  	_ = 	snop  }
__scs_overlays_trampoline_lowered:
0x8: {  	[smem:$0x3FA5] =	sst s0  }
0x9: {  	[smem:$0x3FA6] =	sst s1  }
0xa: {  	[smem:$0x3FA7] =	sst s2  }
0xb: {  	[smem:$0x3FA8] =	sst s3  }
0xc: {  	[smem:$0x3FA9] =	sst s4  }
0xd: {  	[smem:$0x3FAA] =	sst s5  }
0xe: {  	[smem:$0x3FAB] =	sst s6  }
0xf: {  	[smem:$0x3FAC] =	sst s7  }
0x10: {  	[smem:$0x3FAD] =	sst s8  }
0x11: {  	[smem:$0x3FAE] =	sst s9;
	s0 =	simm.s32 @!p0 $0x0  }
0x12: {  	s1 =	sld [smem:$0x3F94];
	s0 =	simm.s32 @p0 $0x1  }
0x13: {  	[smem:$0x3FAF] =	sst s0;
	s0 =	simm.s32 @!p1 $0x0  }
0x14: {  	s2 =	sld [smem:$0x3F93];
	s0 =	simm.s32 @p1 $0x1  }
0x15: {  	[smem:$0x3FB0] =	sst s0;
	s0 =	simm.s32 @!p2 $0x0  }
0x16: {  	s3 =	sld [smem:$0x3FDB];
	s0 =	simm.s32 @p2 $0x1  }
0x17: {  	s4 =	simm.s32 $0x1BF5;
	[smem:$0x3FB2] =	sst s0  }
0x18: {  	s0 =	sld [smem:$0x3F95];
	_ =	swait.ge [sflag:s4], $0x0  }
0x19: {  	s7 =	sld [smem:$0x3F96]  }
0x1a: {  	s8 =	sadd.s32 $0xFFFFE003, lr  }
0x1b: {  	s9 =	sadd.s32 $0xFFFFFEF7, lr;
	s5 =	simm.s32 $0xFFFFFFFF;
	p2 =	slt.u32 s8, $0xFFFFF086  }
0x1c: {  	p1 =	slt.u32 s9, $0xF7A;
	s5 =	simm.s32 @!p2 $0x0  }
0x1d: {  	s5 =	simm.s32 @p1 $0x1;
	p0 =	seq.s32 s7, s2  }
0x1e: {  	s7 =	smul.u32 @!p0 $0xF7A, s2;
	p2 =	seq.s32 @!p0 s5, $0x0  }
0x1f: {  	s9 =	smul.u32 $0xF7A, s1;
	s8 =	simm.s32 @!p0 $0x1BF5;
	p2 =	por !p2, p0  }
0x20: {  	[sflag:s8] =	ssyncset.s32 @!p0 $0xFFFFF086;
	s6 =	sadd.s32 @!p0 s3, s7;
	s7 =	simm.s32 @!p0 $0x108  }
0x21: {  	s3 =	sadd.s32 s3, s9;
	s6 =	sadd.s32 @!p0 $0x88, s6;
	s7 =	simm.s32 @p2 $0x1082  }
0x22: {  	[simem:s7], [sflag:s8] =	dma.local @!p0 [hbm:s6], $0xF7A  }
0x23: {  	s9 =	sor.u32 $0xD0000000, s2;
	s6 =	simm.s32 $0x108;
	_ =	swait.ge @!p0 [sflag:s8], $0x0  }
0x24: {  	s3 =	sadd.s32 $0x88, s3;
	s6 =	simm.s32 @!p1 $0x1082;
	[sflag:s4] =	ssyncset.s32 $0xFFFFF086  }
0x25: {  	[simem:s6], [sflag:s4] =	dma.local [hbm:s3], $0xF7A  }
0x26: {  	[smem:$0x3F96] =	sst s1;
	(tag) =	ssettag s2;
	_ =	strace s9  }
0x27: {  	s1 =	sld [smem:$0x3FA6]  }
0x28: {  	s2 =	sld [smem:$0x3FA7]  }
0x29: {  	s4 =	sld [smem:$0x3FA9]  }
0x2a: {  	p0 =	seq.s32 s5, $0x0;
	s5 =	sld [smem:$0x3FAA]  }
0x2b: {  	s6 =	sld [smem:$0x3FAB]  }
0x2c: {  	s7 =	sld [smem:$0x3FAC]  }
0x2d: {  	s3 =	simm.s32 $0x108;
	s8 =	sld [smem:$0x3FAD]  }
0x2e: {  	s3 =	simm.s32 @!p0 $0x1082;
	s9 =	sld [smem:$0x3FAE]  }
0x2f: {  	lr =	sadd.s32 s0, s3;
	s0 =	sld [smem:$0x3FA5]  }
0x30: {  	s3 =	sld [smem:$0x3FA8]  }
0x31: {  	[smem:$0x3FB1] =	sst s10  }
0x32: {  	s10 =	sld [smem:$0x3FAF];
	_ =	sdelay $0x3  }
0x33: {  	p0 =	seq.s32 s10, $0x1;
	s10 =	sld [smem:$0x3FB1];
	_ =	sdelay $0x3  }
0x34: {  	[smem:$0x3FB1] =	sst s10  }
0x35: {  	s10 =	sld [smem:$0x3FB0];
	_ =	sdelay $0x3  }
0x36: {  	p1 =	seq.s32 s10, $0x1;
	s10 =	sld [smem:$0x3FB1];
	_ =	sdelay $0x3  }
0x37: {  	[smem:$0x3FB1] =	sst s10  }
0x38: {  	s10 =	sld [smem:$0x3FB2]  }
0x39: {  	_ = 	snop;
	(pc) =	sbr.ind lr, $3  }
0x3a: {  	_ = 	snop  }
0x3b: {  	_ = 	snop  }
0x3c: {  	p2 =	seq.s32 s10, $0x1;
	s10 =	sld [smem:$0x3FB1]  }
0x3d: {  	_ =	shalt  }
0x3e: {  	_ =	shalt  }
0x3f: {  	_ =	shalt  }
0x40: {  	_ =	shalt  }
0x41: {  	_ =	shalt  }
0x42: {  	_ =	shalt  }
0x43: {  	_ =	shalt  }
0x44: {  	_ =	shalt  }
0x45: {  	_ =	shalt  }
0x46: {  	_ =	shalt  }
0x47: {  	_ =	shalt  }
0x48: {  	_ =	shalt  }
0x49: {  	_ =	shalt  }
0x4a: {  	_ =	shalt  }
0x4b: {  	_ =	shalt  }
0x4c: {  	_ =	shalt  }
0x4d: {  	_ =	shalt  }
0x4e: {  	_ =	shalt  }
0x4f: {  	_ =	shalt  }
0x50: {  	_ =	shalt  }
0x51: {  	_ =	shalt  }
0x52: {  	_ =	shalt  }
0x53: {  	_ =	shalt  }
0x54: {  	_ =	shalt  }
0x55: {  	_ =	shalt  }
0x56: {  	_ =	shalt  }
0x57: {  	_ =	shalt  }
0x58: {  	_ =	shalt  }
0x59: {  	_ =	shalt  }
0x5a: {  	_ =	shalt  }
0x5b: {  	_ =	shalt  }
0x5c: {  	_ =	shalt  }
0x5d: {  	_ =	shalt  }
0x5e: {  	_ =	shalt  }
0x5f: {  	_ =	shalt  }
0x60: {  	_ =	shalt  }
0x61: {  	_ =	shalt  }
0x62: {  	_ =	shalt  }
0x63: {  	_ =	shalt  }
0x64: {  	_ =	shalt  }
0x65: {  	_ =	shalt  }
0x66: {  	_ =	shalt  }
0x67: {  	_ =	shalt  }
0x68: {  	_ =	shalt  }
0x69: {  	_ =	shalt  }
0x6a: {  	_ =	shalt  }
0x6b: {  	_ =	shalt  }
0x6c: {  	_ =	shalt  }
0x6d: {  	_ =	shalt  }
0x6e: {  	_ =	shalt  }
0x6f: {  	_ =	shalt  }
0x70: {  	_ =	shalt  }
0x71: {  	_ =	shalt  }
0x72: {  	_ =	shalt  }
0x73: {  	_ =	shalt  }
0x74: {  	_ =	shalt  }
0x75: {  	_ =	shalt  }
0x76: {  	_ =	shalt  }
0x77: {  	_ =	shalt  }
0x78: {  	_ =	shalt  }
0x79: {  	_ =	shalt  }
0x7a: {  	_ =	shalt  }
0x7b: {  	_ =	shalt  }
0x7c: {  	_ =	shalt  }
0x7d: {  	_ =	shalt  }
0x7e: {  	_ =	shalt  }
0x7f: {  	_ =	shalt  }
0x80: {  	_ =	shalt  }
0x81: {  	_ =	shalt  }
0x82: {  	_ =	shalt  }
0x83: {  	_ =	shalt  }
0x84: {  	_ =	shalt  }
0x85: {  	_ =	shalt  }
0x86: {  	_ =	shalt  }
0x87: {  	_ =	shalt  }
.Lfunc_end0:
.L_simem_size_0:
called_computation_lowered:
.L_overlay_start_0:
0x88: {  	s2 =	sld [smem:$0x3FD9]  }
0x89: {  	s3 =	sld [smem:$0x3FFE];
	_ =	sdelay $0x1  }
0x8a: {  	s1 =	srdreg.scid  }
0x8b: {  	s0 =	sand.u32 $0x1, s1  }
0x8c: {  	s17 =	sshll.u32 s0, $0xA;
	s2 =	sadd.s32 s3, s2  }
0x8d: {  	s2 =	sadd.s32 s2, s17  }
0x8e: {  	[smem:$0x3FBD] =	sst s2  }
0x8f: {  	_ = 	snop  }
0x90: {  	s2 =	sld [smem:$0x3FD0];
	(tm) =	ssettm $0x1  }
0x91: {  	s18 =	sld [smem:$0x3FFB];
	_ =	sdelay $0x3  }
0x92: {  	_ =	strace s18  }
0x93: {  	s3 =	sld [smem:$0x3FFC];
	_ =	sdelay $0x3  }
0x94: {  	_ =	strace s3  }
0x95: {  	s3 =	sld [smem:$0x3FFD];
	_ =	sdelay $0x3  }
0x96: {  	_ =	strace s3  }
0x97: {  	_ =	strace $0x8FFFFFFF  }
0x98: {  	s19 =	sld [smem:$0x3FDB];
	_ =	sdelay $0x1  }
0x99: {  	s4 =	simm.s32 $_scs_section_size  }
0x9a: {  	s5 =	simm.s32 $_size__tile_overlayer_lowered;
	s6 =	simm.s32 $_tile_overlayer_lowered  }
0x9b: {  	s22 =	simm.s32 $0x1BFF;
	s21 =	sshll.u32 s6, $0x1;
	s3 =	sadd.s32 s4, s19  }
0x9c: {  	s7 =	simm.s32 $0x0;
	s20 =	sshll.u32 s5, $0x1;
	s5 =	sadd.s32 s21, s3  }
0x9d: {  	[timem:s7], [sflag:s22] =	dma.local [hbm:s5], s20  }
0x9e: {  	_ =	swait.ge [sflag:s22], s20  }
0x9f: {  	s4 =	ssub.s32 $0x0, s20;
	[sflag:s22] =	ssyncset.done $0x0  }
0xa0: {  	[sflag:s22] =	ssyncadd.s32 s4;
	_ =	sdelay $0x1  }
0xa1: {  	s23 =	simm.s32 $0x1B8B  }
0xa2: {  	_ =	swait.ge [sflag:s23], $0x1  }
0xa3: {  	[sflag:s23] =	ssyncset.done $0x0  }
0xa4: {  	s25 =	simm.s32 $0x1B8E;
	s24 =	sld [smem:$0x3FFE];
	[sflag:s23] =	ssyncadd.s32 $0xFFFFFFFF  }
0xa5: {  	s26 =	simm.s32 $execute0_lowered;
	[smem:$0x3FD2] =	sst s25  }
0xa6: {  	s5 =	sshll.u32 s26, $0x1;
	_ =	strace $0x80000046;
	[dreg:$0x1] =	wrdreg $0xFFFFFFFF  }
0xa7: {  	s28 =	simm.s32 $_size_execute0_lowered;
	s3 =	sadd.s32 s3, s5;
	[dreg:$0x0] =	wrdreg $0x0  }
0xa8: {  	s5 =	sshll.u32 s28, $0x1;
	[dreg:$0x2] =	wrdreg s3  }
0xa9: {  	[dreg:$0x3] =	wrdreg s5  }
0xaa: {  	[dreg:$0x4] =	wrdreg $0xC0  }
0xab: {  	_ =	task [dreg:s7], $0x5FFFF  }
0xac: {  	[dreg:$0x1] =	wrdreg $0xFFFFFFFF  }
0xad: {  	[dreg:$0x0] =	wrdreg $0x60  }
0xae: {  	[dreg:$0x2] =	wrdreg s24  }
0xaf: {  	[dreg:$0x3] =	wrdreg s2  }
0xb0: {  	[dreg:$0x4] =	wrdreg $0x53200  }
0xb1: {  	[dreg:$0x5] =	wrdreg $0x9  }
0xb2: {  	_ =	task.clear_ibuf [dreg:s7], $0x6FFFF;
	_ =	strace $0x90000046  }
0xb3: {  	s29 =	simm.s32 $0x9;
	_ =	strace $0x80000048  }
0xb4: {  	_ =	swait.ge [sflag:s29], $0x1  }
0xb5: {  	[sflag:s29] =	ssyncadd.s32 $0xFFFFFFFF  }
0xb6: {  	_ =	strace $0x90000048  }
0xb7: {  	_ =	sfence  }
0xb8: {  	s30 =	sld [smem:$0x0];
	_ =	sdelay $0x2  }
0xb9: {  	s31 =	sshll.u32 s1, $0xD;
	s1 =	sshrl.u32 s1, $0x2  }
0xba: {  	s3 =	sand.u32 $0x4000, s31;
	s1 =	sadd.s32 s1, s30  }
0xbb: {  	s0 =	sor.u32 s3, s0;
	s1 =	sshll.u32 s1, $0x11  }
0xbc: {  	s0 =	sor.u32 s1, s0  }
0xbd: {  	s0 =	sadd.s32 $0x8F2B, s0  }
0xbe: {  	[sflag:s0] =	ssyncadd.remote.s32 $0x1  }
0xbf: {  	_ =	sfence.sel $0xFFFF  }
0xc0: {  	[dreg:$0x0] =	wrdreg $0xFFFFFFFF;
	(pc) =	sbr.abs _section_cstart, $3  }
0xc1: {  	[dreg:$0x1] =	wrdreg $0xFFFFFFFF  }
0xc2: {  	_ =	task.clear_ibuf [dreg:s7], $0x2FFFF;
	_ =	strace $0x9FFFFFFF  }
0xc3: {  	(tm) =	ssettm $0x7FFFFFFF  }
tec
execute0_lowered:
.L_overlay_start_1:
0x0: {  	(tag) =	ssettag $0x1  }
0x1: {  	s0 =	srdreg.scid;
	s3 =	rddreg [dreg:$0x0]  }
0x2: {  	s7 =	rddreg [dreg:$0x1];
	s11 =	stileid.u32;
	v0 =	vimm.f32 $0.0e+00;
	v1 =	vlaneseq.u32  }
0x3: {  	s1 =	rddreg [dreg:$0x2];
	s12 =	simm.s32 $0x4F10;
	s13 =	simm.s32 $0x4F90;
	v40 =	vimm.s32 $0x271;
	vm0 =	vcmask $0x300;
	v41 =	vimm.f32 $1.000000000e+00  }
0x4: {  	s14 =	simm.s32 $0x2F10;
	s15 =	simm.s32 $0x5010;
	s16 =	simm.s32 $0x3710;
	v2 =	vor.u32 $0x10, v1;
	v3 =	vor.u32 $0x20, v1;
	v4 =	vor.u32 $0x30, v1  }
0x5: {  	s17 =	simm.s32 $0x5090;
	s18 =	simm.s32 $0x3F10;
	s19 =	simm.s32 $0x5110;
	v5 =	vor.u32 $0x40, v1;
	v6 =	vor.u32 $0x50, v1;
	v7 =	vor.u32 $0x60, v1  }
0x6: {  	s20 =	simm.s32 $0x4710;
	s21 =	simm.s32 $0x5190;
	s22 =	simm.s32 $0x0;
	v8 =	vor.u32 $0x70, v1;
	v9 =	vor.u32 $0x80, v1;
	v10 =	vor.u32 $0x90, v1  }
0x7: {  	s4 =	sand.u32 $0x1, s0;
	s8 =	smul.u32 $0x190, s11;
	v11 =	vor.u32 $0xA0, v1;
	v12 =	vor.u32 $0xB0, v1;
	v13 =	vor.u32 $0xC0, v1;
	p0 =	sne.s32 s11, $0x0  }
0x8: {  	v14 =	vor.u32 $0xD0, v1;
	v15 =	vor.u32 $0xE0, v1;
	v16 =	vor.u32 $0xF0, v1;
	p1 =	sgt.u32 s11, $0x8;
	s0 =	sshll.u32 s4, $0x4;
	s6 =	ssub.s32 $0x2, s4  }
0x9: {  	v17 =	vor.u32 $0x100, v1;
	v18 =	vor.u32 $0x110, v1;
	v19 =	vor.u32 $0x120, v1;
	s10 =	smul.u32 $0x2710, s4;
	s2 =	sor.u32 s11, s0;
	s0 =	rddreg [dreg:$0x3]  }
0xa: {  	v20 =	vor.u32 $0x130, v1;
	v21 =	vor.u32 $0x140, v1;
	v22 =	vor.u32 $0x150, v1;
	s9 =	sshrl.u32 s6, $0x1;
	s30 =	sadd.s32 $0x1900, s8;
	s4 =	sadd.s32 s8, s1  }
0xb: {  	v23 =	vor.u32 $0x160, v1;
	v24 =	vor.u32 $0x170, v1;
	v25 =	vor.u32 $0x180, v1;
	s11 =	simm.s32 $0x80;
	s5 =	smul.u32 $0x4E2, s2;
	s2 =	simm.s32 $0x0  }
0xc: {  	v26 =	vor.u32 $0x190, v1;
	v27 =	vor.u32 $0x1A0, v1;
	v28 =	vor.u32 $0x1B0, v1;
	s9 =	ssub.s32 s6, s9;
	s29 =	sadd.s32 s8, s10;
	s31 =	sadd.s32 s10, s30  }
0xd: {  	v29 =	vor.u32 $0x1C0, v1;
	v30 =	vor.u32 $0x1D0, v1;
	v31 =	vor.u32 $0x1E0, v1;
	s6 =	sadd.s32 s30, s1;
	s10 =	simm.s32 $0x2710;
	[smem:$0x7FF] =	sst s2  }
0xe: {  	v32 =	vor.u32 $0x1F0, v1;
	v33 =	vor.u32 $0x200, v1;
	v34 =	vor.u32 $0x210, v1;
	s8 =	sshrl.u32 s31, $0x3;
	s3 =	sadd.s32 s5, s3;
	s5 =	sshrl.u32 s29, $0x3  }
0xf: {  	v35 =	vor.u32 $0x220, v1;
	v36 =	vor.u32 $0x230, v1;
	v37 =	vor.u32 $0x240, v1;
	_ =	strace $0x80000047;
	s3 =	sadd.s32 $0xE000, s3;
	s5 =	sadd.s32 s7, s5  }
0x10: {  	v38 =	vor.u32 $0x250, v1;
	v39 =	vor.u32 $0x260, v1;
	v40 =	vsel vm0, $0x270, v40;
	s7 =	sadd.s32 s7, s8;
	s8 =	smax.u32 s9, $0x1;
	s9 =	simm.s32 $0x1  }
.LBB2_1:
0x11: {  	[tilespmem:s2], [sflag:$0x1] =	stream.linear.gather [hbm4b:s3+s2], $0x2710, $0x38;
	[tilespmem:$0x5598] =	vst v63  }
0x12: {  	_ =	swait.ge [sflag:s9], $0x2710  }
0x13: {  	[sflag:s9] =	ssyncset.done $0x0  }
0x14: {  	s23 =	simm.s32 $0x40;
	s24 =	simm.s32 $0x0;
	[sflag:s9] =	ssyncadd.s32 $0xFFFFD8F0  }
.LBB2_2:
0x15: {  	p2 =	sne.s32 s23, $0x9FC0;
	[tilespmem:s24+$0x2710] =	vst v0;
	s24 =	smov.u32 s23;
	s23 =	sadd.s32 $0x40, s23  }
.Ltmp0:
0x16: {  	(pc) =	sbr.rel @p2 .LBB2_2-.Ltmp0, $2  }
0x17: {  	_ =	sdelay $0x2  }
0x18: {  	s24 =	sshra.s32 s24, $0x2  }
0x19: {  	[tilespmem:s24+$0x2710] =	vst v0;
	s23 =	simm.s32 @!p0 $0x2710  }
0x1a: {  	[spmem:s1] =	stream.linear.scatter @!p0 [tilespmem:s23], [sflag:$0x1], $0x2720, $0x38;
	[tilespmem:$0x5598] =	vst v63  }
0x1b: {  	s23 =	simm.s32 @!p0 $0x1  }
0x1c: {  	_ =	swait.ge @!p0 [sflag:s23], $0x2720  }
0x1d: {  	[sflag:s23] =	ssyncset.done @!p0 $0x0  }
0x1e: {  	[sflag:s23] =	ssyncadd.s32 @!p0 $0xFFFFD8E0  }
0x1f: {  	[tilespmem:$0x4F10] =	vst v1  }
0x20: {  	[tilespmem:$0x4F20] =	vst v2  }
0x21: {  	[tilespmem:$0x4F30] =	vst v3  }
0x22: {  	[tilespmem:$0x4F40] =	vst v4  }
0x23: {  	[tilespmem:$0x4F50] =	vst v5  }
0x24: {  	[tilespmem:$0x4F60] =	vst v6  }
0x25: {  	[tilespmem:$0x4F70] =	vst v7  }
0x26: {  	[tilespmem:$0x4F80] =	vst v8  }
0x27: {  	[tilespmem:$0x4F90] =	vst v9  }
0x28: {  	[tilespmem:$0x4FA0] =	vst v10  }
0x29: {  	[tilespmem:$0x4FB0] =	vst v11  }
0x2a: {  	[tilespmem:$0x4FC0] =	vst v12  }
0x2b: {  	[tilespmem:$0x4FD0] =	vst v13  }
0x2c: {  	[tilespmem:$0x4FE0] =	vst v14  }
0x2d: {  	[tilespmem:$0x4FF0] =	vst v15  }
0x2e: {  	[tilespmem:$0x5000] =	vst v16  }
0x2f: {  	[tilespmem:$0x5010] =	vst v17  }
0x30: {  	[tilespmem:$0x5020] =	vst v18  }
0x31: {  	[tilespmem:$0x5030] =	vst v19  }
0x32: {  	[tilespmem:$0x5040] =	vst v20  }
0x33: {  	[tilespmem:$0x5050] =	vst v21  }
0x34: {  	[tilespmem:$0x5060] =	vst v22  }
0x35: {  	[tilespmem:$0x5070] =	vst v23  }
0x36: {  	[tilespmem:$0x5080] =	vst v24  }
0x37: {  	[tilespmem:$0x5090] =	vst v25  }
0x38: {  	[tilespmem:$0x50A0] =	vst v26  }
0x39: {  	[tilespmem:$0x50B0] =	vst v27  }
0x3a: {  	[tilespmem:$0x50C0] =	vst v28  }
0x3b: {  	[tilespmem:$0x50D0] =	vst v29  }
0x3c: {  	[tilespmem:$0x50E0] =	vst v30  }
0x3d: {  	[tilespmem:$0x50F0] =	vst v31  }
0x3e: {  	[tilespmem:$0x5100] =	vst v32  }
0x3f: {  	[tilespmem:$0x5110] =	vst v33  }
0x40: {  	[tilespmem:$0x5120] =	vst v34  }
0x41: {  	[tilespmem:$0x5130] =	vst v35  }
0x42: {  	[tilespmem:$0x5140] =	vst v36  }
0x43: {  	[tilespmem:$0x5150] =	vst v37  }
0x44: {  	[tilespmem:$0x5160] =	vst v38  }
0x45: {  	[tilespmem:$0x5170] =	vst v39  }
0x46: {  	[tilespmem:$0x5180] =	vst v40  }
0x47: {  	s24 =	simm.s32 $0x0;
	s23 =	simm.s32 $0x40;
	[bflag:$0x0] =	sbarrier.arrive $0xFFFF  }
.LBB2_4:
0x48: {  	p2 =	sne.s32 s23, $0x9C00;
	v42 =	vld [tilespmem:s24+$0x0];
	_ =	sdelay $0x3  }
.Ltmp1:
0x49: {  	(pc) =	sbr.rel @p2 .LBB2_4-.Ltmp1, $2  }
0x4a: {  	_ =	sdelay $0x2  }
0x4b: {  	s24 =	sshra.s32 s23, $0x2;
	s23 =	sadd.s32 $0x40, s23;
	[tilespmem:v42+s10+$0x0] =	vst.idx.add.f32.msk $0xffff, v41  }
0x4c: {  	v42 =	vld [tilespmem:s24+$0x0];
	_ =	sdelay $0x7  }
0x4d: {  	[tilespmem:v42+s10+$0x0] =	vst.idx.add.f32.msk $0xffff, v41  }
0x4e: {  	[bflag:$0x0] =	sbarrier.arrive $0xFFFF  }
0x4f: {  	[spmem:s1] =	stream.indirect.scatter.add.f32 [tilespmem:s10], [sflag:$0x1], $0x10, s12, s11, $0xb8;
	[tilespmem:$0x5598] =	vst v63  }
0x50: {  	_ =	swait.ge [sflag:s9], $0x800  }
0x51: {  	[sflag:s9] =	ssyncset.done $0x0  }
0x52: {  	[sflag:s9] =	ssyncadd.s32 $0xFFFFF800  }
0x53: {  	[spmem:s1] =	stream.indirect.scatter.add.f32 [tilespmem:s14], [sflag:$0x1], $0x10, s13, s11, $0xb8;
	[tilespmem:$0x5598] =	vst v63  }
0x54: {  	_ =	swait.ge [sflag:s9], $0x800  }
0x55: {  	[sflag:s9] =	ssyncset.done $0x0  }
0x56: {  	[sflag:s9] =	ssyncadd.s32 $0xFFFFF800  }
0x57: {  	[spmem:s1] =	stream.indirect.scatter.add.f32 [tilespmem:s16], [sflag:$0x1], $0x10, s15, s11, $0xb8;
	[tilespmem:$0x5598] =	vst v63  }
0x58: {  	_ =	swait.ge [sflag:s9], $0x800  }
0x59: {  	[sflag:s9] =	ssyncset.done $0x0  }
0x5a: {  	[sflag:s9] =	ssyncadd.s32 $0xFFFFF800  }
0x5b: {  	[spmem:s1] =	stream.indirect.scatter.add.f32 [tilespmem:s18], [sflag:$0x1], $0x10, s17, s11, $0xb8;
	[tilespmem:$0x5598] =	vst v63  }
0x5c: {  	_ =	swait.ge [sflag:s9], $0x800  }
0x5d: {  	[sflag:s9] =	ssyncset.done $0x0  }
0x5e: {  	[sflag:s9] =	ssyncadd.s32 $0xFFFFF800  }
0x5f: {  	[spmem:s1] =	stream.indirect.scatter.add.f32 [tilespmem:s20], [sflag:$0x1], $0x10, s19, s11, $0xb8;
	[tilespmem:$0x5598] =	vst v63  }
0x60: {  	_ =	swait.ge [sflag:s9], $0x800  }
0x61: {  	[sflag:s9] =	ssyncset.done $0x0  }
0x62: {  	[sflag:s9] =	ssyncadd.s32 $0xFFFFF800  }
0x63: {  	[bflag:$0x0] =	sbarrier.arrive $0xFFFF  }
0x64: {  	[tilespmem:s21], [sflag:$0x1] =	stream.linear.gather [spmem:s4], $0x190, $0x38;
	[tilespmem:$0x5598] =	vst v63  }
0x65: {  	_ =	swait.ge [sflag:s9], $0x190  }
0x66: {  	[sflag:s9] =	ssyncset.done $0x0  }
0x67: {  	[sflag:s9] =	ssyncadd.s32 $0xFFFFFE70  }
0x68: {  	[hbm4b:s5+s2] =	stream.linear.scatter [tilespmem:s21], [sflag:$0x1], $0x190, $0x38;
	[tilespmem:$0x5598] =	vst v63  }
0x69: {  	_ =	swait.ge [sflag:s9], $0x190  }
0x6a: {  	[sflag:s9] =	ssyncset.done $0x0  }
0x6b: {  	s23 =	simm.s32 @!p1 $0x5190;
	s24 =	simm.s32 @!p1 $0x1;
	[sflag:s9] =	ssyncadd.s32 $0xFFFFFE70  }
0x6c: {  	[tilespmem:s23], [sflag:$0x1] =	stream.linear.gather @!p1 [spmem:s6], $0x190, $0x38;
	[tilespmem:$0x5598] =	vst v63  }
0x6d: {  	s22 =	sadd.s32 $0x1, s22;
	_ =	swait.ge @!p1 [sflag:s24], $0x190  }
0x6e: {  	p2 =	sne.s32 s22, s8;
	[sflag:s24] =	ssyncset.done @!p1 $0x0  }
.Ltmp2:
0x6f: {  	s25 =	simm.s32 @!p1 $0x0;
	[sflag:s24] =	ssyncadd.s32 @!p1 $0xFFFFFE70;
	(pc) =	sbr.rel @p2 .LBB2_1-.Ltmp2, $4  }
0x70: {  	[hbm4b:s7+s25] =	stream.linear.scatter @!p1 [tilespmem:s23], [sflag:$0x1], $0x190, $0x38;
	[tilespmem:$0x5598] =	vst v63  }
0x71: {  	_ =	swait.ge @!p1 [sflag:s24], $0x190  }
0x72: {  	[sflag:s24] =	ssyncset.done @!p1 $0x0  }
0x73: {  	[sflag:s24] =	ssyncadd.s32 @!p1 $0xFFFFFE70  }
0x74: {  	_ =	sfence.sel $0x180000  }
0x75: {  	[bflag:$0x0] =	sbarrier.arrive $0xFFFF  }
0x76: {  	_ =	strace $0x90000047  }
0x77: {  	s0 =	sadd.s32 @!p0 $0x100000, s0;
	[bflag:$0x2] =	sbarrier.arrive $0xFFFF  }
0x78: {  	[sflag:s0] =	ssyncadd.tile.s32 @!p0 $0x1;
	_ =	shalt  }
.Lfunc_end2:
_tile_overlayer_lowered:
.L_overlay_start_2:
0x79: {  	(tag) =	ssettag $0x2  }
0x7a: {  	s0 =	rddreg [dreg:$0x0];
	s2 =	stileid.u32  }
0x7b: {  	s1 =	rddreg [dreg:$0x1];
	p0 =	sne.s32 s2, $0x0  }
0x7c: {  	s3 =	rddreg [dreg:$0x2];
	[bflag:$0x3] =	sbarrier.arrive $0xFFFF;
	s2 =	simm.s32 @!p0 $0x1C01  }
0x7d: {  	[timem:s3], [sflag:s2] =	dma.local @!p0 [hbm:s0], s1  }
0x7e: {  	s0 =	simm.s32 @!p0 $0x1  }
0x7f: {  	_ =	swait.ge @!p0 [sflag:s0], s1  }
0x80: {  	s1 =	ssub.s32 @!p0 $0x0, s1;
	[sflag:s0] =	ssyncset.done @!p0 $0x0  }
0x81: {  	[sflag:s0] =	ssyncadd.s32 @!p0 s1  }
0x82: {  	[bflag:$0x3] =	sbarrier.arrive $0xFFFF  }
0x83: {  	_ =	shalt  }

// kernel: kernel.13.cloned.1.call-start
scs
__scs_entry_jumppad:
0x0: {  	(pc) =	sbr.rel $0x88, $3  }
0x1: {  	(tag) =	ssettag $0x0;
	lr =	simm.s32 $0x1  }
0x2: {  	[smem:$0x3F96] =	sst lr;
	_ =	strace $0xD0000000  }
0x3: {  	_ = 	snop  }
0x4: {  	_ = 	snop  }
0x5: {  	_ = 	snop  }
0x6: {  	_ = 	snop  }
0x7: {  	_ = 	snop  }
__scs_overlays_trampoline_lowered:
0x8: {  	[smem:$0x3FA5] =	sst s0  }
0x9: {  	[smem:$0x3FA6] =	sst s1  }
0xa: {  	[smem:$0x3FA7] =	sst s2  }
0xb: {  	[smem:$0x3FA8] =	sst s3  }
0xc: {  	[smem:$0x3FA9] =	sst s4  }
0xd: {  	[smem:$0x3FAA] =	sst s5  }
0xe: {  	[smem:$0x3FAB] =	sst s6  }
0xf: {  	[smem:$0x3FAC] =	sst s7  }
0x10: {  	[smem:$0x3FAD] =	sst s8  }
0x11: {  	[smem:$0x3FAE] =	sst s9;
	s0 =	simm.s32 @!p0 $0x0  }
0x12: {  	s1 =	sld [smem:$0x3F94];
	s0 =	simm.s32 @p0 $0x1  }
0x13: {  	[smem:$0x3FAF] =	sst s0;
	s0 =	simm.s32 @!p1 $0x0  }
0x14: {  	s2 =	sld [smem:$0x3F93];
	s0 =	simm.s32 @p1 $0x1  }
0x15: {  	[smem:$0x3FB0] =	sst s0;
	s0 =	simm.s32 @!p2 $0x0  }
0x16: {  	s3 =	sld [smem:$0x3FDB];
	s0 =	simm.s32 @p2 $0x1  }
0x17: {  	s4 =	simm.s32 $0x1BF5;
	[smem:$0x3FB2] =	sst s0  }
0x18: {  	s0 =	sld [smem:$0x3F95];
	_ =	swait.ge [sflag:s4], $0x0  }
0x19: {  	s7 =	sld [smem:$0x3F96]  }
0x1a: {  	s8 =	sadd.s32 $0xFFFFE003, lr  }
0x1b: {  	s9 =	sadd.s32 $0xFFFFFEF7, lr;
	s5 =	simm.s32 $0xFFFFFFFF;
	p2 =	slt.u32 s8, $0xFFFFF086  }
0x1c: {  	p1 =	slt.u32 s9, $0xF7A;
	s5 =	simm.s32 @!p2 $0x0  }
0x1d: {  	s5 =	simm.s32 @p1 $0x1;
	p0 =	seq.s32 s7, s2  }
0x1e: {  	s7 =	smul.u32 @!p0 $0xF7A, s2;
	p2 =	seq.s32 @!p0 s5, $0x0  }
0x1f: {  	s9 =	smul.u32 $0xF7A, s1;
	s8 =	simm.s32 @!p0 $0x1BF5;
	p2 =	por !p2, p0  }
0x20: {  	[sflag:s8] =	ssyncset.s32 @!p0 $0xFFFFF086;
	s6 =	sadd.s32 @!p0 s3, s7;
	s7 =	simm.s32 @!p0 $0x108  }
0x21: {  	s3 =	sadd.s32 s3, s9;
	s6 =	sadd.s32 @!p0 $0x88, s6;
	s7 =	simm.s32 @p2 $0x1082  }
0x22: {  	[simem:s7], [sflag:s8] =	dma.local @!p0 [hbm:s6], $0xF7A  }
0x23: {  	s9 =	sor.u32 $0xD0000000, s2;
	s6 =	simm.s32 $0x108;
	_ =	swait.ge @!p0 [sflag:s8], $0x0  }
0x24: {  	s3 =	sadd.s32 $0x88, s3;
	s6 =	simm.s32 @!p1 $0x1082;
	[sflag:s4] =	ssyncset.s32 $0xFFFFF086  }
0x25: {  	[simem:s6], [sflag:s4] =	dma.local [hbm:s3], $0xF7A  }
0x26: {  	[smem:$0x3F96] =	sst s1;
	(tag) =	ssettag s2;
	_ =	strace s9  }
0x27: {  	s1 =	sld [smem:$0x3FA6]  }
0x28: {  	s2 =	sld [smem:$0x3FA7]  }
0x29: {  	s4 =	sld [smem:$0x3FA9]  }
0x2a: {  	p0 =	seq.s32 s5, $0x0;
	s5 =	sld [smem:$0x3FAA]  }
0x2b: {  	s6 =	sld [smem:$0x3FAB]  }
0x2c: {  	s7 =	sld [smem:$0x3FAC]  }
0x2d: {  	s3 =	simm.s32 $0x108;
	s8 =	sld [smem:$0x3FAD]  }
0x2e: {  	s3 =	simm.s32 @!p0 $0x1082;
	s9 =	sld [smem:$0x3FAE]  }
0x2f: {  	lr =	sadd.s32 s0, s3;
	s0 =	sld [smem:$0x3FA5]  }
0x30: {  	s3 =	sld [smem:$0x3FA8]  }
0x31: {  	[smem:$0x3FB1] =	sst s10  }
0x32: {  	s10 =	sld [smem:$0x3FAF];
	_ =	sdelay $0x3  }
0x33: {  	p0 =	seq.s32 s10, $0x1;
	s10 =	sld [smem:$0x3FB1];
	_ =	sdelay $0x3  }
0x34: {  	[smem:$0x3FB1] =	sst s10  }
0x35: {  	s10 =	sld [smem:$0x3FB0];
	_ =	sdelay $0x3  }
0x36: {  	p1 =	seq.s32 s10, $0x1;
	s10 =	sld [smem:$0x3FB1];
	_ =	sdelay $0x3  }
0x37: {  	[smem:$0x3FB1] =	sst s10  }
0x38: {  	s10 =	sld [smem:$0x3FB2]  }
0x39: {  	_ = 	snop;
	(pc) =	sbr.ind lr, $3  }
0x3a: {  	_ = 	snop  }
0x3b: {  	_ = 	snop  }
0x3c: {  	p2 =	seq.s32 s10, $0x1;
	s10 =	sld [smem:$0x3FB1]  }
0x3d: {  	_ =	shalt  }
0x3e: {  	_ =	shalt  }
0x3f: {  	_ =	shalt  }
0x40: {  	_ =	shalt  }
0x41: {  	_ =	shalt  }
0x42: {  	_ =	shalt  }
0x43: {  	_ =	shalt  }
0x44: {  	_ =	shalt  }
0x45: {  	_ =	shalt  }
0x46: {  	_ =	shalt  }
0x47: {  	_ =	shalt  }
0x48: {  	_ =	shalt  }
0x49: {  	_ =	shalt  }
0x4a: {  	_ =	shalt  }
0x4b: {  	_ =	shalt  }
0x4c: {  	_ =	shalt  }
0x4d: {  	_ =	shalt  }
0x4e: {  	_ =	shalt  }
0x4f: {  	_ =	shalt  }
0x50: {  	_ =	shalt  }
0x51: {  	_ =	shalt  }
0x52: {  	_ =	shalt  }
0x53: {  	_ =	shalt  }
0x54: {  	_ =	shalt  }
0x55: {  	_ =	shalt  }
0x56: {  	_ =	shalt  }
0x57: {  	_ =	shalt  }
0x58: {  	_ =	shalt  }
0x59: {  	_ =	shalt  }
0x5a: {  	_ =	shalt  }
0x5b: {  	_ =	shalt  }
0x5c: {  	_ =	shalt  }
0x5d: {  	_ =	shalt  }
0x5e: {  	_ =	shalt  }
0x5f: {  	_ =	shalt  }
0x60: {  	_ =	shalt  }
0x61: {  	_ =	shalt  }
0x62: {  	_ =	shalt  }
0x63: {  	_ =	shalt  }
0x64: {  	_ =	shalt  }
0x65: {  	_ =	shalt  }
0x66: {  	_ =	shalt  }
0x67: {  	_ =	shalt  }
0x68: {  	_ =	shalt  }
0x69: {  	_ =	shalt  }
0x6a: {  	_ =	shalt  }
0x6b: {  	_ =	shalt  }
0x6c: {  	_ =	shalt  }
0x6d: {  	_ =	shalt  }
0x6e: {  	_ =	shalt  }
0x6f: {  	_ =	shalt  }
0x70: {  	_ =	shalt  }
0x71: {  	_ =	shalt  }
0x72: {  	_ =	shalt  }
0x73: {  	_ =	shalt  }
0x74: {  	_ =	shalt  }
0x75: {  	_ =	shalt  }
0x76: {  	_ =	shalt  }
0x77: {  	_ =	shalt  }
0x78: {  	_ =	shalt  }
0x79: {  	_ =	shalt  }
0x7a: {  	_ =	shalt  }
0x7b: {  	_ =	shalt  }
0x7c: {  	_ =	shalt  }
0x7d: {  	_ =	shalt  }
0x7e: {  	_ =	shalt  }
0x7f: {  	_ =	shalt  }
0x80: {  	_ =	shalt  }
0x81: {  	_ =	shalt  }
0x82: {  	_ =	shalt  }
0x83: {  	_ =	shalt  }
0x84: {  	_ =	shalt  }
0x85: {  	_ =	shalt  }
0x86: {  	_ =	shalt  }
0x87: {  	_ =	shalt  }
.Lfunc_end0:
.L_simem_size_0:
called_computation.1_lowered:
.L_overlay_start_0:
0x88: {  	s2 =	sld [smem:$0x3FD9]  }
0x89: {  	s3 =	sld [smem:$0x3FFE];
	_ =	sdelay $0x1  }
0x8a: {  	s1 =	srdreg.scid  }
0x8b: {  	s0 =	sand.u32 $0x1, s1  }
0x8c: {  	s16 =	sshll.u32 s0, $0xA;
	s2 =	sadd.s32 s3, s2  }
0x8d: {  	s2 =	sadd.s32 s2, s16  }
0x8e: {  	[smem:$0x3FBD] =	sst s2  }
0x8f: {  	_ = 	snop  }
0x90: {  	(tm) =	ssettm $0x1  }
0x91: {  	s17 =	sld [smem:$0x3FFB];
	_ =	sdelay $0x3  }
0x92: {  	_ =	strace s17  }
0x93: {  	s2 =	sld [smem:$0x3FFC];
	_ =	sdelay $0x3  }
0x94: {  	_ =	strace s2  }
0x95: {  	s2 =	sld [smem:$0x3FFD];
	_ =	sdelay $0x3  }
0x96: {  	_ =	strace s2  }
0x97: {  	_ =	strace $0x8FFFFFFF  }
0x98: {  	s18 =	sld [smem:$0x3FDB];
	_ =	sdelay $0x1  }
0x99: {  	s19 =	simm.s32 $_scs_section_size  }
0x9a: {  	s4 =	simm.s32 $_size__tile_overlayer_lowered;
	s5 =	simm.s32 $_tile_overlayer_lowered  }
0x9b: {  	s22 =	simm.s32 $0x1BFF;
	s21 =	sshll.u32 s5, $0x1;
	s2 =	sadd.s32 s19, s18  }
0x9c: {  	s6 =	simm.s32 $0x0;
	s20 =	sshll.u32 s4, $0x1;
	s4 =	sadd.s32 s21, s2  }
0x9d: {  	[timem:s6], [sflag:s22] =	dma.local [hbm:s4], s20  }
0x9e: {  	_ =	swait.ge [sflag:s22], s20  }
0x9f: {  	s3 =	ssub.s32 $0x0, s20;
	[sflag:s22] =	ssyncset.done $0x0  }
0xa0: {  	[sflag:s22] =	ssyncadd.s32 s3;
	_ =	sdelay $0x1  }
0xa1: {  	s23 =	simm.s32 $0x1B8B  }
0xa2: {  	_ =	swait.ge [sflag:s23], $0x1  }
0xa3: {  	[sflag:s23] =	ssyncset.done $0x0  }
0xa4: {  	s25 =	simm.s32 $0x1B8E;
	s24 =	sld [smem:$0x3FFE];
	[sflag:s23] =	ssyncadd.s32 $0xFFFFFFFF  }
0xa5: {  	s26 =	simm.s32 $execute0_lowered;
	[smem:$0x3FD2] =	sst s25  }
0xa6: {  	s4 =	sshll.u32 s26, $0x1;
	_ =	strace $0x80000049;
	[dreg:$0x1] =	wrdreg $0xFFFFFFFF  }
0xa7: {  	s28 =	simm.s32 $_size_execute0_lowered;
	s2 =	sadd.s32 s2, s4;
	[dreg:$0x0] =	wrdreg $0x0  }
0xa8: {  	s4 =	sshll.u32 s28, $0x1;
	[dreg:$0x2] =	wrdreg s2  }
0xa9: {  	[dreg:$0x3] =	wrdreg s4  }
0xaa: {  	[dreg:$0x4] =	wrdreg $0xC0  }
0xab: {  	_ =	task [dreg:s6], $0x5FFFF  }
0xac: {  	[dreg:$0x1] =	wrdreg $0xFFFFFFFF  }
0xad: {  	[dreg:$0x0] =	wrdreg $0x60  }
0xae: {  	[dreg:$0x2] =	wrdreg s24  }
0xaf: {  	[dreg:$0x3] =	wrdreg $0x14A600  }
0xb0: {  	[dreg:$0x4] =	wrdreg $0x9  }
0xb1: {  	_ =	task.clear_ibuf [dreg:s6], $0x5FFFF;
	_ =	strace $0x90000049  }
0xb2: {  	s29 =	simm.s32 $0x9;
	_ =	strace $0x8000004B  }
0xb3: {  	_ =	swait.ge [sflag:s29], $0x1  }
0xb4: {  	[sflag:s29] =	ssyncadd.s32 $0xFFFFFFFF  }
0xb5: {  	_ =	strace $0x9000004B  }
0xb6: {  	_ =	sfence  }
0xb7: {  	s30 =	sld [smem:$0x0];
	_ =	sdelay $0x2  }
0xb8: {  	s31 =	sshll.u32 s1, $0xD;
	s1 =	sshrl.u32 s1, $0x2  }
0xb9: {  	s3 =	sand.u32 $0x4000, s31;
	s1 =	sadd.s32 s1, s30  }
0xba: {  	s0 =	sor.u32 s3, s0;
	s1 =	sshll.u32 s1, $0x11  }
0xbb: {  	s0 =	sor.u32 s1, s0  }
0xbc: {  	s0 =	sadd.s32 $0x8F2B, s0  }
0xbd: {  	[sflag:s0] =	ssyncadd.remote.s32 $0x1  }
0xbe: {  	_ =	sfence.sel $0xFFFF  }
0xbf: {  	[dreg:$0x0] =	wrdreg $0xFFFFFFFF;
	(pc) =	sbr.abs _section_cstart, $3  }
0xc0: {  	[dreg:$0x1] =	wrdreg $0xFFFFFFFF  }
0xc1: {  	_ =	task.clear_ibuf [dreg:s6], $0x2FFFF;
	_ =	strace $0x9FFFFFFF  }
0xc2: {  	(tm) =	ssettm $0x7FFFFFFF  }
0xc3: {  	_ =	shalt  }
tec
execute0_lowered:
.L_overlay_start_1:
0x0: {  	(tag) =	ssettag $0x1  }
0x1: {  	s0 =	rddreg [dreg:$0x0]  }
0x2: {  	s1 =	rddreg [dreg:$0x1]  }
0x3: {  	s3 =	simm.s32 $0x0;
	s16 =	stileid.u32;
	s6 =	srdreg.scid  }
0x4: {  	s17 =	simm.s32 $0x9D40;
	s19 =	simm.s32 $0x2;
	s21 =	simm.s32 $0xBE40  }
0x5: {  	s22 =	simm.s32 $0x20;
	s23 =	simm.s32 $0xDE60;
	s2 =	smul.u32 $0x9C4, s16  }
0x6: {  	s28 =	simm.s32 $0x0;
	[smem:$0x7FF] =	sst s3;
	s8 =	smul.u32 $0x19000, s16  }
0x7: {  	s4 =	sadd.s32 $0x3F000, s0;
	s9 =	sor.u32 $0x10, s16;
	s14 =	smul.u32 $0xC800, s16  }
0x8: {  	s5 =	sadd.s32 $0x66200, s0;
	s10 =	sand.u32 $0x1, s6;
	s11 =	smul.u32 $0x19000, s9  }
0x9: {  	p1 =	sgt.u32 s16, $0x8;
	s16 =	simm.s32 $0x80;
	s12 =	smul.u32 $0x138800, s10  }
0xa: {  	_ =	strace $0x8000004A;
	s6 =	ssub.s32 $0x2, s10;
	s15 =	smul.u32 $0xC800, s9  }
0xb: {  	p0 =	seq.s32 s10, $0x1;
	s2 =	sadd.s32 s2, s0;
	s7 =	sshrl.u32 s6, $0x1  }
0xc: {  	s0 =	sadd.s32 $0x8D400, s0;
	s24 =	sshrl.u32 s8, $0x2;
	s13 =	ssub.s32 s6, s7  }
0xd: {  	s6 =	sadd.s32 $0x4200, s2;
	s7 =	sadd.s32 $0xE000, s2;
	s8 =	sadd.s32 s24, s1  }
.Ltmp0:
0xe: {  	s25 =	sshrl.u32 s11, $0x2;
	s26 =	sadd.s32 s14, s12;
	(pc) =	sbr.rel .LBB2_1-.Ltmp0, $4  }
0xf: {  	s30 =	sadd.s32 s12, s15;
	s15 =	simm.s32 $0xE660;
	s24 =	simm.s32 $0x1  }
0x10: {  	s9 =	sadd.s32 s25, s1;
	s29 =	sshrl.u32 s26, $0x3;
	s31 =	sshrl.u32 s30, $0x3  }
0x11: {  	s12 =	smax.u32 s13, $0x1;
	s13 =	simm.s32 $0x3;
	s25 =	simm.s32 $0xDE40  }
0x12: {  	v0 =	vimm.f32 $0.0e+00;
	s26 =	simm.s32 $0x40;
	s10 =	sadd.s32 s0, s29;
	s11 =	sadd.s32 s0, s31  }
.LBB2_6:
0x13: {  	[sflag:s13] =	ssyncadd.s32 $0xFFFFE000;
	s0 =	smov.u32 s4  }
.LBB2_10:
0x14: {  	_ =	swait.ge [sflag:s19], $0x2000  }
0x15: {  	[sflag:s19] =	ssyncset.done $0x0  }
0x16: {  	s2 =	simm.s32 $0x9CC0;
	[sflag:s19] =	ssyncadd.s32 $0xFFFFE000  }
0x17: {  	[spmem:s1] =	stream.indirect.scatter.add.f32 [tilespmem:s21], [sflag:$0x3], $0x40, s2, s16, $0xb8;
	[tilespmem:$0x1E6A0] =	vst v63  }
0x18: {  	_ =	swait.ge [sflag:s13], $0x2000  }
0x19: {  	[sflag:s13] =	ssyncset.done $0x0  }
0x1a: {  	[sflag:s13] =	ssyncadd.s32 $0xFFFFE000  }
0x1b: {  	v1 =	vld [tilespmem:$0x9C20]  }
0x1c: {  	v2 =	vld [tilespmem:$0x4E00]  }
0x1d: {  	v3 =	vld [tilespmem:$0x9C30]  }
0x1e: {  	v4 =	vld [tilespmem:$0x4E10];
	_ =	sdelay $0x2  }
0x1f: {  	[tilespmem:$0xDE40] =	vst v1  }
0x20: {  	v1 =	vshll.u32 v2, $0x1;
	[tilespmem:$0xDE50] =	vst v3  }
0x21: {  	[tilespmem:$0x9D40] =	vst v1;
	v1 =	vshll.u32 v4, $0x1  }
0x22: {  	[tilespmem:$0x9D50] =	vst v1  }
0x23: {  	[tilespmem:s23], [sflag:$0x1] =	stream.indirect.gather [hbm4b:s0+s22], $0x40, s17, s22, $0xb8;
	[tilespmem:$0x1E6A0] =	vst v63  }
0x24: {  	_ =	swait.ge [sflag:s24], $0x800  }
0x25: {  	[sflag:s24] =	ssyncset.done $0x0  }
0x26: {  	[sflag:s24] =	ssyncadd.s32 $0xFFFFF800  }
0x27: {  	[spmem:s1] =	stream.indirect.scatter.add.f32 [tilespmem:s23], [sflag:$0x3], $0x40, s25, s22, $0xb8;
	[tilespmem:$0x1E6A0] =	vst v63  }
0x28: {  	_ =	swait.ge [sflag:s13], $0x800  }
0x29: {  	[sflag:s13] =	ssyncset.done $0x0  }
0x2a: {  	[sflag:s13] =	ssyncadd.s32 $0xFFFFF800  }
0x2b: {  	[bflag:$0x0] =	sbarrier.arrive $0xFFFF  }
0x2c: {  	[tilespmem:s15], [sflag:$0x3] =	stream.linear.gather [spmem:s8], $0x6400, $0x38;
	[tilespmem:$0x1E6A0] =	vst v63  }
0x2d: {  	_ =	swait.ge [sflag:s13], $0x6400  }
0x2e: {  	[sflag:s13] =	ssyncset.done $0x0  }
0x2f: {  	[sflag:s13] =	ssyncadd.s32 $0xFFFF9C00  }
0x30: {  	[hbm4b:s10+s26] =	stream.strided.scatter [tilespmem:s15], [sflag:$0x3], $0x6400, s16, s26, $0x38;
	[tilespmem:$0x1E6A0] =	vst v63  }
0x31: {  	_ =	swait.ge [sflag:s13], $0x6400  }
0x32: {  	[sflag:s13] =	ssyncset.done $0x0  }
0x33: {  	s2 =	simm.s32 @!p1 $0x3;
	s0 =	simm.s32 @!p1 $0xE660;
	[sflag:s13] =	ssyncadd.s32 $0xFFFF9C00  }
0x34: {  	[tilespmem:s0], [sflag:$0x3] =	stream.linear.gather @!p1 [spmem:s9], $0x6400, $0x38;
	[tilespmem:$0x1E6A0] =	vst v63  }
0x35: {  	s28 =	sadd.s32 $0x1, s28;
	_ =	swait.ge @!p1 [sflag:s2], $0x6400  }
0x36: {  	s14 =	simm.s32 @!p1 $0x40;
	p2 =	sne.s32 s28, s12;
	[sflag:s2] =	ssyncset.done @!p1 $0x0  }
.Ltmp1:
0x37: {  	s18 =	simm.s32 @!p1 $0x80;
	[sflag:s2] =	ssyncadd.s32 @!p1 $0xFFFF9C00;
	(pc) =	sbr.rel @!p2 .LBB2_11-.Ltmp1, $4  }
0x38: {  	[hbm4b:s11+s14] =	stream.strided.scatter @!p1 [tilespmem:s0], [sflag:$0x3], $0x6400, s18, s14, $0x38;
	[tilespmem:$0x1E6A0] =	vst v63  }
0x39: {  	_ =	swait.ge @!p1 [sflag:s2], $0x6400  }
0x3a: {  	[sflag:s2] =	ssyncset.done @!p1 $0x0  }
0x3b: {  	[sflag:s2] =	ssyncadd.s32 @!p1 $0xFFFF9C00  }
.LBB2_1:
0x3c: {  	[tilespmem:s3], [sflag:$0x3] =	stream.linear.gather [hbm4b:s6+s3], $0x4E20, $0x38;
	[tilespmem:$0x1E6A0] =	vst v63  }
0x3d: {  	_ =	swait.ge [sflag:s13], $0x4E20  }
0x3e: {  	[sflag:s13] =	ssyncset.done $0x0  }
0x3f: {  	s0 =	simm.s32 $0x4E20;
	[sflag:s13] =	ssyncadd.s32 $0xFFFFB1E0  }
0x40: {  	[tilespmem:s0], [sflag:$0x3] =	stream.linear.gather [hbm4b:s7+s3], $0x4E20, $0x38;
	[tilespmem:$0x1E6A0] =	vst v63  }
0x41: {  	_ =	swait.ge [sflag:s13], $0x4E20  }
0x42: {  	[sflag:s13] =	ssyncset.done $0x0  }
0x43: {  	s2 =	simm.s32 $0x100;
	s0 =	simm.s32 $0x0;
	[sflag:s13] =	ssyncadd.s32 $0xFFFFB1E0  }
.LBB2_2:
0x44: {  	p2 =	sne.s32 s2, $0x18F00;
	[tilespmem:s0+$0xE690] =	vst v0;
	s14 =	smov.u32 s2;
	s2 =	sadd.s32 $0x100, s2  }
.Ltmp2:
0x45: {  	[tilespmem:s0+$0xE680] =	vst v0;
	(pc) =	sbr.rel @p2 .LBB2_2-.Ltmp2, $3  }
0x46: {  	[tilespmem:s0+$0xE660] =	vst v0  }
0x47: {  	[tilespmem:s0+$0xE670] =	vst v0;
	_ =	sdelay $0x1  }
0x48: {  	s0 =	sshra.s32 s14, $0x2  }
0x49: {  	[tilespmem:s0+$0xE690] =	vst v0  }
0x4a: {  	[tilespmem:s0+$0xE680] =	vst v0  }
0x4b: {  	[tilespmem:s0+$0xE660] =	vst v0  }
0x4c: {  	[tilespmem:s0+$0xE670] =	vst v0  }
0x4d: {  	[spmem:s8] =	stream.linear.scatter [tilespmem:s15], [sflag:$0x3], $0x6400, $0x38;
	[tilespmem:$0x1E6A0] =	vst v63  }
0x4e: {  	_ =	swait.ge [sflag:s13], $0x6400  }
0x4f: {  	[sflag:s13] =	ssyncset.done $0x0  }
0x50: {  	s0 =	simm.s32 @!p1 $0xE660;
	[sflag:s13] =	ssyncadd.s32 $0xFFFF9C00  }
0x51: {  	[spmem:s9] =	stream.linear.scatter @!p1 [tilespmem:s0], [sflag:$0x3], $0x6400, $0x38;
	[tilespmem:$0x1E6A0] =	vst v63  }
0x52: {  	s0 =	simm.s32 @!p1 $0x3  }
0x53: {  	_ =	swait.ge @!p1 [sflag:s0], $0x6400  }
0x54: {  	[sflag:s0] =	ssyncset.done @!p1 $0x0  }
0x55: {  	[sflag:s0] =	ssyncadd.s32 @!p1 $0xFFFF9C00  }
0x56: {  	[bflag:$0x0] =	sbarrier.arrive $0xFFFF  }
0x57: {  	v1 =	vld [tilespmem:$0x4E20]  }
0x58: {  	v2 =	vld [tilespmem:$0x0]  }
0x59: {  	v3 =	vld [tilespmem:$0x4E30]  }
0x5a: {  	v4 =	vld [tilespmem:$0x10]  }
0x5b: {  	v5 =	vld [tilespmem:$0x4E40]  }
0x5c: {  	v59 =	vld [tilespmem:$0x4E60]  }
0x5d: {  	v61 =	vld [tilespmem:$0x4E70];
	[tilespmem:$0x9C40] =	vst v1  }
0x5e: {  	v1 =	vshll.u32 v2, $0x1;
	v2 =	vld [tilespmem:$0x4E50];
	[tilespmem:$0x9C50] =	vst v3  }
0x5f: {  	v3 =	vshll.u32 v4, $0x1;
	[tilespmem:$0x9D40] =	vst v1;
	v1 =	vld [tilespmem:$0x30]  }
0x60: {  	[tilespmem:$0x9D50] =	vst v3;
	v3 =	vld [tilespmem:$0x40]  }
0x61: {  	v6 =	vld [tilespmem:$0x20];
	[tilespmem:$0x9C60] =	vst v5  }
0x62: {  	v63 =	vld [tilespmem:$0x4E90];
	[tilespmem:$0x9C80] =	vst v59  }
0x63: {  	v62 =	vld [tilespmem:$0x50];
	[tilespmem:$0x9C90] =	vst v61  }
0x64: {  	[tilespmem:$0x9C70] =	vst v2;
	v2 =	vld [tilespmem:$0x4E80];
	v1 =	vshll.u32 v1, $0x1  }
0x65: {  	v3 =	vshll.u32 v3, $0x1;
	[tilespmem:$0x9D70] =	vst v1;
	v1 =	vld [tilespmem:$0x60]  }
0x66: {  	[tilespmem:$0x9D80] =	vst v3;
	v3 =	vld [tilespmem:$0x70]  }
0x67: {  	v60 =	vshll.u32 v6, $0x1;
	[tilespmem:$0x9CB0] =	vst v63  }
.Ltmp3:
0x68: {  	v5 =	vshll.u32 v62, $0x1;
	[tilespmem:$0x9D60] =	vst v60;
	(pc) =	sbr.rel @!p0 .LBB2_4-.Ltmp3, $4  }
0x69: {  	[tilespmem:$0x9D90] =	vst v5  }
0x6a: {  	[tilespmem:$0x9CA0] =	vst v2;
	v1 =	vshll.u32 v1, $0x1  }
0x6b: {  	[tilespmem:$0x9DA0] =	vst v1;
	v1 =	vshll.u32 v3, $0x1  }
0x6c: {  	s0 =	simm.s32 $0x9E40;
	[tilespmem:$0x9DB0] =	vst v1  }
0x6d: {  	[tilespmem:s0], [sflag:$0x1] =	stream.indirect.gather [hbm4b:s5+s16], $0x40, s17, s16, $0xb8;
	[tilespmem:$0x1E6A0] =	vst v63  }
0x6e: {  	s29 =	simm.s32 $0x4F10  }
0x6f: {  	v1 =	vld [tilespmem:s29+$0xFFFFFF90];
	_ =	sdelay $0x1  }
0x70: {  	s20 =	simm.s32 $0x1  }
0x71: {  	s0 =	sand.u32 $0x1, s20  }
0x72: {  	s2 =	sshll.u32 s0, $0x7  }
0x73: {  	s30 =	simm.s32 $0xF0;
	[tilespmem:s2+$0x9C40] =	vst v1  }
0x74: {  	v1 =	vld [tilespmem:s30+$0xFFFFFF90];
	_ =	sdelay $0x4  }
0x75: {  	v1 =	vshll.u32 v1, $0x1  }
0x76: {  	[tilespmem:s2+$0x9D40] =	vst v1  }
0x77: {  	v1 =	vld [tilespmem:s29+$0xFFFFFFA0];
	_ =	sdelay $0x4  }
0x78: {  	[tilespmem:s2+$0x9C50] =	vst v1  }
0x79: {  	v1 =	vld [tilespmem:s30+$0xFFFFFFA0];
	_ =	sdelay $0x4  }
0x7a: {  	v1 =	vshll.u32 v1, $0x1  }
0x7b: {  	[tilespmem:s2+$0x9D50] =	vst v1  }
0x7c: {  	v1 =	vld [tilespmem:s29+$0xFFFFFFB0];
	_ =	sdelay $0x4  }
0x7d: {  	[tilespmem:s2+$0x9C60] =	vst v1  }
0x7e: {  	v1 =	vld [tilespmem:s30+$0xFFFFFFB0];
	_ =	sdelay $0x4  }
0x7f: {  	v1 =	vshll.u32 v1, $0x1  }
0x80: {  	[tilespmem:s2+$0x9D60] =	vst v1  }
0x81: {  	v1 =	vld [tilespmem:s29+$0xFFFFFFC0];
	_ =	sdelay $0x4  }
0x82: {  	[tilespmem:s2+$0x9C70] =	vst v1  }
0x83: {  	v1 =	vld [tilespmem:s30+$0xFFFFFFC0];
	_ =	sdelay $0x4  }
0x84: {  	v1 =	vshll.u32 v1, $0x1  }
0x85: {  	[tilespmem:s2+$0x9D70] =	vst v1  }
0x86: {  	v1 =	vld [tilespmem:s29+$0xFFFFFFD0];
	_ =	sdelay $0x4  }
0x87: {  	[tilespmem:s2+$0x9C80] =	vst v1  }
0x88: {  	v1 =	vld [tilespmem:s30+$0xFFFFFFD0];
	_ =	sdelay $0x4  }
0x89: {  	v1 =	vshll.u32 v1, $0x1  }
0x8a: {  	[tilespmem:s2+$0x9D80] =	vst v1  }
0x8b: {  	v1 =	vld [tilespmem:s29+$0xFFFFFFE0];
	_ =	sdelay $0x4  }
0x8c: {  	[tilespmem:s2+$0x9C90] =	vst v1  }
0x8d: {  	v1 =	vld [tilespmem:s30+$0xFFFFFFE0];
	_ =	sdelay $0x4  }
0x8e: {  	v1 =	vshll.u32 v1, $0x1  }
0x8f: {  	[tilespmem:s2+$0x9D90] =	vst v1  }
0x90: {  	v1 =	vld [tilespmem:s29+$0xFFFFFFF0];
	_ =	sdelay $0x4  }
0x91: {  	[tilespmem:s2+$0x9CA0] =	vst v1  }
0x92: {  	v1 =	vld [tilespmem:s30+$0xFFFFFFF0];
	_ =	sdelay $0x4  }
0x93: {  	v1 =	vshll.u32 v1, $0x1  }
0x94: {  	[tilespmem:s2+$0x9DA0] =	vst v1  }
0x95: {  	v1 =	vld [tilespmem:s29+$0x0];
	_ =	sdelay $0x4  }
0x96: {  	[tilespmem:s2+$0x9CB0] =	vst v1  }
0x97: {  	v1 =	vld [tilespmem:s30+$0x0];
	_ =	sdelay $0x3  }
0x98: {  	s14 =	simm.s32 $0x2  }
0x99: {  	s14 =	sand.u32 $0x1, s14;
	s18 =	sshll.u32 s0, $0xD;
	s0 =	sadd.s32 $0x1, s0;
	v1 =	vshll.u32 v1, $0x1  }
0x9a: {  	s20 =	sor.u32 $0x9D40, s2;
	[tilespmem:s2+$0x9DB0] =	vst v1;
	s2 =	sor.u32 $0x9E40, s18;
	s18 =	sadd.s32 $0x1, s14  }
0x9b: {  	[tilespmem:s2], [sflag:s0] =	stream.indirect.gather [hbm4b:s5+s16], $0x40, s20, s16, $0xb8;
	[tilespmem:$0x1E6A0] =	vst v63  }
0x9c: {  	_ =	swait.ge [sflag:s18], $0x2000  }
0x9d: {  	s2 =	sshll.u32 s14, $0xD;
	s20 =	sshll.u32 s14, $0x7;
	[sflag:s18] =	ssyncset.done $0x0  }
0x9e: {  	s0 =	sor.u32 $0x9E40, s2;
	s2 =	sor.u32 $0x9C40, s20;
	[sflag:s18] =	ssyncadd.s32 $0xFFFFE000  }
0x9f: {  	[spmem:s1] =	stream.indirect.scatter.add.f32 [tilespmem:s0], [sflag:$0x3], $0x40, s2, s16, $0xb8;
	[tilespmem:$0x1E6A0] =	vst v63  }
0xa0: {  	_ =	swait.ge [sflag:s13], $0x2000  }
0xa1: {  	s31 =	simm.s32 $0x3;
	[sflag:s13] =	ssyncset.done $0x0  }
.LBB2_8:
0xa2: {  	[sflag:s13] =	ssyncadd.s32 $0xFFFFE000;
	s30 =	sadd.s32 $0x80, s30;
	s29 =	sadd.s32 $0x80, s29  }
0xa3: {  	p2 =	sne.s32 s31, $0x9C;
	s0 =	smov.u32 s31;
	s31 =	sadd.s32 $0x1, s31;
	v1 =	vld [tilespmem:s29+$0xFFFFFF90]  }
0xa4: {  	_ = 	snop  }
0xa5: {  	s2 =	sadd.s32 $0xFFFFFFFF, s0  }
0xa6: {  	s18 =	sand.u32 $0x1, s2  }
0xa7: {  	s2 =	sshll.u32 s18, $0x7;
	s14 =	sshll.u32 s18, $0xD  }
0xa8: {  	[tilespmem:s2+$0x9C40] =	vst v1  }
0xa9: {  	v1 =	vld [tilespmem:s30+$0xFFFFFF90];
	_ =	sdelay $0x4  }
0xaa: {  	v1 =	vshll.u32 v1, $0x1  }
0xab: {  	[tilespmem:s2+$0x9D40] =	vst v1  }
0xac: {  	v1 =	vld [tilespmem:s29+$0xFFFFFFA0];
	_ =	sdelay $0x4  }
0xad: {  	[tilespmem:s2+$0x9C50] =	vst v1  }
0xae: {  	v1 =	vld [tilespmem:s30+$0xFFFFFFA0];
	_ =	sdelay $0x4  }
0xaf: {  	v1 =	vshll.u32 v1, $0x1  }
0xb0: {  	[tilespmem:s2+$0x9D50] =	vst v1  }
0xb1: {  	v1 =	vld [tilespmem:s29+$0xFFFFFFB0];
	_ =	sdelay $0x4  }
0xb2: {  	[tilespmem:s2+$0x9C60] =	vst v1  }
0xb3: {  	v1 =	vld [tilespmem:s30+$0xFFFFFFB0];
	_ =	sdelay $0x4  }
0xb4: {  	v1 =	vshll.u32 v1, $0x1  }
0xb5: {  	[tilespmem:s2+$0x9D60] =	vst v1  }
0xb6: {  	v1 =	vld [tilespmem:s29+$0xFFFFFFC0];
	_ =	sdelay $0x4  }
0xb7: {  	[tilespmem:s2+$0x9C70] =	vst v1  }
0xb8: {  	v1 =	vld [tilespmem:s30+$0xFFFFFFC0];
	_ =	sdelay $0x4  }
0xb9: {  	v1 =	vshll.u32 v1, $0x1  }
0xba: {  	[tilespmem:s2+$0x9D70] =	vst v1  }
0xbb: {  	v1 =	vld [tilespmem:s29+$0xFFFFFFD0];
	_ =	sdelay $0x4  }
0xbc: {  	[tilespmem:s2+$0x9C80] =	vst v1  }
0xbd: {  	v1 =	vld [tilespmem:s30+$0xFFFFFFD0];
	_ =	sdelay $0x4  }
0xbe: {  	v1 =	vshll.u32 v1, $0x1  }
0xbf: {  	[tilespmem:s2+$0x9D80] =	vst v1  }
0xc0: {  	v1 =	vld [tilespmem:s29+$0xFFFFFFE0];
	_ =	sdelay $0x4  }
0xc1: {  	[tilespmem:s2+$0x9C90] =	vst v1  }
0xc2: {  	v1 =	vld [tilespmem:s30+$0xFFFFFFE0];
	_ =	sdelay $0x4  }
0xc3: {  	v1 =	vshll.u32 v1, $0x1  }
0xc4: {  	[tilespmem:s2+$0x9D90] =	vst v1  }
0xc5: {  	v1 =	vld [tilespmem:s29+$0xFFFFFFF0];
	_ =	sdelay $0x4  }
0xc6: {  	[tilespmem:s2+$0x9CA0] =	vst v1  }
0xc7: {  	v1 =	vld [tilespmem:s30+$0xFFFFFFF0];
	_ =	sdelay $0x4  }
0xc8: {  	v1 =	vshll.u32 v1, $0x1  }
0xc9: {  	[tilespmem:s2+$0x9DA0] =	vst v1  }
0xca: {  	v1 =	vld [tilespmem:s29+$0x0];
	_ =	sdelay $0x4  }
0xcb: {  	[tilespmem:s2+$0x9CB0] =	vst v1  }
0xcc: {  	v1 =	vld [tilespmem:s30+$0x0];
	_ =	sdelay $0x4  }
0xcd: {  	s0 =	sand.u32 $0x1, s0;
	s18 =	sadd.s32 $0x1, s18;
	v1 =	vshll.u32 v1, $0x1  }
0xce: {  	s20 =	sor.u32 $0x9D40, s2;
	[tilespmem:s2+$0x9DB0] =	vst v1;
	s2 =	sor.u32 $0x9E40, s14;
	s14 =	sadd.s32 $0x1, s0  }
0xcf: {  	[tilespmem:s2], [sflag:s18] =	stream.indirect.gather [hbm4b:s5+s16], $0x40, s20, s16, $0xb8;
	[tilespmem:$0x1E6A0] =	vst v63  }
0xd0: {  	s2 =	sshll.u32 s0, $0xD;
	s0 =	sshll.u32 s0, $0x7;
	_ =	swait.ge [sflag:s14], $0x2000  }
.Ltmp4:
0xd1: {  	[sflag:s14] =	ssyncset.done $0x0;
	(pc) =	sbr.rel @p2 .LBB2_8-.Ltmp4, $4  }
0xd2: {  	s2 =	sor.u32 $0x9E40, s2;
	s0 =	sor.u32 $0x9C40, s0;
	[sflag:s14] =	ssyncadd.s32 $0xFFFFE000  }
0xd3: {  	[spmem:s1] =	stream.indirect.scatter.add.f32 [tilespmem:s2], [sflag:$0x3], $0x40, s0, s16, $0xb8;
	[tilespmem:$0x1E6A0] =	vst v63  }
0xd4: {  	_ =	swait.ge [sflag:s13], $0x2000  }
0xd5: {  	[sflag:s13] =	ssyncset.done $0x0  }
.Ltmp5:
0xd6: {  	(pc) =	sbr.rel .LBB2_10-.Ltmp5, $2  }
0xd7: {  	_ =	sdelay $0x2  }
0xd8: {  	[sflag:s13] =	ssyncadd.s32 $0xFFFFE000;
	s0 =	smov.u32 s5  }
.LBB2_4:
0xd9: {  	[tilespmem:s0], [sflag:$0x1] =	stream.indirect.gather [hbm4b:s4+s16], $0x40, s17, s16, $0xb8;
	[tilespmem:$0x1E6A0] =	vst v63  }
0xda: {  	s29 =	simm.s32 $0x4F10  }
0xdb: {  	v1 =	vld [tilespmem:s29+$0xFFFFFF90];
	_ =	sdelay $0x1  }
0xdc: {  	s18 =	simm.s32 $0x1  }
0xdd: {  	s0 =	sand.u32 $0x1, s18  }
0xde: {  	s2 =	sshll.u32 s0, $0x7  }
0xdf: {  	s30 =	simm.s32 $0xF0;
	[tilespmem:s2+$0x9C40] =	vst v1  }
0xe0: {  	v1 =	vld [tilespmem:s30+$0xFFFFFF90];
	_ =	sdelay $0x4  }
0xe1: {  	v1 =	vshll.u32 v1, $0x1  }
0xe2: {  	[tilespmem:s2+$0x9D40] =	vst v1  }
0xe3: {  	v1 =	vld [tilespmem:s29+$0xFFFFFFA0];
	_ =	sdelay $0x4  }
0xe4: {  	[tilespmem:s2+$0x9C50] =	vst v1  }
0xe5: {  	v1 =	vld [tilespmem:s30+$0xFFFFFFA0];
	_ =	sdelay $0x4  }
0xe6: {  	v1 =	vshll.u32 v1, $0x1  }
0xe7: {  	[tilespmem:s2+$0x9D50] =	vst v1  }
0xe8: {  	v1 =	vld [tilespmem:s29+$0xFFFFFFB0];
	_ =	sdelay $0x4  }
0xe9: {  	[tilespmem:s2+$0x9C60] =	vst v1  }
0xea: {  	v1 =	vld [tilespmem:s30+$0xFFFFFFB0];
	_ =	sdelay $0x4  }
0xeb: {  	v1 =	vshll.u32 v1, $0x1  }
0xec: {  	[tilespmem:s2+$0x9D60] =	vst v1  }
0xed: {  	v1 =	vld [tilespmem:s29+$0xFFFFFFC0];
	_ =	sdelay $0x4  }
0xee: {  	[tilespmem:s2+$0x9C70] =	vst v1  }
0xef: {  	v1 =	vld [tilespmem:s30+$0xFFFFFFC0];
	_ =	sdelay $0x4  }
0xf0: {  	v1 =	vshll.u32 v1, $0x1  }
0xf1: {  	[tilespmem:s2+$0x9D70] =	vst v1  }
0xf2: {  	v1 =	vld [tilespmem:s29+$0xFFFFFFD0];
	_ =	sdelay $0x4  }
0xf3: {  	[tilespmem:s2+$0x9C80] =	vst v1  }
0xf4: {  	v1 =	vld [tilespmem:s30+$0xFFFFFFD0];
	_ =	sdelay $0x4  }
0xf5: {  	v1 =	vshll.u32 v1, $0x1  }
0xf6: {  	[tilespmem:s2+$0x9D80] =	vst v1  }
0xf7: {  	v1 =	vld [tilespmem:s29+$0xFFFFFFE0];
	_ =	sdelay $0x4  }
0xf8: {  	[tilespmem:s2+$0x9C90] =	vst v1  }
0xf9: {  	v1 =	vld [tilespmem:s30+$0xFFFFFFE0];
	_ =	sdelay $0x4  }
0xfa: {  	v1 =	vshll.u32 v1, $0x1  }
0xfb: {  	[tilespmem:s2+$0x9D90] =	vst v1  }
0xfc: {  	v1 =	vld [tilespmem:s29+$0xFFFFFFF0];
	_ =	sdelay $0x4  }
0xfd: {  	[tilespmem:s2+$0x9CA0] =	vst v1  }
0xfe: {  	v1 =	vld [tilespmem:s30+$0xFFFFFFF0];
	_ =	sdelay $0x4  }
0xff: {  	v1 =	vshll.u32 v1, $0x1  }
0x100: {  	[tilespmem:s2+$0x9DA0] =	vst v1  }
0x101: {  	v1 =	vld [tilespmem:s29+$0x0];
	_ =	sdelay $0x4  }
0x102: {  	[tilespmem:s2+$0x9CB0] =	vst v1  }
0x103: {  	v1 =	vld [tilespmem:s30+$0x0];
	_ =	sdelay $0x3  }
0x104: {  	s14 =	simm.s32 $0x2  }
0x105: {  	s14 =	sand.u32 $0x1, s14;
	s18 =	sshll.u32 s0, $0xD;
	s0 =	sadd.s32 $0x1, s0;
	v1 =	vshll.u32 v1, $0x1  }
0x106: {  	s31 =	sor.u32 $0x9D40, s2;
	s20 =	sor.u32 $0x9E40, s18;
	s18 =	sadd.s32 $0x1, s14;
	[tilespmem:s2+$0x9DB0] =	vst v1  }
0x107: {  	[tilespmem:s20], [sflag:s0] =	stream.indirect.gather [hbm4b:s4+s16], $0x40, s31, s16, $0xb8;
	[tilespmem:$0x1E6A0] =	vst v63  }
0x108: {  	_ =	swait.ge [sflag:s18], $0x2000  }
0x109: {  	s2 =	sshll.u32 s14, $0xD;
	s20 =	sshll.u32 s14, $0x7;
	[sflag:s18] =	ssyncset.done $0x0  }
0x10a: {  	s0 =	sor.u32 $0x9E40, s2;
	s2 =	sor.u32 $0x9C40, s20;
	[sflag:s18] =	ssyncadd.s32 $0xFFFFE000  }
0x10b: {  	[spmem:s1] =	stream.indirect.scatter.add.f32 [tilespmem:s0], [sflag:$0x3], $0x40, s2, s16, $0xb8;
	[tilespmem:$0x1E6A0] =	vst v63  }
0x10c: {  	_ =	swait.ge [sflag:s13], $0x2000  }
0x10d: {  	s31 =	simm.s32 $0x3;
	[sflag:s13] =	ssyncset.done $0x0  }
.LBB2_5:
0x10e: {  	[sflag:s13] =	ssyncadd.s32 $0xFFFFE000;
	s30 =	sadd.s32 $0x80, s30;
	s29 =	sadd.s32 $0x80, s29  }
0x10f: {  	p2 =	seq.s32 s31, $0x9C;
	s0 =	smov.u32 s31;
	s31 =	sadd.s32 $0x1, s31;
	v1 =	vld [tilespmem:s29+$0xFFFFFF90]  }
0x110: {  	_ = 	snop  }
0x111: {  	s2 =	sadd.s32 $0xFFFFFFFF, s0  }
0x112: {  	s18 =	sand.u32 $0x1, s2  }
0x113: {  	s2 =	sshll.u32 s18, $0x7;
	s14 =	sshll.u32 s18, $0xD  }
0x114: {  	[tilespmem:s2+$0x9C40] =	vst v1  }
0x115: {  	v1 =	vld [tilespmem:s30+$0xFFFFFF90];
	_ =	sdelay $0x4  }
0x116: {  	v1 =	vshll.u32 v1, $0x1  }
0x117: {  	[tilespmem:s2+$0x9D40] =	vst v1  }
0x118: {  	v1 =	vld [tilespmem:s29+$0xFFFFFFA0];
	_ =	sdelay $0x4  }
0x119: {  	[tilespmem:s2+$0x9C50] =	vst v1  }
0x11a: {  	v1 =	vld [tilespmem:s30+$0xFFFFFFA0];
	_ =	sdelay $0x4  }
0x11b: {  	v1 =	vshll.u32 v1, $0x1  }
0x11c: {  	[tilespmem:s2+$0x9D50] =	vst v1  }
0x11d: {  	v1 =	vld [tilespmem:s29+$0xFFFFFFB0];
	_ =	sdelay $0x4  }
0x11e: {  	[tilespmem:s2+$0x9C60] =	vst v1  }
0x11f: {  	v1 =	vld [tilespmem:s30+$0xFFFFFFB0];
	_ =	sdelay $0x4  }
0x120: {  	v1 =	vshll.u32 v1, $0x1  }
0x121: {  	[tilespmem:s2+$0x9D60] =	vst v1  }
0x122: {  	v1 =	vld [tilespmem:s29+$0xFFFFFFC0];
	_ =	sdelay $0x4  }
0x123: {  	[tilespmem:s2+$0x9C70] =	vst v1  }
0x124: {  	v1 =	vld [tilespmem:s30+$0xFFFFFFC0];
	_ =	sdelay $0x4  }
0x125: {  	v1 =	vshll.u32 v1, $0x1  }
0x126: {  	[tilespmem:s2+$0x9D70] =	vst v1  }
0x127: {  	v1 =	vld [tilespmem:s29+$0xFFFFFFD0];
	_ =	sdelay $0x4  }
0x128: {  	[tilespmem:s2+$0x9C80] =	vst v1  }
0x129: {  	v1 =	vld [tilespmem:s30+$0xFFFFFFD0];
	_ =	sdelay $0x4  }
0x12a: {  	v1 =	vshll.u32 v1, $0x1  }
0x12b: {  	[tilespmem:s2+$0x9D80] =	vst v1  }
0x12c: {  	v1 =	vld [tilespmem:s29+$0xFFFFFFE0];
	_ =	sdelay $0x4  }
0x12d: {  	[tilespmem:s2+$0x9C90] =	vst v1  }
0x12e: {  	v1 =	vld [tilespmem:s30+$0xFFFFFFE0];
	_ =	sdelay $0x4  }
0x12f: {  	v1 =	vshll.u32 v1, $0x1  }
0x130: {  	[tilespmem:s2+$0x9D90] =	vst v1  }
0x131: {  	v1 =	vld [tilespmem:s29+$0xFFFFFFF0];
	_ =	sdelay $0x4  }
0x132: {  	[tilespmem:s2+$0x9CA0] =	vst v1  }
0x133: {  	v1 =	vld [tilespmem:s30+$0xFFFFFFF0];
	_ =	sdelay $0x4  }
0x134: {  	v1 =	vshll.u32 v1, $0x1  }
0x135: {  	[tilespmem:s2+$0x9DA0] =	vst v1  }
0x136: {  	v1 =	vld [tilespmem:s29+$0x0];
	_ =	sdelay $0x4  }
0x137: {  	[tilespmem:s2+$0x9CB0] =	vst v1  }
0x138: {  	v1 =	vld [tilespmem:s30+$0x0];
	_ =	sdelay $0x4  }
0x139: {  	s0 =	sand.u32 $0x1, s0;
	s18 =	sadd.s32 $0x1, s18;
	v1 =	vshll.u32 v1, $0x1  }
0x13a: {  	s20 =	sor.u32 $0x9D40, s2;
	[tilespmem:s2+$0x9DB0] =	vst v1;
	s2 =	sor.u32 $0x9E40, s14;
	s14 =	sadd.s32 $0x1, s0  }
0x13b: {  	[tilespmem:s2], [sflag:s18] =	stream.indirect.gather [hbm4b:s4+s16], $0x40, s20, s16, $0xb8;
	[tilespmem:$0x1E6A0] =	vst v63  }
0x13c: {  	s2 =	sshll.u32 s0, $0xD;
	s0 =	sshll.u32 s0, $0x7;
	_ =	swait.ge [sflag:s14], $0x2000  }
.Ltmp6:
0x13d: {  	[sflag:s14] =	ssyncset.done $0x0;
	(pc) =	sbr.rel @!p2 .LBB2_5-.Ltmp6, $4  }
0x13e: {  	s2 =	sor.u32 $0x9E40, s2;
	s0 =	sor.u32 $0x9C40, s0;
	[sflag:s14] =	ssyncadd.s32 $0xFFFFE000  }
0x13f: {  	[spmem:s1] =	stream.indirect.scatter.add.f32 [tilespmem:s2], [sflag:$0x3], $0x40, s0, s16, $0xb8;
	[tilespmem:$0x1E6A0] =	vst v63  }
0x140: {  	_ =	swait.ge [sflag:s13], $0x2000  }
0x141: {  	[sflag:s13] =	ssyncset.done $0x0  }
.Ltmp7:
0x142: {  	_ = 	snop;
	(pc) =	sbr.rel .LBB2_6-.Ltmp7, $1  }
0x143: {  	_ =	sdelay $0x3  }
.LBB2_11:
0x144: {  	_ =	sfence.sel $0x180000  }
0x145: {  	[bflag:$0x0] =	sbarrier.arrive $0xFFFF  }
0x146: {  	_ =	strace $0x9000004A  }
0x147: {  	s0 =	stileid.u32;
	[bflag:$0x2] =	sbarrier.arrive $0xFFFF  }
0x148: {  	p0 =	sne.s32 s0, $0x0;
	s0 =	rddreg [dreg:$0x2]  }
0x149: {  	s0 =	sadd.s32 @!p0 $0x100000, s0  }
0x14a: {  	[sflag:s0] =	ssyncadd.tile.s32 @!p0 $0x1;
	_ =	shalt  }
.Lfunc_end2:
_tile_overlayer_lowered:
.L_overlay_start_2:
0x14b: {  	(tag) =	ssettag $0x2  }
0x14c: {  	s0 =	rddreg [dreg:$0x0];
	s2 =	stileid.u32  }
0x14d: {  	s1 =	rddreg [dreg:$0x1];
	p0 =	sne.s32 s2, $0x0  }
0x14e: {  	s3 =	rddreg [dreg:$0x2];
	[bflag:$0x3] =	sbarrier.arrive $0xFFFF;
	s2 =	simm.s32 @!p0 $0x1C03  }
0x14f: {  	[timem:s3], [sflag:s2] =	dma.local @!p0 [hbm:s0], s1  }
0x150: {  	s0 =	simm.s32 @!p0 $0x3  }
0x151: {  	_ =	swait.ge @!p0 [sflag:s0], s1  }
0x152: {  	s1 =	ssub.s32 @!p0 $0x0, s1;
	[sflag:s0] =	ssyncset.done @!p0 $0x0  }
0x153: {  	[sflag:s0] =	ssyncadd.s32 @!p0 s1  }
0x154: {  	[bflag:$0x3] =	sbarrier.arrive $0xFFFF  }
0x155: {  	_ =	shalt  }

// kernel: kernel.16.cloned.1.call-start
scs
__scs_entry_jumppad:
0x0: {  	(pc) =	sbr.rel $0x88, $3  }
0x1: {  	(tag) =	ssettag $0x0;
	lr =	simm.s32 $0x1  }
0x2: {  	[smem:$0x3F96] =	sst lr;
	_ =	strace $0xD0000000  }
0x3: {  	_ = 	snop  }
0x4: {  	_ = 	snop  }
0x5: {  	_ = 	snop  }
0x6: {  	_ = 	snop  }
0x7: {  	_ = 	snop  }
__scs_overlays_trampoline_lowered:
0x8: {  	[smem:$0x3FA5] =	sst s0  }
0x9: {  	[smem:$0x3FA6] =	sst s1  }
0xa: {  	[smem:$0x3FA7] =	sst s2  }
0xb: {  	[smem:$0x3FA8] =	sst s3  }
0xc: {  	[smem:$0x3FA9] =	sst s4  }
0xd: {  	[smem:$0x3FAA] =	sst s5  }
0xe: {  	[smem:$0x3FAB] =	sst s6  }
0xf: {  	[smem:$0x3FAC] =	sst s7  }
0x10: {  	[smem:$0x3FAD] =	sst s8  }
0x11: {  	[smem:$0x3FAE] =	sst s9;
	s0 =	simm.s32 @!p0 $0x0  }
0x12: {  	s1 =	sld [smem:$0x3F94];
	s0 =	simm.s32 @p0 $0x1  }
0x13: {  	[smem:$0x3FAF] =	sst s0;
	s0 =	simm.s32 @!p1 $0x0  }
0x14: {  	s2 =	sld [smem:$0x3F93];
	s0 =	simm.s32 @p1 $0x1  }
0x15: {  	[smem:$0x3FB0] =	sst s0;
	s0 =	simm.s32 @!p2 $0x0  }
0x16: {  	s3 =	sld [smem:$0x3FDB];
	s0 =	simm.s32 @p2 $0x1  }
0x17: {  	s4 =	simm.s32 $0x1BF5;
	[smem:$0x3FB2] =	sst s0  }
0x18: {  	s0 =	sld [smem:$0x3F95];
	_ =	swait.ge [sflag:s4], $0x0  }
0x19: {  	s7 =	sld [smem:$0x3F96]  }
0x1a: {  	s8 =	sadd.s32 $0xFFFFE003, lr  }
0x1b: {  	s9 =	sadd.s32 $0xFFFFFEF7, lr;
	s5 =	simm.s32 $0xFFFFFFFF;
	p2 =	slt.u32 s8, $0xFFFFF086  }
0x1c: {  	p1 =	slt.u32 s9, $0xF7A;
	s5 =	simm.s32 @!p2 $0x0  }
0x1d: {  	s5 =	simm.s32 @p1 $0x1;
	p0 =	seq.s32 s7, s2  }
0x1e: {  	s7 =	smul.u32 @!p0 $0xF7A, s2;
	p2 =	seq.s32 @!p0 s5, $0x0  }
0x1f: {  	s9 =	smul.u32 $0xF7A, s1;
	s8 =	simm.s32 @!p0 $0x1BF5;
	p2 =	por !p2, p0  }
0x20: {  	[sflag:s8] =	ssyncset.s32 @!p0 $0xFFFFF086;
	s6 =	sadd.s32 @!p0 s3, s7;
	s7 =	simm.s32 @!p0 $0x108  }
0x21: {  	s3 =	sadd.s32 s3, s9;
	s6 =	sadd.s32 @!p0 $0x88, s6;
	s7 =	simm.s32 @p2 $0x1082  }
0x22: {  	[simem:s7], [sflag:s8] =	dma.local @!p0 [hbm:s6], $0xF7A  }
0x23: {  	s9 =	sor.u32 $0xD0000000, s2;
	s6 =	simm.s32 $0x108;
	_ =	swait.ge @!p0 [sflag:s8], $0x0  }
0x24: {  	s3 =	sadd.s32 $0x88, s3;
	s6 =	simm.s32 @!p1 $0x1082;
	[sflag:s4] =	ssyncset.s32 $0xFFFFF086  }
0x25: {  	[simem:s6], [sflag:s4] =	dma.local [hbm:s3], $0xF7A  }
0x26: {  	[smem:$0x3F96] =	sst s1;
	(tag) =	ssettag s2;
	_ =	strace s9  }
0x27: {  	s1 =	sld [smem:$0x3FA6]  }
0x28: {  	s2 =	sld [smem:$0x3FA7]  }
0x29: {  	s4 =	sld [smem:$0x3FA9]  }
0x2a: {  	p0 =	seq.s32 s5, $0x0;
	s5 =	sld [smem:$0x3FAA]  }
0x2b: {  	s6 =	sld [smem:$0x3FAB]  }
0x2c: {  	s7 =	sld [smem:$0x3FAC]  }
0x2d: {  	s3 =	simm.s32 $0x108;
	s8 =	sld [smem:$0x3FAD]  }
0x2e: {  	s3 =	simm.s32 @!p0 $0x1082;
	s9 =	sld [smem:$0x3FAE]  }
0x2f: {  	lr =	sadd.s32 s0, s3;
	s0 =	sld [smem:$0x3FA5]  }
0x30: {  	s3 =	sld [smem:$0x3FA8]  }
0x31: {  	[smem:$0x3FB1] =	sst s10  }
0x32: {  	s10 =	sld [smem:$0x3FAF];
	_ =	sdelay $0x3  }
0x33: {  	p0 =	seq.s32 s10, $0x1;
	s10 =	sld [smem:$0x3FB1];
	_ =	sdelay $0x3  }
0x34: {  	[smem:$0x3FB1] =	sst s10  }
0x35: {  	s10 =	sld [smem:$0x3FB0];
	_ =	sdelay $0x3  }
0x36: {  	p1 =	seq.s32 s10, $0x1;
	s10 =	sld [smem:$0x3FB1];
	_ =	sdelay $0x3  }
0x37: {  	[smem:$0x3FB1] =	sst s10  }
0x38: {  	s10 =	sld [smem:$0x3FB2]  }
0x39: {  	_ = 	snop;
	(pc) =	sbr.ind lr, $3  }
0x3a: {  	_ = 	snop  }
0x3b: {  	_ = 	snop  }
0x3c: {  	p2 =	seq.s32 s10, $0x1;
	s10 =	sld [smem:$0x3FB1]  }
0x3d: {  	_ =	shalt  }
0x3e: {  	_ =	shalt  }
0x3f: {  	_ =	shalt  }
0x40: {  	_ =	shalt  }
0x41: {  	_ =	shalt  }
0x42: {  	_ =	shalt  }
0x43: {  	_ =	shalt  }
0x44: {  	_ =	shalt  }
0x45: {  	_ =	shalt  }
0x46: {  	_ =	shalt  }
0x47: {  	_ =	shalt  }
0x48: {  	_ =	shalt  }
0x49: {  	_ =	shalt  }
0x4a: {  	_ =	shalt  }
0x4b: {  	_ =	shalt  }
0x4c: {  	_ =	shalt  }
0x4d: {  	_ =	shalt  }
0x4e: {  	_ =	shalt  }
0x4f: {  	_ =	shalt  }
0x50: {  	_ =	shalt  }
0x51: {  	_ =	shalt  }
0x52: {  	_ =	shalt  }
0x53: {  	_ =	shalt  }
0x54: {  	_ =	shalt  }
0x55: {  	_ =	shalt  }
0x56: {  	_ =	shalt  }
0x57: {  	_ =	shalt  }
0x58: {  	_ =	shalt  }
0x59: {  	_ =	shalt  }
0x5a: {  	_ =	shalt  }
0x5b: {  	_ =	shalt  }
0x5c: {  	_ =	shalt  }
0x5d: {  	_ =	shalt  }
0x5e: {  	_ =	shalt  }
0x5f: {  	_ =	shalt  }
0x60: {  	_ =	shalt  }
0x61: {  	_ =	shalt  }
0x62: {  	_ =	shalt  }
0x63: {  	_ =	shalt  }
0x64: {  	_ =	shalt  }
0x65: {  	_ =	shalt  }
0x66: {  	_ =	shalt  }
0x67: {  	_ =	shalt  }
0x68: {  	_ =	shalt  }
0x69: {  	_ =	shalt  }
0x6a: {  	_ =	shalt  }
0x6b: {  	_ =	shalt  }
0x6c: {  	_ =	shalt  }
0x6d: {  	_ =	shalt  }
0x6e: {  	_ =	shalt  }
0x6f: {  	_ =	shalt  }
0x70: {  	_ =	shalt  }
0x71: {  	_ =	shalt  }
0x72: {  	_ =	shalt  }
0x73: {  	_ =	shalt  }
0x74: {  	_ =	shalt  }
0x75: {  	_ =	shalt  }
0x76: {  	_ =	shalt  }
0x77: {  	_ =	shalt  }
0x78: {  	_ =	shalt  }
0x79: {  	_ =	shalt  }
0x7a: {  	_ =	shalt  }
0x7b: {  	_ =	shalt  }
0x7c: {  	_ =	shalt  }
0x7d: {  	_ =	shalt  }
0x7e: {  	_ =	shalt  }
0x7f: {  	_ =	shalt  }
0x80: {  	_ =	shalt  }
0x81: {  	_ =	shalt  }
0x82: {  	_ =	shalt  }
0x83: {  	_ =	shalt  }
0x84: {  	_ =	shalt  }
0x85: {  	_ =	shalt  }
0x86: {  	_ =	shalt  }
0x87: {  	_ =	shalt  }
.Lfunc_end0:
.L_simem_size_0:
called_computation.2_lowered:
.L_overlay_start_0:
0x88: {  	s2 =	sld [smem:$0x3FD9]  }
0x89: {  	s3 =	sld [smem:$0x3FFE];
	_ =	sdelay $0x1  }
0x8a: {  	s1 =	srdreg.scid  }
0x8b: {  	s0 =	sand.u32 $0x1, s1  }
0x8c: {  	s16 =	sshll.u32 s0, $0xA;
	s2 =	sadd.s32 s3, s2  }
0x8d: {  	s2 =	sadd.s32 s2, s16  }
0x8e: {  	[smem:$0x3FBD] =	sst s2  }
0x8f: {  	_ = 	snop  }
0x90: {  	(tm) =	ssettm $0x1  }
0x91: {  	s17 =	sld [smem:$0x3FFB];
	_ =	sdelay $0x3  }
0x92: {  	_ =	strace s17  }
0x93: {  	s2 =	sld [smem:$0x3FFC];
	_ =	sdelay $0x3  }
0x94: {  	_ =	strace s2  }
0x95: {  	s2 =	sld [smem:$0x3FFD];
	_ =	sdelay $0x3  }
0x96: {  	_ =	strace s2  }
0x97: {  	_ =	strace $0x8FFFFFFF  }
0x98: {  	s18 =	sld [smem:$0x3FDB];
	_ =	sdelay $0x1  }
0x99: {  	s19 =	simm.s32 $_scs_section_size  }
0x9a: {  	s4 =	simm.s32 $_size__tile_overlayer_lowered;
	s5 =	simm.s32 $_tile_overlayer_lowered  }
0x9b: {  	s22 =	simm.s32 $0x1BFF;
	s21 =	sshll.u32 s5, $0x1;
	s2 =	sadd.s32 s19, s18  }
0x9c: {  	s6 =	simm.s32 $0x0;
	s20 =	sshll.u32 s4, $0x1;
	s4 =	sadd.s32 s21, s2  }
0x9d: {  	[timem:s6], [sflag:s22] =	dma.local [hbm:s4], s20  }
0x9e: {  	_ =	swait.ge [sflag:s22], s20  }
0x9f: {  	s3 =	ssub.s32 $0x0, s20;
	[sflag:s22] =	ssyncset.done $0x0  }
0xa0: {  	[sflag:s22] =	ssyncadd.s32 s3;
	_ =	sdelay $0x1  }
0xa1: {  	s23 =	simm.s32 $0x1B8B  }
0xa2: {  	_ =	swait.ge [sflag:s23], $0x1  }
0xa3: {  	[sflag:s23] =	ssyncset.done $0x0  }
0xa4: {  	s25 =	simm.s32 $0x1B8E;
	s24 =	sld [smem:$0x3FFE];
	[sflag:s23] =	ssyncadd.s32 $0xFFFFFFFF  }
0xa5: {  	s26 =	simm.s32 $execute0_lowered;
	[smem:$0x3FD2] =	sst s25  }
0xa6: {  	s4 =	sshll.u32 s26, $0x1;
	_ =	strace $0x8000004C;
	[dreg:$0x1] =	wrdreg $0xFFFFFFFF  }
0xa7: {  	s28 =	simm.s32 $_size_execute0_lowered;
	s2 =	sadd.s32 s2, s4;
	[dreg:$0x0] =	wrdreg $0x0  }
0xa8: {  	s4 =	sshll.u32 s28, $0x1;
	[dreg:$0x2] =	wrdreg s2  }
0xa9: {  	[dreg:$0x3] =	wrdreg s4  }
0xaa: {  	[dreg:$0x4] =	wrdreg $0xC0  }
0xab: {  	_ =	task [dreg:s6], $0x5FFFF  }
0xac: {  	[dreg:$0x1] =	wrdreg $0xFFFFFFFF  }
0xad: {  	[dreg:$0x0] =	wrdreg $0x60  }
0xae: {  	[dreg:$0x2] =	wrdreg s24  }
0xaf: {  	[dreg:$0x3] =	wrdreg $0x14A600  }
0xb0: {  	[dreg:$0x4] =	wrdreg $0x9  }
0xb1: {  	_ =	task.clear_ibuf [dreg:s6], $0x5FFFF;
	_ =	strace $0x9000004C  }
0xb2: {  	s29 =	simm.s32 $0x9;
	_ =	strace $0x8000004E  }
0xb3: {  	_ =	swait.ge [sflag:s29], $0x1  }
0xb4: {  	[sflag:s29] =	ssyncadd.s32 $0xFFFFFFFF  }
0xb5: {  	_ =	strace $0x9000004E  }
0xb6: {  	_ =	sfence  }
0xb7: {  	s30 =	sld [smem:$0x0];
	_ =	sdelay $0x2  }
0xb8: {  	s31 =	sshll.u32 s1, $0xD;
	s1 =	sshrl.u32 s1, $0x2  }
0xb9: {  	s3 =	sand.u32 $0x4000, s31;
	s1 =	sadd.s32 s1, s30  }
0xba: {  	s0 =	sor.u32 s3, s0;
	s1 =	sshll.u32 s1, $0x11  }
0xbb: {  	s0 =	sor.u32 s1, s0  }
0xbc: {  	s0 =	sadd.s32 $0x8F2B, s0  }
0xbd: {  	[sflag:s0] =	ssyncadd.remote.s32 $0x1  }
0xbe: {  	_ =	sfence.sel $0xFFFF  }
0xbf: {  	[dreg:$0x0] =	wrdreg $0xFFFFFFFF;
	(pc) =	sbr.abs _section_cstart, $3  }
0xc0: {  	[dreg:$0x1] =	wrdreg $0xFFFFFFFF  }
0xc1: {  	_ =	task.clear_ibuf [dreg:s6], $0x2FFFF;
	_ =	strace $0x9FFFFFFF  }
0xc2: {  	(tm) =	ssettm $0x7FFFFFFF  }
0xc3: {  	_ =	shalt  }
tec
execute0_lowered:
.L_overlay_start_1:
0x0: {  	(tag) =	ssettag $0x1  }
0x1: {  	s0 =	rddreg [dreg:$0x0]  }
0x2: {  	s1 =	rddreg [dreg:$0x1]  }
0x3: {  	s3 =	simm.s32 $0x0;
	s16 =	stileid.u32;
	s6 =	srdreg.scid  }
0x4: {  	s17 =	simm.s32 $0x9D40;
	s19 =	simm.s32 $0x2;
	s21 =	simm.s32 $0xBE40  }
0x5: {  	s22 =	simm.s32 $0x20;
	s23 =	simm.s32 $0xDE60;
	s2 =	smul.u32 $0x9C4, s16  }
0x6: {  	s28 =	simm.s32 $0x0;
	[smem:$0x7FF] =	sst s3;
	s8 =	smul.u32 $0x19000, s16  }
0x7: {  	s4 =	sadd.s32 $0x3F000, s0;
	s9 =	sor.u32 $0x10, s16;
	s14 =	smul.u32 $0xC800, s16  }
0x8: {  	s5 =	sadd.s32 $0x66200, s0;
	s10 =	sand.u32 $0x1, s6;
	s11 =	smul.u32 $0x19000, s9  }
0x9: {  	p1 =	sgt.u32 s16, $0x8;
	s16 =	simm.s32 $0x80;
	s12 =	smul.u32 $0x138800, s10  }
0xa: {  	_ =	strace $0x8000004D;
	s6 =	ssub.s32 $0x2, s10;
	s15 =	smul.u32 $0xC800, s9  }
0xb: {  	p0 =	seq.s32 s10, $0x1;
	s2 =	sadd.s32 s2, s0;
	s7 =	sshrl.u32 s6, $0x1  }
0xc: {  	s0 =	sadd.s32 $0x8D400, s0;
	s24 =	sshrl.u32 s8, $0x2;
	s13 =	ssub.s32 s6, s7  }
0xd: {  	s6 =	sadd.s32 $0x4200, s2;
	s7 =	sadd.s32 $0xE000, s2;
	s8 =	sadd.s32 s24, s1  }
.Ltmp0:
0xe: {  	s25 =	sshrl.u32 s11, $0x2;
	s26 =	sadd.s32 s14, s12;
	(pc) =	sbr.rel .LBB2_1-.Ltmp0, $4  }
0xf: {  	s30 =	sadd.s32 s12, s15;
	s15 =	simm.s32 $0xE660;
	s24 =	simm.s32 $0x1  }
0x10: {  	s9 =	sadd.s32 s25, s1;
	s29 =	sshrl.u32 s26, $0x3;
	s31 =	sshrl.u32 s30, $0x3  }
0x11: {  	s12 =	smax.u32 s13, $0x1;
	s13 =	simm.s32 $0x3;
	s25 =	simm.s32 $0xDE40  }
0x12: {  	v0 =	vimm.f32 $0.0e+00;
	s26 =	simm.s32 $0x40;
	s10 =	sadd.s32 s0, s29;
	s11 =	sadd.s32 s0, s31  }
.LBB2_6:
0x13: {  	[sflag:s13] =	ssyncadd.s32 $0xFFFFE000;
	s0 =	smov.u32 s4  }
.LBB2_10:
0x14: {  	_ =	swait.ge [sflag:s19], $0x2000  }
0x15: {  	[sflag:s19] =	ssyncset.done $0x0  }
0x16: {  	s2 =	simm.s32 $0x9CC0;
	[sflag:s19] =	ssyncadd.s32 $0xFFFFE000  }
0x17: {  	[spmem:s1] =	stream.indirect.scatter.add.f32 [tilespmem:s21], [sflag:$0x3], $0x40, s2, s16, $0xb8;
	[tilespmem:$0x1E6A0] =	vst v63  }
0x18: {  	_ =	swait.ge [sflag:s13], $0x2000  }
0x19: {  	[sflag:s13] =	ssyncset.done $0x0  }
0x1a: {  	[sflag:s13] =	ssyncadd.s32 $0xFFFFE000  }
0x1b: {  	v1 =	vld [tilespmem:$0x9C20]  }
0x1c: {  	v2 =	vld [tilespmem:$0x4E00]  }
0x1d: {  	v3 =	vld [tilespmem:$0x9C30]  }
0x1e: {  	v4 =	vld [tilespmem:$0x4E10];
	_ =	sdelay $0x2  }
0x1f: {  	[tilespmem:$0xDE40] =	vst v1  }
0x20: {  	v1 =	vshll.u32 v2, $0x1;
	[tilespmem:$0xDE50] =	vst v3  }
0x21: {  	[tilespmem:$0x9D40] =	vst v1;
	v1 =	vshll.u32 v4, $0x1  }
0x22: {  	[tilespmem:$0x9D50] =	vst v1  }
0x23: {  	[tilespmem:s23], [sflag:$0x1] =	stream.indirect.gather [hbm4b:s0+s22], $0x40, s17, s22, $0xb8;
	[tilespmem:$0x1E6A0] =	vst v63  }
0x24: {  	_ =	swait.ge [sflag:s24], $0x800  }
0x25: {  	[sflag:s24] =	ssyncset.done $0x0  }
0x26: {  	[sflag:s24] =	ssyncadd.s32 $0xFFFFF800  }
0x27: {  	[spmem:s1] =	stream.indirect.scatter.add.f32 [tilespmem:s23], [sflag:$0x3], $0x40, s25, s22, $0xb8;
	[tilespmem:$0x1E6A0] =	vst v63  }
0x28: {  	_ =	swait.ge [sflag:s13], $0x800  }
0x29: {  	[sflag:s13] =	ssyncset.done $0x0  }
0x2a: {  	[sflag:s13] =	ssyncadd.s32 $0xFFFFF800  }
0x2b: {  	[bflag:$0x0] =	sbarrier.arrive $0xFFFF  }
0x2c: {  	[tilespmem:s15], [sflag:$0x3] =	stream.linear.gather [spmem:s8], $0x6400, $0x38;
	[tilespmem:$0x1E6A0] =	vst v63  }
0x2d: {  	_ =	swait.ge [sflag:s13], $0x6400  }
0x2e: {  	[sflag:s13] =	ssyncset.done $0x0  }
0x2f: {  	[sflag:s13] =	ssyncadd.s32 $0xFFFF9C00  }
0x30: {  	[hbm4b:s10+s26] =	stream.strided.scatter [tilespmem:s15], [sflag:$0x3], $0x6400, s16, s26, $0x38;
	[tilespmem:$0x1E6A0] =	vst v63  }
0x31: {  	_ =	swait.ge [sflag:s13], $0x6400  }
0x32: {  	[sflag:s13] =	ssyncset.done $0x0  }
0x33: {  	s2 =	simm.s32 @!p1 $0x3;
	s0 =	simm.s32 @!p1 $0xE660;
	[sflag:s13] =	ssyncadd.s32 $0xFFFF9C00  }
0x34: {  	[tilespmem:s0], [sflag:$0x3] =	stream.linear.gather @!p1 [spmem:s9], $0x6400, $0x38;
	[tilespmem:$0x1E6A0] =	vst v63  }
0x35: {  	s28 =	sadd.s32 $0x1, s28;
	_ =	swait.ge @!p1 [sflag:s2], $0x6400  }
0x36: {  	s14 =	simm.s32 @!p1 $0x40;
	p2 =	sne.s32 s28, s12;
	[sflag:s2] =	ssyncset.done @!p1 $0x0  }
.Ltmp1:
0x37: {  	s18 =	simm.s32 @!p1 $0x80;
	[sflag:s2] =	ssyncadd.s32 @!p1 $0xFFFF9C00;
	(pc) =	sbr.rel @!p2 .LBB2_11-.Ltmp1, $4  }
0x38: {  	[hbm4b:s11+s14] =	stream.strided.scatter @!p1 [tilespmem:s0], [sflag:$0x3], $0x6400, s18, s14, $0x38;
	[tilespmem:$0x1E6A0] =	vst v63  }
0x39: {  	_ =	swait.ge @!p1 [sflag:s2], $0x6400  }
0x3a: {  	[sflag:s2] =	ssyncset.done @!p1 $0x0  }
0x3b: {  	[sflag:s2] =	ssyncadd.s32 @!p1 $0xFFFF9C00  }
.LBB2_1:
0x3c: {  	[tilespmem:s3], [sflag:$0x3] =	stream.linear.gather [hbm4b:s6+s3], $0x4E20, $0x38;
	[tilespmem:$0x1E6A0] =	vst v63  }
0x3d: {  	_ =	swait.ge [sflag:s13], $0x4E20  }
0x3e: {  	[sflag:s13] =	ssyncset.done $0x0  }
0x3f: {  	s0 =	simm.s32 $0x4E20;
	[sflag:s13] =	ssyncadd.s32 $0xFFFFB1E0  }
0x40: {  	[tilespmem:s0], [sflag:$0x3] =	stream.linear.gather [hbm4b:s7+s3], $0x4E20, $0x38;
	[tilespmem:$0x1E6A0] =	vst v63  }
0x41: {  	_ =	swait.ge [sflag:s13], $0x4E20  }
0x42: {  	[sflag:s13] =	ssyncset.done $0x0  }
0x43: {  	s2 =	simm.s32 $0x100;
	s0 =	simm.s32 $0x0;
	[sflag:s13] =	ssyncadd.s32 $0xFFFFB1E0  }
.LBB2_2:
0x44: {  	p2 =	sne.s32 s2, $0x18F00;
	[tilespmem:s0+$0xE690] =	vst v0;
	s14 =	smov.u32 s2;
	s2 =	sadd.s32 $0x100, s2  }
.Ltmp2:
0x45: {  	[tilespmem:s0+$0xE680] =	vst v0;
	(pc) =	sbr.rel @p2 .LBB2_2-.Ltmp2, $3  }
0x46: {  	[tilespmem:s0+$0xE660] =	vst v0  }
0x47: {  	[tilespmem:s0+$0xE670] =	vst v0;
	_ =	sdelay $0x1  }
0x48: {  	s0 =	sshra.s32 s14, $0x2  }
0x49: {  	[tilespmem:s0+$0xE690] =	vst v0  }
0x4a: {  	[tilespmem:s0+$0xE680] =	vst v0  }
0x4b: {  	[tilespmem:s0+$0xE660] =	vst v0  }
0x4c: {  	[tilespmem:s0+$0xE670] =	vst v0  }
0x4d: {  	[spmem:s8] =	stream.linear.scatter [tilespmem:s15], [sflag:$0x3], $0x6400, $0x38;
	[tilespmem:$0x1E6A0] =	vst v63  }
0x4e: {  	_ =	swait.ge [sflag:s13], $0x6400  }
0x4f: {  	[sflag:s13] =	ssyncset.done $0x0  }
0x50: {  	s0 =	simm.s32 @!p1 $0xE660;
	[sflag:s13] =	ssyncadd.s32 $0xFFFF9C00  }
0x51: {  	[spmem:s9] =	stream.linear.scatter @!p1 [tilespmem:s0], [sflag:$0x3], $0x6400, $0x38;
	[tilespmem:$0x1E6A0] =	vst v63  }
0x52: {  	s0 =	simm.s32 @!p1 $0x3  }
0x53: {  	_ =	swait.ge @!p1 [sflag:s0], $0x6400  }
0x54: {  	[sflag:s0] =	ssyncset.done @!p1 $0x0  }
0x55: {  	[sflag:s0] =	ssyncadd.s32 @!p1 $0xFFFF9C00  }
0x56: {  	[bflag:$0x0] =	sbarrier.arrive $0xFFFF  }
0x57: {  	v1 =	vld [tilespmem:$0x4E20]  }
0x58: {  	v2 =	vld [tilespmem:$0x0]  }
0x59: {  	v3 =	vld [tilespmem:$0x4E30]  }
0x5a: {  	v4 =	vld [tilespmem:$0x10]  }
0x5b: {  	v5 =	vld [tilespmem:$0x4E40]  }
0x5c: {  	v59 =	vld [tilespmem:$0x4E60]  }
0x5d: {  	v61 =	vld [tilespmem:$0x4E70];
	[tilespmem:$0x9C40] =	vst v1  }
0x5e: {  	v1 =	vshll.u32 v2, $0x1;
	v2 =	vld [tilespmem:$0x4E50];
	[tilespmem:$0x9C50] =	vst v3  }
0x5f: {  	v3 =	vshll.u32 v4, $0x1;
	[tilespmem:$0x9D40] =	vst v1;
	v1 =	vld [tilespmem:$0x30]  }
0x60: {  	[tilespmem:$0x9D50] =	vst v3;
	v3 =	vld [tilespmem:$0x40]  }
0x61: {  	v6 =	vld [tilespmem:$0x20];
	[tilespmem:$0x9C60] =	vst v5  }
0x62: {  	v63 =	vld [tilespmem:$0x4E90];
	[tilespmem:$0x9C80] =	vst v59  }
0x63: {  	v62 =	vld [tilespmem:$0x50];
	[tilespmem:$0x9C90] =	vst v61  }
0x64: {  	[tilespmem:$0x9C70] =	vst v2;
	v2 =	vld [tilespmem:$0x4E80];
	v1 =	vshll.u32 v1, $0x1  }
0x65: {  	v3 =	vshll.u32 v3, $0x1;
	[tilespmem:$0x9D70] =	vst v1;
	v1 =	vld [tilespmem:$0x60]  }
0x66: {  	[tilespmem:$0x9D80] =	vst v3;
	v3 =	vld [tilespmem:$0x70]  }
0x67: {  	v60 =	vshll.u32 v6, $0x1;
	[tilespmem:$0x9CB0] =	vst v63  }
.Ltmp3:
0x68: {  	v5 =	vshll.u32 v62, $0x1;
	[tilespmem:$0x9D60] =	vst v60;
	(pc) =	sbr.rel @!p0 .LBB2_4-.Ltmp3, $4  }
0x69: {  	[tilespmem:$0x9D90] =	vst v5  }
0x6a: {  	[tilespmem:$0x9CA0] =	vst v2;
	v1 =	vshll.u32 v1, $0x1  }
0x6b: {  	[tilespmem:$0x9DA0] =	vst v1;
	v1 =	vshll.u32 v3, $0x1  }
0x6c: {  	s0 =	simm.s32 $0x9E40;
	[tilespmem:$0x9DB0] =	vst v1  }
0x6d: {  	[tilespmem:s0], [sflag:$0x1] =	stream.indirect.gather [hbm4b:s5+s16], $0x40, s17, s16, $0xb8;
	[tilespmem:$0x1E6A0] =	vst v63  }
0x6e: {  	s29 =	simm.s32 $0x4F10  }
0x6f: {  	v1 =	vld [tilespmem:s29+$0xFFFFFF90];
	_ =	sdelay $0x1  }
0x70: {  	s20 =	simm.s32 $0x1  }
0x71: {  	s0 =	sand.u32 $0x1, s20  }
0x72: {  	s2 =	sshll.u32 s0, $0x7  }
0x73: {  	s30 =	simm.s32 $0xF0;
	[tilespmem:s2+$0x9C40] =	vst v1  }
0x74: {  	v1 =	vld [tilespmem:s30+$0xFFFFFF90];
	_ =	sdelay $0x4  }
0x75: {  	v1 =	vshll.u32 v1, $0x1  }
0x76: {  	[tilespmem:s2+$0x9D40] =	vst v1  }
0x77: {  	v1 =	vld [tilespmem:s29+$0xFFFFFFA0];
	_ =	sdelay $0x4  }
0x78: {  	[tilespmem:s2+$0x9C50] =	vst v1  }
0x79: {  	v1 =	vld [tilespmem:s30+$0xFFFFFFA0];
	_ =	sdelay $0x4  }
0x7a: {  	v1 =	vshll.u32 v1, $0x1  }
0x7b: {  	[tilespmem:s2+$0x9D50] =	vst v1  }
0x7c: {  	v1 =	vld [tilespmem:s29+$0xFFFFFFB0];
	_ =	sdelay $0x4  }
0x7d: {  	[tilespmem:s2+$0x9C60] =	vst v1  }
0x7e: {  	v1 =	vld [tilespmem:s30+$0xFFFFFFB0];
	_ =	sdelay $0x4  }
0x7f: {  	v1 =	vshll.u32 v1, $0x1  }
0x80: {  	[tilespmem:s2+$0x9D60] =	vst v1  }
0x81: {  	v1 =	vld [tilespmem:s29+$0xFFFFFFC0];
	_ =	sdelay $0x4  }
0x82: {  	[tilespmem:s2+$0x9C70] =	vst v1  }
0x83: {  	v1 =	vld [tilespmem:s30+$0xFFFFFFC0];
	_ =	sdelay $0x4  }
0x84: {  	v1 =	vshll.u32 v1, $0x1  }
0x85: {  	[tilespmem:s2+$0x9D70] =	vst v1  }
0x86: {  	v1 =	vld [tilespmem:s29+$0xFFFFFFD0];
	_ =	sdelay $0x4  }
0x87: {  	[tilespmem:s2+$0x9C80] =	vst v1  }
0x88: {  	v1 =	vld [tilespmem:s30+$0xFFFFFFD0];
	_ =	sdelay $0x4  }
0x89: {  	v1 =	vshll.u32 v1, $0x1  }
0x8a: {  	[tilespmem:s2+$0x9D80] =	vst v1  }
0x8b: {  	v1 =	vld [tilespmem:s29+$0xFFFFFFE0];
	_ =	sdelay $0x4  }
0x8c: {  	[tilespmem:s2+$0x9C90] =	vst v1  }
0x8d: {  	v1 =	vld [tilespmem:s30+$0xFFFFFFE0];
	_ =	sdelay $0x4  }
0x8e: {  	v1 =	vshll.u32 v1, $0x1  }
0x8f: {  	[tilespmem:s2+$0x9D90] =	vst v1  }
0x90: {  	v1 =	vld [tilespmem:s29+$0xFFFFFFF0];
	_ =	sdelay $0x4  }
0x91: {  	[tilespmem:s2+$0x9CA0] =	vst v1  }
0x92: {  	v1 =	vld [tilespmem:s30+$0xFFFFFFF0];
	_ =	sdelay $0x4  }
0x93: {  	v1 =	vshll.u32 v1, $0x1  }
0x94: {  	[tilespmem:s2+$0x9DA0] =	vst v1  }
0x95: {  	v1 =	vld [tilespmem:s29+$0x0];
	_ =	sdelay $0x4  }
0x96: {  	[tilespmem:s2+$0x9CB0] =	vst v1  }
0x97: {  	v1 =	vld [tilespmem:s30+$0x0];
	_ =	sdelay $0x3  }
0x98: {  	s14 =	simm.s32 $0x2  }
0x99: {  	s14 =	sand.u32 $0x1, s14;
	s18 =	sshll.u32 s0, $0xD;
	s0 =	sadd.s32 $0x1, s0;
	v1 =	vshll.u32 v1, $0x1  }
0x9a: {  	s20 =	sor.u32 $0x9D40, s2;
	[tilespmem:s2+$0x9DB0] =	vst v1;
	s2 =	sor.u32 $0x9E40, s18;
	s18 =	sadd.s32 $0x1, s14  }
0x9b: {  	[tilespmem:s2], [sflag:s0] =	stream.indirect.gather [hbm4b:s5+s16], $0x40, s20, s16, $0xb8;
	[tilespmem:$0x1E6A0] =	vst v63  }
0x9c: {  	_ =	swait.ge [sflag:s18], $0x2000  }
0x9d: {  	s2 =	sshll.u32 s14, $0xD;
	s20 =	sshll.u32 s14, $0x7;
	[sflag:s18] =	ssyncset.done $0x0  }
0x9e: {  	s0 =	sor.u32 $0x9E40, s2;
	s2 =	sor.u32 $0x9C40, s20;
	[sflag:s18] =	ssyncadd.s32 $0xFFFFE000  }
0x9f: {  	[spmem:s1] =	stream.indirect.scatter.add.f32 [tilespmem:s0], [sflag:$0x3], $0x40, s2, s16, $0xb8;
	[tilespmem:$0x1E6A0] =	vst v63  }
0xa0: {  	_ =	swait.ge [sflag:s13], $0x2000  }
0xa1: {  	s31 =	simm.s32 $0x3;
	[sflag:s13] =	ssyncset.done $0x0  }
.LBB2_8:
0xa2: {  	[sflag:s13] =	ssyncadd.s32 $0xFFFFE000;
	s30 =	sadd.s32 $0x80, s30;
	s29 =	sadd.s32 $0x80, s29  }
0xa3: {  	p2 =	sne.s32 s31, $0x9C;
	s0 =	smov.u32 s31;
	s31 =	sadd.s32 $0x1, s31;
	v1 =	vld [tilespmem:s29+$0xFFFFFF90]  }
0xa4: {  	_ = 	snop  }
0xa5: {  	s2 =	sadd.s32 $0xFFFFFFFF, s0  }
0xa6: {  	s18 =	sand.u32 $0x1, s2  }
0xa7: {  	s2 =	sshll.u32 s18, $0x7;
	s14 =	sshll.u32 s18, $0xD  }
0xa8: {  	[tilespmem:s2+$0x9C40] =	vst v1  }
0xa9: {  	v1 =	vld [tilespmem:s30+$0xFFFFFF90];
	_ =	sdelay $0x4  }
0xaa: {  	v1 =	vshll.u32 v1, $0x1  }
0xab: {  	[tilespmem:s2+$0x9D40] =	vst v1  }
0xac: {  	v1 =	vld [tilespmem:s29+$0xFFFFFFA0];
	_ =	sdelay $0x4  }
0xad: {  	[tilespmem:s2+$0x9C50] =	vst v1  }
0xae: {  	v1 =	vld [tilespmem:s30+$0xFFFFFFA0];
	_ =	sdelay $0x4  }
0xaf: {  	v1 =	vshll.u32 v1, $0x1  }
0xb0: {  	[tilespmem:s2+$0x9D50] =	vst v1  }
0xb1: {  	v1 =	vld [tilespmem:s29+$0xFFFFFFB0];
	_ =	sdelay $0x4  }
0xb2: {  	[tilespmem:s2+$0x9C60] =	vst v1  }
0xb3: {  	v1 =	vld [tilespmem:s30+$0xFFFFFFB0];
	_ =	sdelay $0x4  }
0xb4: {  	v1 =	vshll.u32 v1, $0x1  }
0xb5: {  	[tilespmem:s2+$0x9D60] =	vst v1  }
0xb6: {  	v1 =	vld [tilespmem:s29+$0xFFFFFFC0];
	_ =	sdelay $0x4  }
0xb7: {  	[tilespmem:s2+$0x9C70] =	vst v1  }
0xb8: {  	v1 =	vld [tilespmem:s30+$0xFFFFFFC0];
	_ =	sdelay $0x4  }
0xb9: {  	v1 =	vshll.u32 v1, $0x1  }
0xba: {  	[tilespmem:s2+$0x9D70] =	vst v1  }
0xbb: {  	v1 =	vld [tilespmem:s29+$0xFFFFFFD0];
	_ =	sdelay $0x4  }
0xbc: {  	[tilespmem:s2+$0x9C80] =	vst v1  }
0xbd: {  	v1 =	vld [tilespmem:s30+$0xFFFFFFD0];
	_ =	sdelay $0x4  }
0xbe: {  	v1 =	vshll.u32 v1, $0x1  }
0xbf: {  	[tilespmem:s2+$0x9D80] =	vst v1  }
0xc0: {  	v1 =	vld [tilespmem:s29+$0xFFFFFFE0];
	_ =	sdelay $0x4  }
0xc1: {  	[tilespmem:s2+$0x9C90] =	vst v1  }
0xc2: {  	v1 =	vld [tilespmem:s30+$0xFFFFFFE0];
	_ =	sdelay $0x4  }
0xc3: {  	v1 =	vshll.u32 v1, $0x1  }
0xc4: {  	[tilespmem:s2+$0x9D90] =	vst v1  }
0xc5: {  	v1 =	vld [tilespmem:s29+$0xFFFFFFF0];
	_ =	sdelay $0x4  }
0xc6: {  	[tilespmem:s2+$0x9CA0] =	vst v1  }
0xc7: {  	v1 =	vld [tilespmem:s30+$0xFFFFFFF0];
	_ =	sdelay $0x4  }
0xc8: {  	v1 =	vshll.u32 v1, $0x1  }
0xc9: {  	[tilespmem:s2+$0x9DA0] =	vst v1  }
0xca: {  	v1 =	vld [tilespmem:s29+$0x0];
	_ =	sdelay $0x4  }
0xcb: {  	[tilespmem:s2+$0x9CB0] =	vst v1  }
0xcc: {  	v1 =	vld [tilespmem:s30+$0x0];
	_ =	sdelay $0x4  }
0xcd: {  	s0 =	sand.u32 $0x1, s0;
	s18 =	sadd.s32 $0x1, s18;
	v1 =	vshll.u32 v1, $0x1  }
0xce: {  	s20 =	sor.u32 $0x9D40, s2;
	[tilespmem:s2+$0x9DB0] =	vst v1;
	s2 =	sor.u32 $0x9E40, s14;
	s14 =	sadd.s32 $0x1, s0  }
0xcf: {  	[tilespmem:s2], [sflag:s18] =	stream.indirect.gather [hbm4b:s5+s16], $0x40, s20, s16, $0xb8;
	[tilespmem:$0x1E6A0] =	vst v63  }
0xd0: {  	s2 =	sshll.u32 s0, $0xD;
	s0 =	sshll.u32 s0, $0x7;
	_ =	swait.ge [sflag:s14], $0x2000  }
.Ltmp4:
0xd1: {  	[sflag:s14] =	ssyncset.done $0x0;
	(pc) =	sbr.rel @p2 .LBB2_8-.Ltmp4, $4  }
0xd2: {  	s2 =	sor.u32 $0x9E40, s2;
	s0 =	sor.u32 $0x9C40, s0;
	[sflag:s14] =	ssyncadd.s32 $0xFFFFE000  }
0xd3: {  	[spmem:s1] =	stream.indirect.scatter.add.f32 [tilespmem:s2], [sflag:$0x3], $0x40, s0, s16, $0xb8;
	[tilespmem:$0x1E6A0] =	vst v63  }
0xd4: {  	_ =	swait.ge [sflag:s13], $0x2000  }
0xd5: {  	[sflag:s13] =	ssyncset.done $0x0  }
.Ltmp5:
0xd6: {  	(pc) =	sbr.rel .LBB2_10-.Ltmp5, $2  }
0xd7: {  	_ =	sdelay $0x2  }
0xd8: {  	[sflag:s13] =	ssyncadd.s32 $0xFFFFE000;
	s0 =	smov.u32 s5  }
.LBB2_4:
0xd9: {  	[tilespmem:s0], [sflag:$0x1] =	stream.indirect.gather [hbm4b:s4+s16], $0x40, s17, s16, $0xb8;
	[tilespmem:$0x1E6A0] =	vst v63  }
0xda: {  	s29 =	simm.s32 $0x4F10  }
0xdb: {  	v1 =	vld [tilespmem:s29+$0xFFFFFF90];
	_ =	sdelay $0x1  }
0xdc: {  	s18 =	simm.s32 $0x1  }
0xdd: {  	s0 =	sand.u32 $0x1, s18  }
0xde: {  	s2 =	sshll.u32 s0, $0x7  }
0xdf: {  	s30 =	simm.s32 $0xF0;
	[tilespmem:s2+$0x9C40] =	vst v1  }
0xe0: {  	v1 =	vld [tilespmem:s30+$0xFFFFFF90];
	_ =	sdelay $0x4  }
0xe1: {  	v1 =	vshll.u32 v1, $0x1  }
0xe2: {  	[tilespmem:s2+$0x9D40] =	vst v1  }
0xe3: {  	v1 =	vld [tilespmem:s29+$0xFFFFFFA0];
	_ =	sdelay $0x4  }
0xe4: {  	[tilespmem:s2+$0x9C50] =	vst v1  }
0xe5: {  	v1 =	vld [tilespmem:s30+$0xFFFFFFA0];
	_ =	sdelay $0x4  }
0xe6: {  	v1 =	vshll.u32 v1, $0x1  }
0xe7: {  	[tilespmem:s2+$0x9D50] =	vst v1  }
0xe8: {  	v1 =	vld [tilespmem:s29+$0xFFFFFFB0];
	_ =	sdelay $0x4  }
0xe9: {  	[tilespmem:s2+$0x9C60] =	vst v1  }
0xea: {  	v1 =	vld [tilespmem:s30+$0xFFFFFFB0];
	_ =	sdelay $0x4  }
0xeb: {  	v1 =	vshll.u32 v1, $0x1  }
0xec: {  	[tilespmem:s2+$0x9D60] =	vst v1  }
0xed: {  	v1 =	vld [tilespmem:s29+$0xFFFFFFC0];
	_ =	sdelay $0x4  }
0xee: {  	[tilespmem:s2+$0x9C70] =	vst v1  }
0xef: {  	v1 =	vld [tilespmem:s30+$0xFFFFFFC0];
	_ =	sdelay $0x4  }
0xf0: {  	v1 =	vshll.u32 v1, $0x1  }
0xf1: {  	[tilespmem:s2+$0x9D70] =	vst v1  }
0xf2: {  	v1 =	vld [tilespmem:s29+$0xFFFFFFD0];
	_ =	sdelay $0x4  }
0xf3: {  	[tilespmem:s2+$0x9C80] =	vst v1  }
0xf4: {  	v1 =	vld [tilespmem:s30+$0xFFFFFFD0];
	_ =	sdelay $0x4  }
0xf5: {  	v1 =	vshll.u32 v1, $0x1  }
0xf6: {  	[tilespmem:s2+$0x9D80] =	vst v1  }
0xf7: {  	v1 =	vld [tilespmem:s29+$0xFFFFFFE0];
	_ =	sdelay $0x4  }
0xf8: {  	[tilespmem:s2+$0x9C90] =	vst v1  }
0xf9: {  	v1 =	vld [tilespmem:s30+$0xFFFFFFE0];
	_ =	sdelay $0x4  }
0xfa: {  	v1 =	vshll.u32 v1, $0x1  }
0xfb: {  	[tilespmem:s2+$0x9D90] =	vst v1  }
0xfc: {  	v1 =	vld [tilespmem:s29+$0xFFFFFFF0];
	_ =	sdelay $0x4  }
0xfd: {  	[tilespmem:s2+$0x9CA0] =	vst v1  }
0xfe: {  	v1 =	vld [tilespmem:s30+$0xFFFFFFF0];
	_ =	sdelay $0x4  }
0xff: {  	v1 =	vshll.u32 v1, $0x1  }
0x100: {  	[tilespmem:s2+$0x9DA0] =	vst v1  }
0x101: {  	v1 =	vld [tilespmem:s29+$0x0];
	_ =	sdelay $0x4  }
0x102: {  	[tilespmem:s2+$0x9CB0] =	vst v1  }
0x103: {  	v1 =	vld [tilespmem:s30+$0x0];
	_ =	sdelay $0x3  }
0x104: {  	s14 =	simm.s32 $0x2  }
0x105: {  	s14 =	sand.u32 $0x1, s14;
	s18 =	sshll.u32 s0, $0xD;
	s0 =	sadd.s32 $0x1, s0;
	v1 =	vshll.u32 v1, $0x1  }
0x106: {  	s31 =	sor.u32 $0x9D40, s2;
	s20 =	sor.u32 $0x9E40, s18;
	s18 =	sadd.s32 $0x1, s14;
	[tilespmem:s2+$0x9DB0] =	vst v1  }
0x107: {  	[tilespmem:s20], [sflag:s0] =	stream.indirect.gather [hbm4b:s4+s16], $0x40, s31, s16, $0xb8;
	[tilespmem:$0x1E6A0] =	vst v63  }
0x108: {  	_ =	swait.ge [sflag:s18], $0x2000  }
0x109: {  	s2 =	sshll.u32 s14, $0xD;
	s20 =	sshll.u32 s14, $0x7;
	[sflag:s18] =	ssyncset.done $0x0  }
0x10a: {  	s0 =	sor.u32 $0x9E40, s2;
	s2 =	sor.u32 $0x9C40, s20;
	[sflag:s18] =	ssyncadd.s32 $0xFFFFE000  }
0x10b: {  	[spmem:s1] =	stream.indirect.scatter.add.f32 [tilespmem:s0], [sflag:$0x3], $0x40, s2, s16, $0xb8;
	[tilespmem:$0x1E6A0] =	vst v63  }
0x10c: {  	_ =	swait.ge [sflag:s13], $0x2000  }
0x10d: {  	s31 =	simm.s32 $0x3;
	[sflag:s13] =	ssyncset.done $0x0  }
.LBB2_5:
0x10e: {  	[sflag:s13] =	ssyncadd.s32 $0xFFFFE000;
	s30 =	sadd.s32 $0x80, s30;
	s29 =	sadd.s32 $0x80, s29  }
0x10f: {  	p2 =	seq.s32 s31, $0x9C;
	s0 =	smov.u32 s31;
	s31 =	sadd.s32 $0x1, s31;
	v1 =	vld [tilespmem:s29+$0xFFFFFF90]  }
0x110: {  	_ = 	snop  }
0x111: {  	s2 =	sadd.s32 $0xFFFFFFFF, s0  }
0x112: {  	s18 =	sand.u32 $0x1, s2  }
0x113: {  	s2 =	sshll.u32 s18, $0x7;
	s14 =	sshll.u32 s18, $0xD  }
0x114: {  	[tilespmem:s2+$0x9C40] =	vst v1  }
0x115: {  	v1 =	vld [tilespmem:s30+$0xFFFFFF90];
	_ =	sdelay $0x4  }
0x116: {  	v1 =	vshll.u32 v1, $0x1  }
0x117: {  	[tilespmem:s2+$0x9D40] =	vst v1  }
0x118: {  	v1 =	vld [tilespmem:s29+$0xFFFFFFA0];
	_ =	sdelay $0x4  }
0x119: {  	[tilespmem:s2+$0x9C50] =	vst v1  }
0x11a: {  	v1 =	vld [tilespmem:s30+$0xFFFFFFA0];
	_ =	sdelay $0x4  }
0x11b: {  	v1 =	vshll.u32 v1, $0x1  }
0x11c: {  	[tilespmem:s2+$0x9D50] =	vst v1  }
0x11d: {  	v1 =	vld [tilespmem:s29+$0xFFFFFFB0];
	_ =	sdelay $0x4  }
0x11e: {  	[tilespmem:s2+$0x9C60] =	vst v1  }
0x11f: {  	v1 =	vld [tilespmem:s30+$0xFFFFFFB0];
	_ =	sdelay $0x4  }
0x120: {  	v1 =	vshll.u32 v1, $0x1  }
0x121: {  	[tilespmem:s2+$0x9D60] =	vst v1  }
0x122: {  	v1 =	vld [tilespmem:s29+$0xFFFFFFC0];
	_ =	sdelay $0x4  }
0x123: {  	[tilespmem:s2+$0x9C70] =	vst v1  }
0x124: {  	v1 =	vld [tilespmem:s30+$0xFFFFFFC0];
	_ =	sdelay $0x4  }
0x125: {  	v1 =	vshll.u32 v1, $0x1  }
0x126: {  	[tilespmem:s2+$0x9D70] =	vst v1  }
0x127: {  	v1 =	vld [tilespmem:s29+$0xFFFFFFD0];
	_ =	sdelay $0x4  }
0x128: {  	[tilespmem:s2+$0x9C80] =	vst v1  }
0x129: {  	v1 =	vld [tilespmem:s30+$0xFFFFFFD0];
	_ =	sdelay $0x4  }
0x12a: {  	v1 =	vshll.u32 v1, $0x1  }
0x12b: {  	[tilespmem:s2+$0x9D80] =	vst v1  }
0x12c: {  	v1 =	vld [tilespmem:s29+$0xFFFFFFE0];
	_ =	sdelay $0x4  }
0x12d: {  	[tilespmem:s2+$0x9C90] =	vst v1  }
0x12e: {  	v1 =	vld [tilespmem:s30+$0xFFFFFFE0];
	_ =	sdelay $0x4  }
0x12f: {  	v1 =	vshll.u32 v1, $0x1  }
0x130: {  	[tilespmem:s2+$0x9D90] =	vst v1  }
0x131: {  	v1 =	vld [tilespmem:s29+$0xFFFFFFF0];
	_ =	sdelay $0x4  }
0x132: {  	[tilespmem:s2+$0x9CA0] =	vst v1  }
0x133: {  	v1 =	vld [tilespmem:s30+$0xFFFFFFF0];
	_ =	sdelay $0x4  }
0x134: {  	v1 =	vshll.u32 v1, $0x1  }
0x135: {  	[tilespmem:s2+$0x9DA0] =	vst v1  }
0x136: {  	v1 =	vld [tilespmem:s29+$0x0];
	_ =	sdelay $0x4  }
0x137: {  	[tilespmem:s2+$0x9CB0] =	vst v1  }
0x138: {  	v1 =	vld [tilespmem:s30+$0x0];
	_ =	sdelay $0x4  }
0x139: {  	s0 =	sand.u32 $0x1, s0;
	s18 =	sadd.s32 $0x1, s18;
	v1 =	vshll.u32 v1, $0x1  }
0x13a: {  	s20 =	sor.u32 $0x9D40, s2;
	[tilespmem:s2+$0x9DB0] =	vst v1;
	s2 =	sor.u32 $0x9E40, s14;
	s14 =	sadd.s32 $0x1, s0  }
0x13b: {  	[tilespmem:s2], [sflag:s18] =	stream.indirect.gather [hbm4b:s4+s16], $0x40, s20, s16, $0xb8;
	[tilespmem:$0x1E6A0] =	vst v63  }
0x13c: {  	s2 =	sshll.u32 s0, $0xD;
	s0 =	sshll.u32 s0, $0x7;
	_ =	swait.ge [sflag:s14], $0x2000  }
.Ltmp6:
0x13d: {  	[sflag:s14] =	ssyncset.done $0x0;
	(pc) =	sbr.rel @!p2 .LBB2_5-.Ltmp6, $4  }
0x13e: {  	s2 =	sor.u32 $0x9E40, s2;
	s0 =	sor.u32 $0x9C40, s0;
	[sflag:s14] =	ssyncadd.s32 $0xFFFFE000  }
0x13f: {  	[spmem:s1] =	stream.indirect.scatter.add.f32 [tilespmem:s2], [sflag:$0x3], $0x40, s0, s16, $0xb8;
	[tilespmem:$0x1E6A0] =	vst v63  }
0x140: {  	_ =	swait.ge [sflag:s13], $0x2000  }
0x141: {  	[sflag:s13] =	ssyncset.done $0x0  }
.Ltmp7:
0x142: {  	_ = 	snop;
	(pc) =	sbr.rel .LBB2_6-.Ltmp7, $1  }
0x143: {  	_ =	sdelay $0x3  }
.LBB2_11:
0x144: {  	_ =	sfence.sel $0x180000  }
0x145: {  	[bflag:$0x0] =	sbarrier.arrive $0xFFFF  }
0x146: {  	_ =	strace $0x9000004D  }
0x147: {  	s0 =	stileid.u32;
	[bflag:$0x2] =	sbarrier.arrive $0xFFFF  }
0x148: {  	p0 =	sne.s32 s0, $0x0;
	s0 =	rddreg [dreg:$0x2]  }
0x149: {  	s0 =	sadd.s32 @!p0 $0x100000, s0  }
0x14a: {  	[sflag:s0] =	ssyncadd.tile.s32 @!p0 $0x1;
	_ =	shalt  }
.Lfunc_end2:
_tile_overlayer_lowered:
.L_overlay_start_2:
0x14b: {  	(tag) =	ssettag $0x2  }
0x14c: {  	s0 =	rddreg [dreg:$0x0];
	s2 =	stileid.u32  }
0x14d: {  	s1 =	rddreg [dreg:$0x1];
	p0 =	sne.s32 s2, $0x0  }
0x14e: {  	s3 =	rddreg [dreg:$0x2];
	[bflag:$0x3] =	sbarrier.arrive $0xFFFF;
	s2 =	simm.s32 @!p0 $0x1C03  }
0x14f: {  	[timem:s3], [sflag:s2] =	dma.local @!p0 [hbm:s0], s1  }
0x150: {  	s0 =	simm.s32 @!p0 $0x3  }
0x151: {  	_ =	swait.ge @!p0 [sflag:s0], s1  }
0x152: {  	s1 =	ssub.s32 @!p0 $0x0, s1;
	[sflag:s0] =	ssyncset.done @!p0 $0x0  }
0x153: {  	[sflag:s0] =	ssyncadd.s32 @!p0 s1  }
0x154: {  	[bflag:$0x3] =	sbarrier.arrive $0xFFFF  }
0x155: {  	_ =	shalt  }

// kernel: kernel.19.cloned.1.call-start
scs
__scs_entry_jumppad:
0x0: {  	(pc) =	sbr.rel $0x88, $3  }
0x1: {  	(tag) =	ssettag $0x0;
	lr =	simm.s32 $0x1  }
0x2: {  	[smem:$0x3F96] =	sst lr;
	_ =	strace $0xD0000000  }
0x3: {  	_ = 	snop  }
0x4: {  	_ = 	snop  }
0x5: {  	_ = 	snop  }
0x6: {  	_ = 	snop  }
0x7: {  	_ = 	snop  }
__scs_overlays_trampoline_lowered:
0x8: {  	[smem:$0x3FA5] =	sst s0  }
0x9: {  	[smem:$0x3FA6] =	sst s1  }
0xa: {  	[smem:$0x3FA7] =	sst s2  }
0xb: {  	[smem:$0x3FA8] =	sst s3  }
0xc: {  	[smem:$0x3FA9] =	sst s4  }
0xd: {  	[smem:$0x3FAA] =	sst s5  }
0xe: {  	[smem:$0x3FAB] =	sst s6  }
0xf: {  	[smem:$0x3FAC] =	sst s7  }
0x10: {  	[smem:$0x3FAD] =	sst s8  }
0x11: {  	[smem:$0x3FAE] =	sst s9;
	s0 =	simm.s32 @!p0 $0x0  }
0x12: {  	s1 =	sld [smem:$0x3F94];
	s0 =	simm.s32 @p0 $0x1  }
0x13: {  	[smem:$0x3FAF] =	sst s0;
	s0 =	simm.s32 @!p1 $0x0  }
0x14: {  	s2 =	sld [smem:$0x3F93];
	s0 =	simm.s32 @p1 $0x1  }
0x15: {  	[smem:$0x3FB0] =	sst s0;
	s0 =	simm.s32 @!p2 $0x0  }
0x16: {  	s3 =	sld [smem:$0x3FDB];
	s0 =	simm.s32 @p2 $0x1  }
0x17: {  	s4 =	simm.s32 $0x1BF5;
	[smem:$0x3FB2] =	sst s0  }
0x18: {  	s0 =	sld [smem:$0x3F95];
	_ =	swait.ge [sflag:s4], $0x0  }
0x19: {  	s7 =	sld [smem:$0x3F96]  }
0x1a: {  	s8 =	sadd.s32 $0xFFFFE003, lr  }
0x1b: {  	s9 =	sadd.s32 $0xFFFFFEF7, lr;
	s5 =	simm.s32 $0xFFFFFFFF;
	p2 =	slt.u32 s8, $0xFFFFF086  }
0x1c: {  	p1 =	slt.u32 s9, $0xF7A;
	s5 =	simm.s32 @!p2 $0x0  }
0x1d: {  	s5 =	simm.s32 @p1 $0x1;
	p0 =	seq.s32 s7, s2  }
0x1e: {  	s7 =	smul.u32 @!p0 $0xF7A, s2;
	p2 =	seq.s32 @!p0 s5, $0x0  }
0x1f: {  	s9 =	smul.u32 $0xF7A, s1;
	s8 =	simm.s32 @!p0 $0x1BF5;
	p2 =	por !p2, p0  }
0x20: {  	[sflag:s8] =	ssyncset.s32 @!p0 $0xFFFFF086;
	s6 =	sadd.s32 @!p0 s3, s7;
	s7 =	simm.s32 @!p0 $0x108  }
0x21: {  	s3 =	sadd.s32 s3, s9;
	s6 =	sadd.s32 @!p0 $0x88, s6;
	s7 =	simm.s32 @p2 $0x1082  }
0x22: {  	[simem:s7], [sflag:s8] =	dma.local @!p0 [hbm:s6], $0xF7A  }
0x23: {  	s9 =	sor.u32 $0xD0000000, s2;
	s6 =	simm.s32 $0x108;
	_ =	swait.ge @!p0 [sflag:s8], $0x0  }
0x24: {  	s3 =	sadd.s32 $0x88, s3;
	s6 =	simm.s32 @!p1 $0x1082;
	[sflag:s4] =	ssyncset.s32 $0xFFFFF086  }
0x25: {  	[simem:s6], [sflag:s4] =	dma.local [hbm:s3], $0xF7A  }
0x26: {  	[smem:$0x3F96] =	sst s1;
	(tag) =	ssettag s2;
	_ =	strace s9  }
0x27: {  	s1 =	sld [smem:$0x3FA6]  }
0x28: {  	s2 =	sld [smem:$0x3FA7]  }
0x29: {  	s4 =	sld [smem:$0x3FA9]  }
0x2a: {  	p0 =	seq.s32 s5, $0x0;
	s5 =	sld [smem:$0x3FAA]  }
0x2b: {  	s6 =	sld [smem:$0x3FAB]  }
0x2c: {  	s7 =	sld [smem:$0x3FAC]  }
0x2d: {  	s3 =	simm.s32 $0x108;
	s8 =	sld [smem:$0x3FAD]  }
0x2e: {  	s3 =	simm.s32 @!p0 $0x1082;
	s9 =	sld [smem:$0x3FAE]  }
0x2f: {  	lr =	sadd.s32 s0, s3;
	s0 =	sld [smem:$0x3FA5]  }
0x30: {  	s3 =	sld [smem:$0x3FA8]  }
0x31: {  	[smem:$0x3FB1] =	sst s10  }
0x32: {  	s10 =	sld [smem:$0x3FAF];
	_ =	sdelay $0x3  }
0x33: {  	p0 =	seq.s32 s10, $0x1;
	s10 =	sld [smem:$0x3FB1];
	_ =	sdelay $0x3  }
0x34: {  	[smem:$0x3FB1] =	sst s10  }
0x35: {  	s10 =	sld [smem:$0x3FB0];
	_ =	sdelay $0x3  }
0x36: {  	p1 =	seq.s32 s10, $0x1;
	s10 =	sld [smem:$0x3FB1];
	_ =	sdelay $0x3  }
0x37: {  	[smem:$0x3FB1] =	sst s10  }
0x38: {  	s10 =	sld [smem:$0x3FB2]  }
0x39: {  	_ = 	snop;
	(pc) =	sbr.ind lr, $3  }
0x3a: {  	_ = 	snop  }
0x3b: {  	_ = 	snop  }
0x3c: {  	p2 =	seq.s32 s10, $0x1;
	s10 =	sld [smem:$0x3FB1]  }
0x3d: {  	_ =	shalt  }
0x3e: {  	_ =	shalt  }
0x3f: {  	_ =	shalt  }
0x40: {  	_ =	shalt  }
0x41: {  	_ =	shalt  }
0x42: {  	_ =	shalt  }
0x43: {  	_ =	shalt  }
0x44: {  	_ =	shalt  }
0x45: {  	_ =	shalt  }
0x46: {  	_ =	shalt  }
0x47: {  	_ =	shalt  }
0x48: {  	_ =	shalt  }
0x49: {  	_ =	shalt  }
0x4a: {  	_ =	shalt  }
0x4b: {  	_ =	shalt  }
0x4c: {  	_ =	shalt  }
0x4d: {  	_ =	shalt  }
0x4e: {  	_ =	shalt  }
0x4f: {  	_ =	shalt  }
0x50: {  	_ =	shalt  }
0x51: {  	_ =	shalt  }
0x52: {  	_ =	shalt  }
0x53: {  	_ =	shalt  }
0x54: {  	_ =	shalt  }
0x55: {  	_ =	shalt  }
0x56: {  	_ =	shalt  }
0x57: {  	_ =	shalt  }
0x58: {  	_ =	shalt  }
0x59: {  	_ =	shalt  }
0x5a: {  	_ =	shalt  }
0x5b: {  	_ =	shalt  }
0x5c: {  	_ =	shalt  }
0x5d: {  	_ =	shalt  }
0x5e: {  	_ =	shalt  }
0x5f: {  	_ =	shalt  }
0x60: {  	_ =	shalt  }
0x61: {  	_ =	shalt  }
0x62: {  	_ =	shalt  }
0x63: {  	_ =	shalt  }
0x64: {  	_ =	shalt  }
0x65: {  	_ =	shalt  }
0x66: {  	_ =	shalt  }
0x67: {  	_ =	shalt  }
0x68: {  	_ =	shalt  }
0x69: {  	_ =	shalt  }
0x6a: {  	_ =	shalt  }
0x6b: {  	_ =	shalt  }
0x6c: {  	_ =	shalt  }
0x6d: {  	_ =	shalt  }
0x6e: {  	_ =	shalt  }
0x6f: {  	_ =	shalt  }
0x70: {  	_ =	shalt  }
0x71: {  	_ =	shalt  }
0x72: {  	_ =	shalt  }
0x73: {  	_ =	shalt  }
0x74: {  	_ =	shalt  }
0x75: {  	_ =	shalt  }
0x76: {  	_ =	shalt  }
0x77: {  	_ =	shalt  }
0x78: {  	_ =	shalt  }
0x79: {  	_ =	shalt  }
0x7a: {  	_ =	shalt  }
0x7b: {  	_ =	shalt  }
0x7c: {  	_ =	shalt  }
0x7d: {  	_ =	shalt  }
0x7e: {  	_ =	shalt  }
0x7f: {  	_ =	shalt  }
0x80: {  	_ =	shalt  }
0x81: {  	_ =	shalt  }
0x82: {  	_ =	shalt  }
0x83: {  	_ =	shalt  }
0x84: {  	_ =	shalt  }
0x85: {  	_ =	shalt  }
0x86: {  	_ =	shalt  }
0x87: {  	_ =	shalt  }
.Lfunc_end0:
.L_simem_size_0:
called_computation.3_lowered:
.L_overlay_start_0:
0x88: {  	s2 =	sld [smem:$0x3FD9]  }
0x89: {  	s3 =	sld [smem:$0x3FFE];
	_ =	sdelay $0x1  }
0x8a: {  	s1 =	srdreg.scid  }
0x8b: {  	s0 =	sand.u32 $0x1, s1  }
0x8c: {  	s17 =	sshll.u32 s0, $0xA;
	s2 =	sadd.s32 s3, s2  }
0x8d: {  	s2 =	sadd.s32 s2, s17  }
0x8e: {  	[smem:$0x3FBD] =	sst s2  }
0x8f: {  	_ = 	snop  }
0x90: {  	s2 =	sld [smem:$0x3FD0];
	(tm) =	ssettm $0x1  }
0x91: {  	s18 =	sld [smem:$0x3FFB];
	_ =	sdelay $0x3  }
0x92: {  	_ =	strace s18  }
0x93: {  	s3 =	sld [smem:$0x3FFC];
	_ =	sdelay $0x3  }
0x94: {  	_ =	strace s3  }
0x95: {  	s3 =	sld [smem:$0x3FFD];
	_ =	sdelay $0x3  }
0x96: {  	_ =	strace s3  }
0x97: {  	_ =	strace $0x8FFFFFFF  }
0x98: {  	s19 =	sld [smem:$0x3FDB];
	_ =	sdelay $0x1  }
0x99: {  	s4 =	simm.s32 $_scs_section_size  }
0x9a: {  	s5 =	simm.s32 $_size__tile_overlayer_lowered;
	s6 =	simm.s32 $_tile_overlayer_lowered  }
0x9b: {  	s22 =	simm.s32 $0x1BFF;
	s21 =	sshll.u32 s6, $0x1;
	s3 =	sadd.s32 s4, s19  }
0x9c: {  	s7 =	simm.s32 $0x0;
	s20 =	sshll.u32 s5, $0x1;
	s5 =	sadd.s32 s21, s3  }
0x9d: {  	[timem:s7], [sflag:s22] =	dma.local [hbm:s5], s20  }
0x9e: {  	_ =	swait.ge [sflag:s22], s20  }
0x9f: {  	s4 =	ssub.s32 $0x0, s20;
	[sflag:s22] =	ssyncset.done $0x0  }
0xa0: {  	[sflag:s22] =	ssyncadd.s32 s4;
	_ =	sdelay $0x1  }
0xa1: {  	s23 =	simm.s32 $0x1B8B  }
0xa2: {  	_ =	swait.ge [sflag:s23], $0x1  }
0xa3: {  	[sflag:s23] =	ssyncset.done $0x0  }
0xa4: {  	s25 =	simm.s32 $0x1B8E;
	s24 =	sld [smem:$0x3FFE];
	[sflag:s23] =	ssyncadd.s32 $0xFFFFFFFF  }
0xa5: {  	s26 =	simm.s32 $execute0_lowered;
	[smem:$0x3FD2] =	sst s25  }
0xa6: {  	s5 =	sshll.u32 s26, $0x1;
	_ =	strace $0x8000004F;
	[dreg:$0x1] =	wrdreg $0xFFFFFFFF  }
0xa7: {  	s28 =	simm.s32 $_size_execute0_lowered;
	s3 =	sadd.s32 s3, s5;
	[dreg:$0x0] =	wrdreg $0x0  }
0xa8: {  	s5 =	sshll.u32 s28, $0x1;
	[dreg:$0x2] =	wrdreg s3  }
0xa9: {  	[dreg:$0x3] =	wrdreg s5  }
0xaa: {  	[dreg:$0x4] =	wrdreg $0xC0  }
0xab: {  	_ =	task [dreg:s7], $0x5FFFF  }
0xac: {  	[dreg:$0x1] =	wrdreg $0xFFFFFFFF  }
0xad: {  	[dreg:$0x0] =	wrdreg $0x60  }
0xae: {  	[dreg:$0x2] =	wrdreg s24  }
0xaf: {  	[dreg:$0x3] =	wrdreg s2  }
0xb0: {  	[dreg:$0x4] =	wrdreg $0x9  }
0xb1: {  	_ =	task.clear_ibuf [dreg:s7], $0x5FFFF;
	_ =	strace $0x9000004F  }
0xb2: {  	s29 =	simm.s32 $0x9;
	_ =	strace $0x80000051  }
0xb3: {  	_ =	swait.ge [sflag:s29], $0x1  }
0xb4: {  	[sflag:s29] =	ssyncadd.s32 $0xFFFFFFFF  }
0xb5: {  	_ =	strace $0x90000051  }
0xb6: {  	_ =	sfence  }
0xb7: {  	s30 =	sld [smem:$0x0];
	_ =	sdelay $0x2  }
0xb8: {  	s31 =	sshll.u32 s1, $0xD;
	s1 =	sshrl.u32 s1, $0x2  }
0xb9: {  	s3 =	sand.u32 $0x4000, s31;
	s1 =	sadd.s32 s1, s30  }
0xba: {  	s0 =	sor.u32 s3, s0;
	s1 =	sshll.u32 s1, $0x11  }
0xbb: {  	s0 =	sor.u32 s1, s0  }
0xbc: {  	s0 =	sadd.s32 $0x8F2B, s0  }
0xbd: {  	[sflag:s0] =	ssyncadd.remote.s32 $0x1  }
0xbe: {  	_ =	sfence.sel $0xFFFF  }
0xbf: {  	[dreg:$0x0] =	wrdreg $0xFFFFFFFF;
	(pc) =	sbr.abs _section_cstart, $3  }
0xc0: {  	[dreg:$0x1] =	wrdreg $0xFFFFFFFF  }
0xc1: {  	_ =	task.clear_ibuf [dreg:s7], $0x2FFFF;
	_ =	strace $0x9FFFFFFF  }
0xc2: {  	(tm) =	ssettm $0x7FFFFFFF  }
0xc3: {  	_ =	shalt  }
tec
execute0_lowered:
.L_overlay_start_1:
0x0: {  	(tag) =	ssettag $0x1  }
0x1: {  	s5 =	rddreg [dreg:$0x0]  }
0x2: {  	s6 =	rddreg [dreg:$0x1]  }
0x3: {  	s0 =	rddreg [dreg:$0x2]  }
0x4: {  	s3 =	srdreg.scid;
	s2 =	simm.s32 $0x0;
	s1 =	stileid.u32  }
0x5: {  	s17 =	simm.s32 $0x1000;
	s18 =	simm.s32 $0x5000;
	s19 =	simm.s32 $0x9000  }
0x6: {  	s20 =	simm.s32 $0x880;
	s21 =	simm.s32 $0xD000;
	s22 =	simm.s32 $0x1  }
0x7: {  	s23 =	simm.s32 $0x2;
	s24 =	simm.s32 $0x0;
	s10 =	sand.u32 $0x1, s3  }
0x8: {  	[smem:$0x7FF] =	sst s2;
	s4 =	sshll.u32 s1, $0xB;
	s13 =	sadd.s32 $0xDD600, s5  }
0x9: {  	s12 =	sadd.s32 $0x1DD600, s5;
	s16 =	sshll.u32 s1, $0xF;
	s3 =	sshll.u32 s10, $0xF  }
0xa: {  	_ =	strace $0x80000050;
	s11 =	ssub.s32 $0x2, s10;
	s31 =	sshll.u32 s10, $0x13  }
0xb: {  	s7 =	sor.u32 s4, s3;
	s3 =	sadd.s32 $0x4200, s5;
	s4 =	sadd.s32 $0x2B400, s5  }
0xc: {  	s26 =	sshrl.u32 s11, $0x1;
	s15 =	sadd.s32 s31, s12;
	s8 =	sshrl.u32 s7, $0x3  }
0xd: {  	s14 =	sshll.u32 s7, $0x4;
	s28 =	ssub.s32 s11, s26;
	s9 =	sadd.s32 s8, s5  }
0xe: {  	s29 =	sor.u32 $0x7000, s14;
	s6 =	sadd.s32 s6, s8;
	s7 =	smax.u32 s28, $0x1  }
0xf: {  	s30 =	sor.u32 $0x7800, s14;
	s14 =	simm.s32 $0x3;
	s5 =	sadd.s32 $0xDB600, s9  }
0x10: {  	s8 =	sadd.s32 s13, s29;
	s9 =	sadd.s32 s12, s29;
	s10 =	sadd.s32 s13, s30  }
0x11: {  	s11 =	sadd.s32 s12, s30;
	s12 =	sadd.s32 s16, s15;
	s13 =	sadd.s32 s31, s13  }
0x12: {  	s15 =	simm.s32 $0x800;
	s13 =	sadd.s32 s16, s13;
	s16 =	simm.s32 $0x80  }
.LBB2_1:
0x13: {  	[tilespmem:s2], [sflag:$0x3] =	stream.linear.gather [hbm4b:s5+s2], $0x800, $0x38;
	[tilespmem:$0x11000] =	vst v63  }
0x14: {  	_ =	swait.ge [sflag:s14], $0x800  }
0x15: {  	[sflag:s14] =	ssyncset.done $0x0  }
0x16: {  	[sflag:s14] =	ssyncadd.s32 $0xFFFFF800  }
0x17: {  	[tilespmem:s15], [sflag:$0x3] =	stream.linear.gather [hbm4b:s6+s2], $0x800, $0x38;
	[tilespmem:$0x11000] =	vst v63  }
0x18: {  	_ =	swait.ge [sflag:s14], $0x800  }
0x19: {  	[sflag:s14] =	ssyncset.done $0x0  }
0x1a: {  	[sflag:s14] =	ssyncadd.s32 $0xFFFFF800  }
0x1b: {  	[tilespmem:s17], [sflag:$0x1] =	stream.indirect.gather [hbm4b:s3+s16], $0x80, s2, s16, $0xb8;
	[tilespmem:$0x11000] =	vst v63  }
0x1c: {  	_ = 	snop  }
0x1d: {  	[tilespmem:s18], [sflag:$0x1] =	stream.indirect.gather [hbm4b:s4+s16], $0x80, s15, s16, $0xb8;
	[tilespmem:$0x11000] =	vst v63  }
0x1e: {  	_ = 	snop  }
0x1f: {  	[tilespmem:s19], [sflag:$0x2] =	stream.indirect.gather [hbm4b:s3+s16], $0x80, s16, s16, $0xb8;
	[tilespmem:$0x11000] =	vst v63  }
0x20: {  	_ = 	snop  }
0x21: {  	[tilespmem:s21], [sflag:$0x2] =	stream.indirect.gather [hbm4b:s4+s16], $0x80, s20, s16, $0xb8;
	[tilespmem:$0x11000] =	vst v63  }
0x22: {  	_ =	swait.ge [sflag:s22], $0x4000  }
0x23: {  	[sflag:s22] =	ssyncset.done $0x0  }
0x24: {  	[sflag:s22] =	ssyncadd.s32 $0xFFFFC000  }
0x25: {  	_ =	swait.ge [sflag:s22], $0x4000  }
0x26: {  	[sflag:s22] =	ssyncset.done $0x0  }
0x27: {  	s25 =	sadd.s32 $0x0, s13;
	[sflag:s22] =	ssyncadd.s32 $0xFFFFC000  }
0x28: {  	[hbm4b:s25+s2] =	stream.linear.scatter [tilespmem:s17], [sflag:$0x3], $0x4000, $0x38;
	[tilespmem:$0x11000] =	vst v63  }
0x29: {  	_ =	swait.ge [sflag:s14], $0x4000  }
0x2a: {  	[sflag:s14] =	ssyncset.done $0x0  }
0x2b: {  	s26 =	sadd.s32 $0x0, s12;
	[sflag:s14] =	ssyncadd.s32 $0xFFFFC000  }
0x2c: {  	[hbm4b:s26+s2] =	stream.linear.scatter [tilespmem:s18], [sflag:$0x3], $0x4000, $0x38;
	[tilespmem:$0x11000] =	vst v63  }
0x2d: {  	_ =	swait.ge [sflag:s14], $0x4000  }
0x2e: {  	[sflag:s14] =	ssyncset.done $0x0  }
0x2f: {  	s28 =	simm.s32 $0x100;
	[sflag:s14] =	ssyncadd.s32 $0xFFFFC000  }
0x30: {  	[tilespmem:s17], [sflag:$0x1] =	stream.indirect.gather [hbm4b:s3+s16], $0x80, s28, s16, $0xb8;
	[tilespmem:$0x11000] =	vst v63  }
0x31: {  	s28 =	simm.s32 $0x900  }
0x32: {  	[tilespmem:s18], [sflag:$0x1] =	stream.indirect.gather [hbm4b:s4+s16], $0x80, s28, s16, $0xb8;
	[tilespmem:$0x11000] =	vst v63  }
0x33: {  	_ =	swait.ge [sflag:s23], $0x4000  }
0x34: {  	[sflag:s23] =	ssyncset.done $0x0  }
0x35: {  	[sflag:s23] =	ssyncadd.s32 $0xFFFFC000  }
0x36: {  	_ =	swait.ge [sflag:s23], $0x4000  }
0x37: {  	[sflag:s23] =	ssyncset.done $0x0  }
0x38: {  	s25 =	sadd.s32 $0x800, s25;
	[sflag:s23] =	ssyncadd.s32 $0xFFFFC000  }
0x39: {  	[hbm4b:s25+s2] =	stream.linear.scatter [tilespmem:s19], [sflag:$0x3], $0x4000, $0x38;
	[tilespmem:$0x11000] =	vst v63  }
0x3a: {  	_ =	swait.ge [sflag:s14], $0x4000  }
0x3b: {  	[sflag:s14] =	ssyncset.done $0x0  }
0x3c: {  	s30 =	sadd.s32 $0x800, s26;
	[sflag:s14] =	ssyncadd.s32 $0xFFFFC000  }
0x3d: {  	[hbm4b:s30+s2] =	stream.linear.scatter [tilespmem:s21], [sflag:$0x3], $0x4000, $0x38;
	[tilespmem:$0x11000] =	vst v63  }
0x3e: {  	s31 =	simm.s32 $0x180;
	_ =	swait.ge [sflag:s14], $0x4000  }
0x3f: {  	s29 =	simm.s32 $0x980;
	s26 =	simm.s32 $0xA00;
	[sflag:s14] =	ssyncset.done $0x0  }
0x40: {  	s28 =	simm.s32 $0x200;
	s25 =	simm.s32 $0x1000;
	[sflag:s14] =	ssyncadd.s32 $0xFFFFC000  }
0x41: {  	[tilespmem:s19], [sflag:$0x2] =	stream.indirect.gather [hbm4b:s3+s16], $0x80, s31, s16, $0xb8;
	[tilespmem:$0x11000] =	vst v63  }
.LBB2_2:
0x42: {  	[tilespmem:s21], [sflag:$0x2] =	stream.indirect.gather [hbm4b:s4+s16], $0x80, s29, s16, $0xb8;
	[tilespmem:$0x11000] =	vst v63  }
0x43: {  	s29 =	smov.u32 s25  }
0x44: {  	p0 =	sne.s32 s25, $0x6000;
	s25 =	sadd.s32 $0x1000, s25;
	_ =	swait.ge [sflag:s22], $0x4000  }
0x45: {  	[sflag:s22] =	ssyncset.done $0x0  }
0x46: {  	[sflag:s22] =	ssyncadd.s32 $0xFFFFC000  }
0x47: {  	_ =	swait.ge [sflag:s22], $0x4000  }
0x48: {  	[sflag:s22] =	ssyncset.done $0x0  }
0x49: {  	s30 =	sadd.s32 s29, s13;
	[sflag:s22] =	ssyncadd.s32 $0xFFFFC000  }
0x4a: {  	[hbm4b:s30+s2] =	stream.linear.scatter [tilespmem:s17], [sflag:$0x3], $0x4000, $0x38;
	[tilespmem:$0x11000] =	vst v63  }
0x4b: {  	_ =	swait.ge [sflag:s14], $0x4000  }
0x4c: {  	[sflag:s14] =	ssyncset.done $0x0  }
0x4d: {  	s29 =	sadd.s32 s29, s12;
	[sflag:s14] =	ssyncadd.s32 $0xFFFFC000  }
0x4e: {  	[hbm4b:s29+s2] =	stream.linear.scatter [tilespmem:s18], [sflag:$0x3], $0x4000, $0x38;
	[tilespmem:$0x11000] =	vst v63  }
0x4f: {  	_ =	swait.ge [sflag:s14], $0x4000  }
0x50: {  	[sflag:s14] =	ssyncset.done $0x0  }
0x51: {  	[sflag:s14] =	ssyncadd.s32 $0xFFFFC000  }
0x52: {  	[tilespmem:s17], [sflag:$0x1] =	stream.indirect.gather [hbm4b:s3+s16], $0x80, s28, s16, $0xb8;
	[tilespmem:$0x11000] =	vst v63  }
0x53: {  	_ = 	snop  }
0x54: {  	[tilespmem:s18], [sflag:$0x1] =	stream.indirect.gather [hbm4b:s4+s16], $0x80, s26, s16, $0xb8;
	[tilespmem:$0x11000] =	vst v63  }
0x55: {  	_ =	swait.ge [sflag:s23], $0x4000  }
0x56: {  	[sflag:s23] =	ssyncset.done $0x0  }
0x57: {  	[sflag:s23] =	ssyncadd.s32 $0xFFFFC000  }
0x58: {  	_ =	swait.ge [sflag:s23], $0x4000  }
0x59: {  	[sflag:s23] =	ssyncset.done $0x0  }
0x5a: {  	s30 =	sadd.s32 $0x800, s30;
	[sflag:s23] =	ssyncadd.s32 $0xFFFFC000  }
0x5b: {  	[hbm4b:s30+s2] =	stream.linear.scatter [tilespmem:s19], [sflag:$0x3], $0x4000, $0x38;
	[tilespmem:$0x11000] =	vst v63  }
0x5c: {  	_ =	swait.ge [sflag:s14], $0x4000  }
0x5d: {  	[sflag:s14] =	ssyncset.done $0x0  }
0x5e: {  	s29 =	sadd.s32 $0x800, s29;
	[sflag:s14] =	ssyncadd.s32 $0xFFFFC000  }
0x5f: {  	[hbm4b:s29+s2] =	stream.linear.scatter [tilespmem:s21], [sflag:$0x3], $0x4000, $0x38;
	[tilespmem:$0x11000] =	vst v63  }
.Ltmp0:
0x60: {  	_ =	swait.ge [sflag:s14], $0x4000;
	(pc) =	sbr.rel @p0 .LBB2_2-.Ltmp0, $4  }
0x61: {  	[sflag:s14] =	ssyncset.done $0x0  }
0x62: {  	s29 =	sadd.s32 $0x80, s28;
	[sflag:s14] =	ssyncadd.s32 $0xFFFFC000  }
0x63: {  	[tilespmem:s19], [sflag:$0x2] =	stream.indirect.gather [hbm4b:s3+s16], $0x80, s29, s16, $0xb8;
	[tilespmem:$0x11000] =	vst v63  }
0x64: {  	s28 =	sadd.s32 $0x100, s28;
	s29 =	sadd.s32 $0x80, s26;
	s26 =	sadd.s32 $0x100, s26  }
0x65: {  	[tilespmem:s21], [sflag:$0x2] =	stream.indirect.gather [hbm4b:s4+s16], $0x80, s29, s16, $0xb8;
	[tilespmem:$0x11000] =	vst v63  }
0x66: {  	_ =	swait.ge [sflag:s22], $0x4000  }
0x67: {  	[sflag:s22] =	ssyncset.done $0x0  }
0x68: {  	[sflag:s22] =	ssyncadd.s32 $0xFFFFC000  }
0x69: {  	_ =	swait.ge [sflag:s22], $0x4000  }
0x6a: {  	[sflag:s22] =	ssyncset.done $0x0  }
0x6b: {  	[sflag:s22] =	ssyncadd.s32 $0xFFFFC000  }
0x6c: {  	[hbm4b:s8+s2] =	stream.linear.scatter [tilespmem:s17], [sflag:$0x3], $0x4000, $0x38;
	[tilespmem:$0x11000] =	vst v63  }
0x6d: {  	_ =	swait.ge [sflag:s14], $0x4000  }
0x6e: {  	[sflag:s14] =	ssyncset.done $0x0  }
0x6f: {  	[sflag:s14] =	ssyncadd.s32 $0xFFFFC000  }
0x70: {  	[hbm4b:s9+s2] =	stream.linear.scatter [tilespmem:s18], [sflag:$0x3], $0x4000, $0x38;
	[tilespmem:$0x11000] =	vst v63  }
0x71: {  	_ =	swait.ge [sflag:s14], $0x4000  }
0x72: {  	[sflag:s14] =	ssyncset.done $0x0  }
0x73: {  	[sflag:s14] =	ssyncadd.s32 $0xFFFFC000  }
0x74: {  	_ =	swait.ge [sflag:s23], $0x4000  }
0x75: {  	[sflag:s23] =	ssyncset.done $0x0  }
0x76: {  	[sflag:s23] =	ssyncadd.s32 $0xFFFFC000  }
0x77: {  	_ =	swait.ge [sflag:s23], $0x4000  }
0x78: {  	[sflag:s23] =	ssyncset.done $0x0  }
0x79: {  	[sflag:s23] =	ssyncadd.s32 $0xFFFFC000  }
0x7a: {  	[hbm4b:s10+s2] =	stream.linear.scatter [tilespmem:s19], [sflag:$0x3], $0x4000, $0x38;
	[tilespmem:$0x11000] =	vst v63  }
0x7b: {  	s24 =	sadd.s32 $0x1, s24;
	_ =	swait.ge [sflag:s14], $0x4000  }
0x7c: {  	p0 =	sne.s32 s24, s7;
	[sflag:s14] =	ssyncset.done $0x0  }
.Ltmp1:
0x7d: {  	[sflag:s14] =	ssyncadd.s32 $0xFFFFC000;
	(pc) =	sbr.rel @p0 .LBB2_1-.Ltmp1, $4  }
0x7e: {  	[hbm4b:s11+s2] =	stream.linear.scatter [tilespmem:s21], [sflag:$0x3], $0x4000, $0x38;
	[tilespmem:$0x11000] =	vst v63  }
0x7f: {  	_ =	swait.ge [sflag:s14], $0x4000  }
0x80: {  	[sflag:s14] =	ssyncset.done $0x0  }
0x81: {  	[sflag:s14] =	ssyncadd.s32 $0xFFFFC000  }
0x82: {  	_ =	sfence.sel $0x180000  }
0x83: {  	[bflag:$0x0] =	sbarrier.arrive $0xFFFF  }
0x84: {  	p0 =	sne.s32 s1, $0x0;
	_ =	strace $0x90000050  }
0x85: {  	s0 =	sadd.s32 @!p0 $0x100000, s0;
	[bflag:$0x2] =	sbarrier.arrive $0xFFFF  }
0x86: {  	[sflag:s0] =	ssyncadd.tile.s32 @!p0 $0x1;
	_ =	shalt  }
.Lfunc_end2:
_tile_overlayer_lowered:
.L_overlay_start_2:
0x87: {  	(tag) =	ssettag $0x2  }
0x88: {  	s0 =	rddreg [dreg:$0x0];
	s2 =	stileid.u32  }
0x89: {  	s1 =	rddreg [dreg:$0x1];
	p0 =	sne.s32 s2, $0x0  }
0x8a: {  	s3 =	rddreg [dreg:$0x2];
	[bflag:$0x3] =	sbarrier.arrive $0xFFFF;
	s2 =	simm.s32 @!p0 $0x1C03  }
0x8b: {  	[timem:s3], [sflag:s2] =	dma.local @!p0 [hbm:s0], s1  }
0x8c: {  	s0 =	simm.s32 @!p0 $0x3  }
0x8d: {  	_ =	swait.ge @!p0 [sflag:s0], s1  }
0x8e: {  	s1 =	ssub.s32 @!p0 $0x0, s1;
	[sflag:s0] =	ssyncset.done @!p0 $0x0  }
0x8f: {  	[sflag:s0] =	ssyncadd.s32 @!p0 s1  }
0x90: {  	[bflag:$0x3] =	sbarrier.arrive $0xFFFF  }
0x91: {  	_ =	shalt  }

</sc_bundles>
